<compile_context>
chip_gen: v7x
topology: tpu7x:2x2x1
jax: 0.10.2.dev20260603
libtpu: 0.0.44.dev20260713+nightly
codegen_flags: <defaults>
</compile_context>

<pallas_src>
import numpy as np
import jax
import jax.numpy as jnp
from jax import lax
from jax.experimental import pallas as pl
from jax.experimental.pallas import tpu as pltpu
from jax.experimental.pallas import tpu_sc as plsc

_B, _C, _H, _W = 4, 96, 512, 512
_NLOC = 64
_NW = 32
_CL = 128
_VL = 16
_CPW = 16

_N = _B * _C * _H * _W
_N_CHUNKS = _N // _CL
_ROWS_PER_W = _N_CHUNKS // _NW

_idx_tab = np.zeros((_NW, _CPW), np.int32)
_lane_tab = np.full((_NW, _CPW), _CL, np.int32)
_planes_per_w = (_B * _C) // _NW
for _w in range(_NW):
    _idx_tab[_w, :] = (_w + 1) * _ROWS_PER_W - 1
    _slot = 0
    for _p in range(_w * _planes_per_w, (_w + 1) * _planes_per_w):
        _c = _p % _C
        if _c < _NLOC:
            _flat = (_p * _H + (7 * _c) % _H) * _W + (13 * _c) % _W
            _idx_tab[_w, _slot] = _flat // _CL
            _lane_tab[_w, _slot] = _flat % _CL
            _slot += 1
_IDX_TAB = _idx_tab.reshape(_NW * _CPW)
_LANE_TAB = np.broadcast_to(
    _lane_tab.reshape(_NW * _CPW)[:, None], (_NW * _CPW, _VL)).copy()

_sc_mesh = plsc.VectorSubcoreMesh(core_axis_name="c", subcore_axis_name="s")


def _sc_body(x_hbm, idx_hbm, lane_hbm, out_hbm, idx_v, lane_v, chunks_v, sem):
    nc = 2
    wid = lax.axis_index("s") * nc + lax.axis_index("c")
    nchunks = 16
    step = _ROWS_PER_W // nchunks
    handles = []
    for j in range(nchunks):
        sl = pl.ds(wid * _ROWS_PER_W + j * step, step)
        handles.append(
            pltpu.async_copy(x_hbm.at[sl, :], out_hbm.at[sl, :], sem))
    for h in handles:
        h.wait()

    base = wid * _CPW
    pltpu.sync_copy(idx_hbm.at[pl.ds(base, _CPW)], idx_v)
    pltpu.sync_copy(lane_hbm.at[pl.ds(base, _CPW), :], lane_v)
    pltpu.async_copy(x_hbm.at[idx_v], chunks_v, sem).wait()
    lane = lax.iota(jnp.int32, _VL)
    for j in range(_CPW):
        for k in range(_CL // _VL):
            pos = lane + k * _VL
            sl = pl.ds(k * _VL, _VL)
            chunks_v[j, sl] = jnp.where(
                pos == lane_v[j, :], 0.0, chunks_v[j, sl])
    pltpu.async_copy(chunks_v, out_hbm.at[idx_v], sem).wait()


_sc_watermark = pl.kernel(
    _sc_body,
    out_type=jax.ShapeDtypeStruct((_N_CHUNKS, _CL), jnp.float32),
    mesh=_sc_mesh,
    scratch_types=[
        pltpu.VMEM((_CPW,), jnp.int32),
        pltpu.VMEM((_CPW, _VL), jnp.int32),
        pltpu.VMEM((_CPW, _CL), jnp.float32),
        pltpu.SemaphoreType.DMA,
    ],
    compiler_params=pltpu.CompilerParams(use_tc_tiling_on_sc=False),
)


def kernel(X):
    B, C, H, W = X.shape
    out = _sc_watermark(X.reshape(_N_CHUNKS, _CL),
                        jnp.asarray(_IDX_TAB), jnp.asarray(_LANE_TAB))
    return out.reshape(B, C, H, W)

# --- scband reference (transcript-rebuilt; emitter-appended) ---
"""Pipeline reference for scband-watermark-73349451481608 (READ-ONLY COPY).

The authoritative reference and input builder live on the scoring server;
editing this copy changes nothing except your own understanding.
"""

import jax, jax.numpy as jnp
import numpy as np

_i = np.arange(64)
LOCS = np.stack([_i % 96, (_i * 7) % 512, (_i * 13) % 512], axis=-1).astype(np.int64)

def setup_inputs(seed: int = 0) -> dict:
    key = jax.random.key(seed)
    X = jax.random.normal(key, (4, 96, 512, 512), dtype=jnp.float32)
    return {"X": X}

def reference(X):
    locs = jnp.asarray(LOCS)
    mask = jnp.ones_like(X)
    mask = mask.at[..., locs[:, 0], locs[:, 1], locs[:, 2]].set(0.0)
    return X * mask

if __name__ == "__main__":
    import jax
    _d = setup_inputs()
    print(jax.jit(kernel)(*tuple(_d.values())))

</pallas_src>

<mosaic_0001>
#map = affine_map<(d0, d1) -> (0, 0)>
#map1 = affine_map<(d0, d1) -> (0)>
module attributes {stable_mosaic.version = 14 : i64} {
  func.func @_sc_body(%arg0: i32, %arg1: i32, %arg2: memref<786432x128xf32, #tpu.memory_space<hbm>>, %arg3: memref<512xi32, #tpu.memory_space<hbm>>, %arg4: memref<512x16xi32, #tpu.memory_space<hbm>>, %arg5: memref<786432x128xf32, #tpu.memory_space<hbm>>, %arg6: memref<16xi32, #tpu.memory_space<vmem>>, %arg7: memref<16x16xi32, #tpu.memory_space<vmem>>, %arg8: memref<16x128xf32, #tpu.memory_space<vmem>>, %arg9: memref<!tpu.dma_semaphore, #tpu.memory_space<semaphore_mem>>) attributes {dimension_semantics = [#tpu.dimension_semantics<core_parallel>, #tpu.dimension_semantics<subcore_parallel>], iteration_bounds = array<i64: 2, 16>, scalar_prefetch = 0 : i64, scratch_operands = 4 : i64, tpu.core_type = #tpu.core_type<sc_vector_subcore>, window_params = [{transform_indices = #map}, {transform_indices = #map1}, {transform_indices = #map}, {transform_indices = #map}]} {
    %mul3A = arith.constant 2 : i32
    %mul3A_0 = arith.muli %arg1, %mul3A : i32
    %add3A = arith.addi %mul3A_0, %arg0 : i32
    %mul3A_1 = arith.constant 24576 : i32
    %mul3A_2 = arith.muli %add3A, %mul3A_1 : i32
    %add3A_3 = arith.constant 0 : i32
    %add3A_4 = arith.addi %mul3A_2, %add3A_3 : i32
    %dma_start3A = arith.constant 0 : i32
    %dma_start3A_5 = tpu.memref_slice %arg5[%add3A_4, %dma_start3A] : memref<786432x128xf32, #tpu.memory_space<hbm>> -> memref<1536x128xf32, #tpu.memory_space<hbm>>
    %dma_start3A_6 = arith.constant 0 : i32
    %dma_start3A_7 = tpu.memref_slice %arg2[%add3A_4, %dma_start3A_6] : memref<786432x128xf32, #tpu.memory_space<hbm>> -> memref<1536x128xf32, #tpu.memory_space<hbm>>
    tpu.enqueue_dma source(%dma_start3A_7 : memref<1536x128xf32, #tpu.memory_space<hbm>>) target(%dma_start3A_5 : memref<1536x128xf32, #tpu.memory_space<hbm>>) target_semaphore(%arg9 : memref<!tpu.dma_semaphore, #tpu.memory_space<semaphore_mem>>)
    %mul3A_8 = arith.constant 24576 : i32
    %mul3A_9 = arith.muli %add3A, %mul3A_8 : i32
    %add3A_10 = arith.constant 1536 : i32
    %add3A_11 = arith.addi %mul3A_9, %add3A_10 : i32
    %dma_start3A_12 = arith.constant 0 : i32
    %dma_start3A_13 = tpu.memref_slice %arg5[%add3A_11, %dma_start3A_12] : memref<786432x128xf32, #tpu.memory_space<hbm>> -> memref<1536x128xf32, #tpu.memory_space<hbm>>
    %dma_start3A_14 = arith.constant 0 : i32
    %dma_start3A_15 = tpu.memref_slice %arg2[%add3A_11, %dma_start3A_14] : memref<786432x128xf32, #tpu.memory_space<hbm>> -> memref<1536x128xf32, #tpu.memory_space<hbm>>
    tpu.enqueue_dma source(%dma_start3A_15 : memref<1536x128xf32, #tpu.memory_space<hbm>>) target(%dma_start3A_13 : memref<1536x128xf32, #tpu.memory_space<hbm>>) target_semaphore(%arg9 : memref<!tpu.dma_semaphore, #tpu.memory_space<semaphore_mem>>)
    %mul3A_16 = arith.constant 24576 : i32
    %mul3A_17 = arith.muli %add3A, %mul3A_16 : i32
    %add3A_18 = arith.constant 3072 : i32
    %add3A_19 = arith.addi %mul3A_17, %add3A_18 : i32
    %dma_start3A_20 = arith.constant 0 : i32
    %dma_start3A_21 = tpu.memref_slice %arg5[%add3A_19, %dma_start3A_20] : memref<786432x128xf32, #tpu.memory_space<hbm>> -> memref<1536x128xf32, #tpu.memory_space<hbm>>
    %dma_start3A_22 = arith.constant 0 : i32
    %dma_start3A_23 = tpu.memref_slice %arg2[%add3A_19, %dma_start3A_22] : memref<786432x128xf32, #tpu.memory_space<hbm>> -> memref<1536x128xf32, #tpu.memory_space<hbm>>
    tpu.enqueue_dma source(%dma_start3A_23 : memref<1536x128xf32, #tpu.memory_space<hbm>>) target(%dma_start3A_21 : memref<1536x128xf32, #tpu.memory_space<hbm>>) target_semaphore(%arg9 : memref<!tpu.dma_semaphore, #tpu.memory_space<semaphore_mem>>)
    %mul3A_24 = arith.constant 24576 : i32
    %mul3A_25 = arith.muli %add3A, %mul3A_24 : i32
    %add3A_26 = arith.constant 4608 : i32
    %add3A_27 = arith.addi %mul3A_25, %add3A_26 : i32
    %dma_start3A_28 = arith.constant 0 : i32
    %dma_start3A_29 = tpu.memref_slice %arg5[%add3A_27, %dma_start3A_28] : memref<786432x128xf32, #tpu.memory_space<hbm>> -> memref<1536x128xf32, #tpu.memory_space<hbm>>
    %dma_start3A_30 = arith.constant 0 : i32
    %dma_start3A_31 = tpu.memref_slice %arg2[%add3A_27, %dma_start3A_30] : memref<786432x128xf32, #tpu.memory_space<hbm>> -> memref<1536x128xf32, #tpu.memory_space<hbm>>
    tpu.enqueue_dma source(%dma_start3A_31 : memref<1536x128xf32, #tpu.memory_space<hbm>>) target(%dma_start3A_29 : memref<1536x128xf32, #tpu.memory_space<hbm>>) target_semaphore(%arg9 : memref<!tpu.dma_semaphore, #tpu.memory_space<semaphore_mem>>)
    %mul3A_32 = arith.constant 24576 : i32
    %mul3A_33 = arith.muli %add3A, %mul3A_32 : i32
    %add3A_34 = arith.constant 6144 : i32
    %add3A_35 = arith.addi %mul3A_33, %add3A_34 : i32
    %dma_start3A_36 = arith.constant 0 : i32
    %dma_start3A_37 = tpu.memref_slice %arg5[%add3A_35, %dma_start3A_36] : memref<786432x128xf32, #tpu.memory_space<hbm>> -> memref<1536x128xf32, #tpu.memory_space<hbm>>
    %dma_start3A_38 = arith.constant 0 : i32
    %dma_start3A_39 = tpu.memref_slice %arg2[%add3A_35, %dma_start3A_38] : memref<786432x128xf32, #tpu.memory_space<hbm>> -> memref<1536x128xf32, #tpu.memory_space<hbm>>
    tpu.enqueue_dma source(%dma_start3A_39 : memref<1536x128xf32, #tpu.memory_space<hbm>>) target(%dma_start3A_37 : memref<1536x128xf32, #tpu.memory_space<hbm>>) target_semaphore(%arg9 : memref<!tpu.dma_semaphore, #tpu.memory_space<semaphore_mem>>)
    %mul3A_40 = arith.constant 24576 : i32
    %mul3A_41 = arith.muli %add3A, %mul3A_40 : i32
    %add3A_42 = arith.constant 7680 : i32
    %add3A_43 = arith.addi %mul3A_41, %add3A_42 : i32
    %dma_start3A_44 = arith.constant 0 : i32
    %dma_start3A_45 = tpu.memref_slice %arg5[%add3A_43, %dma_start3A_44] : memref<786432x128xf32, #tpu.memory_space<hbm>> -> memref<1536x128xf32, #tpu.memory_space<hbm>>
    %dma_start3A_46 = arith.constant 0 : i32
    %dma_start3A_47 = tpu.memref_slice %arg2[%add3A_43, %dma_start3A_46] : memref<786432x128xf32, #tpu.memory_space<hbm>> -> memref<1536x128xf32, #tpu.memory_space<hbm>>
    tpu.enqueue_dma source(%dma_start3A_47 : memref<1536x128xf32, #tpu.memory_space<hbm>>) target(%dma_start3A_45 : memref<1536x128xf32, #tpu.memory_space<hbm>>) target_semaphore(%arg9 : memref<!tpu.dma_semaphore, #tpu.memory_space<semaphore_mem>>)
    %mul3A_48 = arith.constant 24576 : i32
    %mul3A_49 = arith.muli %add3A, %mul3A_48 : i32
    %add3A_50 = arith.constant 9216 : i32
    %add3A_51 = arith.addi %mul3A_49, %add3A_50 : i32
    %dma_start3A_52 = arith.constant 0 : i32
    %dma_start3A_53 = tpu.memref_slice %arg5[%add3A_51, %dma_start3A_52] : memref<786432x128xf32, #tpu.memory_space<hbm>> -> memref<1536x128xf32, #tpu.memory_space<hbm>>
    %dma_start3A_54 = arith.constant 0 : i32
    %dma_start3A_55 = tpu.memref_slice %arg2[%add3A_51, %dma_start3A_54] : memref<786432x128xf32, #tpu.memory_space<hbm>> -> memref<1536x128xf32, #tpu.memory_space<hbm>>
    tpu.enqueue_dma source(%dma_start3A_55 : memref<1536x128xf32, #tpu.memory_space<hbm>>) target(%dma_start3A_53 : memref<1536x128xf32, #tpu.memory_space<hbm>>) target_semaphore(%arg9 : memref<!tpu.dma_semaphore, #tpu.memory_space<semaphore_mem>>)
    %mul3A_56 = arith.constant 24576 : i32
    %mul3A_57 = arith.muli %add3A, %mul3A_56 : i32
    %add3A_58 = arith.constant 10752 : i32
    %add3A_59 = arith.addi %mul3A_57, %add3A_58 : i32
    %dma_start3A_60 = arith.constant 0 : i32
    %dma_start3A_61 = tpu.memref_slice %arg5[%add3A_59, %dma_start3A_60] : memref<786432x128xf32, #tpu.memory_space<hbm>> -> memref<1536x128xf32, #tpu.memory_space<hbm>>
    %dma_start3A_62 = arith.constant 0 : i32
    %dma_start3A_63 = tpu.memref_slice %arg2[%add3A_59, %dma_start3A_62] : memref<786432x128xf32, #tpu.memory_space<hbm>> -> memref<1536x128xf32, #tpu.memory_space<hbm>>
    tpu.enqueue_dma source(%dma_start3A_63 : memref<1536x128xf32, #tpu.memory_space<hbm>>) target(%dma_start3A_61 : memref<1536x128xf32, #tpu.memory_space<hbm>>) target_semaphore(%arg9 : memref<!tpu.dma_semaphore, #tpu.memory_space<semaphore_mem>>)
    %mul3A_64 = arith.constant 24576 : i32
    %mul3A_65 = arith.muli %add3A, %mul3A_64 : i32
    %add3A_66 = arith.constant 12288 : i32
    %add3A_67 = arith.addi %mul3A_65, %add3A_66 : i32
    %dma_start3A_68 = arith.constant 0 : i32
    %dma_start3A_69 = tpu.memref_slice %arg5[%add3A_67, %dma_start3A_68] : memref<786432x128xf32, #tpu.memory_space<hbm>> -> memref<1536x128xf32, #tpu.memory_space<hbm>>
    %dma_start3A_70 = arith.constant 0 : i32
    %dma_start3A_71 = tpu.memref_slice %arg2[%add3A_67, %dma_start3A_70] : memref<786432x128xf32, #tpu.memory_space<hbm>> -> memref<1536x128xf32, #tpu.memory_space<hbm>>
    tpu.enqueue_dma source(%dma_start3A_71 : memref<1536x128xf32, #tpu.memory_space<hbm>>) target(%dma_start3A_69 : memref<1536x128xf32, #tpu.memory_space<hbm>>) target_semaphore(%arg9 : memref<!tpu.dma_semaphore, #tpu.memory_space<semaphore_mem>>)
    %mul3A_72 = arith.constant 24576 : i32
    %mul3A_73 = arith.muli %add3A, %mul3A_72 : i32
    %add3A_74 = arith.constant 13824 : i32
    %add3A_75 = arith.addi %mul3A_73, %add3A_74 : i32
    %dma_start3A_76 = arith.constant 0 : i32
    %dma_start3A_77 = tpu.memref_slice %arg5[%add3A_75, %dma_start3A_76] : memref<786432x128xf32, #tpu.memory_space<hbm>> -> memref<1536x128xf32, #tpu.memory_space<hbm>>
    %dma_start3A_78 = arith.constant 0 : i32
    %dma_start3A_79 = tpu.memref_slice %arg2[%add3A_75, %dma_start3A_78] : memref<786432x128xf32, #tpu.memory_space<hbm>> -> memref<1536x128xf32, #tpu.memory_space<hbm>>
    tpu.enqueue_dma source(%dma_start3A_79 : memref<1536x128xf32, #tpu.memory_space<hbm>>) target(%dma_start3A_77 : memref<1536x128xf32, #tpu.memory_space<hbm>>) target_semaphore(%arg9 : memref<!tpu.dma_semaphore, #tpu.memory_space<semaphore_mem>>)
    %mul3A_80 = arith.constant 24576 : i32
    %mul3A_81 = arith.muli %add3A, %mul3A_80 : i32
    %add3A_82 = arith.constant 15360 : i32
    %add3A_83 = arith.addi %mul3A_81, %add3A_82 : i32
    %dma_start3A_84 = arith.constant 0 : i32
    %dma_start3A_85 = tpu.memref_slice %arg5[%add3A_83, %dma_start3A_84] : memref<786432x128xf32, #tpu.memory_space<hbm>> -> memref<1536x128xf32, #tpu.memory_space<hbm>>
    %dma_start3A_86 = arith.constant 0 : i32
    %dma_start3A_87 = tpu.memref_slice %arg2[%add3A_83, %dma_start3A_86] : memref<786432x128xf32, #tpu.memory_space<hbm>> -> memref<1536x128xf32, #tpu.memory_space<hbm>>
    tpu.enqueue_dma source(%dma_start3A_87 : memref<1536x128xf32, #tpu.memory_space<hbm>>) target(%dma_start3A_85 : memref<1536x128xf32, #tpu.memory_space<hbm>>) target_semaphore(%arg9 : memref<!tpu.dma_semaphore, #tpu.memory_space<semaphore_mem>>)
    %mul3A_88 = arith.constant 24576 : i32
    %mul3A_89 = arith.muli %add3A, %mul3A_88 : i32
    %add3A_90 = arith.constant 16896 : i32
    %add3A_91 = arith.addi %mul3A_89, %add3A_90 : i32
    %dma_start3A_92 = arith.constant 0 : i32
    %dma_start3A_93 = tpu.memref_slice %arg5[%add3A_91, %dma_start3A_92] : memref<786432x128xf32, #tpu.memory_space<hbm>> -> memref<1536x128xf32, #tpu.memory_space<hbm>>
    %dma_start3A_94 = arith.constant 0 : i32
    %dma_start3A_95 = tpu.memref_slice %arg2[%add3A_91, %dma_start3A_94] : memref<786432x128xf32, #tpu.memory_space<hbm>> -> memref<1536x128xf32, #tpu.memory_space<hbm>>
    tpu.enqueue_dma source(%dma_start3A_95 : memref<1536x128xf32, #tpu.memory_space<hbm>>) target(%dma_start3A_93 : memref<1536x128xf32, #tpu.memory_space<hbm>>) target_semaphore(%arg9 : memref<!tpu.dma_semaphore, #tpu.memory_space<semaphore_mem>>)
    %mul3A_96 = arith.constant 24576 : i32
    %mul3A_97 = arith.muli %add3A, %mul3A_96 : i32
    %add3A_98 = arith.constant 18432 : i32
    %add3A_99 = arith.addi %mul3A_97, %add3A_98 : i32
    %dma_start3A_100 = arith.constant 0 : i32
    %dma_start3A_101 = tpu.memref_slice %arg5[%add3A_99, %dma_start3A_100] : memref<786432x128xf32, #tpu.memory_space<hbm>> -> memref<1536x128xf32, #tpu.memory_space<hbm>>
    %dma_start3A_102 = arith.constant 0 : i32
    %dma_start3A_103 = tpu.memref_slice %arg2[%add3A_99, %dma_start3A_102] : memref<786432x128xf32, #tpu.memory_space<hbm>> -> memref<1536x128xf32, #tpu.memory_space<hbm>>
    tpu.enqueue_dma source(%dma_start3A_103 : memref<1536x128xf32, #tpu.memory_space<hbm>>) target(%dma_start3A_101 : memref<1536x128xf32, #tpu.memory_space<hbm>>) target_semaphore(%arg9 : memref<!tpu.dma_semaphore, #tpu.memory_space<semaphore_mem>>)
    %mul3A_104 = arith.constant 24576 : i32
    %mul3A_105 = arith.muli %add3A, %mul3A_104 : i32
    %add3A_106 = arith.constant 19968 : i32
    %add3A_107 = arith.addi %mul3A_105, %add3A_106 : i32
    %dma_start3A_108 = arith.constant 0 : i32
    %dma_start3A_109 = tpu.memref_slice %arg5[%add3A_107, %dma_start3A_108] : memref<786432x128xf32, #tpu.memory_space<hbm>> -> memref<1536x128xf32, #tpu.memory_space<hbm>>
    %dma_start3A_110 = arith.constant 0 : i32
    %dma_start3A_111 = tpu.memref_slice %arg2[%add3A_107, %dma_start3A_110] : memref<786432x128xf32, #tpu.memory_space<hbm>> -> memref<1536x128xf32, #tpu.memory_space<hbm>>
    tpu.enqueue_dma source(%dma_start3A_111 : memref<1536x128xf32, #tpu.memory_space<hbm>>) target(%dma_start3A_109 : memref<1536x128xf32, #tpu.memory_space<hbm>>) target_semaphore(%arg9 : memref<!tpu.dma_semaphore, #tpu.memory_space<semaphore_mem>>)
    %mul3A_112 = arith.constant 24576 : i32
    %mul3A_113 = arith.muli %add3A, %mul3A_112 : i32
    %add3A_114 = arith.constant 21504 : i32
    %add3A_115 = arith.addi %mul3A_113, %add3A_114 : i32
    %dma_start3A_116 = arith.constant 0 : i32
    %dma_start3A_117 = tpu.memref_slice %arg5[%add3A_115, %dma_start3A_116] : memref<786432x128xf32, #tpu.memory_space<hbm>> -> memref<1536x128xf32, #tpu.memory_space<hbm>>
    %dma_start3A_118 = arith.constant 0 : i32
    %dma_start3A_119 = tpu.memref_slice %arg2[%add3A_115, %dma_start3A_118] : memref<786432x128xf32, #tpu.memory_space<hbm>> -> memref<1536x128xf32, #tpu.memory_space<hbm>>
    tpu.enqueue_dma source(%dma_start3A_119 : memref<1536x128xf32, #tpu.memory_space<hbm>>) target(%dma_start3A_117 : memref<1536x128xf32, #tpu.memory_space<hbm>>) target_semaphore(%arg9 : memref<!tpu.dma_semaphore, #tpu.memory_space<semaphore_mem>>)
    %mul3A_120 = arith.constant 24576 : i32
    %mul3A_121 = arith.muli %add3A, %mul3A_120 : i32
    %add3A_122 = arith.constant 23040 : i32
    %add3A_123 = arith.addi %mul3A_121, %add3A_122 : i32
    %dma_start3A_124 = arith.constant 0 : i32
    %dma_start3A_125 = tpu.memref_slice %arg5[%add3A_123, %dma_start3A_124] : memref<786432x128xf32, #tpu.memory_space<hbm>> -> memref<1536x128xf32, #tpu.memory_space<hbm>>
    %dma_start3A_126 = arith.constant 0 : i32
    %dma_start3A_127 = tpu.memref_slice %arg2[%add3A_123, %dma_start3A_126] : memref<786432x128xf32, #tpu.memory_space<hbm>> -> memref<1536x128xf32, #tpu.memory_space<hbm>>
    tpu.enqueue_dma source(%dma_start3A_127 : memref<1536x128xf32, #tpu.memory_space<hbm>>) target(%dma_start3A_125 : memref<1536x128xf32, #tpu.memory_space<hbm>>) target_semaphore(%arg9 : memref<!tpu.dma_semaphore, #tpu.memory_space<semaphore_mem>>)
    %dma_wait3A = arith.constant 0 : i32
    %dma_wait3A_128 = tpu.memref_slice %arg5[%add3A_4, %dma_wait3A] : memref<786432x128xf32, #tpu.memory_space<hbm>> -> memref<1536x128xf32, #tpu.memory_space<hbm>>
    %dma_wait3A_129 = arith.constant 0 : i32
    %dma_wait3A_130 = tpu.memref_slice %arg2[%add3A_4, %dma_wait3A_129] : memref<786432x128xf32, #tpu.memory_space<hbm>> -> memref<1536x128xf32, #tpu.memory_space<hbm>>
    tpu.wait_dma2 semaphore(%arg9 : memref<!tpu.dma_semaphore, #tpu.memory_space<semaphore_mem>>) src(%dma_wait3A_130 : memref<1536x128xf32, #tpu.memory_space<hbm>>) dst(%dma_wait3A_128 : memref<1536x128xf32, #tpu.memory_space<hbm>>)
    %dma_wait3A_131 = arith.constant 0 : i32
    %dma_wait3A_132 = tpu.memref_slice %arg5[%add3A_11, %dma_wait3A_131] : memref<786432x128xf32, #tpu.memory_space<hbm>> -> memref<1536x128xf32, #tpu.memory_space<hbm>>
    %dma_wait3A_133 = arith.constant 0 : i32
    %dma_wait3A_134 = tpu.memref_slice %arg2[%add3A_11, %dma_wait3A_133] : memref<786432x128xf32, #tpu.memory_space<hbm>> -> memref<1536x128xf32, #tpu.memory_space<hbm>>
    tpu.wait_dma2 semaphore(%arg9 : memref<!tpu.dma_semaphore, #tpu.memory_space<semaphore_mem>>) src(%dma_wait3A_134 : memref<1536x128xf32, #tpu.memory_space<hbm>>) dst(%dma_wait3A_132 : memref<1536x128xf32, #tpu.memory_space<hbm>>)
    %dma_wait3A_135 = arith.constant 0 : i32
    %dma_wait3A_136 = tpu.memref_slice %arg5[%add3A_19, %dma_wait3A_135] : memref<786432x128xf32, #tpu.memory_space<hbm>> -> memref<1536x128xf32, #tpu.memory_space<hbm>>
    %dma_wait3A_137 = arith.constant 0 : i32
    %dma_wait3A_138 = tpu.memref_slice %arg2[%add3A_19, %dma_wait3A_137] : memref<786432x128xf32, #tpu.memory_space<hbm>> -> memref<1536x128xf32, #tpu.memory_space<hbm>>
    tpu.wait_dma2 semaphore(%arg9 : memref<!tpu.dma_semaphore, #tpu.memory_space<semaphore_mem>>) src(%dma_wait3A_138 : memref<1536x128xf32, #tpu.memory_space<hbm>>) dst(%dma_wait3A_136 : memref<1536x128xf32, #tpu.memory_space<hbm>>)
    %dma_wait3A_139 = arith.constant 0 : i32
    %dma_wait3A_140 = tpu.memref_slice %arg5[%add3A_27, %dma_wait3A_139] : memref<786432x128xf32, #tpu.memory_space<hbm>> -> memref<1536x128xf32, #tpu.memory_space<hbm>>
    %dma_wait3A_141 = arith.constant 0 : i32
    %dma_wait3A_142 = tpu.memref_slice %arg2[%add3A_27, %dma_wait3A_141] : memref<786432x128xf32, #tpu.memory_space<hbm>> -> memref<1536x128xf32, #tpu.memory_space<hbm>>
    tpu.wait_dma2 semaphore(%arg9 : memref<!tpu.dma_semaphore, #tpu.memory_space<semaphore_mem>>) src(%dma_wait3A_142 : memref<1536x128xf32, #tpu.memory_space<hbm>>) dst(%dma_wait3A_140 : memref<1536x128xf32, #tpu.memory_space<hbm>>)
    %dma_wait3A_143 = arith.constant 0 : i32
    %dma_wait3A_144 = tpu.memref_slice %arg5[%add3A_35, %dma_wait3A_143] : memref<786432x128xf32, #tpu.memory_space<hbm>> -> memref<1536x128xf32, #tpu.memory_space<hbm>>
    %dma_wait3A_145 = arith.constant 0 : i32
    %dma_wait3A_146 = tpu.memref_slice %arg2[%add3A_35, %dma_wait3A_145] : memref<786432x128xf32, #tpu.memory_space<hbm>> -> memref<1536x128xf32, #tpu.memory_space<hbm>>
    tpu.wait_dma2 semaphore(%arg9 : memref<!tpu.dma_semaphore, #tpu.memory_space<semaphore_mem>>) src(%dma_wait3A_146 : memref<1536x128xf32, #tpu.memory_space<hbm>>) dst(%dma_wait3A_144 : memref<1536x128xf32, #tpu.memory_space<hbm>>)
    %dma_wait3A_147 = arith.constant 0 : i32
    %dma_wait3A_148 = tpu.memref_slice %arg5[%add3A_43, %dma_wait3A_147] : memref<786432x128xf32, #tpu.memory_space<hbm>> -> memref<1536x128xf32, #tpu.memory_space<hbm>>
    %dma_wait3A_149 = arith.constant 0 : i32
    %dma_wait3A_150 = tpu.memref_slice %arg2[%add3A_43, %dma_wait3A_149] : memref<786432x128xf32, #tpu.memory_space<hbm>> -> memref<1536x128xf32, #tpu.memory_space<hbm>>
    tpu.wait_dma2 semaphore(%arg9 : memref<!tpu.dma_semaphore, #tpu.memory_space<semaphore_mem>>) src(%dma_wait3A_150 : memref<1536x128xf32, #tpu.memory_space<hbm>>) dst(%dma_wait3A_148 : memref<1536x128xf32, #tpu.memory_space<hbm>>)
    %dma_wait3A_151 = arith.constant 0 : i32
    %dma_wait3A_152 = tpu.memref_slice %arg5[%add3A_51, %dma_wait3A_151] : memref<786432x128xf32, #tpu.memory_space<hbm>> -> memref<1536x128xf32, #tpu.memory_space<hbm>>
    %dma_wait3A_153 = arith.constant 0 : i32
    %dma_wait3A_154 = tpu.memref_slice %arg2[%add3A_51, %dma_wait3A_153] : memref<786432x128xf32, #tpu.memory_space<hbm>> -> memref<1536x128xf32, #tpu.memory_space<hbm>>
    tpu.wait_dma2 semaphore(%arg9 : memref<!tpu.dma_semaphore, #tpu.memory_space<semaphore_mem>>) src(%dma_wait3A_154 : memref<1536x128xf32, #tpu.memory_space<hbm>>) dst(%dma_wait3A_152 : memref<1536x128xf32, #tpu.memory_space<hbm>>)
    %dma_wait3A_155 = arith.constant 0 : i32
    %dma_wait3A_156 = tpu.memref_slice %arg5[%add3A_59, %dma_wait3A_155] : memref<786432x128xf32, #tpu.memory_space<hbm>> -> memref<1536x128xf32, #tpu.memory_space<hbm>>
    %dma_wait3A_157 = arith.constant 0 : i32
    %dma_wait3A_158 = tpu.memref_slice %arg2[%add3A_59, %dma_wait3A_157] : memref<786432x128xf32, #tpu.memory_space<hbm>> -> memref<1536x128xf32, #tpu.memory_space<hbm>>
    tpu.wait_dma2 semaphore(%arg9 : memref<!tpu.dma_semaphore, #tpu.memory_space<semaphore_mem>>) src(%dma_wait3A_158 : memref<1536x128xf32, #tpu.memory_space<hbm>>) dst(%dma_wait3A_156 : memref<1536x128xf32, #tpu.memory_space<hbm>>)
    %dma_wait3A_159 = arith.constant 0 : i32
    %dma_wait3A_160 = tpu.memref_slice %arg5[%add3A_67, %dma_wait3A_159] : memref<786432x128xf32, #tpu.memory_space<hbm>> -> memref<1536x128xf32, #tpu.memory_space<hbm>>
    %dma_wait3A_161 = arith.constant 0 : i32
    %dma_wait3A_162 = tpu.memref_slice %arg2[%add3A_67, %dma_wait3A_161] : memref<786432x128xf32, #tpu.memory_space<hbm>> -> memref<1536x128xf32, #tpu.memory_space<hbm>>
    tpu.wait_dma2 semaphore(%arg9 : memref<!tpu.dma_semaphore, #tpu.memory_space<semaphore_mem>>) src(%dma_wait3A_162 : memref<1536x128xf32, #tpu.memory_space<hbm>>) dst(%dma_wait3A_160 : memref<1536x128xf32, #tpu.memory_space<hbm>>)
    %dma_wait3A_163 = arith.constant 0 : i32
    %dma_wait3A_164 = tpu.memref_slice %arg5[%add3A_75, %dma_wait3A_163] : memref<786432x128xf32, #tpu.memory_space<hbm>> -> memref<1536x128xf32, #tpu.memory_space<hbm>>
    %dma_wait3A_165 = arith.constant 0 : i32
    %dma_wait3A_166 = tpu.memref_slice %arg2[%add3A_75, %dma_wait3A_165] : memref<786432x128xf32, #tpu.memory_space<hbm>> -> memref<1536x128xf32, #tpu.memory_space<hbm>>
    tpu.wait_dma2 semaphore(%arg9 : memref<!tpu.dma_semaphore, #tpu.memory_space<semaphore_mem>>) src(%dma_wait3A_166 : memref<1536x128xf32, #tpu.memory_space<hbm>>) dst(%dma_wait3A_164 : memref<1536x128xf32, #tpu.memory_space<hbm>>)
    %dma_wait3A_167 = arith.constant 0 : i32
    %dma_wait3A_168 = tpu.memref_slice %arg5[%add3A_83, %dma_wait3A_167] : memref<786432x128xf32, #tpu.memory_space<hbm>> -> memref<1536x128xf32, #tpu.memory_space<hbm>>
    %dma_wait3A_169 = arith.constant 0 : i32
    %dma_wait3A_170 = tpu.memref_slice %arg2[%add3A_83, %dma_wait3A_169] : memref<786432x128xf32, #tpu.memory_space<hbm>> -> memref<1536x128xf32, #tpu.memory_space<hbm>>
    tpu.wait_dma2 semaphore(%arg9 : memref<!tpu.dma_semaphore, #tpu.memory_space<semaphore_mem>>) src(%dma_wait3A_170 : memref<1536x128xf32, #tpu.memory_space<hbm>>) dst(%dma_wait3A_168 : memref<1536x128xf32, #tpu.memory_space<hbm>>)
    %dma_wait3A_171 = arith.constant 0 : i32
    %dma_wait3A_172 = tpu.memref_slice %arg5[%add3A_91, %dma_wait3A_171] : memref<786432x128xf32, #tpu.memory_space<hbm>> -> memref<1536x128xf32, #tpu.memory_space<hbm>>
    %dma_wait3A_173 = arith.constant 0 : i32
    %dma_wait3A_174 = tpu.memref_slice %arg2[%add3A_91, %dma_wait3A_173] : memref<786432x128xf32, #tpu.memory_space<hbm>> -> memref<1536x128xf32, #tpu.memory_space<hbm>>
    tpu.wait_dma2 semaphore(%arg9 : memref<!tpu.dma_semaphore, #tpu.memory_space<semaphore_mem>>) src(%dma_wait3A_174 : memref<1536x128xf32, #tpu.memory_space<hbm>>) dst(%dma_wait3A_172 : memref<1536x128xf32, #tpu.memory_space<hbm>>)
    %dma_wait3A_175 = arith.constant 0 : i32
    %dma_wait3A_176 = tpu.memref_slice %arg5[%add3A_99, %dma_wait3A_175] : memref<786432x128xf32, #tpu.memory_space<hbm>> -> memref<1536x128xf32, #tpu.memory_space<hbm>>
    %dma_wait3A_177 = arith.constant 0 : i32
    %dma_wait3A_178 = tpu.memref_slice %arg2[%add3A_99, %dma_wait3A_177] : memref<786432x128xf32, #tpu.memory_space<hbm>> -> memref<1536x128xf32, #tpu.memory_space<hbm>>
    tpu.wait_dma2 semaphore(%arg9 : memref<!tpu.dma_semaphore, #tpu.memory_space<semaphore_mem>>) src(%dma_wait3A_178 : memref<1536x128xf32, #tpu.memory_space<hbm>>) dst(%dma_wait3A_176 : memref<1536x128xf32, #tpu.memory_space<hbm>>)
    %dma_wait3A_179 = arith.constant 0 : i32
    %dma_wait3A_180 = tpu.memref_slice %arg5[%add3A_107, %dma_wait3A_179] : memref<786432x128xf32, #tpu.memory_space<hbm>> -> memref<1536x128xf32, #tpu.memory_space<hbm>>
    %dma_wait3A_181 = arith.constant 0 : i32
    %dma_wait3A_182 = tpu.memref_slice %arg2[%add3A_107, %dma_wait3A_181] : memref<786432x128xf32, #tpu.memory_space<hbm>> -> memref<1536x128xf32, #tpu.memory_space<hbm>>
    tpu.wait_dma2 semaphore(%arg9 : memref<!tpu.dma_semaphore, #tpu.memory_space<semaphore_mem>>) src(%dma_wait3A_182 : memref<1536x128xf32, #tpu.memory_space<hbm>>) dst(%dma_wait3A_180 : memref<1536x128xf32, #tpu.memory_space<hbm>>)
    %dma_wait3A_183 = arith.constant 0 : i32
    %dma_wait3A_184 = tpu.memref_slice %arg5[%add3A_115, %dma_wait3A_183] : memref<786432x128xf32, #tpu.memory_space<hbm>> -> memref<1536x128xf32, #tpu.memory_space<hbm>>
    %dma_wait3A_185 = arith.constant 0 : i32
    %dma_wait3A_186 = tpu.memref_slice %arg2[%add3A_115, %dma_wait3A_185] : memref<786432x128xf32, #tpu.memory_space<hbm>> -> memref<1536x128xf32, #tpu.memory_space<hbm>>
    tpu.wait_dma2 semaphore(%arg9 : memref<!tpu.dma_semaphore, #tpu.memory_space<semaphore_mem>>) src(%dma_wait3A_186 : memref<1536x128xf32, #tpu.memory_space<hbm>>) dst(%dma_wait3A_184 : memref<1536x128xf32, #tpu.memory_space<hbm>>)
    %dma_wait3A_187 = arith.constant 0 : i32
    %dma_wait3A_188 = tpu.memref_slice %arg5[%add3A_123, %dma_wait3A_187] : memref<786432x128xf32, #tpu.memory_space<hbm>> -> memref<1536x128xf32, #tpu.memory_space<hbm>>
    %dma_wait3A_189 = arith.constant 0 : i32
    %dma_wait3A_190 = tpu.memref_slice %arg2[%add3A_123, %dma_wait3A_189] : memref<786432x128xf32, #tpu.memory_space<hbm>> -> memref<1536x128xf32, #tpu.memory_space<hbm>>
    tpu.wait_dma2 semaphore(%arg9 : memref<!tpu.dma_semaphore, #tpu.memory_space<semaphore_mem>>) src(%dma_wait3A_190 : memref<1536x128xf32, #tpu.memory_space<hbm>>) dst(%dma_wait3A_188 : memref<1536x128xf32, #tpu.memory_space<hbm>>)
    %mul3A_191 = arith.constant 16 : i32
    %mul3A_192 = arith.muli %add3A, %mul3A_191 : i32
    "tpu.region"() ({
      %run_scoped3A = tpu.sem_alloc : memref<!tpu.dma_semaphore, #tpu.memory_space<semaphore_mem>>
      %dma_start3A_3143 = tpu.memref_slice %arg3[%mul3A_192] : memref<512xi32, #tpu.memory_space<hbm>> -> memref<16xi32, #tpu.memory_space<hbm>>
      %dma_start3A_3144 = tpu.memref_slice %arg3[%mul3A_192] : memref<512xi32, #tpu.memory_space<hbm>> -> memref<16xi32, #tpu.memory_space<hbm>>
      tpu.enqueue_dma source(%dma_start3A_3144 : memref<16xi32, #tpu.memory_space<hbm>>) target(%arg6 : memref<16xi32, #tpu.memory_space<vmem>>) target_semaphore(%run_scoped3A : memref<!tpu.dma_semaphore, #tpu.memory_space<semaphore_mem>>)
      %dma_wait3A_3145 = tpu.memref_slice %arg3[%mul3A_192] : memref<512xi32, #tpu.memory_space<hbm>> -> memref<16xi32, #tpu.memory_space<hbm>>
      %dma_wait3A_3146 = tpu.memref_slice %arg3[%mul3A_192] : memref<512xi32, #tpu.memory_space<hbm>> -> memref<16xi32, #tpu.memory_space<hbm>>
      tpu.wait_dma2 semaphore(%run_scoped3A : memref<!tpu.dma_semaphore, #tpu.memory_space<semaphore_mem>>) src(%dma_wait3A_3146 : memref<16xi32, #tpu.memory_space<hbm>>) dst(%arg6 : memref<16xi32, #tpu.memory_space<vmem>>)
      tpu.yield
    }) : () -> ()
    "tpu.region"() ({
      %run_scoped3A = tpu.sem_alloc : memref<!tpu.dma_semaphore, #tpu.memory_space<semaphore_mem>>
      %dma_start3A_3143 = arith.constant 0 : i32
      %dma_start3A_3144 = tpu.memref_slice %arg4[%mul3A_192, %dma_start3A_3143] : memref<512x16xi32, #tpu.memory_space<hbm>> -> memref<16x16xi32, #tpu.memory_space<hbm>>
      %dma_start3A_3145 = arith.constant 0 : i32
      %dma_start3A_3146 = tpu.memref_slice %arg4[%mul3A_192, %dma_start3A_3145] : memref<512x16xi32, #tpu.memory_space<hbm>> -> memref<16x16xi32, #tpu.memory_space<hbm>>
      tpu.enqueue_dma source(%dma_start3A_3146 : memref<16x16xi32, #tpu.memory_space<hbm>>) target(%arg7 : memref<16x16xi32, #tpu.memory_space<vmem>>) target_semaphore(%run_scoped3A : memref<!tpu.dma_semaphore, #tpu.memory_space<semaphore_mem>>)
      %dma_wait3A_3147 = arith.constant 0 : i32
      %dma_wait3A_3148 = tpu.memref_slice %arg4[%mul3A_192, %dma_wait3A_3147] : memref<512x16xi32, #tpu.memory_space<hbm>> -> memref<16x16xi32, #tpu.memory_space<hbm>>
      %dma_wait3A_3149 = arith.constant 0 : i32
      %dma_wait3A_3150 = tpu.memref_slice %arg4[%mul3A_192, %dma_wait3A_3149] : memref<512x16xi32, #tpu.memory_space<hbm>> -> memref<16x16xi32, #tpu.memory_space<hbm>>
      tpu.wait_dma2 semaphore(%run_scoped3A : memref<!tpu.dma_semaphore, #tpu.memory_space<semaphore_mem>>) src(%dma_wait3A_3150 : memref<16x16xi32, #tpu.memory_space<hbm>>) dst(%arg7 : memref<16x16xi32, #tpu.memory_space<vmem>>)
      tpu.yield
    }) : () -> ()
    %dma_start3A_193 = arith.constant 0 : i32
    %dma_start3A_194 = arith.constant 0 : i32
    %dma_start3A_195 = tpu.memref_slice %arg2[%dma_start3A_193, %dma_start3A_194] : memref<786432x128xf32, #tpu.memory_space<hbm>> -> memref<786432x128xf32, #tpu.memory_space<hbm>>
    tpu.enqueue_indirect_dma source(%dma_start3A_195 : memref<786432x128xf32, #tpu.memory_space<hbm>>) target(%arg8 : memref<16x128xf32, #tpu.memory_space<vmem>>) offsets(%arg6 : memref<16xi32, #tpu.memory_space<vmem>>) semaphore(%arg9 : memref<!tpu.dma_semaphore, #tpu.memory_space<semaphore_mem>>)
    %dma_wait3A_196 = arith.constant 0 : i32
    %dma_wait3A_197 = arith.constant 0 : i32
    %dma_wait3A_198 = tpu.memref_slice %arg2[%dma_wait3A_196, %dma_wait3A_197] : memref<786432x128xf32, #tpu.memory_space<hbm>> -> memref<786432x128xf32, #tpu.memory_space<hbm>>
    tpu.wait_indirect_dma semaphore(%arg9 : memref<!tpu.dma_semaphore, #tpu.memory_space<semaphore_mem>>) src(%dma_wait3A_198 : memref<786432x128xf32, #tpu.memory_space<hbm>>) dst(%arg8 : memref<16x128xf32, #tpu.memory_space<vmem>>)
    %iota3A = tpu.iota {dimensions = array<i32: 0>} : vector<16xi32>
    %add3A_199 = arith.constant 0 : i32
    %add3A_200 = vector.broadcast %add3A_199 : i32 to vector<16xi32>
    %add3A_201 = arith.addi %iota3A, %add3A_200 : vector<16xi32>
    %get3A = arith.constant 0 : i32
    %get3A_202 = arith.index_cast %get3A : i32 to index
    %get3A_203 = arith.constant 0 : index
    %get3A_204 = tpu.vector_load %arg7[%get3A_202, %get3A_203] {strides = array<i32>} : memref<16x16xi32, #tpu.memory_space<vmem>>, vector<1x16xi32>,
    %get3A_205 = vector.shape_cast %get3A_204 : vector<1x16xi32> to vector<16xi32>
    %eq3A = arith.cmpi eq, %add3A_201, %get3A_205 : vector<16xi32>
    %get3A_206 = arith.constant 0 : i32
    %get3A_207 = arith.index_cast %get3A_206 : i32 to index
    %get3A_208 = arith.constant 0 : index
    %get3A_209 = tpu.vector_load %arg8[%get3A_207, %get3A_208] {strides = array<i32>} : memref<16x128xf32, #tpu.memory_space<vmem>>, vector<1x16xf32>,
    %get3A_210 = vector.shape_cast %get3A_209 : vector<1x16xf32> to vector<16xf32>
    %jit3A = arith.constant 0.000000e+00 : f32
    %broadcast_in_dim3A = vector.broadcast %jit3A : f32 to vector<16xf32>
    %select_n3A = arith.select %eq3A, %broadcast_in_dim3A, %get3A_210 : vector<16xi1>, vector<16xf32>
    %swap3A = arith.constant 0 : i32
    %swap3A_211 = arith.index_cast %swap3A : i32 to index
    %swap3A_212 = arith.constant 0 : index
    %swap3A_213 = tpu.vector_load %arg8[%swap3A_211, %swap3A_212] {strides = array<i32>} : memref<16x128xf32, #tpu.memory_space<vmem>>, vector<1x16xf32>,
    %swap3A_214 = vector.shape_cast %swap3A_213 : vector<1x16xf32> to vector<16xf32>
    %swap3A_215 = vector.shape_cast %select_n3A : vector<16xf32> to vector<1x16xf32>
    tpu.vector_store %arg8[%swap3A_211, %swap3A_212], %swap3A_215 {strides = array<i32>} : memref<16x128xf32, #tpu.memory_space<vmem>>, vector<1x16xf32>,
    %add3A_216 = arith.constant 16 : i32
    %add3A_217 = vector.broadcast %add3A_216 : i32 to vector<16xi32>
    %add3A_218 = arith.addi %iota3A, %add3A_217 : vector<16xi32>
    %get3A_219 = arith.constant 0 : i32
    %get3A_220 = arith.index_cast %get3A_219 : i32 to index
    %get3A_221 = arith.constant 0 : index
    %get3A_222 = tpu.vector_load %arg7[%get3A_220, %get3A_221] {strides = array<i32>} : memref<16x16xi32, #tpu.memory_space<vmem>>, vector<1x16xi32>,
    %get3A_223 = vector.shape_cast %get3A_222 : vector<1x16xi32> to vector<16xi32>
    %eq3A_224 = arith.cmpi eq, %add3A_218, %get3A_223 : vector<16xi32>
    %get3A_225 = arith.constant 0 : i32
    %get3A_226 = arith.index_cast %get3A_225 : i32 to index
    %get3A_227 = arith.constant 16 : index
    %get3A_228 = tpu.vector_load %arg8[%get3A_226, %get3A_227] {strides = array<i32>} : memref<16x128xf32, #tpu.memory_space<vmem>>, vector<1x16xf32>,
    %get3A_229 = vector.shape_cast %get3A_228 : vector<1x16xf32> to vector<16xf32>
    %jit3A_230 = arith.constant 0.000000e+00 : f32
    %broadcast_in_dim3A_231 = vector.broadcast %jit3A_230 : f32 to vector<16xf32>
    %select_n3A_232 = arith.select %eq3A_224, %broadcast_in_dim3A_231, %get3A_229 : vector<16xi1>, vector<16xf32>
    %swap3A_233 = arith.constant 0 : i32
    %swap3A_234 = arith.index_cast %swap3A_233 : i32 to index
    %swap3A_235 = arith.constant 16 : index
    %swap3A_236 = tpu.vector_load %arg8[%swap3A_234, %swap3A_235] {strides = array<i32>} : memref<16x128xf32, #tpu.memory_space<vmem>>, vector<1x16xf32>,
    %swap3A_237 = vector.shape_cast %swap3A_236 : vector<1x16xf32> to vector<16xf32>
    %swap3A_238 = vector.shape_cast %select_n3A_232 : vector<16xf32> to vector<1x16xf32>
    tpu.vector_store %arg8[%swap3A_234, %swap3A_235], %swap3A_238 {strides = array<i32>} : memref<16x128xf32, #tpu.memory_space<vmem>>, vector<1x16xf32>,
    %add3A_239 = arith.constant 32 : i32
    %add3A_240 = vector.broadcast %add3A_239 : i32 to vector<16xi32>
    %add3A_241 = arith.addi %iota3A, %add3A_240 : vector<16xi32>
    %get3A_242 = arith.constant 0 : i32
    %get3A_243 = arith.index_cast %get3A_242 : i32 to index
    %get3A_244 = arith.constant 0 : index
    %get3A_245 = tpu.vector_load %arg7[%get3A_243, %get3A_244] {strides = array<i32>} : memref<16x16xi32, #tpu.memory_space<vmem>>, vector<1x16xi32>,
    %get3A_246 = vector.shape_cast %get3A_245 : vector<1x16xi32> to vector<16xi32>
    %eq3A_247 = arith.cmpi eq, %add3A_241, %get3A_246 : vector<16xi32>
    %get3A_248 = arith.constant 0 : i32
    %get3A_249 = arith.index_cast %get3A_248 : i32 to index
    %get3A_250 = arith.constant 32 : index
    %get3A_251 = tpu.vector_load %arg8[%get3A_249, %get3A_250] {strides = array<i32>} : memref<16x128xf32, #tpu.memory_space<vmem>>, vector<1x16xf32>,
    %get3A_252 = vector.shape_cast %get3A_251 : vector<1x16xf32> to vector<16xf32>
    %jit3A_253 = arith.constant 0.000000e+00 : f32
    %broadcast_in_dim3A_254 = vector.broadcast %jit3A_253 : f32 to vector<16xf32>
    %select_n3A_255 = arith.select %eq3A_247, %broadcast_in_dim3A_254, %get3A_252 : vector<16xi1>, vector<16xf32>
    %swap3A_256 = arith.constant 0 : i32
    %swap3A_257 = arith.index_cast %swap3A_256 : i32 to index
    %swap3A_258 = arith.constant 32 : index
    %swap3A_259 = tpu.vector_load %arg8[%swap3A_257, %swap3A_258] {strides = array<i32>} : memref<16x128xf32, #tpu.memory_space<vmem>>, vector<1x16xf32>,
    %swap3A_260 = vector.shape_cast %swap3A_259 : vector<1x16xf32> to vector<16xf32>
    %swap3A_261 = vector.shape_cast %select_n3A_255 : vector<16xf32> to vector<1x16xf32>
    tpu.vector_store %arg8[%swap3A_257, %swap3A_258], %swap3A_261 {strides = array<i32>} : memref<16x128xf32, #tpu.memory_space<vmem>>, vector<1x16xf32>,
    %add3A_262 = arith.constant 48 : i32
    %add3A_263 = vector.broadcast %add3A_262 : i32 to vector<16xi32>
    %add3A_264 = arith.addi %iota3A, %add3A_263 : vector<16xi32>
    %get3A_265 = arith.constant 0 : i32
    %get3A_266 = arith.index_cast %get3A_265 : i32 to index
    %get3A_267 = arith.constant 0 : index
    %get3A_268 = tpu.vector_load %arg7[%get3A_266, %get3A_267] {strides = array<i32>} : memref<16x16xi32, #tpu.memory_space<vmem>>, vector<1x16xi32>,
    %get3A_269 = vector.shape_cast %get3A_268 : vector<1x16xi32> to vector<16xi32>
    %eq3A_270 = arith.cmpi eq, %add3A_264, %get3A_269 : vector<16xi32>
    %get3A_271 = arith.constant 0 : i32
    %get3A_272 = arith.index_cast %get3A_271 : i32 to index
    %get3A_273 = arith.constant 48 : index
    %get3A_274 = tpu.vector_load %arg8[%get3A_272, %get3A_273] {strides = array<i32>} : memref<16x128xf32, #tpu.memory_space<vmem>>, vector<1x16xf32>,
    %get3A_275 = vector.shape_cast %get3A_274 : vector<1x16xf32> to vector<16xf32>
    %jit3A_276 = arith.constant 0.000000e+00 : f32
    %broadcast_in_dim3A_277 = vector.broadcast %jit3A_276 : f32 to vector<16xf32>
    %select_n3A_278 = arith.select %eq3A_270, %broadcast_in_dim3A_277, %get3A_275 : vector<16xi1>, vector<16xf32>
    %swap3A_279 = arith.constant 0 : i32
    %swap3A_280 = arith.index_cast %swap3A_279 : i32 to index
    %swap3A_281 = arith.constant 48 : index
    %swap3A_282 = tpu.vector_load %arg8[%swap3A_280, %swap3A_281] {strides = array<i32>} : memref<16x128xf32, #tpu.memory_space<vmem>>, vector<1x16xf32>,
    %swap3A_283 = vector.shape_cast %swap3A_282 : vector<1x16xf32> to vector<16xf32>
    %swap3A_284 = vector.shape_cast %select_n3A_278 : vector<16xf32> to vector<1x16xf32>
    tpu.vector_store %arg8[%swap3A_280, %swap3A_281], %swap3A_284 {strides = array<i32>} : memref<16x128xf32, #tpu.memory_space<vmem>>, vector<1x16xf32>,
    %add3A_285 = arith.constant 64 : i32
    %add3A_286 = vector.broadcast %add3A_285 : i32 to vector<16xi32>
    %add3A_287 = arith.addi %iota3A, %add3A_286 : vector<16xi32>
    %get3A_288 = arith.constant 0 : i32
    %get3A_289 = arith.index_cast %get3A_288 : i32 to index
    %get3A_290 = arith.constant 0 : index
    %get3A_291 = tpu.vector_load %arg7[%get3A_289, %get3A_290] {strides = array<i32>} : memref<16x16xi32, #tpu.memory_space<vmem>>, vector<1x16xi32>,
    %get3A_292 = vector.shape_cast %get3A_291 : vector<1x16xi32> to vector<16xi32>
    %eq3A_293 = arith.cmpi eq, %add3A_287, %get3A_292 : vector<16xi32>
    %get3A_294 = arith.constant 0 : i32
    %get3A_295 = arith.index_cast %get3A_294 : i32 to index
    %get3A_296 = arith.constant 64 : index
    %get3A_297 = tpu.vector_load %arg8[%get3A_295, %get3A_296] {strides = array<i32>} : memref<16x128xf32, #tpu.memory_space<vmem>>, vector<1x16xf32>,
    %get3A_298 = vector.shape_cast %get3A_297 : vector<1x16xf32> to vector<16xf32>
    %jit3A_299 = arith.constant 0.000000e+00 : f32
    %broadcast_in_dim3A_300 = vector.broadcast %jit3A_299 : f32 to vector<16xf32>
    %select_n3A_301 = arith.select %eq3A_293, %broadcast_in_dim3A_300, %get3A_298 : vector<16xi1>, vector<16xf32>
    %swap3A_302 = arith.constant 0 : i32
    %swap3A_303 = arith.index_cast %swap3A_302 : i32 to index
    %swap3A_304 = arith.constant 64 : index
    %swap3A_305 = tpu.vector_load %arg8[%swap3A_303, %swap3A_304] {strides = array<i32>} : memref<16x128xf32, #tpu.memory_space<vmem>>, vector<1x16xf32>,
    %swap3A_306 = vector.shape_cast %swap3A_305 : vector<1x16xf32> to vector<16xf32>
    %swap3A_307 = vector.shape_cast %select_n3A_301 : vector<16xf32> to vector<1x16xf32>
    tpu.vector_store %arg8[%swap3A_303, %swap3A_304], %swap3A_307 {strides = array<i32>} : memref<16x128xf32, #tpu.memory_space<vmem>>, vector<1x16xf32>,
    %add3A_308 = arith.constant 80 : i32
    %add3A_309 = vector.broadcast %add3A_308 : i32 to vector<16xi32>
    %add3A_310 = arith.addi %iota3A, %add3A_309 : vector<16xi32>
    %get3A_311 = arith.constant 0 : i32
    %get3A_312 = arith.index_cast %get3A_311 : i32 to index
    %get3A_313 = arith.constant 0 : index
    %get3A_314 = tpu.vector_load %arg7[%get3A_312, %get3A_313] {strides = array<i32>} : memref<16x16xi32, #tpu.memory_space<vmem>>, vector<1x16xi32>,
    %get3A_315 = vector.shape_cast %get3A_314 : vector<1x16xi32> to vector<16xi32>
    %eq3A_316 = arith.cmpi eq, %add3A_310, %get3A_315 : vector<16xi32>
    %get3A_317 = arith.constant 0 : i32
    %get3A_318 = arith.index_cast %get3A_317 : i32 to index
    %get3A_319 = arith.constant 80 : index
    %get3A_320 = tpu.vector_load %arg8[%get3A_318, %get3A_319] {strides = array<i32>} : memref<16x128xf32, #tpu.memory_space<vmem>>, vector<1x16xf32>,
    %get3A_321 = vector.shape_cast %get3A_320 : vector<1x16xf32> to vector<16xf32>
    %jit3A_322 = arith.constant 0.000000e+00 : f32
    %broadcast_in_dim3A_323 = vector.broadcast %jit3A_322 : f32 to vector<16xf32>
    %select_n3A_324 = arith.select %eq3A_316, %broadcast_in_dim3A_323, %get3A_321 : vector<16xi1>, vector<16xf32>
    %swap3A_325 = arith.constant 0 : i32
    %swap3A_326 = arith.index_cast %swap3A_325 : i32 to index
    %swap3A_327 = arith.constant 80 : index
    %swap3A_328 = tpu.vector_load %arg8[%swap3A_326, %swap3A_327] {strides = array<i32>} : memref<16x128xf32, #tpu.memory_space<vmem>>, vector<1x16xf32>,
    %swap3A_329 = vector.shape_cast %swap3A_328 : vector<1x16xf32> to vector<16xf32>
    %swap3A_330 = vector.shape_cast %select_n3A_324 : vector<16xf32> to vector<1x16xf32>
    tpu.vector_store %arg8[%swap3A_326, %swap3A_327], %swap3A_330 {strides = array<i32>} : memref<16x128xf32, #tpu.memory_space<vmem>>, vector<1x16xf32>,
    %add3A_331 = arith.constant 96 : i32
    %add3A_332 = vector.broadcast %add3A_331 : i32 to vector<16xi32>
    %add3A_333 = arith.addi %iota3A, %add3A_332 : vector<16xi32>
    %get3A_334 = arith.constant 0 : i32
    %get3A_335 = arith.index_cast %get3A_334 : i32 to index
    %get3A_336 = arith.constant 0 : index
    %get3A_337 = tpu.vector_load %arg7[%get3A_335, %get3A_336] {strides = array<i32>} : memref<16x16xi32, #tpu.memory_space<vmem>>, vector<1x16xi32>,
    %get3A_338 = vector.shape_cast %get3A_337 : vector<1x16xi32> to vector<16xi32>
    %eq3A_339 = arith.cmpi eq, %add3A_333, %get3A_338 : vector<16xi32>
    %get3A_340 = arith.constant 0 : i32
    %get3A_341 = arith.index_cast %get3A_340 : i32 to index
    %get3A_342 = arith.constant 96 : index
    %get3A_343 = tpu.vector_load %arg8[%get3A_341, %get3A_342] {strides = array<i32>} : memref<16x128xf32, #tpu.memory_space<vmem>>, vector<1x16xf32>,
    %get3A_344 = vector.shape_cast %get3A_343 : vector<1x16xf32> to vector<16xf32>
    %jit3A_345 = arith.constant 0.000000e+00 : f32
    %broadcast_in_dim3A_346 = vector.broadcast %jit3A_345 : f32 to vector<16xf32>
    %select_n3A_347 = arith.select %eq3A_339, %broadcast_in_dim3A_346, %get3A_344 : vector<16xi1>, vector<16xf32>
    %swap3A_348 = arith.constant 0 : i32
    %swap3A_349 = arith.index_cast %swap3A_348 : i32 to index
    %swap3A_350 = arith.constant 96 : index
    %swap3A_351 = tpu.vector_load %arg8[%swap3A_349, %swap3A_350] {strides = array<i32>} : memref<16x128xf32, #tpu.memory_space<vmem>>, vector<1x16xf32>,
    %swap3A_352 = vector.shape_cast %swap3A_351 : vector<1x16xf32> to vector<16xf32>
    %swap3A_353 = vector.shape_cast %select_n3A_347 : vector<16xf32> to vector<1x16xf32>
    tpu.vector_store %arg8[%swap3A_349, %swap3A_350], %swap3A_353 {strides = array<i32>} : memref<16x128xf32, #tpu.memory_space<vmem>>, vector<1x16xf32>,
    %add3A_354 = arith.constant 112 : i32
    %add3A_355 = vector.broadcast %add3A_354 : i32 to vector<16xi32>
    %add3A_356 = arith.addi %iota3A, %add3A_355 : vector<16xi32>
    %get3A_357 = arith.constant 0 : i32
    %get3A_358 = arith.index_cast %get3A_357 : i32 to index
    %get3A_359 = arith.constant 0 : index
    %get3A_360 = tpu.vector_load %arg7[%get3A_358, %get3A_359] {strides = array<i32>} : memref<16x16xi32, #tpu.memory_space<vmem>>, vector<1x16xi32>,
    %get3A_361 = vector.shape_cast %get3A_360 : vector<1x16xi32> to vector<16xi32>
    %eq3A_362 = arith.cmpi eq, %add3A_356, %get3A_361 : vector<16xi32>
    %get3A_363 = arith.constant 0 : i32
    %get3A_364 = arith.index_cast %get3A_363 : i32 to index
    %get3A_365 = arith.constant 112 : index
    %get3A_366 = tpu.vector_load %arg8[%get3A_364, %get3A_365] {strides = array<i32>} : memref<16x128xf32, #tpu.memory_space<vmem>>, vector<1x16xf32>,
    %get3A_367 = vector.shape_cast %get3A_366 : vector<1x16xf32> to vector<16xf32>
    %jit3A_368 = arith.constant 0.000000e+00 : f32
    %broadcast_in_dim3A_369 = vector.broadcast %jit3A_368 : f32 to vector<16xf32>
    %select_n3A_370 = arith.select %eq3A_362, %broadcast_in_dim3A_369, %get3A_367 : vector<16xi1>, vector<16xf32>
    %swap3A_371 = arith.constant 0 : i32
    %swap3A_372 = arith.index_cast %swap3A_371 : i32 to index
    %swap3A_373 = arith.constant 112 : index
    %swap3A_374 = tpu.vector_load %arg8[%swap3A_372, %swap3A_373] {strides = array<i32>} : memref<16x128xf32, #tpu.memory_space<vmem>>, vector<1x16xf32>,
    %swap3A_375 = vector.shape_cast %swap3A_374 : vector<1x16xf32> to vector<16xf32>
    %swap3A_376 = vector.shape_cast %select_n3A_370 : vector<16xf32> to vector<1x16xf32>
    tpu.vector_store %arg8[%swap3A_372, %swap3A_373], %swap3A_376 {strides = array<i32>} : memref<16x128xf32, #tpu.memory_space<vmem>>, vector<1x16xf32>,
    %add3A_377 = arith.constant 0 : i32
    %add3A_378 = vector.broadcast %add3A_377 : i32 to vector<16xi32>
    %add3A_379 = arith.addi %iota3A, %add3A_378 : vector<16xi32>
    %get3A_380 = arith.constant 1 : i32
    %get3A_381 = arith.index_cast %get3A_380 : i32 to index
    %get3A_382 = arith.constant 0 : index
    %get3A_383 = tpu.vector_load %arg7[%get3A_381, %get3A_382] {strides = array<i32>} : memref<16x16xi32, #tpu.memory_space<vmem>>, vector<1x16xi32>,
    %get3A_384 = vector.shape_cast %get3A_383 : vector<1x16xi32> to vector<16xi32>
    %eq3A_385 = arith.cmpi eq, %add3A_379, %get3A_384 : vector<16xi32>
    %get3A_386 = arith.constant 1 : i32
    %get3A_387 = arith.index_cast %get3A_386 : i32 to index
    %get3A_388 = arith.constant 0 : index
    %get3A_389 = tpu.vector_load %arg8[%get3A_387, %get3A_388] {strides = array<i32>} : memref<16x128xf32, #tpu.memory_space<vmem>>, vector<1x16xf32>,
    %get3A_390 = vector.shape_cast %get3A_389 : vector<1x16xf32> to vector<16xf32>
    %jit3A_391 = arith.constant 0.000000e+00 : f32
    %broadcast_in_dim3A_392 = vector.broadcast %jit3A_391 : f32 to vector<16xf32>
    %select_n3A_393 = arith.select %eq3A_385, %broadcast_in_dim3A_392, %get3A_390 : vector<16xi1>, vector<16xf32>
    %swap3A_394 = arith.constant 1 : i32
    %swap3A_395 = arith.index_cast %swap3A_394 : i32 to index
    %swap3A_396 = arith.constant 0 : index
    %swap3A_397 = tpu.vector_load %arg8[%swap3A_395, %swap3A_396] {strides = array<i32>} : memref<16x128xf32, #tpu.memory_space<vmem>>, vector<1x16xf32>,
    %swap3A_398 = vector.shape_cast %swap3A_397 : vector<1x16xf32> to vector<16xf32>
    %swap3A_399 = vector.shape_cast %select_n3A_393 : vector<16xf32> to vector<1x16xf32>
    tpu.vector_store %arg8[%swap3A_395, %swap3A_396], %swap3A_399 {strides = array<i32>} : memref<16x128xf32, #tpu.memory_space<vmem>>, vector<1x16xf32>,
    %add3A_400 = arith.constant 16 : i32
    %add3A_401 = vector.broadcast %add3A_400 : i32 to vector<16xi32>
    %add3A_402 = arith.addi %iota3A, %add3A_401 : vector<16xi32>
    %get3A_403 = arith.constant 1 : i32
    %get3A_404 = arith.index_cast %get3A_403 : i32 to index
    %get3A_405 = arith.constant 0 : index
    %get3A_406 = tpu.vector_load %arg7[%get3A_404, %get3A_405] {strides = array<i32>} : memref<16x16xi32, #tpu.memory_space<vmem>>, vector<1x16xi32>,
    %get3A_407 = vector.shape_cast %get3A_406 : vector<1x16xi32> to vector<16xi32>
    %eq3A_408 = arith.cmpi eq, %add3A_402, %get3A_407 : vector<16xi32>
    %get3A_409 = arith.constant 1 : i32
    %get3A_410 = arith.index_cast %get3A_409 : i32 to index
    %get3A_411 = arith.constant 16 : index
    %get3A_412 = tpu.vector_load %arg8[%get3A_410, %get3A_411] {strides = array<i32>} : memref<16x128xf32, #tpu.memory_space<vmem>>, vector<1x16xf32>,
    %get3A_413 = vector.shape_cast %get3A_412 : vector<1x16xf32> to vector<16xf32>
    %jit3A_414 = arith.constant 0.000000e+00 : f32
    %broadcast_in_dim3A_415 = vector.broadcast %jit3A_414 : f32 to vector<16xf32>
    %select_n3A_416 = arith.select %eq3A_408, %broadcast_in_dim3A_415, %get3A_413 : vector<16xi1>, vector<16xf32>
    %swap3A_417 = arith.constant 1 : i32
    %swap3A_418 = arith.index_cast %swap3A_417 : i32 to index
    %swap3A_419 = arith.constant 16 : index
    %swap3A_420 = tpu.vector_load %arg8[%swap3A_418, %swap3A_419] {strides = array<i32>} : memref<16x128xf32, #tpu.memory_space<vmem>>, vector<1x16xf32>,
    %swap3A_421 = vector.shape_cast %swap3A_420 : vector<1x16xf32> to vector<16xf32>
    %swap3A_422 = vector.shape_cast %select_n3A_416 : vector<16xf32> to vector<1x16xf32>
    tpu.vector_store %arg8[%swap3A_418, %swap3A_419], %swap3A_422 {strides = array<i32>} : memref<16x128xf32, #tpu.memory_space<vmem>>, vector<1x16xf32>,
    %add3A_423 = arith.constant 32 : i32
    %add3A_424 = vector.broadcast %add3A_423 : i32 to vector<16xi32>
    %add3A_425 = arith.addi %iota3A, %add3A_424 : vector<16xi32>
    %get3A_426 = arith.constant 1 : i32
    %get3A_427 = arith.index_cast %get3A_426 : i32 to index
    %get3A_428 = arith.constant 0 : index
    %get3A_429 = tpu.vector_load %arg7[%get3A_427, %get3A_428] {strides = array<i32>} : memref<16x16xi32, #tpu.memory_space<vmem>>, vector<1x16xi32>,
    %get3A_430 = vector.shape_cast %get3A_429 : vector<1x16xi32> to vector<16xi32>
    %eq3A_431 = arith.cmpi eq, %add3A_425, %get3A_430 : vector<16xi32>
    %get3A_432 = arith.constant 1 : i32
    %get3A_433 = arith.index_cast %get3A_432 : i32 to index
    %get3A_434 = arith.constant 32 : index
    %get3A_435 = tpu.vector_load %arg8[%get3A_433, %get3A_434] {strides = array<i32>} : memref<16x128xf32, #tpu.memory_space<vmem>>, vector<1x16xf32>,
    %get3A_436 = vector.shape_cast %get3A_435 : vector<1x16xf32> to vector<16xf32>
    %jit3A_437 = arith.constant 0.000000e+00 : f32
    %broadcast_in_dim3A_438 = vector.broadcast %jit3A_437 : f32 to vector<16xf32>
    %select_n3A_439 = arith.select %eq3A_431, %broadcast_in_dim3A_438, %get3A_436 : vector<16xi1>, vector<16xf32>
    %swap3A_440 = arith.constant 1 : i32
    %swap3A_441 = arith.index_cast %swap3A_440 : i32 to index
    %swap3A_442 = arith.constant 32 : index
    %swap3A_443 = tpu.vector_load %arg8[%swap3A_441, %swap3A_442] {strides = array<i32>} : memref<16x128xf32, #tpu.memory_space<vmem>>, vector<1x16xf32>,
    %swap3A_444 = vector.shape_cast %swap3A_443 : vector<1x16xf32> to vector<16xf32>
    %swap3A_445 = vector.shape_cast %select_n3A_439 : vector<16xf32> to vector<1x16xf32>
    tpu.vector_store %arg8[%swap3A_441, %swap3A_442], %swap3A_445 {strides = array<i32>} : memref<16x128xf32, #tpu.memory_space<vmem>>, vector<1x16xf32>,
    %add3A_446 = arith.constant 48 : i32
    %add3A_447 = vector.broadcast %add3A_446 : i32 to vector<16xi32>
    %add3A_448 = arith.addi %iota3A, %add3A_447 : vector<16xi32>
    %get3A_449 = arith.constant 1 : i32
    %get3A_450 = arith.index_cast %get3A_449 : i32 to index
    %get3A_451 = arith.constant 0 : index
    %get3A_452 = tpu.vector_load %arg7[%get3A_450, %get3A_451] {strides = array<i32>} : memref<16x16xi32, #tpu.memory_space<vmem>>, vector<1x16xi32>,
    %get3A_453 = vector.shape_cast %get3A_452 : vector<1x16xi32> to vector<16xi32>
    %eq3A_454 = arith.cmpi eq, %add3A_448, %get3A_453 : vector<16xi32>
    %get3A_455 = arith.constant 1 : i32
    %get3A_456 = arith.index_cast %get3A_455 : i32 to index
    %get3A_457 = arith.constant 48 : index
    %get3A_458 = tpu.vector_load %arg8[%get3A_456, %get3A_457] {strides = array<i32>} : memref<16x128xf32, #tpu.memory_space<vmem>>, vector<1x16xf32>,
    %get3A_459 = vector.shape_cast %get3A_458 : vector<1x16xf32> to vector<16xf32>
    %jit3A_460 = arith.constant 0.000000e+00 : f32
    %broadcast_in_dim3A_461 = vector.broadcast %jit3A_460 : f32 to vector<16xf32>
    %select_n3A_462 = arith.select %eq3A_454, %broadcast_in_dim3A_461, %get3A_459 : vector<16xi1>, vector<16xf32>
    %swap3A_463 = arith.constant 1 : i32
    %swap3A_464 = arith.index_cast %swap3A_463 : i32 to index
    %swap3A_465 = arith.constant 48 : index
    %swap3A_466 = tpu.vector_load %arg8[%swap3A_464, %swap3A_465] {strides = array<i32>} : memref<16x128xf32, #tpu.memory_space<vmem>>, vector<1x16xf32>,
    %swap3A_467 = vector.shape_cast %swap3A_466 : vector<1x16xf32> to vector<16xf32>
    %swap3A_468 = vector.shape_cast %select_n3A_462 : vector<16xf32> to vector<1x16xf32>
    tpu.vector_store %arg8[%swap3A_464, %swap3A_465], %swap3A_468 {strides = array<i32>} : memref<16x128xf32, #tpu.memory_space<vmem>>, vector<1x16xf32>,
    %add3A_469 = arith.constant 64 : i32
    %add3A_470 = vector.broadcast %add3A_469 : i32 to vector<16xi32>
    %add3A_471 = arith.addi %iota3A, %add3A_470 : vector<16xi32>
    %get3A_472 = arith.constant 1 : i32
    %get3A_473 = arith.index_cast %get3A_472 : i32 to index
    %get3A_474 = arith.constant 0 : index
    %get3A_475 = tpu.vector_load %arg7[%get3A_473, %get3A_474] {strides = array<i32>} : memref<16x16xi32, #tpu.memory_space<vmem>>, vector<1x16xi32>,
    %get3A_476 = vector.shape_cast %get3A_475 : vector<1x16xi32> to vector<16xi32>
    %eq3A_477 = arith.cmpi eq, %add3A_471, %get3A_476 : vector<16xi32>
    %get3A_478 = arith.constant 1 : i32
    %get3A_479 = arith.index_cast %get3A_478 : i32 to index
    %get3A_480 = arith.constant 64 : index
    %get3A_481 = tpu.vector_load %arg8[%get3A_479, %get3A_480] {strides = array<i32>} : memref<16x128xf32, #tpu.memory_space<vmem>>, vector<1x16xf32>,
    %get3A_482 = vector.shape_cast %get3A_481 : vector<1x16xf32> to vector<16xf32>
    %jit3A_483 = arith.constant 0.000000e+00 : f32
    %broadcast_in_dim3A_484 = vector.broadcast %jit3A_483 : f32 to vector<16xf32>
    %select_n3A_485 = arith.select %eq3A_477, %broadcast_in_dim3A_484, %get3A_482 : vector<16xi1>, vector<16xf32>
    %swap3A_486 = arith.constant 1 : i32
    %swap3A_487 = arith.index_cast %swap3A_486 : i32 to index
    %swap3A_488 = arith.constant 64 : index
    %swap3A_489 = tpu.vector_load %arg8[%swap3A_487, %swap3A_488] {strides = array<i32>} : memref<16x128xf32, #tpu.memory_space<vmem>>, vector<1x16xf32>,
    %swap3A_490 = vector.shape_cast %swap3A_489 : vector<1x16xf32> to vector<16xf32>
    %swap3A_491 = vector.shape_cast %select_n3A_485 : vector<16xf32> to vector<1x16xf32>
    tpu.vector_store %arg8[%swap3A_487, %swap3A_488], %swap3A_491 {strides = array<i32>} : memref<16x128xf32, #tpu.memory_space<vmem>>, vector<1x16xf32>,
    %add3A_492 = arith.constant 80 : i32
    %add3A_493 = vector.broadcast %add3A_492 : i32 to vector<16xi32>
    %add3A_494 = arith.addi %iota3A, %add3A_493 : vector<16xi32>
    %get3A_495 = arith.constant 1 : i32
    %get3A_496 = arith.index_cast %get3A_495 : i32 to index
    %get3A_497 = arith.constant 0 : index
    %get3A_498 = tpu.vector_load %arg7[%get3A_496, %get3A_497] {strides = array<i32>} : memref<16x16xi32, #tpu.memory_space<vmem>>, vector<1x16xi32>,
    %get3A_499 = vector.shape_cast %get3A_498 : vector<1x16xi32> to vector<16xi32>
    %eq3A_500 = arith.cmpi eq, %add3A_494, %get3A_499 : vector<16xi32>
    %get3A_501 = arith.constant 1 : i32
    %get3A_502 = arith.index_cast %get3A_501 : i32 to index
    %get3A_503 = arith.constant 80 : index
    %get3A_504 = tpu.vector_load %arg8[%get3A_502, %get3A_503] {strides = array<i32>} : memref<16x128xf32, #tpu.memory_space<vmem>>, vector<1x16xf32>,
    %get3A_505 = vector.shape_cast %get3A_504 : vector<1x16xf32> to vector<16xf32>
    %jit3A_506 = arith.constant 0.000000e+00 : f32
    %broadcast_in_dim3A_507 = vector.broadcast %jit3A_506 : f32 to vector<16xf32>
    %select_n3A_508 = arith.select %eq3A_500, %broadcast_in_dim3A_507, %get3A_505 : vector<16xi1>, vector<16xf32>
    %swap3A_509 = arith.constant 1 : i32
    %swap3A_510 = arith.index_cast %swap3A_509 : i32 to index
    %swap3A_511 = arith.constant 80 : index
    %swap3A_512 = tpu.vector_load %arg8[%swap3A_510, %swap3A_511] {strides = array<i32>} : memref<16x128xf32, #tpu.memory_space<vmem>>, vector<1x16xf32>,
    %swap3A_513 = vector.shape_cast %swap3A_512 : vector<1x16xf32> to vector<16xf32>
    %swap3A_514 = vector.shape_cast %select_n3A_508 : vector<16xf32> to vector<1x16xf32>
    tpu.vector_store %arg8[%swap3A_510, %swap3A_511], %swap3A_514 {strides = array<i32>} : memref<16x128xf32, #tpu.memory_space<vmem>>, vector<1x16xf32>,
    %add3A_515 = arith.constant 96 : i32
    %add3A_516 = vector.broadcast %add3A_515 : i32 to vector<16xi32>
    %add3A_517 = arith.addi %iota3A, %add3A_516 : vector<16xi32>
    %get3A_518 = arith.constant 1 : i32
    %get3A_519 = arith.index_cast %get3A_518 : i32 to index
    %get3A_520 = arith.constant 0 : index
    %get3A_521 = tpu.vector_load %arg7[%get3A_519, %get3A_520] {strides = array<i32>} : memref<16x16xi32, #tpu.memory_space<vmem>>, vector<1x16xi32>,
    %get3A_522 = vector.shape_cast %get3A_521 : vector<1x16xi32> to vector<16xi32>
    %eq3A_523 = arith.cmpi eq, %add3A_517, %get3A_522 : vector<16xi32>
    %get3A_524 = arith.constant 1 : i32
    %get3A_525 = arith.index_cast %get3A_524 : i32 to index
    %get3A_526 = arith.constant 96 : index
    %get3A_527 = tpu.vector_load %arg8[%get3A_525, %get3A_526] {strides = array<i32>} : memref<16x128xf32, #tpu.memory_space<vmem>>, vector<1x16xf32>,
    %get3A_528 = vector.shape_cast %get3A_527 : vector<1x16xf32> to vector<16xf32>
    %jit3A_529 = arith.constant 0.000000e+00 : f32
    %broadcast_in_dim3A_530 = vector.broadcast %jit3A_529 : f32 to vector<16xf32>
    %select_n3A_531 = arith.select %eq3A_523, %broadcast_in_dim3A_530, %get3A_528 : vector<16xi1>, vector<16xf32>
    %swap3A_532 = arith.constant 1 : i32
    %swap3A_533 = arith.index_cast %swap3A_532 : i32 to index
    %swap3A_534 = arith.constant 96 : index
    %swap3A_535 = tpu.vector_load %arg8[%swap3A_533, %swap3A_534] {strides = array<i32>} : memref<16x128xf32, #tpu.memory_space<vmem>>, vector<1x16xf32>,
    %swap3A_536 = vector.shape_cast %swap3A_535 : vector<1x16xf32> to vector<16xf32>
    %swap3A_537 = vector.shape_cast %select_n3A_531 : vector<16xf32> to vector<1x16xf32>
    tpu.vector_store %arg8[%swap3A_533, %swap3A_534], %swap3A_537 {strides = array<i32>} : memref<16x128xf32, #tpu.memory_space<vmem>>, vector<1x16xf32>,
    %add3A_538 = arith.constant 112 : i32
    %add3A_539 = vector.broadcast %add3A_538 : i32 to vector<16xi32>
    %add3A_540 = arith.addi %iota3A, %add3A_539 : vector<16xi32>
    %get3A_541 = arith.constant 1 : i32
    %get3A_542 = arith.index_cast %get3A_541 : i32 to index
    %get3A_543 = arith.constant 0 : index
    %get3A_544 = tpu.vector_load %arg7[%get3A_542, %get3A_543] {strides = array<i32>} : memref<16x16xi32, #tpu.memory_space<vmem>>, vector<1x16xi32>,
    %get3A_545 = vector.shape_cast %get3A_544 : vector<1x16xi32> to vector<16xi32>
    %eq3A_546 = arith.cmpi eq, %add3A_540, %get3A_545 : vector<16xi32>
    %get3A_547 = arith.constant 1 : i32
    %get3A_548 = arith.index_cast %get3A_547 : i32 to index
    %get3A_549 = arith.constant 112 : index
    %get3A_550 = tpu.vector_load %arg8[%get3A_548, %get3A_549] {strides = array<i32>} : memref<16x128xf32, #tpu.memory_space<vmem>>, vector<1x16xf32>,
    %get3A_551 = vector.shape_cast %get3A_550 : vector<1x16xf32> to vector<16xf32>
    %jit3A_552 = arith.constant 0.000000e+00 : f32
    %broadcast_in_dim3A_553 = vector.broadcast %jit3A_552 : f32 to vector<16xf32>
    %select_n3A_554 = arith.select %eq3A_546, %broadcast_in_dim3A_553, %get3A_551 : vector<16xi1>, vector<16xf32>
    %swap3A_555 = arith.constant 1 : i32
    %swap3A_556 = arith.index_cast %swap3A_555 : i32 to index
    %swap3A_557 = arith.constant 112 : index
    %swap3A_558 = tpu.vector_load %arg8[%swap3A_556, %swap3A_557] {strides = array<i32>} : memref<16x128xf32, #tpu.memory_space<vmem>>, vector<1x16xf32>,
    %swap3A_559 = vector.shape_cast %swap3A_558 : vector<1x16xf32> to vector<16xf32>
    %swap3A_560 = vector.shape_cast %select_n3A_554 : vector<16xf32> to vector<1x16xf32>
    tpu.vector_store %arg8[%swap3A_556, %swap3A_557], %swap3A_560 {strides = array<i32>} : memref<16x128xf32, #tpu.memory_space<vmem>>, vector<1x16xf32>,
    %add3A_561 = arith.constant 0 : i32
    %add3A_562 = vector.broadcast %add3A_561 : i32 to vector<16xi32>
    %add3A_563 = arith.addi %iota3A, %add3A_562 : vector<16xi32>
    %get3A_564 = arith.constant 2 : i32
    %get3A_565 = arith.index_cast %get3A_564 : i32 to index
    %get3A_566 = arith.constant 0 : index
    %get3A_567 = tpu.vector_load %arg7[%get3A_565, %get3A_566] {strides = array<i32>} : memref<16x16xi32, #tpu.memory_space<vmem>>, vector<1x16xi32>,
    %get3A_568 = vector.shape_cast %get3A_567 : vector<1x16xi32> to vector<16xi32>
    %eq3A_569 = arith.cmpi eq, %add3A_563, %get3A_568 : vector<16xi32>
    %get3A_570 = arith.constant 2 : i32
    %get3A_571 = arith.index_cast %get3A_570 : i32 to index
    %get3A_572 = arith.constant 0 : index
    %get3A_573 = tpu.vector_load %arg8[%get3A_571, %get3A_572] {strides = array<i32>} : memref<16x128xf32, #tpu.memory_space<vmem>>, vector<1x16xf32>,
    %get3A_574 = vector.shape_cast %get3A_573 : vector<1x16xf32> to vector<16xf32>
    %jit3A_575 = arith.constant 0.000000e+00 : f32
    %broadcast_in_dim3A_576 = vector.broadcast %jit3A_575 : f32 to vector<16xf32>
    %select_n3A_577 = arith.select %eq3A_569, %broadcast_in_dim3A_576, %get3A_574 : vector<16xi1>, vector<16xf32>
    %swap3A_578 = arith.constant 2 : i32
    %swap3A_579 = arith.index_cast %swap3A_578 : i32 to index
    %swap3A_580 = arith.constant 0 : index
    %swap3A_581 = tpu.vector_load %arg8[%swap3A_579, %swap3A_580] {strides = array<i32>} : memref<16x128xf32, #tpu.memory_space<vmem>>, vector<1x16xf32>,
    %swap3A_582 = vector.shape_cast %swap3A_581 : vector<1x16xf32> to vector<16xf32>
    %swap3A_583 = vector.shape_cast %select_n3A_577 : vector<16xf32> to vector<1x16xf32>
    tpu.vector_store %arg8[%swap3A_579, %swap3A_580], %swap3A_583 {strides = array<i32>} : memref<16x128xf32, #tpu.memory_space<vmem>>, vector<1x16xf32>,
    %add3A_584 = arith.constant 16 : i32
    %add3A_585 = vector.broadcast %add3A_584 : i32 to vector<16xi32>
    %add3A_586 = arith.addi %iota3A, %add3A_585 : vector<16xi32>
    %get3A_587 = arith.constant 2 : i32
    %get3A_588 = arith.index_cast %get3A_587 : i32 to index
    %get3A_589 = arith.constant 0 : index
    %get3A_590 = tpu.vector_load %arg7[%get3A_588, %get3A_589] {strides = array<i32>} : memref<16x16xi32, #tpu.memory_space<vmem>>, vector<1x16xi32>,
    %get3A_591 = vector.shape_cast %get3A_590 : vector<1x16xi32> to vector<16xi32>
    %eq3A_592 = arith.cmpi eq, %add3A_586, %get3A_591 : vector<16xi32>
    %get3A_593 = arith.constant 2 : i32
    %get3A_594 = arith.index_cast %get3A_593 : i32 to index
    %get3A_595 = arith.constant 16 : index
    %get3A_596 = tpu.vector_load %arg8[%get3A_594, %get3A_595] {strides = array<i32>} : memref<16x128xf32, #tpu.memory_space<vmem>>, vector<1x16xf32>,
    %get3A_597 = vector.shape_cast %get3A_596 : vector<1x16xf32> to vector<16xf32>
    %jit3A_598 = arith.constant 0.000000e+00 : f32
    %broadcast_in_dim3A_599 = vector.broadcast %jit3A_598 : f32 to vector<16xf32>
    %select_n3A_600 = arith.select %eq3A_592, %broadcast_in_dim3A_599, %get3A_597 : vector<16xi1>, vector<16xf32>
    %swap3A_601 = arith.constant 2 : i32
    %swap3A_602 = arith.index_cast %swap3A_601 : i32 to index
    %swap3A_603 = arith.constant 16 : index
    %swap3A_604 = tpu.vector_load %arg8[%swap3A_602, %swap3A_603] {strides = array<i32>} : memref<16x128xf32, #tpu.memory_space<vmem>>, vector<1x16xf32>,
    %swap3A_605 = vector.shape_cast %swap3A_604 : vector<1x16xf32> to vector<16xf32>
    %swap3A_606 = vector.shape_cast %select_n3A_600 : vector<16xf32> to vector<1x16xf32>
    tpu.vector_store %arg8[%swap3A_602, %swap3A_603], %swap3A_606 {strides = array<i32>} : memref<16x128xf32, #tpu.memory_space<vmem>>, vector<1x16xf32>,
    %add3A_607 = arith.constant 32 : i32
    %add3A_608 = vector.broadcast %add3A_607 : i32 to vector<16xi32>
    %add3A_609 = arith.addi %iota3A, %add3A_608 : vector<16xi32>
    %get3A_610 = arith.constant 2 : i32
    %get3A_611 = arith.index_cast %get3A_610 : i32 to index
    %get3A_612 = arith.constant 0 : index
    %get3A_613 = tpu.vector_load %arg7[%get3A_611, %get3A_612] {strides = array<i32>} : memref<16x16xi32, #tpu.memory_space<vmem>>, vector<1x16xi32>,
    %get3A_614 = vector.shape_cast %get3A_613 : vector<1x16xi32> to vector<16xi32>
    %eq3A_615 = arith.cmpi eq, %add3A_609, %get3A_614 : vector<16xi32>
    %get3A_616 = arith.constant 2 : i32
    %get3A_617 = arith.index_cast %get3A_616 : i32 to index
    %get3A_618 = arith.constant 32 : index
    %get3A_619 = tpu.vector_load %arg8[%get3A_617, %get3A_618] {strides = array<i32>} : memref<16x128xf32, #tpu.memory_space<vmem>>, vector<1x16xf32>,
    %get3A_620 = vector.shape_cast %get3A_619 : vector<1x16xf32> to vector<16xf32>
    %jit3A_621 = arith.constant 0.000000e+00 : f32
    %broadcast_in_dim3A_622 = vector.broadcast %jit3A_621 : f32 to vector<16xf32>
    %select_n3A_623 = arith.select %eq3A_615, %broadcast_in_dim3A_622, %get3A_620 : vector<16xi1>, vector<16xf32>
    %swap3A_624 = arith.constant 2 : i32
    %swap3A_625 = arith.index_cast %swap3A_624 : i32 to index
    %swap3A_626 = arith.constant 32 : index
    %swap3A_627 = tpu.vector_load %arg8[%swap3A_625, %swap3A_626] {strides = array<i32>} : memref<16x128xf32, #tpu.memory_space<vmem>>, vector<1x16xf32>,
    %swap3A_628 = vector.shape_cast %swap3A_627 : vector<1x16xf32> to vector<16xf32>
    %swap3A_629 = vector.shape_cast %select_n3A_623 : vector<16xf32> to vector<1x16xf32>
    tpu.vector_store %arg8[%swap3A_625, %swap3A_626], %swap3A_629 {strides = array<i32>} : memref<16x128xf32, #tpu.memory_space<vmem>>, vector<1x16xf32>,
    %add3A_630 = arith.constant 48 : i32
    %add3A_631 = vector.broadcast %add3A_630 : i32 to vector<16xi32>
    %add3A_632 = arith.addi %iota3A, %add3A_631 : vector<16xi32>
    %get3A_633 = arith.constant 2 : i32
    %get3A_634 = arith.index_cast %get3A_633 : i32 to index
    %get3A_635 = arith.constant 0 : index
    %get3A_636 = tpu.vector_load %arg7[%get3A_634, %get3A_635] {strides = array<i32>} : memref<16x16xi32, #tpu.memory_space<vmem>>, vector<1x16xi32>,
    %get3A_637 = vector.shape_cast %get3A_636 : vector<1x16xi32> to vector<16xi32>
    %eq3A_638 = arith.cmpi eq, %add3A_632, %get3A_637 : vector<16xi32>
    %get3A_639 = arith.constant 2 : i32
    %get3A_640 = arith.index_cast %get3A_639 : i32 to index
    %get3A_641 = arith.constant 48 : index
    %get3A_642 = tpu.vector_load %arg8[%get3A_640, %get3A_641] {strides = array<i32>} : memref<16x128xf32, #tpu.memory_space<vmem>>, vector<1x16xf32>,
    %get3A_643 = vector.shape_cast %get3A_642 : vector<1x16xf32> to vector<16xf32>
    %jit3A_644 = arith.constant 0.000000e+00 : f32
    %broadcast_in_dim3A_645 = vector.broadcast %jit3A_644 : f32 to vector<16xf32>
    %select_n3A_646 = arith.select %eq3A_638, %broadcast_in_dim3A_645, %get3A_643 : vector<16xi1>, vector<16xf32>
    %swap3A_647 = arith.constant 2 : i32
    %swap3A_648 = arith.index_cast %swap3A_647 : i32 to index
    %swap3A_649 = arith.constant 48 : index
    %swap3A_650 = tpu.vector_load %arg8[%swap3A_648, %swap3A_649] {strides = array<i32>} : memref<16x128xf32, #tpu.memory_space<vmem>>, vector<1x16xf32>,
    %swap3A_651 = vector.shape_cast %swap3A_650 : vector<1x16xf32> to vector<16xf32>
    %swap3A_652 = vector.shape_cast %select_n3A_646 : vector<16xf32> to vector<1x16xf32>
    tpu.vector_store %arg8[%swap3A_648, %swap3A_649], %swap3A_652 {strides = array<i32>} : memref<16x128xf32, #tpu.memory_space<vmem>>, vector<1x16xf32>,
    %add3A_653 = arith.constant 64 : i32
    %add3A_654 = vector.broadcast %add3A_653 : i32 to vector<16xi32>
    %add3A_655 = arith.addi %iota3A, %add3A_654 : vector<16xi32>
    %get3A_656 = arith.constant 2 : i32
    %get3A_657 = arith.index_cast %get3A_656 : i32 to index
    %get3A_658 = arith.constant 0 : index
    %get3A_659 = tpu.vector_load %arg7[%get3A_657, %get3A_658] {strides = array<i32>} : memref<16x16xi32, #tpu.memory_space<vmem>>, vector<1x16xi32>,
    %get3A_660 = vector.shape_cast %get3A_659 : vector<1x16xi32> to vector<16xi32>
    %eq3A_661 = arith.cmpi eq, %add3A_655, %get3A_660 : vector<16xi32>
    %get3A_662 = arith.constant 2 : i32
    %get3A_663 = arith.index_cast %get3A_662 : i32 to index
    %get3A_664 = arith.constant 64 : index
    %get3A_665 = tpu.vector_load %arg8[%get3A_663, %get3A_664] {strides = array<i32>} : memref<16x128xf32, #tpu.memory_space<vmem>>, vector<1x16xf32>,
    %get3A_666 = vector.shape_cast %get3A_665 : vector<1x16xf32> to vector<16xf32>
    %jit3A_667 = arith.constant 0.000000e+00 : f32
    %broadcast_in_dim3A_668 = vector.broadcast %jit3A_667 : f32 to vector<16xf32>
    %select_n3A_669 = arith.select %eq3A_661, %broadcast_in_dim3A_668, %get3A_666 : vector<16xi1>, vector<16xf32>
    %swap3A_670 = arith.constant 2 : i32
    %swap3A_671 = arith.index_cast %swap3A_670 : i32 to index
    %swap3A_672 = arith.constant 64 : index
    %swap3A_673 = tpu.vector_load %arg8[%swap3A_671, %swap3A_672] {strides = array<i32>} : memref<16x128xf32, #tpu.memory_space<vmem>>, vector<1x16xf32>,
    %swap3A_674 = vector.shape_cast %swap3A_673 : vector<1x16xf32> to vector<16xf32>
    %swap3A_675 = vector.shape_cast %select_n3A_669 : vector<16xf32> to vector<1x16xf32>
    tpu.vector_store %arg8[%swap3A_671, %swap3A_672], %swap3A_675 {strides = array<i32>} : memref<16x128xf32, #tpu.memory_space<vmem>>, vector<1x16xf32>,
    %add3A_676 = arith.constant 80 : i32
    %add3A_677 = vector.broadcast %add3A_676 : i32 to vector<16xi32>
    %add3A_678 = arith.addi %iota3A, %add3A_677 : vector<16xi32>
    %get3A_679 = arith.constant 2 : i32
    %get3A_680 = arith.index_cast %get3A_679 : i32 to index
    %get3A_681 = arith.constant 0 : index
    %get3A_682 = tpu.vector_load %arg7[%get3A_680, %get3A_681] {strides = array<i32>} : memref<16x16xi32, #tpu.memory_space<vmem>>, vector<1x16xi32>,
    %get3A_683 = vector.shape_cast %get3A_682 : vector<1x16xi32> to vector<16xi32>
    %eq3A_684 = arith.cmpi eq, %add3A_678, %get3A_683 : vector<16xi32>
    %get3A_685 = arith.constant 2 : i32
    %get3A_686 = arith.index_cast %get3A_685 : i32 to index
    %get3A_687 = arith.constant 80 : index
    %get3A_688 = tpu.vector_load %arg8[%get3A_686, %get3A_687] {strides = array<i32>} : memref<16x128xf32, #tpu.memory_space<vmem>>, vector<1x16xf32>,
    %get3A_689 = vector.shape_cast %get3A_688 : vector<1x16xf32> to vector<16xf32>
    %jit3A_690 = arith.constant 0.000000e+00 : f32
    %broadcast_in_dim3A_691 = vector.broadcast %jit3A_690 : f32 to vector<16xf32>
    %select_n3A_692 = arith.select %eq3A_684, %broadcast_in_dim3A_691, %get3A_689 : vector<16xi1>, vector<16xf32>
    %swap3A_693 = arith.constant 2 : i32
    %swap3A_694 = arith.index_cast %swap3A_693 : i32 to index
    %swap3A_695 = arith.constant 80 : index
    %swap3A_696 = tpu.vector_load %arg8[%swap3A_694, %swap3A_695] {strides = array<i32>} : memref<16x128xf32, #tpu.memory_space<vmem>>, vector<1x16xf32>,
    %swap3A_697 = vector.shape_cast %swap3A_696 : vector<1x16xf32> to vector<16xf32>
    %swap3A_698 = vector.shape_cast %select_n3A_692 : vector<16xf32> to vector<1x16xf32>
    tpu.vector_store %arg8[%swap3A_694, %swap3A_695], %swap3A_698 {strides = array<i32>} : memref<16x128xf32, #tpu.memory_space<vmem>>, vector<1x16xf32>,
    %add3A_699 = arith.constant 96 : i32
    %add3A_700 = vector.broadcast %add3A_699 : i32 to vector<16xi32>
    %add3A_701 = arith.addi %iota3A, %add3A_700 : vector<16xi32>
    %get3A_702 = arith.constant 2 : i32
    %get3A_703 = arith.index_cast %get3A_702 : i32 to index
    %get3A_704 = arith.constant 0 : index
    %get3A_705 = tpu.vector_load %arg7[%get3A_703, %get3A_704] {strides = array<i32>} : memref<16x16xi32, #tpu.memory_space<vmem>>, vector<1x16xi32>,
    %get3A_706 = vector.shape_cast %get3A_705 : vector<1x16xi32> to vector<16xi32>
    %eq3A_707 = arith.cmpi eq, %add3A_701, %get3A_706 : vector<16xi32>
    %get3A_708 = arith.constant 2 : i32
    %get3A_709 = arith.index_cast %get3A_708 : i32 to index
    %get3A_710 = arith.constant 96 : index
    %get3A_711 = tpu.vector_load %arg8[%get3A_709, %get3A_710] {strides = array<i32>} : memref<16x128xf32, #tpu.memory_space<vmem>>, vector<1x16xf32>,
    %get3A_712 = vector.shape_cast %get3A_711 : vector<1x16xf32> to vector<16xf32>
    %jit3A_713 = arith.constant 0.000000e+00 : f32
    %broadcast_in_dim3A_714 = vector.broadcast %jit3A_713 : f32 to vector<16xf32>
    %select_n3A_715 = arith.select %eq3A_707, %broadcast_in_dim3A_714, %get3A_712 : vector<16xi1>, vector<16xf32>
    %swap3A_716 = arith.constant 2 : i32
    %swap3A_717 = arith.index_cast %swap3A_716 : i32 to index
    %swap3A_718 = arith.constant 96 : index
    %swap3A_719 = tpu.vector_load %arg8[%swap3A_717, %swap3A_718] {strides = array<i32>} : memref<16x128xf32, #tpu.memory_space<vmem>>, vector<1x16xf32>,
    %swap3A_720 = vector.shape_cast %swap3A_719 : vector<1x16xf32> to vector<16xf32>
    %swap3A_721 = vector.shape_cast %select_n3A_715 : vector<16xf32> to vector<1x16xf32>
    tpu.vector_store %arg8[%swap3A_717, %swap3A_718], %swap3A_721 {strides = array<i32>} : memref<16x128xf32, #tpu.memory_space<vmem>>, vector<1x16xf32>,
    %add3A_722 = arith.constant 112 : i32
    %add3A_723 = vector.broadcast %add3A_722 : i32 to vector<16xi32>
    %add3A_724 = arith.addi %iota3A, %add3A_723 : vector<16xi32>
    %get3A_725 = arith.constant 2 : i32
    %get3A_726 = arith.index_cast %get3A_725 : i32 to index
    %get3A_727 = arith.constant 0 : index
    %get3A_728 = tpu.vector_load %arg7[%get3A_726, %get3A_727] {strides = array<i32>} : memref<16x16xi32, #tpu.memory_space<vmem>>, vector<1x16xi32>,
    %get3A_729 = vector.shape_cast %get3A_728 : vector<1x16xi32> to vector<16xi32>
    %eq3A_730 = arith.cmpi eq, %add3A_724, %get3A_729 : vector<16xi32>
    %get3A_731 = arith.constant 2 : i32
    %get3A_732 = arith.index_cast %get3A_731 : i32 to index
    %get3A_733 = arith.constant 112 : index
    %get3A_734 = tpu.vector_load %arg8[%get3A_732, %get3A_733] {strides = array<i32>} : memref<16x128xf32, #tpu.memory_space<vmem>>, vector<1x16xf32>,
    %get3A_735 = vector.shape_cast %get3A_734 : vector<1x16xf32> to vector<16xf32>
    %jit3A_736 = arith.constant 0.000000e+00 : f32
    %broadcast_in_dim3A_737 = vector.broadcast %jit3A_736 : f32 to vector<16xf32>
    %select_n3A_738 = arith.select %eq3A_730, %broadcast_in_dim3A_737, %get3A_735 : vector<16xi1>, vector<16xf32>
    %swap3A_739 = arith.constant 2 : i32
    %swap3A_740 = arith.index_cast %swap3A_739 : i32 to index
    %swap3A_741 = arith.constant 112 : index
    %swap3A_742 = tpu.vector_load %arg8[%swap3A_740, %swap3A_741] {strides = array<i32>} : memref<16x128xf32, #tpu.memory_space<vmem>>, vector<1x16xf32>,
    %swap3A_743 = vector.shape_cast %swap3A_742 : vector<1x16xf32> to vector<16xf32>
    %swap3A_744 = vector.shape_cast %select_n3A_738 : vector<16xf32> to vector<1x16xf32>
    tpu.vector_store %arg8[%swap3A_740, %swap3A_741], %swap3A_744 {strides = array<i32>} : memref<16x128xf32, #tpu.memory_space<vmem>>, vector<1x16xf32>,
    %add3A_745 = arith.constant 0 : i32
    %add3A_746 = vector.broadcast %add3A_745 : i32 to vector<16xi32>
    %add3A_747 = arith.addi %iota3A, %add3A_746 : vector<16xi32>
    %get3A_748 = arith.constant 3 : i32
    %get3A_749 = arith.index_cast %get3A_748 : i32 to index
    %get3A_750 = arith.constant 0 : index
    %get3A_751 = tpu.vector_load %arg7[%get3A_749, %get3A_750] {strides = array<i32>} : memref<16x16xi32, #tpu.memory_space<vmem>>, vector<1x16xi32>,
    %get3A_752 = vector.shape_cast %get3A_751 : vector<1x16xi32> to vector<16xi32>
    %eq3A_753 = arith.cmpi eq, %add3A_747, %get3A_752 : vector<16xi32>
    %get3A_754 = arith.constant 3 : i32
    %get3A_755 = arith.index_cast %get3A_754 : i32 to index
    %get3A_756 = arith.constant 0 : index
    %get3A_757 = tpu.vector_load %arg8[%get3A_755, %get3A_756] {strides = array<i32>} : memref<16x128xf32, #tpu.memory_space<vmem>>, vector<1x16xf32>,
    %get3A_758 = vector.shape_cast %get3A_757 : vector<1x16xf32> to vector<16xf32>
    %jit3A_759 = arith.constant 0.000000e+00 : f32
    %broadcast_in_dim3A_760 = vector.broadcast %jit3A_759 : f32 to vector<16xf32>
    %select_n3A_761 = arith.select %eq3A_753, %broadcast_in_dim3A_760, %get3A_758 : vector<16xi1>, vector<16xf32>
    %swap3A_762 = arith.constant 3 : i32
    %swap3A_763 = arith.index_cast %swap3A_762 : i32 to index
    %swap3A_764 = arith.constant 0 : index
    %swap3A_765 = tpu.vector_load %arg8[%swap3A_763, %swap3A_764] {strides = array<i32>} : memref<16x128xf32, #tpu.memory_space<vmem>>, vector<1x16xf32>,
    %swap3A_766 = vector.shape_cast %swap3A_765 : vector<1x16xf32> to vector<16xf32>
    %swap3A_767 = vector.shape_cast %select_n3A_761 : vector<16xf32> to vector<1x16xf32>
    tpu.vector_store %arg8[%swap3A_763, %swap3A_764], %swap3A_767 {strides = array<i32>} : memref<16x128xf32, #tpu.memory_space<vmem>>, vector<1x16xf32>,
    %add3A_768 = arith.constant 16 : i32
    %add3A_769 = vector.broadcast %add3A_768 : i32 to vector<16xi32>
    %add3A_770 = arith.addi %iota3A, %add3A_769 : vector<16xi32>
    %get3A_771 = arith.constant 3 : i32
    %get3A_772 = arith.index_cast %get3A_771 : i32 to index
    %get3A_773 = arith.constant 0 : index
    %get3A_774 = tpu.vector_load %arg7[%get3A_772, %get3A_773] {strides = array<i32>} : memref<16x16xi32, #tpu.memory_space<vmem>>, vector<1x16xi32>,
    %get3A_775 = vector.shape_cast %get3A_774 : vector<1x16xi32> to vector<16xi32>
    %eq3A_776 = arith.cmpi eq, %add3A_770, %get3A_775 : vector<16xi32>
    %get3A_777 = arith.constant 3 : i32
    %get3A_778 = arith.index_cast %get3A_777 : i32 to index
    %get3A_779 = arith.constant 16 : index
    %get3A_780 = tpu.vector_load %arg8[%get3A_778, %get3A_779] {strides = array<i32>} : memref<16x128xf32, #tpu.memory_space<vmem>>, vector<1x16xf32>,
    %get3A_781 = vector.shape_cast %get3A_780 : vector<1x16xf32> to vector<16xf32>
    %jit3A_782 = arith.constant 0.000000e+00 : f32
    %broadcast_in_dim3A_783 = vector.broadcast %jit3A_782 : f32 to vector<16xf32>
    %select_n3A_784 = arith.select %eq3A_776, %broadcast_in_dim3A_783, %get3A_781 : vector<16xi1>, vector<16xf32>
    %swap3A_785 = arith.constant 3 : i32
    %swap3A_786 = arith.index_cast %swap3A_785 : i32 to index
    %swap3A_787 = arith.constant 16 : index
    %swap3A_788 = tpu.vector_load %arg8[%swap3A_786, %swap3A_787] {strides = array<i32>} : memref<16x128xf32, #tpu.memory_space<vmem>>, vector<1x16xf32>,
    %swap3A_789 = vector.shape_cast %swap3A_788 : vector<1x16xf32> to vector<16xf32>
    %swap3A_790 = vector.shape_cast %select_n3A_784 : vector<16xf32> to vector<1x16xf32>
    tpu.vector_store %arg8[%swap3A_786, %swap3A_787], %swap3A_790 {strides = array<i32>} : memref<16x128xf32, #tpu.memory_space<vmem>>, vector<1x16xf32>,
    %add3A_791 = arith.constant 32 : i32
    %add3A_792 = vector.broadcast %add3A_791 : i32 to vector<16xi32>
    %add3A_793 = arith.addi %iota3A, %add3A_792 : vector<16xi32>
    %get3A_794 = arith.constant 3 : i32
    %get3A_795 = arith.index_cast %get3A_794 : i32 to index
    %get3A_796 = arith.constant 0 : index
    %get3A_797 = tpu.vector_load %arg7[%get3A_795, %get3A_796] {strides = array<i32>} : memref<16x16xi32, #tpu.memory_space<vmem>>, vector<1x16xi32>,
    %get3A_798 = vector.shape_cast %get3A_797 : vector<1x16xi32> to vector<16xi32>
    %eq3A_799 = arith.cmpi eq, %add3A_793, %get3A_798 : vector<16xi32>
    %get3A_800 = arith.constant 3 : i32
    %get3A_801 = arith.index_cast %get3A_800 : i32 to index
    %get3A_802 = arith.constant 32 : index
    %get3A_803 = tpu.vector_load %arg8[%get3A_801, %get3A_802] {strides = array<i32>} : memref<16x128xf32, #tpu.memory_space<vmem>>, vector<1x16xf32>,
    %get3A_804 = vector.shape_cast %get3A_803 : vector<1x16xf32> to vector<16xf32>
    %jit3A_805 = arith.constant 0.000000e+00 : f32
    %broadcast_in_dim3A_806 = vector.broadcast %jit3A_805 : f32 to vector<16xf32>
    %select_n3A_807 = arith.select %eq3A_799, %broadcast_in_dim3A_806, %get3A_804 : vector<16xi1>, vector<16xf32>
    %swap3A_808 = arith.constant 3 : i32
    %swap3A_809 = arith.index_cast %swap3A_808 : i32 to index
    %swap3A_810 = arith.constant 32 : index
    %swap3A_811 = tpu.vector_load %arg8[%swap3A_809, %swap3A_810] {strides = array<i32>} : memref<16x128xf32, #tpu.memory_space<vmem>>, vector<1x16xf32>,
    %swap3A_812 = vector.shape_cast %swap3A_811 : vector<1x16xf32> to vector<16xf32>
    %swap3A_813 = vector.shape_cast %select_n3A_807 : vector<16xf32> to vector<1x16xf32>
    tpu.vector_store %arg8[%swap3A_809, %swap3A_810], %swap3A_813 {strides = array<i32>} : memref<16x128xf32, #tpu.memory_space<vmem>>, vector<1x16xf32>,
    %add3A_814 = arith.constant 48 : i32
    %add3A_815 = vector.broadcast %add3A_814 : i32 to vector<16xi32>
    %add3A_816 = arith.addi %iota3A, %add3A_815 : vector<16xi32>
    %get3A_817 = arith.constant 3 : i32
    %get3A_818 = arith.index_cast %get3A_817 : i32 to index
    %get3A_819 = arith.constant 0 : index
    %get3A_820 = tpu.vector_load %arg7[%get3A_818, %get3A_819] {strides = array<i32>} : memref<16x16xi32, #tpu.memory_space<vmem>>, vector<1x16xi32>,
    %get3A_821 = vector.shape_cast %get3A_820 : vector<1x16xi32> to vector<16xi32>
    %eq3A_822 = arith.cmpi eq, %add3A_816, %get3A_821 : vector<16xi32>
    %get3A_823 = arith.constant 3 : i32
    %get3A_824 = arith.index_cast %get3A_823 : i32 to index
    %get3A_825 = arith.constant 48 : index
    %get3A_826 = tpu.vector_load %arg8[%get3A_824, %get3A_825] {strides = array<i32>} : memref<16x128xf32, #tpu.memory_space<vmem>>, vector<1x16xf32>,
    %get3A_827 = vector.shape_cast %get3A_826 : vector<1x16xf32> to vector<16xf32>
    %jit3A_828 = arith.constant 0.000000e+00 : f32
    %broadcast_in_dim3A_829 = vector.broadcast %jit3A_828 : f32 to vector<16xf32>
    %select_n3A_830 = arith.select %eq3A_822, %broadcast_in_dim3A_829, %get3A_827 : vector<16xi1>, vector<16xf32>
    %swap3A_831 = arith.constant 3 : i32
    %swap3A_832 = arith.index_cast %swap3A_831 : i32 to index
    %swap3A_833 = arith.constant 48 : index
    %swap3A_834 = tpu.vector_load %arg8[%swap3A_832, %swap3A_833] {strides = array<i32>} : memref<16x128xf32, #tpu.memory_space<vmem>>, vector<1x16xf32>,
    %swap3A_835 = vector.shape_cast %swap3A_834 : vector<1x16xf32> to vector<16xf32>
    %swap3A_836 = vector.shape_cast %select_n3A_830 : vector<16xf32> to vector<1x16xf32>
    tpu.vector_store %arg8[%swap3A_832, %swap3A_833], %swap3A_836 {strides = array<i32>} : memref<16x128xf32, #tpu.memory_space<vmem>>, vector<1x16xf32>,
    %add3A_837 = arith.constant 64 : i32
    %add3A_838 = vector.broadcast %add3A_837 : i32 to vector<16xi32>
    %add3A_839 = arith.addi %iota3A, %add3A_838 : vector<16xi32>
    %get3A_840 = arith.constant 3 : i32
    %get3A_841 = arith.index_cast %get3A_840 : i32 to index
    %get3A_842 = arith.constant 0 : index
    %get3A_843 = tpu.vector_load %arg7[%get3A_841, %get3A_842] {strides = array<i32>} : memref<16x16xi32, #tpu.memory_space<vmem>>, vector<1x16xi32>,
    %get3A_844 = vector.shape_cast %get3A_843 : vector<1x16xi32> to vector<16xi32>
    %eq3A_845 = arith.cmpi eq, %add3A_839, %get3A_844 : vector<16xi32>
    %get3A_846 = arith.constant 3 : i32
    %get3A_847 = arith.index_cast %get3A_846 : i32 to index
    %get3A_848 = arith.constant 64 : index
    %get3A_849 = tpu.vector_load %arg8[%get3A_847, %get3A_848] {strides = array<i32>} : memref<16x128xf32, #tpu.memory_space<vmem>>, vector<1x16xf32>,
    %get3A_850 = vector.shape_cast %get3A_849 : vector<1x16xf32> to vector<16xf32>
    %jit3A_851 = arith.constant 0.000000e+00 : f32
    %broadcast_in_dim3A_852 = vector.broadcast %jit3A_851 : f32 to vector<16xf32>
    %select_n3A_853 = arith.select %eq3A_845, %broadcast_in_dim3A_852, %get3A_850 : vector<16xi1>, vector<16xf32>
    %swap3A_854 = arith.constant 3 : i32
    %swap3A_855 = arith.index_cast %swap3A_854 : i32 to index
    %swap3A_856 = arith.constant 64 : index
    %swap3A_857 = tpu.vector_load %arg8[%swap3A_855, %swap3A_856] {strides = array<i32>} : memref<16x128xf32, #tpu.memory_space<vmem>>, vector<1x16xf32>,
    %swap3A_858 = vector.shape_cast %swap3A_857 : vector<1x16xf32> to vector<16xf32>
    %swap3A_859 = vector.shape_cast %select_n3A_853 : vector<16xf32> to vector<1x16xf32>
    tpu.vector_store %arg8[%swap3A_855, %swap3A_856], %swap3A_859 {strides = array<i32>} : memref<16x128xf32, #tpu.memory_space<vmem>>, vector<1x16xf32>,
    %add3A_860 = arith.constant 80 : i32
    %add3A_861 = vector.broadcast %add3A_860 : i32 to vector<16xi32>
    %add3A_862 = arith.addi %iota3A, %add3A_861 : vector<16xi32>
    %get3A_863 = arith.constant 3 : i32
    %get3A_864 = arith.index_cast %get3A_863 : i32 to index
    %get3A_865 = arith.constant 0 : index
    %get3A_866 = tpu.vector_load %arg7[%get3A_864, %get3A_865] {strides = array<i32>} : memref<16x16xi32, #tpu.memory_space<vmem>>, vector<1x16xi32>,
    %get3A_867 = vector.shape_cast %get3A_866 : vector<1x16xi32> to vector<16xi32>
    %eq3A_868 = arith.cmpi eq, %add3A_862, %get3A_867 : vector<16xi32>
    %get3A_869 = arith.constant 3 : i32
    %get3A_870 = arith.index_cast %get3A_869 : i32 to index
    %get3A_871 = arith.constant 80 : index
    %get3A_872 = tpu.vector_load %arg8[%get3A_870, %get3A_871] {strides = array<i32>} : memref<16x128xf32, #tpu.memory_space<vmem>>, vector<1x16xf32>,
    %get3A_873 = vector.shape_cast %get3A_872 : vector<1x16xf32> to vector<16xf32>
    %jit3A_874 = arith.constant 0.000000e+00 : f32
    %broadcast_in_dim3A_875 = vector.broadcast %jit3A_874 : f32 to vector<16xf32>
    %select_n3A_876 = arith.select %eq3A_868, %broadcast_in_dim3A_875, %get3A_873 : vector<16xi1>, vector<16xf32>
    %swap3A_877 = arith.constant 3 : i32
    %swap3A_878 = arith.index_cast %swap3A_877 : i32 to index
    %swap3A_879 = arith.constant 80 : index
    %swap3A_880 = tpu.vector_load %arg8[%swap3A_878, %swap3A_879] {strides = array<i32>} : memref<16x128xf32, #tpu.memory_space<vmem>>, vector<1x16xf32>,
    %swap3A_881 = vector.shape_cast %swap3A_880 : vector<1x16xf32> to vector<16xf32>
    %swap3A_882 = vector.shape_cast %select_n3A_876 : vector<16xf32> to vector<1x16xf32>
    tpu.vector_store %arg8[%swap3A_878, %swap3A_879], %swap3A_882 {strides = array<i32>} : memref<16x128xf32, #tpu.memory_space<vmem>>, vector<1x16xf32>,
    %add3A_883 = arith.constant 96 : i32
    %add3A_884 = vector.broadcast %add3A_883 : i32 to vector<16xi32>
    %add3A_885 = arith.addi %iota3A, %add3A_884 : vector<16xi32>
    %get3A_886 = arith.constant 3 : i32
    %get3A_887 = arith.index_cast %get3A_886 : i32 to index
    %get3A_888 = arith.constant 0 : index
    %get3A_889 = tpu.vector_load %arg7[%get3A_887, %get3A_888] {strides = array<i32>} : memref<16x16xi32, #tpu.memory_space<vmem>>, vector<1x16xi32>,
    %get3A_890 = vector.shape_cast %get3A_889 : vector<1x16xi32> to vector<16xi32>
    %eq3A_891 = arith.cmpi eq, %add3A_885, %get3A_890 : vector<16xi32>
    %get3A_892 = arith.constant 3 : i32
    %get3A_893 = arith.index_cast %get3A_892 : i32 to index
    %get3A_894 = arith.constant 96 : index
    %get3A_895 = tpu.vector_load %arg8[%get3A_893, %get3A_894] {strides = array<i32>} : memref<16x128xf32, #tpu.memory_space<vmem>>, vector<1x16xf32>,
    %get3A_896 = vector.shape_cast %get3A_895 : vector<1x16xf32> to vector<16xf32>
    %jit3A_897 = arith.constant 0.000000e+00 : f32
    %broadcast_in_dim3A_898 = vector.broadcast %jit3A_897 : f32 to vector<16xf32>
    %select_n3A_899 = arith.select %eq3A_891, %broadcast_in_dim3A_898, %get3A_896 : vector<16xi1>, vector<16xf32>
    %swap3A_900 = arith.constant 3 : i32
    %swap3A_901 = arith.index_cast %swap3A_900 : i32 to index
    %swap3A_902 = arith.constant 96 : index
    %swap3A_903 = tpu.vector_load %arg8[%swap3A_901, %swap3A_902] {strides = array<i32>} : memref<16x128xf32, #tpu.memory_space<vmem>>, vector<1x16xf32>,
    %swap3A_904 = vector.shape_cast %swap3A_903 : vector<1x16xf32> to vector<16xf32>
    %swap3A_905 = vector.shape_cast %select_n3A_899 : vector<16xf32> to vector<1x16xf32>
    tpu.vector_store %arg8[%swap3A_901, %swap3A_902], %swap3A_905 {strides = array<i32>} : memref<16x128xf32, #tpu.memory_space<vmem>>, vector<1x16xf32>,
    %add3A_906 = arith.constant 112 : i32
    %add3A_907 = vector.broadcast %add3A_906 : i32 to vector<16xi32>
    %add3A_908 = arith.addi %iota3A, %add3A_907 : vector<16xi32>
    %get3A_909 = arith.constant 3 : i32
    %get3A_910 = arith.index_cast %get3A_909 : i32 to index
    %get3A_911 = arith.constant 0 : index
    %get3A_912 = tpu.vector_load %arg7[%get3A_910, %get3A_911] {strides = array<i32>} : memref<16x16xi32, #tpu.memory_space<vmem>>, vector<1x16xi32>,
    %get3A_913 = vector.shape_cast %get3A_912 : vector<1x16xi32> to vector<16xi32>
    %eq3A_914 = arith.cmpi eq, %add3A_908, %get3A_913 : vector<16xi32>
    %get3A_915 = arith.constant 3 : i32
    %get3A_916 = arith.index_cast %get3A_915 : i32 to index
    %get3A_917 = arith.constant 112 : index
    %get3A_918 = tpu.vector_load %arg8[%get3A_916, %get3A_917] {strides = array<i32>} : memref<16x128xf32, #tpu.memory_space<vmem>>, vector<1x16xf32>,
    %get3A_919 = vector.shape_cast %get3A_918 : vector<1x16xf32> to vector<16xf32>
    %jit3A_920 = arith.constant 0.000000e+00 : f32
    %broadcast_in_dim3A_921 = vector.broadcast %jit3A_920 : f32 to vector<16xf32>
    %select_n3A_922 = arith.select %eq3A_914, %broadcast_in_dim3A_921, %get3A_919 : vector<16xi1>, vector<16xf32>
    %swap3A_923 = arith.constant 3 : i32
    %swap3A_924 = arith.index_cast %swap3A_923 : i32 to index
    %swap3A_925 = arith.constant 112 : index
    %swap3A_926 = tpu.vector_load %arg8[%swap3A_924, %swap3A_925] {strides = array<i32>} : memref<16x128xf32, #tpu.memory_space<vmem>>, vector<1x16xf32>,
    %swap3A_927 = vector.shape_cast %swap3A_926 : vector<1x16xf32> to vector<16xf32>
    %swap3A_928 = vector.shape_cast %select_n3A_922 : vector<16xf32> to vector<1x16xf32>
    tpu.vector_store %arg8[%swap3A_924, %swap3A_925], %swap3A_928 {strides = array<i32>} : memref<16x128xf32, #tpu.memory_space<vmem>>, vector<1x16xf32>,
    %add3A_929 = arith.constant 0 : i32
    %add3A_930 = vector.broadcast %add3A_929 : i32 to vector<16xi32>
    %add3A_931 = arith.addi %iota3A, %add3A_930 : vector<16xi32>
    %get3A_932 = arith.constant 4 : i32
    %get3A_933 = arith.index_cast %get3A_932 : i32 to index
    %get3A_934 = arith.constant 0 : index
    %get3A_935 = tpu.vector_load %arg7[%get3A_933, %get3A_934] {strides = array<i32>} : memref<16x16xi32, #tpu.memory_space<vmem>>, vector<1x16xi32>,
    %get3A_936 = vector.shape_cast %get3A_935 : vector<1x16xi32> to vector<16xi32>
    %eq3A_937 = arith.cmpi eq, %add3A_931, %get3A_936 : vector<16xi32>
    %get3A_938 = arith.constant 4 : i32
    %get3A_939 = arith.index_cast %get3A_938 : i32 to index
    %get3A_940 = arith.constant 0 : index
    %get3A_941 = tpu.vector_load %arg8[%get3A_939, %get3A_940] {strides = array<i32>} : memref<16x128xf32, #tpu.memory_space<vmem>>, vector<1x16xf32>,
    %get3A_942 = vector.shape_cast %get3A_941 : vector<1x16xf32> to vector<16xf32>
    %jit3A_943 = arith.constant 0.000000e+00 : f32
    %broadcast_in_dim3A_944 = vector.broadcast %jit3A_943 : f32 to vector<16xf32>
    %select_n3A_945 = arith.select %eq3A_937, %broadcast_in_dim3A_944, %get3A_942 : vector<16xi1>, vector<16xf32>
    %swap3A_946 = arith.constant 4 : i32
    %swap3A_947 = arith.index_cast %swap3A_946 : i32 to index
    %swap3A_948 = arith.constant 0 : index
    %swap3A_949 = tpu.vector_load %arg8[%swap3A_947, %swap3A_948] {strides = array<i32>} : memref<16x128xf32, #tpu.memory_space<vmem>>, vector<1x16xf32>,
    %swap3A_950 = vector.shape_cast %swap3A_949 : vector<1x16xf32> to vector<16xf32>
    %swap3A_951 = vector.shape_cast %select_n3A_945 : vector<16xf32> to vector<1x16xf32>
    tpu.vector_store %arg8[%swap3A_947, %swap3A_948], %swap3A_951 {strides = array<i32>} : memref<16x128xf32, #tpu.memory_space<vmem>>, vector<1x16xf32>,
    %add3A_952 = arith.constant 16 : i32
    %add3A_953 = vector.broadcast %add3A_952 : i32 to vector<16xi32>
    %add3A_954 = arith.addi %iota3A, %add3A_953 : vector<16xi32>
    %get3A_955 = arith.constant 4 : i32
    %get3A_956 = arith.index_cast %get3A_955 : i32 to index
    %get3A_957 = arith.constant 0 : index
    %get3A_958 = tpu.vector_load %arg7[%get3A_956, %get3A_957] {strides = array<i32>} : memref<16x16xi32, #tpu.memory_space<vmem>>, vector<1x16xi32>,
    %get3A_959 = vector.shape_cast %get3A_958 : vector<1x16xi32> to vector<16xi32>
    %eq3A_960 = arith.cmpi eq, %add3A_954, %get3A_959 : vector<16xi32>
    %get3A_961 = arith.constant 4 : i32
    %get3A_962 = arith.index_cast %get3A_961 : i32 to index
    %get3A_963 = arith.constant 16 : index
    %get3A_964 = tpu.vector_load %arg8[%get3A_962, %get3A_963] {strides = array<i32>} : memref<16x128xf32, #tpu.memory_space<vmem>>, vector<1x16xf32>,
    %get3A_965 = vector.shape_cast %get3A_964 : vector<1x16xf32> to vector<16xf32>
    %jit3A_966 = arith.constant 0.000000e+00 : f32
    %broadcast_in_dim3A_967 = vector.broadcast %jit3A_966 : f32 to vector<16xf32>
    %select_n3A_968 = arith.select %eq3A_960, %broadcast_in_dim3A_967, %get3A_965 : vector<16xi1>, vector<16xf32>
    %swap3A_969 = arith.constant 4 : i32
    %swap3A_970 = arith.index_cast %swap3A_969 : i32 to index
    %swap3A_971 = arith.constant 16 : index
    %swap3A_972 = tpu.vector_load %arg8[%swap3A_970, %swap3A_971] {strides = array<i32>} : memref<16x128xf32, #tpu.memory_space<vmem>>, vector<1x16xf32>,
    %swap3A_973 = vector.shape_cast %swap3A_972 : vector<1x16xf32> to vector<16xf32>
    %swap3A_974 = vector.shape_cast %select_n3A_968 : vector<16xf32> to vector<1x16xf32>
    tpu.vector_store %arg8[%swap3A_970, %swap3A_971], %swap3A_974 {strides = array<i32>} : memref<16x128xf32, #tpu.memory_space<vmem>>, vector<1x16xf32>,
    %add3A_975 = arith.constant 32 : i32
    %add3A_976 = vector.broadcast %add3A_975 : i32 to vector<16xi32>
    %add3A_977 = arith.addi %iota3A, %add3A_976 : vector<16xi32>
    %get3A_978 = arith.constant 4 : i32
    %get3A_979 = arith.index_cast %get3A_978 : i32 to index
    %get3A_980 = arith.constant 0 : index
    %get3A_981 = tpu.vector_load %arg7[%get3A_979, %get3A_980] {strides = array<i32>} : memref<16x16xi32, #tpu.memory_space<vmem>>, vector<1x16xi32>,
    %get3A_982 = vector.shape_cast %get3A_981 : vector<1x16xi32> to vector<16xi32>
    %eq3A_983 = arith.cmpi eq, %add3A_977, %get3A_982 : vector<16xi32>
    %get3A_984 = arith.constant 4 : i32
    %get3A_985 = arith.index_cast %get3A_984 : i32 to index
    %get3A_986 = arith.constant 32 : index
    %get3A_987 = tpu.vector_load %arg8[%get3A_985, %get3A_986] {strides = array<i32>} : memref<16x128xf32, #tpu.memory_space<vmem>>, vector<1x16xf32>,
    %get3A_988 = vector.shape_cast %get3A_987 : vector<1x16xf32> to vector<16xf32>
    %jit3A_989 = arith.constant 0.000000e+00 : f32
    %broadcast_in_dim3A_990 = vector.broadcast %jit3A_989 : f32 to vector<16xf32>
    %select_n3A_991 = arith.select %eq3A_983, %broadcast_in_dim3A_990, %get3A_988 : vector<16xi1>, vector<16xf32>
    %swap3A_992 = arith.constant 4 : i32
    %swap3A_993 = arith.index_cast %swap3A_992 : i32 to index
    %swap3A_994 = arith.constant 32 : index
    %swap3A_995 = tpu.vector_load %arg8[%swap3A_993, %swap3A_994] {strides = array<i32>} : memref<16x128xf32, #tpu.memory_space<vmem>>, vector<1x16xf32>,
    %swap3A_996 = vector.shape_cast %swap3A_995 : vector<1x16xf32> to vector<16xf32>
    %swap3A_997 = vector.shape_cast %select_n3A_991 : vector<16xf32> to vector<1x16xf32>
    tpu.vector_store %arg8[%swap3A_993, %swap3A_994], %swap3A_997 {strides = array<i32>} : memref<16x128xf32, #tpu.memory_space<vmem>>, vector<1x16xf32>,
    %add3A_998 = arith.constant 48 : i32
    %add3A_999 = vector.broadcast %add3A_998 : i32 to vector<16xi32>
    %add3A_1000 = arith.addi %iota3A, %add3A_999 : vector<16xi32>
    %get3A_1001 = arith.constant 4 : i32
    %get3A_1002 = arith.index_cast %get3A_1001 : i32 to index
    %get3A_1003 = arith.constant 0 : index
    %get3A_1004 = tpu.vector_load %arg7[%get3A_1002, %get3A_1003] {strides = array<i32>} : memref<16x16xi32, #tpu.memory_space<vmem>>, vector<1x16xi32>,
    %get3A_1005 = vector.shape_cast %get3A_1004 : vector<1x16xi32> to vector<16xi32>
    %eq3A_1006 = arith.cmpi eq, %add3A_1000, %get3A_1005 : vector<16xi32>
    %get3A_1007 = arith.constant 4 : i32
    %get3A_1008 = arith.index_cast %get3A_1007 : i32 to index
    %get3A_1009 = arith.constant 48 : index
    %get3A_1010 = tpu.vector_load %arg8[%get3A_1008, %get3A_1009] {strides = array<i32>} : memref<16x128xf32, #tpu.memory_space<vmem>>, vector<1x16xf32>,
    %get3A_1011 = vector.shape_cast %get3A_1010 : vector<1x16xf32> to vector<16xf32>
    %jit3A_1012 = arith.constant 0.000000e+00 : f32
    %broadcast_in_dim3A_1013 = vector.broadcast %jit3A_1012 : f32 to vector<16xf32>
    %select_n3A_1014 = arith.select %eq3A_1006, %broadcast_in_dim3A_1013, %get3A_1011 : vector<16xi1>, vector<16xf32>
    %swap3A_1015 = arith.constant 4 : i32
    %swap3A_1016 = arith.index_cast %swap3A_1015 : i32 to index
    %swap3A_1017 = arith.constant 48 : index
    %swap3A_1018 = tpu.vector_load %arg8[%swap3A_1016, %swap3A_1017] {strides = array<i32>} : memref<16x128xf32, #tpu.memory_space<vmem>>, vector<1x16xf32>,
    %swap3A_1019 = vector.shape_cast %swap3A_1018 : vector<1x16xf32> to vector<16xf32>
    %swap3A_1020 = vector.shape_cast %select_n3A_1014 : vector<16xf32> to vector<1x16xf32>
    tpu.vector_store %arg8[%swap3A_1016, %swap3A_1017], %swap3A_1020 {strides = array<i32>} : memref<16x128xf32, #tpu.memory_space<vmem>>, vector<1x16xf32>,
    %add3A_1021 = arith.constant 64 : i32
    %add3A_1022 = vector.broadcast %add3A_1021 : i32 to vector<16xi32>
    %add3A_1023 = arith.addi %iota3A, %add3A_1022 : vector<16xi32>
    %get3A_1024 = arith.constant 4 : i32
    %get3A_1025 = arith.index_cast %get3A_1024 : i32 to index
    %get3A_1026 = arith.constant 0 : index
    %get3A_1027 = tpu.vector_load %arg7[%get3A_1025, %get3A_1026] {strides = array<i32>} : memref<16x16xi32, #tpu.memory_space<vmem>>, vector<1x16xi32>,
    %get3A_1028 = vector.shape_cast %get3A_1027 : vector<1x16xi32> to vector<16xi32>
    %eq3A_1029 = arith.cmpi eq, %add3A_1023, %get3A_1028 : vector<16xi32>
    %get3A_1030 = arith.constant 4 : i32
    %get3A_1031 = arith.index_cast %get3A_1030 : i32 to index
    %get3A_1032 = arith.constant 64 : index
    %get3A_1033 = tpu.vector_load %arg8[%get3A_1031, %get3A_1032] {strides = array<i32>} : memref<16x128xf32, #tpu.memory_space<vmem>>, vector<1x16xf32>,
    %get3A_1034 = vector.shape_cast %get3A_1033 : vector<1x16xf32> to vector<16xf32>
    %jit3A_1035 = arith.constant 0.000000e+00 : f32
    %broadcast_in_dim3A_1036 = vector.broadcast %jit3A_1035 : f32 to vector<16xf32>
    %select_n3A_1037 = arith.select %eq3A_1029, %broadcast_in_dim3A_1036, %get3A_1034 : vector<16xi1>, vector<16xf32>
    %swap3A_1038 = arith.constant 4 : i32
    %swap3A_1039 = arith.index_cast %swap3A_1038 : i32 to index
    %swap3A_1040 = arith.constant 64 : index
    %swap3A_1041 = tpu.vector_load %arg8[%swap3A_1039, %swap3A_1040] {strides = array<i32>} : memref<16x128xf32, #tpu.memory_space<vmem>>, vector<1x16xf32>,
    %swap3A_1042 = vector.shape_cast %swap3A_1041 : vector<1x16xf32> to vector<16xf32>
    %swap3A_1043 = vector.shape_cast %select_n3A_1037 : vector<16xf32> to vector<1x16xf32>
    tpu.vector_store %arg8[%swap3A_1039, %swap3A_1040], %swap3A_1043 {strides = array<i32>} : memref<16x128xf32, #tpu.memory_space<vmem>>, vector<1x16xf32>,
    %add3A_1044 = arith.constant 80 : i32
    %add3A_1045 = vector.broadcast %add3A_1044 : i32 to vector<16xi32>
    %add3A_1046 = arith.addi %iota3A, %add3A_1045 : vector<16xi32>
    %get3A_1047 = arith.constant 4 : i32
    %get3A_1048 = arith.index_cast %get3A_1047 : i32 to index
    %get3A_1049 = arith.constant 0 : index
    %get3A_1050 = tpu.vector_load %arg7[%get3A_1048, %get3A_1049] {strides = array<i32>} : memref<16x16xi32, #tpu.memory_space<vmem>>, vector<1x16xi32>,
    %get3A_1051 = vector.shape_cast %get3A_1050 : vector<1x16xi32> to vector<16xi32>
    %eq3A_1052 = arith.cmpi eq, %add3A_1046, %get3A_1051 : vector<16xi32>
    %get3A_1053 = arith.constant 4 : i32
    %get3A_1054 = arith.index_cast %get3A_1053 : i32 to index
    %get3A_1055 = arith.constant 80 : index
    %get3A_1056 = tpu.vector_load %arg8[%get3A_1054, %get3A_1055] {strides = array<i32>} : memref<16x128xf32, #tpu.memory_space<vmem>>, vector<1x16xf32>,
    %get3A_1057 = vector.shape_cast %get3A_1056 : vector<1x16xf32> to vector<16xf32>
    %jit3A_1058 = arith.constant 0.000000e+00 : f32
    %broadcast_in_dim3A_1059 = vector.broadcast %jit3A_1058 : f32 to vector<16xf32>
    %select_n3A_1060 = arith.select %eq3A_1052, %broadcast_in_dim3A_1059, %get3A_1057 : vector<16xi1>, vector<16xf32>
    %swap3A_1061 = arith.constant 4 : i32
    %swap3A_1062 = arith.index_cast %swap3A_1061 : i32 to index
    %swap3A_1063 = arith.constant 80 : index
    %swap3A_1064 = tpu.vector_load %arg8[%swap3A_1062, %swap3A_1063] {strides = array<i32>} : memref<16x128xf32, #tpu.memory_space<vmem>>, vector<1x16xf32>,
    %swap3A_1065 = vector.shape_cast %swap3A_1064 : vector<1x16xf32> to vector<16xf32>
    %swap3A_1066 = vector.shape_cast %select_n3A_1060 : vector<16xf32> to vector<1x16xf32>
    tpu.vector_store %arg8[%swap3A_1062, %swap3A_1063], %swap3A_1066 {strides = array<i32>} : memref<16x128xf32, #tpu.memory_space<vmem>>, vector<1x16xf32>,
    %add3A_1067 = arith.constant 96 : i32
    %add3A_1068 = vector.broadcast %add3A_1067 : i32 to vector<16xi32>
    %add3A_1069 = arith.addi %iota3A, %add3A_1068 : vector<16xi32>
    %get3A_1070 = arith.constant 4 : i32
    %get3A_1071 = arith.index_cast %get3A_1070 : i32 to index
    %get3A_1072 = arith.constant 0 : index
    %get3A_1073 = tpu.vector_load %arg7[%get3A_1071, %get3A_1072] {strides = array<i32>} : memref<16x16xi32, #tpu.memory_space<vmem>>, vector<1x16xi32>,
    %get3A_1074 = vector.shape_cast %get3A_1073 : vector<1x16xi32> to vector<16xi32>
    %eq3A_1075 = arith.cmpi eq, %add3A_1069, %get3A_1074 : vector<16xi32>
    %get3A_1076 = arith.constant 4 : i32
    %get3A_1077 = arith.index_cast %get3A_1076 : i32 to index
    %get3A_1078 = arith.constant 96 : index
    %get3A_1079 = tpu.vector_load %arg8[%get3A_1077, %get3A_1078] {strides = array<i32>} : memref<16x128xf32, #tpu.memory_space<vmem>>, vector<1x16xf32>,
    %get3A_1080 = vector.shape_cast %get3A_1079 : vector<1x16xf32> to vector<16xf32>
    %jit3A_1081 = arith.constant 0.000000e+00 : f32
    %broadcast_in_dim3A_1082 = vector.broadcast %jit3A_1081 : f32 to vector<16xf32>
    %select_n3A_1083 = arith.select %eq3A_1075, %broadcast_in_dim3A_1082, %get3A_1080 : vector<16xi1>, vector<16xf32>
    %swap3A_1084 = arith.constant 4 : i32
    %swap3A_1085 = arith.index_cast %swap3A_1084 : i32 to index
    %swap3A_1086 = arith.constant 96 : index
    %swap3A_1087 = tpu.vector_load %arg8[%swap3A_1085, %swap3A_1086] {strides = array<i32>} : memref<16x128xf32, #tpu.memory_space<vmem>>, vector<1x16xf32>,
    %swap3A_1088 = vector.shape_cast %swap3A_1087 : vector<1x16xf32> to vector<16xf32>
    %swap3A_1089 = vector.shape_cast %select_n3A_1083 : vector<16xf32> to vector<1x16xf32>
    tpu.vector_store %arg8[%swap3A_1085, %swap3A_1086], %swap3A_1089 {strides = array<i32>} : memref<16x128xf32, #tpu.memory_space<vmem>>, vector<1x16xf32>,
    %add3A_1090 = arith.constant 112 : i32
    %add3A_1091 = vector.broadcast %add3A_1090 : i32 to vector<16xi32>
    %add3A_1092 = arith.addi %iota3A, %add3A_1091 : vector<16xi32>
    %get3A_1093 = arith.constant 4 : i32
    %get3A_1094 = arith.index_cast %get3A_1093 : i32 to index
    %get3A_1095 = arith.constant 0 : index
    %get3A_1096 = tpu.vector_load %arg7[%get3A_1094, %get3A_1095] {strides = array<i32>} : memref<16x16xi32, #tpu.memory_space<vmem>>, vector<1x16xi32>,
    %get3A_1097 = vector.shape_cast %get3A_1096 : vector<1x16xi32> to vector<16xi32>
    %eq3A_1098 = arith.cmpi eq, %add3A_1092, %get3A_1097 : vector<16xi32>
    %get3A_1099 = arith.constant 4 : i32
    %get3A_1100 = arith.index_cast %get3A_1099 : i32 to index
    %get3A_1101 = arith.constant 112 : index
    %get3A_1102 = tpu.vector_load %arg8[%get3A_1100, %get3A_1101] {strides = array<i32>} : memref<16x128xf32, #tpu.memory_space<vmem>>, vector<1x16xf32>,
    %get3A_1103 = vector.shape_cast %get3A_1102 : vector<1x16xf32> to vector<16xf32>
    %jit3A_1104 = arith.constant 0.000000e+00 : f32
    %broadcast_in_dim3A_1105 = vector.broadcast %jit3A_1104 : f32 to vector<16xf32>
    %select_n3A_1106 = arith.select %eq3A_1098, %broadcast_in_dim3A_1105, %get3A_1103 : vector<16xi1>, vector<16xf32>
    %swap3A_1107 = arith.constant 4 : i32
    %swap3A_1108 = arith.index_cast %swap3A_1107 : i32 to index
    %swap3A_1109 = arith.constant 112 : index
    %swap3A_1110 = tpu.vector_load %arg8[%swap3A_1108, %swap3A_1109] {strides = array<i32>} : memref<16x128xf32, #tpu.memory_space<vmem>>, vector<1x16xf32>,
    %swap3A_1111 = vector.shape_cast %swap3A_1110 : vector<1x16xf32> to vector<16xf32>
    %swap3A_1112 = vector.shape_cast %select_n3A_1106 : vector<16xf32> to vector<1x16xf32>
    tpu.vector_store %arg8[%swap3A_1108, %swap3A_1109], %swap3A_1112 {strides = array<i32>} : memref<16x128xf32, #tpu.memory_space<vmem>>, vector<1x16xf32>,
    %add3A_1113 = arith.constant 0 : i32
    %add3A_1114 = vector.broadcast %add3A_1113 : i32 to vector<16xi32>
    %add3A_1115 = arith.addi %iota3A, %add3A_1114 : vector<16xi32>
    %get3A_1116 = arith.constant 5 : i32
    %get3A_1117 = arith.index_cast %get3A_1116 : i32 to index
    %get3A_1118 = arith.constant 0 : index
    %get3A_1119 = tpu.vector_load %arg7[%get3A_1117, %get3A_1118] {strides = array<i32>} : memref<16x16xi32, #tpu.memory_space<vmem>>, vector<1x16xi32>,
    %get3A_1120 = vector.shape_cast %get3A_1119 : vector<1x16xi32> to vector<16xi32>
    %eq3A_1121 = arith.cmpi eq, %add3A_1115, %get3A_1120 : vector<16xi32>
    %get3A_1122 = arith.constant 5 : i32
    %get3A_1123 = arith.index_cast %get3A_1122 : i32 to index
    %get3A_1124 = arith.constant 0 : index
    %get3A_1125 = tpu.vector_load %arg8[%get3A_1123, %get3A_1124] {strides = array<i32>} : memref<16x128xf32, #tpu.memory_space<vmem>>, vector<1x16xf32>,
    %get3A_1126 = vector.shape_cast %get3A_1125 : vector<1x16xf32> to vector<16xf32>
    %jit3A_1127 = arith.constant 0.000000e+00 : f32
    %broadcast_in_dim3A_1128 = vector.broadcast %jit3A_1127 : f32 to vector<16xf32>
    %select_n3A_1129 = arith.select %eq3A_1121, %broadcast_in_dim3A_1128, %get3A_1126 : vector<16xi1>, vector<16xf32>
    %swap3A_1130 = arith.constant 5 : i32
    %swap3A_1131 = arith.index_cast %swap3A_1130 : i32 to index
    %swap3A_1132 = arith.constant 0 : index
    %swap3A_1133 = tpu.vector_load %arg8[%swap3A_1131, %swap3A_1132] {strides = array<i32>} : memref<16x128xf32, #tpu.memory_space<vmem>>, vector<1x16xf32>,
    %swap3A_1134 = vector.shape_cast %swap3A_1133 : vector<1x16xf32> to vector<16xf32>
    %swap3A_1135 = vector.shape_cast %select_n3A_1129 : vector<16xf32> to vector<1x16xf32>
    tpu.vector_store %arg8[%swap3A_1131, %swap3A_1132], %swap3A_1135 {strides = array<i32>} : memref<16x128xf32, #tpu.memory_space<vmem>>, vector<1x16xf32>,
    %add3A_1136 = arith.constant 16 : i32
    %add3A_1137 = vector.broadcast %add3A_1136 : i32 to vector<16xi32>
    %add3A_1138 = arith.addi %iota3A, %add3A_1137 : vector<16xi32>
    %get3A_1139 = arith.constant 5 : i32
    %get3A_1140 = arith.index_cast %get3A_1139 : i32 to index
    %get3A_1141 = arith.constant 0 : index
    %get3A_1142 = tpu.vector_load %arg7[%get3A_1140, %get3A_1141] {strides = array<i32>} : memref<16x16xi32, #tpu.memory_space<vmem>>, vector<1x16xi32>,
    %get3A_1143 = vector.shape_cast %get3A_1142 : vector<1x16xi32> to vector<16xi32>
    %eq3A_1144 = arith.cmpi eq, %add3A_1138, %get3A_1143 : vector<16xi32>
    %get3A_1145 = arith.constant 5 : i32
    %get3A_1146 = arith.index_cast %get3A_1145 : i32 to index
    %get3A_1147 = arith.constant 16 : index
    %get3A_1148 = tpu.vector_load %arg8[%get3A_1146, %get3A_1147] {strides = array<i32>} : memref<16x128xf32, #tpu.memory_space<vmem>>, vector<1x16xf32>,
    %get3A_1149 = vector.shape_cast %get3A_1148 : vector<1x16xf32> to vector<16xf32>
    %jit3A_1150 = arith.constant 0.000000e+00 : f32
    %broadcast_in_dim3A_1151 = vector.broadcast %jit3A_1150 : f32 to vector<16xf32>
    %select_n3A_1152 = arith.select %eq3A_1144, %broadcast_in_dim3A_1151, %get3A_1149 : vector<16xi1>, vector<16xf32>
    %swap3A_1153 = arith.constant 5 : i32
    %swap3A_1154 = arith.index_cast %swap3A_1153 : i32 to index
    %swap3A_1155 = arith.constant 16 : index
    %swap3A_1156 = tpu.vector_load %arg8[%swap3A_1154, %swap3A_1155] {strides = array<i32>} : memref<16x128xf32, #tpu.memory_space<vmem>>, vector<1x16xf32>,
    %swap3A_1157 = vector.shape_cast %swap3A_1156 : vector<1x16xf32> to vector<16xf32>
    %swap3A_1158 = vector.shape_cast %select_n3A_1152 : vector<16xf32> to vector<1x16xf32>
    tpu.vector_store %arg8[%swap3A_1154, %swap3A_1155], %swap3A_1158 {strides = array<i32>} : memref<16x128xf32, #tpu.memory_space<vmem>>, vector<1x16xf32>,
    %add3A_1159 = arith.constant 32 : i32
    %add3A_1160 = vector.broadcast %add3A_1159 : i32 to vector<16xi32>
    %add3A_1161 = arith.addi %iota3A, %add3A_1160 : vector<16xi32>
    %get3A_1162 = arith.constant 5 : i32
    %get3A_1163 = arith.index_cast %get3A_1162 : i32 to index
    %get3A_1164 = arith.constant 0 : index
    %get3A_1165 = tpu.vector_load %arg7[%get3A_1163, %get3A_1164] {strides = array<i32>} : memref<16x16xi32, #tpu.memory_space<vmem>>, vector<1x16xi32>,
    %get3A_1166 = vector.shape_cast %get3A_1165 : vector<1x16xi32> to vector<16xi32>
    %eq3A_1167 = arith.cmpi eq, %add3A_1161, %get3A_1166 : vector<16xi32>
    %get3A_1168 = arith.constant 5 : i32
    %get3A_1169 = arith.index_cast %get3A_1168 : i32 to index
    %get3A_1170 = arith.constant 32 : index
    %get3A_1171 = tpu.vector_load %arg8[%get3A_1169, %get3A_1170] {strides = array<i32>} : memref<16x128xf32, #tpu.memory_space<vmem>>, vector<1x16xf32>,
    %get3A_1172 = vector.shape_cast %get3A_1171 : vector<1x16xf32> to vector<16xf32>
    %jit3A_1173 = arith.constant 0.000000e+00 : f32
    %broadcast_in_dim3A_1174 = vector.broadcast %jit3A_1173 : f32 to vector<16xf32>
    %select_n3A_1175 = arith.select %eq3A_1167, %broadcast_in_dim3A_1174, %get3A_1172 : vector<16xi1>, vector<16xf32>
    %swap3A_1176 = arith.constant 5 : i32
    %swap3A_1177 = arith.index_cast %swap3A_1176 : i32 to index
    %swap3A_1178 = arith.constant 32 : index
    %swap3A_1179 = tpu.vector_load %arg8[%swap3A_1177, %swap3A_1178] {strides = array<i32>} : memref<16x128xf32, #tpu.memory_space<vmem>>, vector<1x16xf32>,
    %swap3A_1180 = vector.shape_cast %swap3A_1179 : vector<1x16xf32> to vector<16xf32>
    %swap3A_1181 = vector.shape_cast %select_n3A_1175 : vector<16xf32> to vector<1x16xf32>
    tpu.vector_store %arg8[%swap3A_1177, %swap3A_1178], %swap3A_1181 {strides = array<i32>} : memref<16x128xf32, #tpu.memory_space<vmem>>, vector<1x16xf32>,
    %add3A_1182 = arith.constant 48 : i32
    %add3A_1183 = vector.broadcast %add3A_1182 : i32 to vector<16xi32>
    %add3A_1184 = arith.addi %iota3A, %add3A_1183 : vector<16xi32>
    %get3A_1185 = arith.constant 5 : i32
    %get3A_1186 = arith.index_cast %get3A_1185 : i32 to index
    %get3A_1187 = arith.constant 0 : index
    %get3A_1188 = tpu.vector_load %arg7[%get3A_1186, %get3A_1187] {strides = array<i32>} : memref<16x16xi32, #tpu.memory_space<vmem>>, vector<1x16xi32>,
    %get3A_1189 = vector.shape_cast %get3A_1188 : vector<1x16xi32> to vector<16xi32>
    %eq3A_1190 = arith.cmpi eq, %add3A_1184, %get3A_1189 : vector<16xi32>
    %get3A_1191 = arith.constant 5 : i32
    %get3A_1192 = arith.index_cast %get3A_1191 : i32 to index
    %get3A_1193 = arith.constant 48 : index
    %get3A_1194 = tpu.vector_load %arg8[%get3A_1192, %get3A_1193] {strides = array<i32>} : memref<16x128xf32, #tpu.memory_space<vmem>>, vector<1x16xf32>,
    %get3A_1195 = vector.shape_cast %get3A_1194 : vector<1x16xf32> to vector<16xf32>
    %jit3A_1196 = arith.constant 0.000000e+00 : f32
    %broadcast_in_dim3A_1197 = vector.broadcast %jit3A_1196 : f32 to vector<16xf32>
    %select_n3A_1198 = arith.select %eq3A_1190, %broadcast_in_dim3A_1197, %get3A_1195 : vector<16xi1>, vector<16xf32>
    %swap3A_1199 = arith.constant 5 : i32
    %swap3A_1200 = arith.index_cast %swap3A_1199 : i32 to index
    %swap3A_1201 = arith.constant 48 : index
    %swap3A_1202 = tpu.vector_load %arg8[%swap3A_1200, %swap3A_1201] {strides = array<i32>} : memref<16x128xf32, #tpu.memory_space<vmem>>, vector<1x16xf32>,
    %swap3A_1203 = vector.shape_cast %swap3A_1202 : vector<1x16xf32> to vector<16xf32>
    %swap3A_1204 = vector.shape_cast %select_n3A_1198 : vector<16xf32> to vector<1x16xf32>
    tpu.vector_store %arg8[%swap3A_1200, %swap3A_1201], %swap3A_1204 {strides = array<i32>} : memref<16x128xf32, #tpu.memory_space<vmem>>, vector<1x16xf32>,
    %add3A_1205 = arith.constant 64 : i32
    %add3A_1206 = vector.broadcast %add3A_1205 : i32 to vector<16xi32>
    %add3A_1207 = arith.addi %iota3A, %add3A_1206 : vector<16xi32>
    %get3A_1208 = arith.constant 5 : i32
    %get3A_1209 = arith.index_cast %get3A_1208 : i32 to index
    %get3A_1210 = arith.constant 0 : index
    %get3A_1211 = tpu.vector_load %arg7[%get3A_1209, %get3A_1210] {strides = array<i32>} : memref<16x16xi32, #tpu.memory_space<vmem>>, vector<1x16xi32>,
    %get3A_1212 = vector.shape_cast %get3A_1211 : vector<1x16xi32> to vector<16xi32>
    %eq3A_1213 = arith.cmpi eq, %add3A_1207, %get3A_1212 : vector<16xi32>
    %get3A_1214 = arith.constant 5 : i32
    %get3A_1215 = arith.index_cast %get3A_1214 : i32 to index
    %get3A_1216 = arith.constant 64 : index
    %get3A_1217 = tpu.vector_load %arg8[%get3A_1215, %get3A_1216] {strides = array<i32>} : memref<16x128xf32, #tpu.memory_space<vmem>>, vector<1x16xf32>,
    %get3A_1218 = vector.shape_cast %get3A_1217 : vector<1x16xf32> to vector<16xf32>
    %jit3A_1219 = arith.constant 0.000000e+00 : f32
    %broadcast_in_dim3A_1220 = vector.broadcast %jit3A_1219 : f32 to vector<16xf32>
    %select_n3A_1221 = arith.select %eq3A_1213, %broadcast_in_dim3A_1220, %get3A_1218 : vector<16xi1>, vector<16xf32>
    %swap3A_1222 = arith.constant 5 : i32
    %swap3A_1223 = arith.index_cast %swap3A_1222 : i32 to index
    %swap3A_1224 = arith.constant 64 : index
    %swap3A_1225 = tpu.vector_load %arg8[%swap3A_1223, %swap3A_1224] {strides = array<i32>} : memref<16x128xf32, #tpu.memory_space<vmem>>, vector<1x16xf32>,
    %swap3A_1226 = vector.shape_cast %swap3A_1225 : vector<1x16xf32> to vector<16xf32>
    %swap3A_1227 = vector.shape_cast %select_n3A_1221 : vector<16xf32> to vector<1x16xf32>
    tpu.vector_store %arg8[%swap3A_1223, %swap3A_1224], %swap3A_1227 {strides = array<i32>} : memref<16x128xf32, #tpu.memory_space<vmem>>, vector<1x16xf32>,
    %add3A_1228 = arith.constant 80 : i32
    %add3A_1229 = vector.broadcast %add3A_1228 : i32 to vector<16xi32>
    %add3A_1230 = arith.addi %iota3A, %add3A_1229 : vector<16xi32>
    %get3A_1231 = arith.constant 5 : i32
    %get3A_1232 = arith.index_cast %get3A_1231 : i32 to index
    %get3A_1233 = arith.constant 0 : index
    %get3A_1234 = tpu.vector_load %arg7[%get3A_1232, %get3A_1233] {strides = array<i32>} : memref<16x16xi32, #tpu.memory_space<vmem>>, vector<1x16xi32>,
    %get3A_1235 = vector.shape_cast %get3A_1234 : vector<1x16xi32> to vector<16xi32>
    %eq3A_1236 = arith.cmpi eq, %add3A_1230, %get3A_1235 : vector<16xi32>
    %get3A_1237 = arith.constant 5 : i32
    %get3A_1238 = arith.index_cast %get3A_1237 : i32 to index
    %get3A_1239 = arith.constant 80 : index
    %get3A_1240 = tpu.vector_load %arg8[%get3A_1238, %get3A_1239] {strides = array<i32>} : memref<16x128xf32, #tpu.memory_space<vmem>>, vector<1x16xf32>,
    %get3A_1241 = vector.shape_cast %get3A_1240 : vector<1x16xf32> to vector<16xf32>
    %jit3A_1242 = arith.constant 0.000000e+00 : f32
    %broadcast_in_dim3A_1243 = vector.broadcast %jit3A_1242 : f32 to vector<16xf32>
    %select_n3A_1244 = arith.select %eq3A_1236, %broadcast_in_dim3A_1243, %get3A_1241 : vector<16xi1>, vector<16xf32>
    %swap3A_1245 = arith.constant 5 : i32
    %swap3A_1246 = arith.index_cast %swap3A_1245 : i32 to index
    %swap3A_1247 = arith.constant 80 : index
    %swap3A_1248 = tpu.vector_load %arg8[%swap3A_1246, %swap3A_1247] {strides = array<i32>} : memref<16x128xf32, #tpu.memory_space<vmem>>, vector<1x16xf32>,
    %swap3A_1249 = vector.shape_cast %swap3A_1248 : vector<1x16xf32> to vector<16xf32>
    %swap3A_1250 = vector.shape_cast %select_n3A_1244 : vector<16xf32> to vector<1x16xf32>
    tpu.vector_store %arg8[%swap3A_1246, %swap3A_1247], %swap3A_1250 {strides = array<i32>} : memref<16x128xf32, #tpu.memory_space<vmem>>, vector<1x16xf32>,
    %add3A_1251 = arith.constant 96 : i32
    %add3A_1252 = vector.broadcast %add3A_1251 : i32 to vector<16xi32>
    %add3A_1253 = arith.addi %iota3A, %add3A_1252 : vector<16xi32>
    %get3A_1254 = arith.constant 5 : i32
    %get3A_1255 = arith.index_cast %get3A_1254 : i32 to index
    %get3A_1256 = arith.constant 0 : index
    %get3A_1257 = tpu.vector_load %arg7[%get3A_1255, %get3A_1256] {strides = array<i32>} : memref<16x16xi32, #tpu.memory_space<vmem>>, vector<1x16xi32>,
    %get3A_1258 = vector.shape_cast %get3A_1257 : vector<1x16xi32> to vector<16xi32>
    %eq3A_1259 = arith.cmpi eq, %add3A_1253, %get3A_1258 : vector<16xi32>
    %get3A_1260 = arith.constant 5 : i32
    %get3A_1261 = arith.index_cast %get3A_1260 : i32 to index
    %get3A_1262 = arith.constant 96 : index
    %get3A_1263 = tpu.vector_load %arg8[%get3A_1261, %get3A_1262] {strides = array<i32>} : memref<16x128xf32, #tpu.memory_space<vmem>>, vector<1x16xf32>,
    %get3A_1264 = vector.shape_cast %get3A_1263 : vector<1x16xf32> to vector<16xf32>
    %jit3A_1265 = arith.constant 0.000000e+00 : f32
    %broadcast_in_dim3A_1266 = vector.broadcast %jit3A_1265 : f32 to vector<16xf32>
    %select_n3A_1267 = arith.select %eq3A_1259, %broadcast_in_dim3A_1266, %get3A_1264 : vector<16xi1>, vector<16xf32>
    %swap3A_1268 = arith.constant 5 : i32
    %swap3A_1269 = arith.index_cast %swap3A_1268 : i32 to index
    %swap3A_1270 = arith.constant 96 : index
    %swap3A_1271 = tpu.vector_load %arg8[%swap3A_1269, %swap3A_1270] {strides = array<i32>} : memref<16x128xf32, #tpu.memory_space<vmem>>, vector<1x16xf32>,
    %swap3A_1272 = vector.shape_cast %swap3A_1271 : vector<1x16xf32> to vector<16xf32>
    %swap3A_1273 = vector.shape_cast %select_n3A_1267 : vector<16xf32> to vector<1x16xf32>
    tpu.vector_store %arg8[%swap3A_1269, %swap3A_1270], %swap3A_1273 {strides = array<i32>} : memref<16x128xf32, #tpu.memory_space<vmem>>, vector<1x16xf32>,
    %add3A_1274 = arith.constant 112 : i32
    %add3A_1275 = vector.broadcast %add3A_1274 : i32 to vector<16xi32>
    %add3A_1276 = arith.addi %iota3A, %add3A_1275 : vector<16xi32>
    %get3A_1277 = arith.constant 5 : i32
    %get3A_1278 = arith.index_cast %get3A_1277 : i32 to index
    %get3A_1279 = arith.constant 0 : index
    %get3A_1280 = tpu.vector_load %arg7[%get3A_1278, %get3A_1279] {strides = array<i32>} : memref<16x16xi32, #tpu.memory_space<vmem>>, vector<1x16xi32>,
    %get3A_1281 = vector.shape_cast %get3A_1280 : vector<1x16xi32> to vector<16xi32>
    %eq3A_1282 = arith.cmpi eq, %add3A_1276, %get3A_1281 : vector<16xi32>
    %get3A_1283 = arith.constant 5 : i32
    %get3A_1284 = arith.index_cast %get3A_1283 : i32 to index
    %get3A_1285 = arith.constant 112 : index
    %get3A_1286 = tpu.vector_load %arg8[%get3A_1284, %get3A_1285] {strides = array<i32>} : memref<16x128xf32, #tpu.memory_space<vmem>>, vector<1x16xf32>,
    %get3A_1287 = vector.shape_cast %get3A_1286 : vector<1x16xf32> to vector<16xf32>
    %jit3A_1288 = arith.constant 0.000000e+00 : f32
    %broadcast_in_dim3A_1289 = vector.broadcast %jit3A_1288 : f32 to vector<16xf32>
    %select_n3A_1290 = arith.select %eq3A_1282, %broadcast_in_dim3A_1289, %get3A_1287 : vector<16xi1>, vector<16xf32>
    %swap3A_1291 = arith.constant 5 : i32
    %swap3A_1292 = arith.index_cast %swap3A_1291 : i32 to index
    %swap3A_1293 = arith.constant 112 : index
    %swap3A_1294 = tpu.vector_load %arg8[%swap3A_1292, %swap3A_1293] {strides = array<i32>} : memref<16x128xf32, #tpu.memory_space<vmem>>, vector<1x16xf32>,
    %swap3A_1295 = vector.shape_cast %swap3A_1294 : vector<1x16xf32> to vector<16xf32>
    %swap3A_1296 = vector.shape_cast %select_n3A_1290 : vector<16xf32> to vector<1x16xf32>
    tpu.vector_store %arg8[%swap3A_1292, %swap3A_1293], %swap3A_1296 {strides = array<i32>} : memref<16x128xf32, #tpu.memory_space<vmem>>, vector<1x16xf32>,
    %add3A_1297 = arith.constant 0 : i32
    %add3A_1298 = vector.broadcast %add3A_1297 : i32 to vector<16xi32>
    %add3A_1299 = arith.addi %iota3A, %add3A_1298 : vector<16xi32>
    %get3A_1300 = arith.constant 6 : i32
    %get3A_1301 = arith.index_cast %get3A_1300 : i32 to index
    %get3A_1302 = arith.constant 0 : index
    %get3A_1303 = tpu.vector_load %arg7[%get3A_1301, %get3A_1302] {strides = array<i32>} : memref<16x16xi32, #tpu.memory_space<vmem>>, vector<1x16xi32>,
    %get3A_1304 = vector.shape_cast %get3A_1303 : vector<1x16xi32> to vector<16xi32>
    %eq3A_1305 = arith.cmpi eq, %add3A_1299, %get3A_1304 : vector<16xi32>
    %get3A_1306 = arith.constant 6 : i32
    %get3A_1307 = arith.index_cast %get3A_1306 : i32 to index
    %get3A_1308 = arith.constant 0 : index
    %get3A_1309 = tpu.vector_load %arg8[%get3A_1307, %get3A_1308] {strides = array<i32>} : memref<16x128xf32, #tpu.memory_space<vmem>>, vector<1x16xf32>,
    %get3A_1310 = vector.shape_cast %get3A_1309 : vector<1x16xf32> to vector<16xf32>
    %jit3A_1311 = arith.constant 0.000000e+00 : f32
    %broadcast_in_dim3A_1312 = vector.broadcast %jit3A_1311 : f32 to vector<16xf32>
    %select_n3A_1313 = arith.select %eq3A_1305, %broadcast_in_dim3A_1312, %get3A_1310 : vector<16xi1>, vector<16xf32>
    %swap3A_1314 = arith.constant 6 : i32
    %swap3A_1315 = arith.index_cast %swap3A_1314 : i32 to index
    %swap3A_1316 = arith.constant 0 : index
    %swap3A_1317 = tpu.vector_load %arg8[%swap3A_1315, %swap3A_1316] {strides = array<i32>} : memref<16x128xf32, #tpu.memory_space<vmem>>, vector<1x16xf32>,
    %swap3A_1318 = vector.shape_cast %swap3A_1317 : vector<1x16xf32> to vector<16xf32>
    %swap3A_1319 = vector.shape_cast %select_n3A_1313 : vector<16xf32> to vector<1x16xf32>
    tpu.vector_store %arg8[%swap3A_1315, %swap3A_1316], %swap3A_1319 {strides = array<i32>} : memref<16x128xf32, #tpu.memory_space<vmem>>, vector<1x16xf32>,
    %add3A_1320 = arith.constant 16 : i32
    %add3A_1321 = vector.broadcast %add3A_1320 : i32 to vector<16xi32>
    %add3A_1322 = arith.addi %iota3A, %add3A_1321 : vector<16xi32>
    %get3A_1323 = arith.constant 6 : i32
    %get3A_1324 = arith.index_cast %get3A_1323 : i32 to index
    %get3A_1325 = arith.constant 0 : index
    %get3A_1326 = tpu.vector_load %arg7[%get3A_1324, %get3A_1325] {strides = array<i32>} : memref<16x16xi32, #tpu.memory_space<vmem>>, vector<1x16xi32>,
    %get3A_1327 = vector.shape_cast %get3A_1326 : vector<1x16xi32> to vector<16xi32>
    %eq3A_1328 = arith.cmpi eq, %add3A_1322, %get3A_1327 : vector<16xi32>
    %get3A_1329 = arith.constant 6 : i32
    %get3A_1330 = arith.index_cast %get3A_1329 : i32 to index
    %get3A_1331 = arith.constant 16 : index
    %get3A_1332 = tpu.vector_load %arg8[%get3A_1330, %get3A_1331] {strides = array<i32>} : memref<16x128xf32, #tpu.memory_space<vmem>>, vector<1x16xf32>,
    %get3A_1333 = vector.shape_cast %get3A_1332 : vector<1x16xf32> to vector<16xf32>
    %jit3A_1334 = arith.constant 0.000000e+00 : f32
    %broadcast_in_dim3A_1335 = vector.broadcast %jit3A_1334 : f32 to vector<16xf32>
    %select_n3A_1336 = arith.select %eq3A_1328, %broadcast_in_dim3A_1335, %get3A_1333 : vector<16xi1>, vector<16xf32>
    %swap3A_1337 = arith.constant 6 : i32
    %swap3A_1338 = arith.index_cast %swap3A_1337 : i32 to index
    %swap3A_1339 = arith.constant 16 : index
    %swap3A_1340 = tpu.vector_load %arg8[%swap3A_1338, %swap3A_1339] {strides = array<i32>} : memref<16x128xf32, #tpu.memory_space<vmem>>, vector<1x16xf32>,
    %swap3A_1341 = vector.shape_cast %swap3A_1340 : vector<1x16xf32> to vector<16xf32>
    %swap3A_1342 = vector.shape_cast %select_n3A_1336 : vector<16xf32> to vector<1x16xf32>
    tpu.vector_store %arg8[%swap3A_1338, %swap3A_1339], %swap3A_1342 {strides = array<i32>} : memref<16x128xf32, #tpu.memory_space<vmem>>, vector<1x16xf32>,
    %add3A_1343 = arith.constant 32 : i32
    %add3A_1344 = vector.broadcast %add3A_1343 : i32 to vector<16xi32>
    %add3A_1345 = arith.addi %iota3A, %add3A_1344 : vector<16xi32>
    %get3A_1346 = arith.constant 6 : i32
    %get3A_1347 = arith.index_cast %get3A_1346 : i32 to index
    %get3A_1348 = arith.constant 0 : index
    %get3A_1349 = tpu.vector_load %arg7[%get3A_1347, %get3A_1348] {strides = array<i32>} : memref<16x16xi32, #tpu.memory_space<vmem>>, vector<1x16xi32>,
    %get3A_1350 = vector.shape_cast %get3A_1349 : vector<1x16xi32> to vector<16xi32>
    %eq3A_1351 = arith.cmpi eq, %add3A_1345, %get3A_1350 : vector<16xi32>
    %get3A_1352 = arith.constant 6 : i32
    %get3A_1353 = arith.index_cast %get3A_1352 : i32 to index
    %get3A_1354 = arith.constant 32 : index
    %get3A_1355 = tpu.vector_load %arg8[%get3A_1353, %get3A_1354] {strides = array<i32>} : memref<16x128xf32, #tpu.memory_space<vmem>>, vector<1x16xf32>,
    %get3A_1356 = vector.shape_cast %get3A_1355 : vector<1x16xf32> to vector<16xf32>
    %jit3A_1357 = arith.constant 0.000000e+00 : f32
    %broadcast_in_dim3A_1358 = vector.broadcast %jit3A_1357 : f32 to vector<16xf32>
    %select_n3A_1359 = arith.select %eq3A_1351, %broadcast_in_dim3A_1358, %get3A_1356 : vector<16xi1>, vector<16xf32>
    %swap3A_1360 = arith.constant 6 : i32
    %swap3A_1361 = arith.index_cast %swap3A_1360 : i32 to index
    %swap3A_1362 = arith.constant 32 : index
    %swap3A_1363 = tpu.vector_load %arg8[%swap3A_1361, %swap3A_1362] {strides = array<i32>} : memref<16x128xf32, #tpu.memory_space<vmem>>, vector<1x16xf32>,
    %swap3A_1364 = vector.shape_cast %swap3A_1363 : vector<1x16xf32> to vector<16xf32>
    %swap3A_1365 = vector.shape_cast %select_n3A_1359 : vector<16xf32> to vector<1x16xf32>
    tpu.vector_store %arg8[%swap3A_1361, %swap3A_1362], %swap3A_1365 {strides = array<i32>} : memref<16x128xf32, #tpu.memory_space<vmem>>, vector<1x16xf32>,
    %add3A_1366 = arith.constant 48 : i32
    %add3A_1367 = vector.broadcast %add3A_1366 : i32 to vector<16xi32>
    %add3A_1368 = arith.addi %iota3A, %add3A_1367 : vector<16xi32>
    %get3A_1369 = arith.constant 6 : i32
    %get3A_1370 = arith.index_cast %get3A_1369 : i32 to index
    %get3A_1371 = arith.constant 0 : index
    %get3A_1372 = tpu.vector_load %arg7[%get3A_1370, %get3A_1371] {strides = array<i32>} : memref<16x16xi32, #tpu.memory_space<vmem>>, vector<1x16xi32>,
    %get3A_1373 = vector.shape_cast %get3A_1372 : vector<1x16xi32> to vector<16xi32>
    %eq3A_1374 = arith.cmpi eq, %add3A_1368, %get3A_1373 : vector<16xi32>
    %get3A_1375 = arith.constant 6 : i32
    %get3A_1376 = arith.index_cast %get3A_1375 : i32 to index
    %get3A_1377 = arith.constant 48 : index
    %get3A_1378 = tpu.vector_load %arg8[%get3A_1376, %get3A_1377] {strides = array<i32>} : memref<16x128xf32, #tpu.memory_space<vmem>>, vector<1x16xf32>,
    %get3A_1379 = vector.shape_cast %get3A_1378 : vector<1x16xf32> to vector<16xf32>
    %jit3A_1380 = arith.constant 0.000000e+00 : f32
    %broadcast_in_dim3A_1381 = vector.broadcast %jit3A_1380 : f32 to vector<16xf32>
    %select_n3A_1382 = arith.select %eq3A_1374, %broadcast_in_dim3A_1381, %get3A_1379 : vector<16xi1>, vector<16xf32>
    %swap3A_1383 = arith.constant 6 : i32
    %swap3A_1384 = arith.index_cast %swap3A_1383 : i32 to index
    %swap3A_1385 = arith.constant 48 : index
    %swap3A_1386 = tpu.vector_load %arg8[%swap3A_1384, %swap3A_1385] {strides = array<i32>} : memref<16x128xf32, #tpu.memory_space<vmem>>, vector<1x16xf32>,
    %swap3A_1387 = vector.shape_cast %swap3A_1386 : vector<1x16xf32> to vector<16xf32>
    %swap3A_1388 = vector.shape_cast %select_n3A_1382 : vector<16xf32> to vector<1x16xf32>
    tpu.vector_store %arg8[%swap3A_1384, %swap3A_1385], %swap3A_1388 {strides = array<i32>} : memref<16x128xf32, #tpu.memory_space<vmem>>, vector<1x16xf32>,
    %add3A_1389 = arith.constant 64 : i32
    %add3A_1390 = vector.broadcast %add3A_1389 : i32 to vector<16xi32>
    %add3A_1391 = arith.addi %iota3A, %add3A_1390 : vector<16xi32>
    %get3A_1392 = arith.constant 6 : i32
    %get3A_1393 = arith.index_cast %get3A_1392 : i32 to index
    %get3A_1394 = arith.constant 0 : index
    %get3A_1395 = tpu.vector_load %arg7[%get3A_1393, %get3A_1394] {strides = array<i32>} : memref<16x16xi32, #tpu.memory_space<vmem>>, vector<1x16xi32>,
    %get3A_1396 = vector.shape_cast %get3A_1395 : vector<1x16xi32> to vector<16xi32>
    %eq3A_1397 = arith.cmpi eq, %add3A_1391, %get3A_1396 : vector<16xi32>
    %get3A_1398 = arith.constant 6 : i32
    %get3A_1399 = arith.index_cast %get3A_1398 : i32 to index
    %get3A_1400 = arith.constant 64 : index
    %get3A_1401 = tpu.vector_load %arg8[%get3A_1399, %get3A_1400] {strides = array<i32>} : memref<16x128xf32, #tpu.memory_space<vmem>>, vector<1x16xf32>,
    %get3A_1402 = vector.shape_cast %get3A_1401 : vector<1x16xf32> to vector<16xf32>
    %jit3A_1403 = arith.constant 0.000000e+00 : f32
    %broadcast_in_dim3A_1404 = vector.broadcast %jit3A_1403 : f32 to vector<16xf32>
    %select_n3A_1405 = arith.select %eq3A_1397, %broadcast_in_dim3A_1404, %get3A_1402 : vector<16xi1>, vector<16xf32>
    %swap3A_1406 = arith.constant 6 : i32
    %swap3A_1407 = arith.index_cast %swap3A_1406 : i32 to index
    %swap3A_1408 = arith.constant 64 : index
    %swap3A_1409 = tpu.vector_load %arg8[%swap3A_1407, %swap3A_1408] {strides = array<i32>} : memref<16x128xf32, #tpu.memory_space<vmem>>, vector<1x16xf32>,
    %swap3A_1410 = vector.shape_cast %swap3A_1409 : vector<1x16xf32> to vector<16xf32>
    %swap3A_1411 = vector.shape_cast %select_n3A_1405 : vector<16xf32> to vector<1x16xf32>
    tpu.vector_store %arg8[%swap3A_1407, %swap3A_1408], %swap3A_1411 {strides = array<i32>} : memref<16x128xf32, #tpu.memory_space<vmem>>, vector<1x16xf32>,
    %add3A_1412 = arith.constant 80 : i32
    %add3A_1413 = vector.broadcast %add3A_1412 : i32 to vector<16xi32>
    %add3A_1414 = arith.addi %iota3A, %add3A_1413 : vector<16xi32>
    %get3A_1415 = arith.constant 6 : i32
    %get3A_1416 = arith.index_cast %get3A_1415 : i32 to index
    %get3A_1417 = arith.constant 0 : index
    %get3A_1418 = tpu.vector_load %arg7[%get3A_1416, %get3A_1417] {strides = array<i32>} : memref<16x16xi32, #tpu.memory_space<vmem>>, vector<1x16xi32>,
    %get3A_1419 = vector.shape_cast %get3A_1418 : vector<1x16xi32> to vector<16xi32>
    %eq3A_1420 = arith.cmpi eq, %add3A_1414, %get3A_1419 : vector<16xi32>
    %get3A_1421 = arith.constant 6 : i32
    %get3A_1422 = arith.index_cast %get3A_1421 : i32 to index
    %get3A_1423 = arith.constant 80 : index
    %get3A_1424 = tpu.vector_load %arg8[%get3A_1422, %get3A_1423] {strides = array<i32>} : memref<16x128xf32, #tpu.memory_space<vmem>>, vector<1x16xf32>,
    %get3A_1425 = vector.shape_cast %get3A_1424 : vector<1x16xf32> to vector<16xf32>
    %jit3A_1426 = arith.constant 0.000000e+00 : f32
    %broadcast_in_dim3A_1427 = vector.broadcast %jit3A_1426 : f32 to vector<16xf32>
    %select_n3A_1428 = arith.select %eq3A_1420, %broadcast_in_dim3A_1427, %get3A_1425 : vector<16xi1>, vector<16xf32>
    %swap3A_1429 = arith.constant 6 : i32
    %swap3A_1430 = arith.index_cast %swap3A_1429 : i32 to index
    %swap3A_1431 = arith.constant 80 : index
    %swap3A_1432 = tpu.vector_load %arg8[%swap3A_1430, %swap3A_1431] {strides = array<i32>} : memref<16x128xf32, #tpu.memory_space<vmem>>, vector<1x16xf32>,
    %swap3A_1433 = vector.shape_cast %swap3A_1432 : vector<1x16xf32> to vector<16xf32>
    %swap3A_1434 = vector.shape_cast %select_n3A_1428 : vector<16xf32> to vector<1x16xf32>
    tpu.vector_store %arg8[%swap3A_1430, %swap3A_1431], %swap3A_1434 {strides = array<i32>} : memref<16x128xf32, #tpu.memory_space<vmem>>, vector<1x16xf32>,
    %add3A_1435 = arith.constant 96 : i32
    %add3A_1436 = vector.broadcast %add3A_1435 : i32 to vector<16xi32>
    %add3A_1437 = arith.addi %iota3A, %add3A_1436 : vector<16xi32>
    %get3A_1438 = arith.constant 6 : i32
    %get3A_1439 = arith.index_cast %get3A_1438 : i32 to index
    %get3A_1440 = arith.constant 0 : index
    %get3A_1441 = tpu.vector_load %arg7[%get3A_1439, %get3A_1440] {strides = array<i32>} : memref<16x16xi32, #tpu.memory_space<vmem>>, vector<1x16xi32>,
    %get3A_1442 = vector.shape_cast %get3A_1441 : vector<1x16xi32> to vector<16xi32>
    %eq3A_1443 = arith.cmpi eq, %add3A_1437, %get3A_1442 : vector<16xi32>
    %get3A_1444 = arith.constant 6 : i32
    %get3A_1445 = arith.index_cast %get3A_1444 : i32 to index
    %get3A_1446 = arith.constant 96 : index
    %get3A_1447 = tpu.vector_load %arg8[%get3A_1445, %get3A_1446] {strides = array<i32>} : memref<16x128xf32, #tpu.memory_space<vmem>>, vector<1x16xf32>,
    %get3A_1448 = vector.shape_cast %get3A_1447 : vector<1x16xf32> to vector<16xf32>
    %jit3A_1449 = arith.constant 0.000000e+00 : f32
    %broadcast_in_dim3A_1450 = vector.broadcast %jit3A_1449 : f32 to vector<16xf32>
    %select_n3A_1451 = arith.select %eq3A_1443, %broadcast_in_dim3A_1450, %get3A_1448 : vector<16xi1>, vector<16xf32>
    %swap3A_1452 = arith.constant 6 : i32
    %swap3A_1453 = arith.index_cast %swap3A_1452 : i32 to index
    %swap3A_1454 = arith.constant 96 : index
    %swap3A_1455 = tpu.vector_load %arg8[%swap3A_1453, %swap3A_1454] {strides = array<i32>} : memref<16x128xf32, #tpu.memory_space<vmem>>, vector<1x16xf32>,
    %swap3A_1456 = vector.shape_cast %swap3A_1455 : vector<1x16xf32> to vector<16xf32>
    %swap3A_1457 = vector.shape_cast %select_n3A_1451 : vector<16xf32> to vector<1x16xf32>
    tpu.vector_store %arg8[%swap3A_1453, %swap3A_1454], %swap3A_1457 {strides = array<i32>} : memref<16x128xf32, #tpu.memory_space<vmem>>, vector<1x16xf32>,
    %add3A_1458 = arith.constant 112 : i32
    %add3A_1459 = vector.broadcast %add3A_1458 : i32 to vector<16xi32>
    %add3A_1460 = arith.addi %iota3A, %add3A_1459 : vector<16xi32>
    %get3A_1461 = arith.constant 6 : i32
    %get3A_1462 = arith.index_cast %get3A_1461 : i32 to index
    %get3A_1463 = arith.constant 0 : index
    %get3A_1464 = tpu.vector_load %arg7[%get3A_1462, %get3A_1463] {strides = array<i32>} : memref<16x16xi32, #tpu.memory_space<vmem>>, vector<1x16xi32>,
    %get3A_1465 = vector.shape_cast %get3A_1464 : vector<1x16xi32> to vector<16xi32>
    %eq3A_1466 = arith.cmpi eq, %add3A_1460, %get3A_1465 : vector<16xi32>
    %get3A_1467 = arith.constant 6 : i32
    %get3A_1468 = arith.index_cast %get3A_1467 : i32 to index
    %get3A_1469 = arith.constant 112 : index
    %get3A_1470 = tpu.vector_load %arg8[%get3A_1468, %get3A_1469] {strides = array<i32>} : memref<16x128xf32, #tpu.memory_space<vmem>>, vector<1x16xf32>,
    %get3A_1471 = vector.shape_cast %get3A_1470 : vector<1x16xf32> to vector<16xf32>
    %jit3A_1472 = arith.constant 0.000000e+00 : f32
    %broadcast_in_dim3A_1473 = vector.broadcast %jit3A_1472 : f32 to vector<16xf32>
    %select_n3A_1474 = arith.select %eq3A_1466, %broadcast_in_dim3A_1473, %get3A_1471 : vector<16xi1>, vector<16xf32>
    %swap3A_1475 = arith.constant 6 : i32
    %swap3A_1476 = arith.index_cast %swap3A_1475 : i32 to index
    %swap3A_1477 = arith.constant 112 : index
    %swap3A_1478 = tpu.vector_load %arg8[%swap3A_1476, %swap3A_1477] {strides = array<i32>} : memref<16x128xf32, #tpu.memory_space<vmem>>, vector<1x16xf32>,
    %swap3A_1479 = vector.shape_cast %swap3A_1478 : vector<1x16xf32> to vector<16xf32>
    %swap3A_1480 = vector.shape_cast %select_n3A_1474 : vector<16xf32> to vector<1x16xf32>
    tpu.vector_store %arg8[%swap3A_1476, %swap3A_1477], %swap3A_1480 {strides = array<i32>} : memref<16x128xf32, #tpu.memory_space<vmem>>, vector<1x16xf32>,
    %add3A_1481 = arith.constant 0 : i32
    %add3A_1482 = vector.broadcast %add3A_1481 : i32 to vector<16xi32>
    %add3A_1483 = arith.addi %iota3A, %add3A_1482 : vector<16xi32>
    %get3A_1484 = arith.constant 7 : i32
    %get3A_1485 = arith.index_cast %get3A_1484 : i32 to index
    %get3A_1486 = arith.constant 0 : index
    %get3A_1487 = tpu.vector_load %arg7[%get3A_1485, %get3A_1486] {strides = array<i32>} : memref<16x16xi32, #tpu.memory_space<vmem>>, vector<1x16xi32>,
    %get3A_1488 = vector.shape_cast %get3A_1487 : vector<1x16xi32> to vector<16xi32>
    %eq3A_1489 = arith.cmpi eq, %add3A_1483, %get3A_1488 : vector<16xi32>
    %get3A_1490 = arith.constant 7 : i32
    %get3A_1491 = arith.index_cast %get3A_1490 : i32 to index
    %get3A_1492 = arith.constant 0 : index
    %get3A_1493 = tpu.vector_load %arg8[%get3A_1491, %get3A_1492] {strides = array<i32>} : memref<16x128xf32, #tpu.memory_space<vmem>>, vector<1x16xf32>,
    %get3A_1494 = vector.shape_cast %get3A_1493 : vector<1x16xf32> to vector<16xf32>
    %jit3A_1495 = arith.constant 0.000000e+00 : f32
    %broadcast_in_dim3A_1496 = vector.broadcast %jit3A_1495 : f32 to vector<16xf32>
    %select_n3A_1497 = arith.select %eq3A_1489, %broadcast_in_dim3A_1496, %get3A_1494 : vector<16xi1>, vector<16xf32>
    %swap3A_1498 = arith.constant 7 : i32
    %swap3A_1499 = arith.index_cast %swap3A_1498 : i32 to index
    %swap3A_1500 = arith.constant 0 : index
    %swap3A_1501 = tpu.vector_load %arg8[%swap3A_1499, %swap3A_1500] {strides = array<i32>} : memref<16x128xf32, #tpu.memory_space<vmem>>, vector<1x16xf32>,
    %swap3A_1502 = vector.shape_cast %swap3A_1501 : vector<1x16xf32> to vector<16xf32>
    %swap3A_1503 = vector.shape_cast %select_n3A_1497 : vector<16xf32> to vector<1x16xf32>
    tpu.vector_store %arg8[%swap3A_1499, %swap3A_1500], %swap3A_1503 {strides = array<i32>} : memref<16x128xf32, #tpu.memory_space<vmem>>, vector<1x16xf32>,
    %add3A_1504 = arith.constant 16 : i32
    %add3A_1505 = vector.broadcast %add3A_1504 : i32 to vector<16xi32>
    %add3A_1506 = arith.addi %iota3A, %add3A_1505 : vector<16xi32>
    %get3A_1507 = arith.constant 7 : i32
    %get3A_1508 = arith.index_cast %get3A_1507 : i32 to index
    %get3A_1509 = arith.constant 0 : index
    %get3A_1510 = tpu.vector_load %arg7[%get3A_1508, %get3A_1509] {strides = array<i32>} : memref<16x16xi32, #tpu.memory_space<vmem>>, vector<1x16xi32>,
    %get3A_1511 = vector.shape_cast %get3A_1510 : vector<1x16xi32> to vector<16xi32>
    %eq3A_1512 = arith.cmpi eq, %add3A_1506, %get3A_1511 : vector<16xi32>
    %get3A_1513 = arith.constant 7 : i32
    %get3A_1514 = arith.index_cast %get3A_1513 : i32 to index
    %get3A_1515 = arith.constant 16 : index
    %get3A_1516 = tpu.vector_load %arg8[%get3A_1514, %get3A_1515] {strides = array<i32>} : memref<16x128xf32, #tpu.memory_space<vmem>>, vector<1x16xf32>,
    %get3A_1517 = vector.shape_cast %get3A_1516 : vector<1x16xf32> to vector<16xf32>
    %jit3A_1518 = arith.constant 0.000000e+00 : f32
    %broadcast_in_dim3A_1519 = vector.broadcast %jit3A_1518 : f32 to vector<16xf32>
    %select_n3A_1520 = arith.select %eq3A_1512, %broadcast_in_dim3A_1519, %get3A_1517 : vector<16xi1>, vector<16xf32>
    %swap3A_1521 = arith.constant 7 : i32
    %swap3A_1522 = arith.index_cast %swap3A_1521 : i32 to index
    %swap3A_1523 = arith.constant 16 : index
    %swap3A_1524 = tpu.vector_load %arg8[%swap3A_1522, %swap3A_1523] {strides = array<i32>} : memref<16x128xf32, #tpu.memory_space<vmem>>, vector<1x16xf32>,
    %swap3A_1525 = vector.shape_cast %swap3A_1524 : vector<1x16xf32> to vector<16xf32>
    %swap3A_1526 = vector.shape_cast %select_n3A_1520 : vector<16xf32> to vector<1x16xf32>
    tpu.vector_store %arg8[%swap3A_1522, %swap3A_1523], %swap3A_1526 {strides = array<i32>} : memref<16x128xf32, #tpu.memory_space<vmem>>, vector<1x16xf32>,
    %add3A_1527 = arith.constant 32 : i32
    %add3A_1528 = vector.broadcast %add3A_1527 : i32 to vector<16xi32>
    %add3A_1529 = arith.addi %iota3A, %add3A_1528 : vector<16xi32>
    %get3A_1530 = arith.constant 7 : i32
    %get3A_1531 = arith.index_cast %get3A_1530 : i32 to index
    %get3A_1532 = arith.constant 0 : index
    %get3A_1533 = tpu.vector_load %arg7[%get3A_1531, %get3A_1532] {strides = array<i32>} : memref<16x16xi32, #tpu.memory_space<vmem>>, vector<1x16xi32>,
    %get3A_1534 = vector.shape_cast %get3A_1533 : vector<1x16xi32> to vector<16xi32>
    %eq3A_1535 = arith.cmpi eq, %add3A_1529, %get3A_1534 : vector<16xi32>
    %get3A_1536 = arith.constant 7 : i32
    %get3A_1537 = arith.index_cast %get3A_1536 : i32 to index
    %get3A_1538 = arith.constant 32 : index
    %get3A_1539 = tpu.vector_load %arg8[%get3A_1537, %get3A_1538] {strides = array<i32>} : memref<16x128xf32, #tpu.memory_space<vmem>>, vector<1x16xf32>,
    %get3A_1540 = vector.shape_cast %get3A_1539 : vector<1x16xf32> to vector<16xf32>
    %jit3A_1541 = arith.constant 0.000000e+00 : f32
    %broadcast_in_dim3A_1542 = vector.broadcast %jit3A_1541 : f32 to vector<16xf32>
    %select_n3A_1543 = arith.select %eq3A_1535, %broadcast_in_dim3A_1542, %get3A_1540 : vector<16xi1>, vector<16xf32>
    %swap3A_1544 = arith.constant 7 : i32
    %swap3A_1545 = arith.index_cast %swap3A_1544 : i32 to index
    %swap3A_1546 = arith.constant 32 : index
    %swap3A_1547 = tpu.vector_load %arg8[%swap3A_1545, %swap3A_1546] {strides = array<i32>} : memref<16x128xf32, #tpu.memory_space<vmem>>, vector<1x16xf32>,
    %swap3A_1548 = vector.shape_cast %swap3A_1547 : vector<1x16xf32> to vector<16xf32>
    %swap3A_1549 = vector.shape_cast %select_n3A_1543 : vector<16xf32> to vector<1x16xf32>
    tpu.vector_store %arg8[%swap3A_1545, %swap3A_1546], %swap3A_1549 {strides = array<i32>} : memref<16x128xf32, #tpu.memory_space<vmem>>, vector<1x16xf32>,
    %add3A_1550 = arith.constant 48 : i32
    %add3A_1551 = vector.broadcast %add3A_1550 : i32 to vector<16xi32>
    %add3A_1552 = arith.addi %iota3A, %add3A_1551 : vector<16xi32>
    %get3A_1553 = arith.constant 7 : i32
    %get3A_1554 = arith.index_cast %get3A_1553 : i32 to index
    %get3A_1555 = arith.constant 0 : index
    %get3A_1556 = tpu.vector_load %arg7[%get3A_1554, %get3A_1555] {strides = array<i32>} : memref<16x16xi32, #tpu.memory_space<vmem>>, vector<1x16xi32>,
    %get3A_1557 = vector.shape_cast %get3A_1556 : vector<1x16xi32> to vector<16xi32>
    %eq3A_1558 = arith.cmpi eq, %add3A_1552, %get3A_1557 : vector<16xi32>
    %get3A_1559 = arith.constant 7 : i32
    %get3A_1560 = arith.index_cast %get3A_1559 : i32 to index
    %get3A_1561 = arith.constant 48 : index
    %get3A_1562 = tpu.vector_load %arg8[%get3A_1560, %get3A_1561] {strides = array<i32>} : memref<16x128xf32, #tpu.memory_space<vmem>>, vector<1x16xf32>,
    %get3A_1563 = vector.shape_cast %get3A_1562 : vector<1x16xf32> to vector<16xf32>
    %jit3A_1564 = arith.constant 0.000000e+00 : f32
    %broadcast_in_dim3A_1565 = vector.broadcast %jit3A_1564 : f32 to vector<16xf32>
    %select_n3A_1566 = arith.select %eq3A_1558, %broadcast_in_dim3A_1565, %get3A_1563 : vector<16xi1>, vector<16xf32>
    %swap3A_1567 = arith.constant 7 : i32
    %swap3A_1568 = arith.index_cast %swap3A_1567 : i32 to index
    %swap3A_1569 = arith.constant 48 : index
    %swap3A_1570 = tpu.vector_load %arg8[%swap3A_1568, %swap3A_1569] {strides = array<i32>} : memref<16x128xf32, #tpu.memory_space<vmem>>, vector<1x16xf32>,
    %swap3A_1571 = vector.shape_cast %swap3A_1570 : vector<1x16xf32> to vector<16xf32>
    %swap3A_1572 = vector.shape_cast %select_n3A_1566 : vector<16xf32> to vector<1x16xf32>
    tpu.vector_store %arg8[%swap3A_1568, %swap3A_1569], %swap3A_1572 {strides = array<i32>} : memref<16x128xf32, #tpu.memory_space<vmem>>, vector<1x16xf32>,
    %add3A_1573 = arith.constant 64 : i32
    %add3A_1574 = vector.broadcast %add3A_1573 : i32 to vector<16xi32>
    %add3A_1575 = arith.addi %iota3A, %add3A_1574 : vector<16xi32>
    %get3A_1576 = arith.constant 7 : i32
    %get3A_1577 = arith.index_cast %get3A_1576 : i32 to index
    %get3A_1578 = arith.constant 0 : index
    %get3A_1579 = tpu.vector_load %arg7[%get3A_1577, %get3A_1578] {strides = array<i32>} : memref<16x16xi32, #tpu.memory_space<vmem>>, vector<1x16xi32>,
    %get3A_1580 = vector.shape_cast %get3A_1579 : vector<1x16xi32> to vector<16xi32>
    %eq3A_1581 = arith.cmpi eq, %add3A_1575, %get3A_1580 : vector<16xi32>
    %get3A_1582 = arith.constant 7 : i32
    %get3A_1583 = arith.index_cast %get3A_1582 : i32 to index
    %get3A_1584 = arith.constant 64 : index
    %get3A_1585 = tpu.vector_load %arg8[%get3A_1583, %get3A_1584] {strides = array<i32>} : memref<16x128xf32, #tpu.memory_space<vmem>>, vector<1x16xf32>,
    %get3A_1586 = vector.shape_cast %get3A_1585 : vector<1x16xf32> to vector<16xf32>
    %jit3A_1587 = arith.constant 0.000000e+00 : f32
    %broadcast_in_dim3A_1588 = vector.broadcast %jit3A_1587 : f32 to vector<16xf32>
    %select_n3A_1589 = arith.select %eq3A_1581, %broadcast_in_dim3A_1588, %get3A_1586 : vector<16xi1>, vector<16xf32>
    %swap3A_1590 = arith.constant 7 : i32
    %swap3A_1591 = arith.index_cast %swap3A_1590 : i32 to index
    %swap3A_1592 = arith.constant 64 : index
    %swap3A_1593 = tpu.vector_load %arg8[%swap3A_1591, %swap3A_1592] {strides = array<i32>} : memref<16x128xf32, #tpu.memory_space<vmem>>, vector<1x16xf32>,
    %swap3A_1594 = vector.shape_cast %swap3A_1593 : vector<1x16xf32> to vector<16xf32>
    %swap3A_1595 = vector.shape_cast %select_n3A_1589 : vector<16xf32> to vector<1x16xf32>
    tpu.vector_store %arg8[%swap3A_1591, %swap3A_1592], %swap3A_1595 {strides = array<i32>} : memref<16x128xf32, #tpu.memory_space<vmem>>, vector<1x16xf32>,
    %add3A_1596 = arith.constant 80 : i32
    %add3A_1597 = vector.broadcast %add3A_1596 : i32 to vector<16xi32>
    %add3A_1598 = arith.addi %iota3A, %add3A_1597 : vector<16xi32>
    %get3A_1599 = arith.constant 7 : i32
    %get3A_1600 = arith.index_cast %get3A_1599 : i32 to index
    %get3A_1601 = arith.constant 0 : index
    %get3A_1602 = tpu.vector_load %arg7[%get3A_1600, %get3A_1601] {strides = array<i32>} : memref<16x16xi32, #tpu.memory_space<vmem>>, vector<1x16xi32>,
    %get3A_1603 = vector.shape_cast %get3A_1602 : vector<1x16xi32> to vector<16xi32>
    %eq3A_1604 = arith.cmpi eq, %add3A_1598, %get3A_1603 : vector<16xi32>
    %get3A_1605 = arith.constant 7 : i32
    %get3A_1606 = arith.index_cast %get3A_1605 : i32 to index
    %get3A_1607 = arith.constant 80 : index
    %get3A_1608 = tpu.vector_load %arg8[%get3A_1606, %get3A_1607] {strides = array<i32>} : memref<16x128xf32, #tpu.memory_space<vmem>>, vector<1x16xf32>,
    %get3A_1609 = vector.shape_cast %get3A_1608 : vector<1x16xf32> to vector<16xf32>
    %jit3A_1610 = arith.constant 0.000000e+00 : f32
    %broadcast_in_dim3A_1611 = vector.broadcast %jit3A_1610 : f32 to vector<16xf32>
    %select_n3A_1612 = arith.select %eq3A_1604, %broadcast_in_dim3A_1611, %get3A_1609 : vector<16xi1>, vector<16xf32>
    %swap3A_1613 = arith.constant 7 : i32
    %swap3A_1614 = arith.index_cast %swap3A_1613 : i32 to index
    %swap3A_1615 = arith.constant 80 : index
    %swap3A_1616 = tpu.vector_load %arg8[%swap3A_1614, %swap3A_1615] {strides = array<i32>} : memref<16x128xf32, #tpu.memory_space<vmem>>, vector<1x16xf32>,
    %swap3A_1617 = vector.shape_cast %swap3A_1616 : vector<1x16xf32> to vector<16xf32>
    %swap3A_1618 = vector.shape_cast %select_n3A_1612 : vector<16xf32> to vector<1x16xf32>
    tpu.vector_store %arg8[%swap3A_1614, %swap3A_1615], %swap3A_1618 {strides = array<i32>} : memref<16x128xf32, #tpu.memory_space<vmem>>, vector<1x16xf32>,
    %add3A_1619 = arith.constant 96 : i32
    %add3A_1620 = vector.broadcast %add3A_1619 : i32 to vector<16xi32>
    %add3A_1621 = arith.addi %iota3A, %add3A_1620 : vector<16xi32>
    %get3A_1622 = arith.constant 7 : i32
    %get3A_1623 = arith.index_cast %get3A_1622 : i32 to index
    %get3A_1624 = arith.constant 0 : index
    %get3A_1625 = tpu.vector_load %arg7[%get3A_1623, %get3A_1624] {strides = array<i32>} : memref<16x16xi32, #tpu.memory_space<vmem>>, vector<1x16xi32>,
    %get3A_1626 = vector.shape_cast %get3A_1625 : vector<1x16xi32> to vector<16xi32>
    %eq3A_1627 = arith.cmpi eq, %add3A_1621, %get3A_1626 : vector<16xi32>
    %get3A_1628 = arith.constant 7 : i32
    %get3A_1629 = arith.index_cast %get3A_1628 : i32 to index
    %get3A_1630 = arith.constant 96 : index
    %get3A_1631 = tpu.vector_load %arg8[%get3A_1629, %get3A_1630] {strides = array<i32>} : memref<16x128xf32, #tpu.memory_space<vmem>>, vector<1x16xf32>,
    %get3A_1632 = vector.shape_cast %get3A_1631 : vector<1x16xf32> to vector<16xf32>
    %jit3A_1633 = arith.constant 0.000000e+00 : f32
    %broadcast_in_dim3A_1634 = vector.broadcast %jit3A_1633 : f32 to vector<16xf32>
    %select_n3A_1635 = arith.select %eq3A_1627, %broadcast_in_dim3A_1634, %get3A_1632 : vector<16xi1>, vector<16xf32>
    %swap3A_1636 = arith.constant 7 : i32
    %swap3A_1637 = arith.index_cast %swap3A_1636 : i32 to index
    %swap3A_1638 = arith.constant 96 : index
    %swap3A_1639 = tpu.vector_load %arg8[%swap3A_1637, %swap3A_1638] {strides = array<i32>} : memref<16x128xf32, #tpu.memory_space<vmem>>, vector<1x16xf32>,
    %swap3A_1640 = vector.shape_cast %swap3A_1639 : vector<1x16xf32> to vector<16xf32>
    %swap3A_1641 = vector.shape_cast %select_n3A_1635 : vector<16xf32> to vector<1x16xf32>
    tpu.vector_store %arg8[%swap3A_1637, %swap3A_1638], %swap3A_1641 {strides = array<i32>} : memref<16x128xf32, #tpu.memory_space<vmem>>, vector<1x16xf32>,
    %add3A_1642 = arith.constant 112 : i32
    %add3A_1643 = vector.broadcast %add3A_1642 : i32 to vector<16xi32>
    %add3A_1644 = arith.addi %iota3A, %add3A_1643 : vector<16xi32>
    %get3A_1645 = arith.constant 7 : i32
    %get3A_1646 = arith.index_cast %get3A_1645 : i32 to index
    %get3A_1647 = arith.constant 0 : index
    %get3A_1648 = tpu.vector_load %arg7[%get3A_1646, %get3A_1647] {strides = array<i32>} : memref<16x16xi32, #tpu.memory_space<vmem>>, vector<1x16xi32>,
    %get3A_1649 = vector.shape_cast %get3A_1648 : vector<1x16xi32> to vector<16xi32>
    %eq3A_1650 = arith.cmpi eq, %add3A_1644, %get3A_1649 : vector<16xi32>
    %get3A_1651 = arith.constant 7 : i32
    %get3A_1652 = arith.index_cast %get3A_1651 : i32 to index
    %get3A_1653 = arith.constant 112 : index
    %get3A_1654 = tpu.vector_load %arg8[%get3A_1652, %get3A_1653] {strides = array<i32>} : memref<16x128xf32, #tpu.memory_space<vmem>>, vector<1x16xf32>,
    %get3A_1655 = vector.shape_cast %get3A_1654 : vector<1x16xf32> to vector<16xf32>
    %jit3A_1656 = arith.constant 0.000000e+00 : f32
    %broadcast_in_dim3A_1657 = vector.broadcast %jit3A_1656 : f32 to vector<16xf32>
    %select_n3A_1658 = arith.select %eq3A_1650, %broadcast_in_dim3A_1657, %get3A_1655 : vector<16xi1>, vector<16xf32>
    %swap3A_1659 = arith.constant 7 : i32
    %swap3A_1660 = arith.index_cast %swap3A_1659 : i32 to index
    %swap3A_1661 = arith.constant 112 : index
    %swap3A_1662 = tpu.vector_load %arg8[%swap3A_1660, %swap3A_1661] {strides = array<i32>} : memref<16x128xf32, #tpu.memory_space<vmem>>, vector<1x16xf32>,
    %swap3A_1663 = vector.shape_cast %swap3A_1662 : vector<1x16xf32> to vector<16xf32>
    %swap3A_1664 = vector.shape_cast %select_n3A_1658 : vector<16xf32> to vector<1x16xf32>
    tpu.vector_store %arg8[%swap3A_1660, %swap3A_1661], %swap3A_1664 {strides = array<i32>} : memref<16x128xf32, #tpu.memory_space<vmem>>, vector<1x16xf32>,
    %add3A_1665 = arith.constant 0 : i32
    %add3A_1666 = vector.broadcast %add3A_1665 : i32 to vector<16xi32>
    %add3A_1667 = arith.addi %iota3A, %add3A_1666 : vector<16xi32>
    %get3A_1668 = arith.constant 8 : i32
    %get3A_1669 = arith.index_cast %get3A_1668 : i32 to index
    %get3A_1670 = arith.constant 0 : index
    %get3A_1671 = tpu.vector_load %arg7[%get3A_1669, %get3A_1670] {strides = array<i32>} : memref<16x16xi32, #tpu.memory_space<vmem>>, vector<1x16xi32>,
    %get3A_1672 = vector.shape_cast %get3A_1671 : vector<1x16xi32> to vector<16xi32>
    %eq3A_1673 = arith.cmpi eq, %add3A_1667, %get3A_1672 : vector<16xi32>
    %get3A_1674 = arith.constant 8 : i32
    %get3A_1675 = arith.index_cast %get3A_1674 : i32 to index
    %get3A_1676 = arith.constant 0 : index
    %get3A_1677 = tpu.vector_load %arg8[%get3A_1675, %get3A_1676] {strides = array<i32>} : memref<16x128xf32, #tpu.memory_space<vmem>>, vector<1x16xf32>,
    %get3A_1678 = vector.shape_cast %get3A_1677 : vector<1x16xf32> to vector<16xf32>
    %jit3A_1679 = arith.constant 0.000000e+00 : f32
    %broadcast_in_dim3A_1680 = vector.broadcast %jit3A_1679 : f32 to vector<16xf32>
    %select_n3A_1681 = arith.select %eq3A_1673, %broadcast_in_dim3A_1680, %get3A_1678 : vector<16xi1>, vector<16xf32>
    %swap3A_1682 = arith.constant 8 : i32
    %swap3A_1683 = arith.index_cast %swap3A_1682 : i32 to index
    %swap3A_1684 = arith.constant 0 : index
    %swap3A_1685 = tpu.vector_load %arg8[%swap3A_1683, %swap3A_1684] {strides = array<i32>} : memref<16x128xf32, #tpu.memory_space<vmem>>, vector<1x16xf32>,
    %swap3A_1686 = vector.shape_cast %swap3A_1685 : vector<1x16xf32> to vector<16xf32>
    %swap3A_1687 = vector.shape_cast %select_n3A_1681 : vector<16xf32> to vector<1x16xf32>
    tpu.vector_store %arg8[%swap3A_1683, %swap3A_1684], %swap3A_1687 {strides = array<i32>} : memref<16x128xf32, #tpu.memory_space<vmem>>, vector<1x16xf32>,
    %add3A_1688 = arith.constant 16 : i32
    %add3A_1689 = vector.broadcast %add3A_1688 : i32 to vector<16xi32>
    %add3A_1690 = arith.addi %iota3A, %add3A_1689 : vector<16xi32>
    %get3A_1691 = arith.constant 8 : i32
    %get3A_1692 = arith.index_cast %get3A_1691 : i32 to index
    %get3A_1693 = arith.constant 0 : index
    %get3A_1694 = tpu.vector_load %arg7[%get3A_1692, %get3A_1693] {strides = array<i32>} : memref<16x16xi32, #tpu.memory_space<vmem>>, vector<1x16xi32>,
    %get3A_1695 = vector.shape_cast %get3A_1694 : vector<1x16xi32> to vector<16xi32>
    %eq3A_1696 = arith.cmpi eq, %add3A_1690, %get3A_1695 : vector<16xi32>
    %get3A_1697 = arith.constant 8 : i32
    %get3A_1698 = arith.index_cast %get3A_1697 : i32 to index
    %get3A_1699 = arith.constant 16 : index
    %get3A_1700 = tpu.vector_load %arg8[%get3A_1698, %get3A_1699] {strides = array<i32>} : memref<16x128xf32, #tpu.memory_space<vmem>>, vector<1x16xf32>,
    %get3A_1701 = vector.shape_cast %get3A_1700 : vector<1x16xf32> to vector<16xf32>
    %jit3A_1702 = arith.constant 0.000000e+00 : f32
    %broadcast_in_dim3A_1703 = vector.broadcast %jit3A_1702 : f32 to vector<16xf32>
    %select_n3A_1704 = arith.select %eq3A_1696, %broadcast_in_dim3A_1703, %get3A_1701 : vector<16xi1>, vector<16xf32>
    %swap3A_1705 = arith.constant 8 : i32
    %swap3A_1706 = arith.index_cast %swap3A_1705 : i32 to index
    %swap3A_1707 = arith.constant 16 : index
    %swap3A_1708 = tpu.vector_load %arg8[%swap3A_1706, %swap3A_1707] {strides = array<i32>} : memref<16x128xf32, #tpu.memory_space<vmem>>, vector<1x16xf32>,
    %swap3A_1709 = vector.shape_cast %swap3A_1708 : vector<1x16xf32> to vector<16xf32>
    %swap3A_1710 = vector.shape_cast %select_n3A_1704 : vector<16xf32> to vector<1x16xf32>
    tpu.vector_store %arg8[%swap3A_1706, %swap3A_1707], %swap3A_1710 {strides = array<i32>} : memref<16x128xf32, #tpu.memory_space<vmem>>, vector<1x16xf32>,
    %add3A_1711 = arith.constant 32 : i32
    %add3A_1712 = vector.broadcast %add3A_1711 : i32 to vector<16xi32>
    %add3A_1713 = arith.addi %iota3A, %add3A_1712 : vector<16xi32>
    %get3A_1714 = arith.constant 8 : i32
    %get3A_1715 = arith.index_cast %get3A_1714 : i32 to index
    %get3A_1716 = arith.constant 0 : index
    %get3A_1717 = tpu.vector_load %arg7[%get3A_1715, %get3A_1716] {strides = array<i32>} : memref<16x16xi32, #tpu.memory_space<vmem>>, vector<1x16xi32>,
    %get3A_1718 = vector.shape_cast %get3A_1717 : vector<1x16xi32> to vector<16xi32>
    %eq3A_1719 = arith.cmpi eq, %add3A_1713, %get3A_1718 : vector<16xi32>
    %get3A_1720 = arith.constant 8 : i32
    %get3A_1721 = arith.index_cast %get3A_1720 : i32 to index
    %get3A_1722 = arith.constant 32 : index
    %get3A_1723 = tpu.vector_load %arg8[%get3A_1721, %get3A_1722] {strides = array<i32>} : memref<16x128xf32, #tpu.memory_space<vmem>>, vector<1x16xf32>,
    %get3A_1724 = vector.shape_cast %get3A_1723 : vector<1x16xf32> to vector<16xf32>
    %jit3A_1725 = arith.constant 0.000000e+00 : f32
    %broadcast_in_dim3A_1726 = vector.broadcast %jit3A_1725 : f32 to vector<16xf32>
    %select_n3A_1727 = arith.select %eq3A_1719, %broadcast_in_dim3A_1726, %get3A_1724 : vector<16xi1>, vector<16xf32>
    %swap3A_1728 = arith.constant 8 : i32
    %swap3A_1729 = arith.index_cast %swap3A_1728 : i32 to index
    %swap3A_1730 = arith.constant 32 : index
    %swap3A_1731 = tpu.vector_load %arg8[%swap3A_1729, %swap3A_1730] {strides = array<i32>} : memref<16x128xf32, #tpu.memory_space<vmem>>, vector<1x16xf32>,
    %swap3A_1732 = vector.shape_cast %swap3A_1731 : vector<1x16xf32> to vector<16xf32>
    %swap3A_1733 = vector.shape_cast %select_n3A_1727 : vector<16xf32> to vector<1x16xf32>
    tpu.vector_store %arg8[%swap3A_1729, %swap3A_1730], %swap3A_1733 {strides = array<i32>} : memref<16x128xf32, #tpu.memory_space<vmem>>, vector<1x16xf32>,
    %add3A_1734 = arith.constant 48 : i32
    %add3A_1735 = vector.broadcast %add3A_1734 : i32 to vector<16xi32>
    %add3A_1736 = arith.addi %iota3A, %add3A_1735 : vector<16xi32>
    %get3A_1737 = arith.constant 8 : i32
    %get3A_1738 = arith.index_cast %get3A_1737 : i32 to index
    %get3A_1739 = arith.constant 0 : index
    %get3A_1740 = tpu.vector_load %arg7[%get3A_1738, %get3A_1739] {strides = array<i32>} : memref<16x16xi32, #tpu.memory_space<vmem>>, vector<1x16xi32>,
    %get3A_1741 = vector.shape_cast %get3A_1740 : vector<1x16xi32> to vector<16xi32>
    %eq3A_1742 = arith.cmpi eq, %add3A_1736, %get3A_1741 : vector<16xi32>
    %get3A_1743 = arith.constant 8 : i32
    %get3A_1744 = arith.index_cast %get3A_1743 : i32 to index
    %get3A_1745 = arith.constant 48 : index
    %get3A_1746 = tpu.vector_load %arg8[%get3A_1744, %get3A_1745] {strides = array<i32>} : memref<16x128xf32, #tpu.memory_space<vmem>>, vector<1x16xf32>,
    %get3A_1747 = vector.shape_cast %get3A_1746 : vector<1x16xf32> to vector<16xf32>
    %jit3A_1748 = arith.constant 0.000000e+00 : f32
    %broadcast_in_dim3A_1749 = vector.broadcast %jit3A_1748 : f32 to vector<16xf32>
    %select_n3A_1750 = arith.select %eq3A_1742, %broadcast_in_dim3A_1749, %get3A_1747 : vector<16xi1>, vector<16xf32>
    %swap3A_1751 = arith.constant 8 : i32
    %swap3A_1752 = arith.index_cast %swap3A_1751 : i32 to index
    %swap3A_1753 = arith.constant 48 : index
    %swap3A_1754 = tpu.vector_load %arg8[%swap3A_1752, %swap3A_1753] {strides = array<i32>} : memref<16x128xf32, #tpu.memory_space<vmem>>, vector<1x16xf32>,
    %swap3A_1755 = vector.shape_cast %swap3A_1754 : vector<1x16xf32> to vector<16xf32>
    %swap3A_1756 = vector.shape_cast %select_n3A_1750 : vector<16xf32> to vector<1x16xf32>
    tpu.vector_store %arg8[%swap3A_1752, %swap3A_1753], %swap3A_1756 {strides = array<i32>} : memref<16x128xf32, #tpu.memory_space<vmem>>, vector<1x16xf32>,
    %add3A_1757 = arith.constant 64 : i32
    %add3A_1758 = vector.broadcast %add3A_1757 : i32 to vector<16xi32>
    %add3A_1759 = arith.addi %iota3A, %add3A_1758 : vector<16xi32>
    %get3A_1760 = arith.constant 8 : i32
    %get3A_1761 = arith.index_cast %get3A_1760 : i32 to index
    %get3A_1762 = arith.constant 0 : index
    %get3A_1763 = tpu.vector_load %arg7[%get3A_1761, %get3A_1762] {strides = array<i32>} : memref<16x16xi32, #tpu.memory_space<vmem>>, vector<1x16xi32>,
    %get3A_1764 = vector.shape_cast %get3A_1763 : vector<1x16xi32> to vector<16xi32>
    %eq3A_1765 = arith.cmpi eq, %add3A_1759, %get3A_1764 : vector<16xi32>
    %get3A_1766 = arith.constant 8 : i32
    %get3A_1767 = arith.index_cast %get3A_1766 : i32 to index
    %get3A_1768 = arith.constant 64 : index
    %get3A_1769 = tpu.vector_load %arg8[%get3A_1767, %get3A_1768] {strides = array<i32>} : memref<16x128xf32, #tpu.memory_space<vmem>>, vector<1x16xf32>,
    %get3A_1770 = vector.shape_cast %get3A_1769 : vector<1x16xf32> to vector<16xf32>
    %jit3A_1771 = arith.constant 0.000000e+00 : f32
    %broadcast_in_dim3A_1772 = vector.broadcast %jit3A_1771 : f32 to vector<16xf32>
    %select_n3A_1773 = arith.select %eq3A_1765, %broadcast_in_dim3A_1772, %get3A_1770 : vector<16xi1>, vector<16xf32>
    %swap3A_1774 = arith.constant 8 : i32
    %swap3A_1775 = arith.index_cast %swap3A_1774 : i32 to index
    %swap3A_1776 = arith.constant 64 : index
    %swap3A_1777 = tpu.vector_load %arg8[%swap3A_1775, %swap3A_1776] {strides = array<i32>} : memref<16x128xf32, #tpu.memory_space<vmem>>, vector<1x16xf32>,
    %swap3A_1778 = vector.shape_cast %swap3A_1777 : vector<1x16xf32> to vector<16xf32>
    %swap3A_1779 = vector.shape_cast %select_n3A_1773 : vector<16xf32> to vector<1x16xf32>
    tpu.vector_store %arg8[%swap3A_1775, %swap3A_1776], %swap3A_1779 {strides = array<i32>} : memref<16x128xf32, #tpu.memory_space<vmem>>, vector<1x16xf32>,
    %add3A_1780 = arith.constant 80 : i32
    %add3A_1781 = vector.broadcast %add3A_1780 : i32 to vector<16xi32>
    %add3A_1782 = arith.addi %iota3A, %add3A_1781 : vector<16xi32>
    %get3A_1783 = arith.constant 8 : i32
    %get3A_1784 = arith.index_cast %get3A_1783 : i32 to index
    %get3A_1785 = arith.constant 0 : index
    %get3A_1786 = tpu.vector_load %arg7[%get3A_1784, %get3A_1785] {strides = array<i32>} : memref<16x16xi32, #tpu.memory_space<vmem>>, vector<1x16xi32>,
    %get3A_1787 = vector.shape_cast %get3A_1786 : vector<1x16xi32> to vector<16xi32>
    %eq3A_1788 = arith.cmpi eq, %add3A_1782, %get3A_1787 : vector<16xi32>
    %get3A_1789 = arith.constant 8 : i32
    %get3A_1790 = arith.index_cast %get3A_1789 : i32 to index
    %get3A_1791 = arith.constant 80 : index
    %get3A_1792 = tpu.vector_load %arg8[%get3A_1790, %get3A_1791] {strides = array<i32>} : memref<16x128xf32, #tpu.memory_space<vmem>>, vector<1x16xf32>,
    %get3A_1793 = vector.shape_cast %get3A_1792 : vector<1x16xf32> to vector<16xf32>
    %jit3A_1794 = arith.constant 0.000000e+00 : f32
    %broadcast_in_dim3A_1795 = vector.broadcast %jit3A_1794 : f32 to vector<16xf32>
    %select_n3A_1796 = arith.select %eq3A_1788, %broadcast_in_dim3A_1795, %get3A_1793 : vector<16xi1>, vector<16xf32>
    %swap3A_1797 = arith.constant 8 : i32
    %swap3A_1798 = arith.index_cast %swap3A_1797 : i32 to index
    %swap3A_1799 = arith.constant 80 : index
    %swap3A_1800 = tpu.vector_load %arg8[%swap3A_1798, %swap3A_1799] {strides = array<i32>} : memref<16x128xf32, #tpu.memory_space<vmem>>, vector<1x16xf32>,
    %swap3A_1801 = vector.shape_cast %swap3A_1800 : vector<1x16xf32> to vector<16xf32>
    %swap3A_1802 = vector.shape_cast %select_n3A_1796 : vector<16xf32> to vector<1x16xf32>
    tpu.vector_store %arg8[%swap3A_1798, %swap3A_1799], %swap3A_1802 {strides = array<i32>} : memref<16x128xf32, #tpu.memory_space<vmem>>, vector<1x16xf32>,
    %add3A_1803 = arith.constant 96 : i32
    %add3A_1804 = vector.broadcast %add3A_1803 : i32 to vector<16xi32>
    %add3A_1805 = arith.addi %iota3A, %add3A_1804 : vector<16xi32>
    %get3A_1806 = arith.constant 8 : i32
    %get3A_1807 = arith.index_cast %get3A_1806 : i32 to index
    %get3A_1808 = arith.constant 0 : index
    %get3A_1809 = tpu.vector_load %arg7[%get3A_1807, %get3A_1808] {strides = array<i32>} : memref<16x16xi32, #tpu.memory_space<vmem>>, vector<1x16xi32>,
    %get3A_1810 = vector.shape_cast %get3A_1809 : vector<1x16xi32> to vector<16xi32>
    %eq3A_1811 = arith.cmpi eq, %add3A_1805, %get3A_1810 : vector<16xi32>
    %get3A_1812 = arith.constant 8 : i32
    %get3A_1813 = arith.index_cast %get3A_1812 : i32 to index
    %get3A_1814 = arith.constant 96 : index
    %get3A_1815 = tpu.vector_load %arg8[%get3A_1813, %get3A_1814] {strides = array<i32>} : memref<16x128xf32, #tpu.memory_space<vmem>>, vector<1x16xf32>,
    %get3A_1816 = vector.shape_cast %get3A_1815 : vector<1x16xf32> to vector<16xf32>
    %jit3A_1817 = arith.constant 0.000000e+00 : f32
    %broadcast_in_dim3A_1818 = vector.broadcast %jit3A_1817 : f32 to vector<16xf32>
    %select_n3A_1819 = arith.select %eq3A_1811, %broadcast_in_dim3A_1818, %get3A_1816 : vector<16xi1>, vector<16xf32>
    %swap3A_1820 = arith.constant 8 : i32
    %swap3A_1821 = arith.index_cast %swap3A_1820 : i32 to index
    %swap3A_1822 = arith.constant 96 : index
    %swap3A_1823 = tpu.vector_load %arg8[%swap3A_1821, %swap3A_1822] {strides = array<i32>} : memref<16x128xf32, #tpu.memory_space<vmem>>, vector<1x16xf32>,
    %swap3A_1824 = vector.shape_cast %swap3A_1823 : vector<1x16xf32> to vector<16xf32>
    %swap3A_1825 = vector.shape_cast %select_n3A_1819 : vector<16xf32> to vector<1x16xf32>
    tpu.vector_store %arg8[%swap3A_1821, %swap3A_1822], %swap3A_1825 {strides = array<i32>} : memref<16x128xf32, #tpu.memory_space<vmem>>, vector<1x16xf32>,
    %add3A_1826 = arith.constant 112 : i32
    %add3A_1827 = vector.broadcast %add3A_1826 : i32 to vector<16xi32>
    %add3A_1828 = arith.addi %iota3A, %add3A_1827 : vector<16xi32>
    %get3A_1829 = arith.constant 8 : i32
    %get3A_1830 = arith.index_cast %get3A_1829 : i32 to index
    %get3A_1831 = arith.constant 0 : index
    %get3A_1832 = tpu.vector_load %arg7[%get3A_1830, %get3A_1831] {strides = array<i32>} : memref<16x16xi32, #tpu.memory_space<vmem>>, vector<1x16xi32>,
    %get3A_1833 = vector.shape_cast %get3A_1832 : vector<1x16xi32> to vector<16xi32>
    %eq3A_1834 = arith.cmpi eq, %add3A_1828, %get3A_1833 : vector<16xi32>
    %get3A_1835 = arith.constant 8 : i32
    %get3A_1836 = arith.index_cast %get3A_1835 : i32 to index
    %get3A_1837 = arith.constant 112 : index
    %get3A_1838 = tpu.vector_load %arg8[%get3A_1836, %get3A_1837] {strides = array<i32>} : memref<16x128xf32, #tpu.memory_space<vmem>>, vector<1x16xf32>,
    %get3A_1839 = vector.shape_cast %get3A_1838 : vector<1x16xf32> to vector<16xf32>
    %jit3A_1840 = arith.constant 0.000000e+00 : f32
    %broadcast_in_dim3A_1841 = vector.broadcast %jit3A_1840 : f32 to vector<16xf32>
    %select_n3A_1842 = arith.select %eq3A_1834, %broadcast_in_dim3A_1841, %get3A_1839 : vector<16xi1>, vector<16xf32>
    %swap3A_1843 = arith.constant 8 : i32
    %swap3A_1844 = arith.index_cast %swap3A_1843 : i32 to index
    %swap3A_1845 = arith.constant 112 : index
    %swap3A_1846 = tpu.vector_load %arg8[%swap3A_1844, %swap3A_1845] {strides = array<i32>} : memref<16x128xf32, #tpu.memory_space<vmem>>, vector<1x16xf32>,
    %swap3A_1847 = vector.shape_cast %swap3A_1846 : vector<1x16xf32> to vector<16xf32>
    %swap3A_1848 = vector.shape_cast %select_n3A_1842 : vector<16xf32> to vector<1x16xf32>
    tpu.vector_store %arg8[%swap3A_1844, %swap3A_1845], %swap3A_1848 {strides = array<i32>} : memref<16x128xf32, #tpu.memory_space<vmem>>, vector<1x16xf32>,
    %add3A_1849 = arith.constant 0 : i32
    %add3A_1850 = vector.broadcast %add3A_1849 : i32 to vector<16xi32>
    %add3A_1851 = arith.addi %iota3A, %add3A_1850 : vector<16xi32>
    %get3A_1852 = arith.constant 9 : i32
    %get3A_1853 = arith.index_cast %get3A_1852 : i32 to index
    %get3A_1854 = arith.constant 0 : index
    %get3A_1855 = tpu.vector_load %arg7[%get3A_1853, %get3A_1854] {strides = array<i32>} : memref<16x16xi32, #tpu.memory_space<vmem>>, vector<1x16xi32>,
    %get3A_1856 = vector.shape_cast %get3A_1855 : vector<1x16xi32> to vector<16xi32>
    %eq3A_1857 = arith.cmpi eq, %add3A_1851, %get3A_1856 : vector<16xi32>
    %get3A_1858 = arith.constant 9 : i32
    %get3A_1859 = arith.index_cast %get3A_1858 : i32 to index
    %get3A_1860 = arith.constant 0 : index
    %get3A_1861 = tpu.vector_load %arg8[%get3A_1859, %get3A_1860] {strides = array<i32>} : memref<16x128xf32, #tpu.memory_space<vmem>>, vector<1x16xf32>,
    %get3A_1862 = vector.shape_cast %get3A_1861 : vector<1x16xf32> to vector<16xf32>
    %jit3A_1863 = arith.constant 0.000000e+00 : f32
    %broadcast_in_dim3A_1864 = vector.broadcast %jit3A_1863 : f32 to vector<16xf32>
    %select_n3A_1865 = arith.select %eq3A_1857, %broadcast_in_dim3A_1864, %get3A_1862 : vector<16xi1>, vector<16xf32>
    %swap3A_1866 = arith.constant 9 : i32
    %swap3A_1867 = arith.index_cast %swap3A_1866 : i32 to index
    %swap3A_1868 = arith.constant 0 : index
    %swap3A_1869 = tpu.vector_load %arg8[%swap3A_1867, %swap3A_1868] {strides = array<i32>} : memref<16x128xf32, #tpu.memory_space<vmem>>, vector<1x16xf32>,
    %swap3A_1870 = vector.shape_cast %swap3A_1869 : vector<1x16xf32> to vector<16xf32>
    %swap3A_1871 = vector.shape_cast %select_n3A_1865 : vector<16xf32> to vector<1x16xf32>
    tpu.vector_store %arg8[%swap3A_1867, %swap3A_1868], %swap3A_1871 {strides = array<i32>} : memref<16x128xf32, #tpu.memory_space<vmem>>, vector<1x16xf32>,
    %add3A_1872 = arith.constant 16 : i32
    %add3A_1873 = vector.broadcast %add3A_1872 : i32 to vector<16xi32>
    %add3A_1874 = arith.addi %iota3A, %add3A_1873 : vector<16xi32>
    %get3A_1875 = arith.constant 9 : i32
    %get3A_1876 = arith.index_cast %get3A_1875 : i32 to index
    %get3A_1877 = arith.constant 0 : index
    %get3A_1878 = tpu.vector_load %arg7[%get3A_1876, %get3A_1877] {strides = array<i32>} : memref<16x16xi32, #tpu.memory_space<vmem>>, vector<1x16xi32>,
    %get3A_1879 = vector.shape_cast %get3A_1878 : vector<1x16xi32> to vector<16xi32>
    %eq3A_1880 = arith.cmpi eq, %add3A_1874, %get3A_1879 : vector<16xi32>
    %get3A_1881 = arith.constant 9 : i32
    %get3A_1882 = arith.index_cast %get3A_1881 : i32 to index
    %get3A_1883 = arith.constant 16 : index
    %get3A_1884 = tpu.vector_load %arg8[%get3A_1882, %get3A_1883] {strides = array<i32>} : memref<16x128xf32, #tpu.memory_space<vmem>>, vector<1x16xf32>,
    %get3A_1885 = vector.shape_cast %get3A_1884 : vector<1x16xf32> to vector<16xf32>
    %jit3A_1886 = arith.constant 0.000000e+00 : f32
    %broadcast_in_dim3A_1887 = vector.broadcast %jit3A_1886 : f32 to vector<16xf32>
    %select_n3A_1888 = arith.select %eq3A_1880, %broadcast_in_dim3A_1887, %get3A_1885 : vector<16xi1>, vector<16xf32>
    %swap3A_1889 = arith.constant 9 : i32
    %swap3A_1890 = arith.index_cast %swap3A_1889 : i32 to index
    %swap3A_1891 = arith.constant 16 : index
    %swap3A_1892 = tpu.vector_load %arg8[%swap3A_1890, %swap3A_1891] {strides = array<i32>} : memref<16x128xf32, #tpu.memory_space<vmem>>, vector<1x16xf32>,
    %swap3A_1893 = vector.shape_cast %swap3A_1892 : vector<1x16xf32> to vector<16xf32>
    %swap3A_1894 = vector.shape_cast %select_n3A_1888 : vector<16xf32> to vector<1x16xf32>
    tpu.vector_store %arg8[%swap3A_1890, %swap3A_1891], %swap3A_1894 {strides = array<i32>} : memref<16x128xf32, #tpu.memory_space<vmem>>, vector<1x16xf32>,
    %add3A_1895 = arith.constant 32 : i32
    %add3A_1896 = vector.broadcast %add3A_1895 : i32 to vector<16xi32>
    %add3A_1897 = arith.addi %iota3A, %add3A_1896 : vector<16xi32>
    %get3A_1898 = arith.constant 9 : i32
    %get3A_1899 = arith.index_cast %get3A_1898 : i32 to index
    %get3A_1900 = arith.constant 0 : index
    %get3A_1901 = tpu.vector_load %arg7[%get3A_1899, %get3A_1900] {strides = array<i32>} : memref<16x16xi32, #tpu.memory_space<vmem>>, vector<1x16xi32>,
    %get3A_1902 = vector.shape_cast %get3A_1901 : vector<1x16xi32> to vector<16xi32>
    %eq3A_1903 = arith.cmpi eq, %add3A_1897, %get3A_1902 : vector<16xi32>
    %get3A_1904 = arith.constant 9 : i32
    %get3A_1905 = arith.index_cast %get3A_1904 : i32 to index
    %get3A_1906 = arith.constant 32 : index
    %get3A_1907 = tpu.vector_load %arg8[%get3A_1905, %get3A_1906] {strides = array<i32>} : memref<16x128xf32, #tpu.memory_space<vmem>>, vector<1x16xf32>,
    %get3A_1908 = vector.shape_cast %get3A_1907 : vector<1x16xf32> to vector<16xf32>
    %jit3A_1909 = arith.constant 0.000000e+00 : f32
    %broadcast_in_dim3A_1910 = vector.broadcast %jit3A_1909 : f32 to vector<16xf32>
    %select_n3A_1911 = arith.select %eq3A_1903, %broadcast_in_dim3A_1910, %get3A_1908 : vector<16xi1>, vector<16xf32>
    %swap3A_1912 = arith.constant 9 : i32
    %swap3A_1913 = arith.index_cast %swap3A_1912 : i32 to index
    %swap3A_1914 = arith.constant 32 : index
    %swap3A_1915 = tpu.vector_load %arg8[%swap3A_1913, %swap3A_1914] {strides = array<i32>} : memref<16x128xf32, #tpu.memory_space<vmem>>, vector<1x16xf32>,
    %swap3A_1916 = vector.shape_cast %swap3A_1915 : vector<1x16xf32> to vector<16xf32>
    %swap3A_1917 = vector.shape_cast %select_n3A_1911 : vector<16xf32> to vector<1x16xf32>
    tpu.vector_store %arg8[%swap3A_1913, %swap3A_1914], %swap3A_1917 {strides = array<i32>} : memref<16x128xf32, #tpu.memory_space<vmem>>, vector<1x16xf32>,
    %add3A_1918 = arith.constant 48 : i32
    %add3A_1919 = vector.broadcast %add3A_1918 : i32 to vector<16xi32>
    %add3A_1920 = arith.addi %iota3A, %add3A_1919 : vector<16xi32>
    %get3A_1921 = arith.constant 9 : i32
    %get3A_1922 = arith.index_cast %get3A_1921 : i32 to index
    %get3A_1923 = arith.constant 0 : index
    %get3A_1924 = tpu.vector_load %arg7[%get3A_1922, %get3A_1923] {strides = array<i32>} : memref<16x16xi32, #tpu.memory_space<vmem>>, vector<1x16xi32>,
    %get3A_1925 = vector.shape_cast %get3A_1924 : vector<1x16xi32> to vector<16xi32>
    %eq3A_1926 = arith.cmpi eq, %add3A_1920, %get3A_1925 : vector<16xi32>
    %get3A_1927 = arith.constant 9 : i32
    %get3A_1928 = arith.index_cast %get3A_1927 : i32 to index
    %get3A_1929 = arith.constant 48 : index
    %get3A_1930 = tpu.vector_load %arg8[%get3A_1928, %get3A_1929] {strides = array<i32>} : memref<16x128xf32, #tpu.memory_space<vmem>>, vector<1x16xf32>,
    %get3A_1931 = vector.shape_cast %get3A_1930 : vector<1x16xf32> to vector<16xf32>
    %jit3A_1932 = arith.constant 0.000000e+00 : f32
    %broadcast_in_dim3A_1933 = vector.broadcast %jit3A_1932 : f32 to vector<16xf32>
    %select_n3A_1934 = arith.select %eq3A_1926, %broadcast_in_dim3A_1933, %get3A_1931 : vector<16xi1>, vector<16xf32>
    %swap3A_1935 = arith.constant 9 : i32
    %swap3A_1936 = arith.index_cast %swap3A_1935 : i32 to index
    %swap3A_1937 = arith.constant 48 : index
    %swap3A_1938 = tpu.vector_load %arg8[%swap3A_1936, %swap3A_1937] {strides = array<i32>} : memref<16x128xf32, #tpu.memory_space<vmem>>, vector<1x16xf32>,
    %swap3A_1939 = vector.shape_cast %swap3A_1938 : vector<1x16xf32> to vector<16xf32>
    %swap3A_1940 = vector.shape_cast %select_n3A_1934 : vector<16xf32> to vector<1x16xf32>
    tpu.vector_store %arg8[%swap3A_1936, %swap3A_1937], %swap3A_1940 {strides = array<i32>} : memref<16x128xf32, #tpu.memory_space<vmem>>, vector<1x16xf32>,
    %add3A_1941 = arith.constant 64 : i32
    %add3A_1942 = vector.broadcast %add3A_1941 : i32 to vector<16xi32>
    %add3A_1943 = arith.addi %iota3A, %add3A_1942 : vector<16xi32>
    %get3A_1944 = arith.constant 9 : i32
    %get3A_1945 = arith.index_cast %get3A_1944 : i32 to index
    %get3A_1946 = arith.constant 0 : index
    %get3A_1947 = tpu.vector_load %arg7[%get3A_1945, %get3A_1946] {strides = array<i32>} : memref<16x16xi32, #tpu.memory_space<vmem>>, vector<1x16xi32>,
    %get3A_1948 = vector.shape_cast %get3A_1947 : vector<1x16xi32> to vector<16xi32>
    %eq3A_1949 = arith.cmpi eq, %add3A_1943, %get3A_1948 : vector<16xi32>
    %get3A_1950 = arith.constant 9 : i32
    %get3A_1951 = arith.index_cast %get3A_1950 : i32 to index
    %get3A_1952 = arith.constant 64 : index
    %get3A_1953 = tpu.vector_load %arg8[%get3A_1951, %get3A_1952] {strides = array<i32>} : memref<16x128xf32, #tpu.memory_space<vmem>>, vector<1x16xf32>,
    %get3A_1954 = vector.shape_cast %get3A_1953 : vector<1x16xf32> to vector<16xf32>
    %jit3A_1955 = arith.constant 0.000000e+00 : f32
    %broadcast_in_dim3A_1956 = vector.broadcast %jit3A_1955 : f32 to vector<16xf32>
    %select_n3A_1957 = arith.select %eq3A_1949, %broadcast_in_dim3A_1956, %get3A_1954 : vector<16xi1>, vector<16xf32>
    %swap3A_1958 = arith.constant 9 : i32
    %swap3A_1959 = arith.index_cast %swap3A_1958 : i32 to index
    %swap3A_1960 = arith.constant 64 : index
    %swap3A_1961 = tpu.vector_load %arg8[%swap3A_1959, %swap3A_1960] {strides = array<i32>} : memref<16x128xf32, #tpu.memory_space<vmem>>, vector<1x16xf32>,
    %swap3A_1962 = vector.shape_cast %swap3A_1961 : vector<1x16xf32> to vector<16xf32>
    %swap3A_1963 = vector.shape_cast %select_n3A_1957 : vector<16xf32> to vector<1x16xf32>
    tpu.vector_store %arg8[%swap3A_1959, %swap3A_1960], %swap3A_1963 {strides = array<i32>} : memref<16x128xf32, #tpu.memory_space<vmem>>, vector<1x16xf32>,
    %add3A_1964 = arith.constant 80 : i32
    %add3A_1965 = vector.broadcast %add3A_1964 : i32 to vector<16xi32>
    %add3A_1966 = arith.addi %iota3A, %add3A_1965 : vector<16xi32>
    %get3A_1967 = arith.constant 9 : i32
    %get3A_1968 = arith.index_cast %get3A_1967 : i32 to index
    %get3A_1969 = arith.constant 0 : index
    %get3A_1970 = tpu.vector_load %arg7[%get3A_1968, %get3A_1969] {strides = array<i32>} : memref<16x16xi32, #tpu.memory_space<vmem>>, vector<1x16xi32>,
    %get3A_1971 = vector.shape_cast %get3A_1970 : vector<1x16xi32> to vector<16xi32>
    %eq3A_1972 = arith.cmpi eq, %add3A_1966, %get3A_1971 : vector<16xi32>
    %get3A_1973 = arith.constant 9 : i32
    %get3A_1974 = arith.index_cast %get3A_1973 : i32 to index
    %get3A_1975 = arith.constant 80 : index
    %get3A_1976 = tpu.vector_load %arg8[%get3A_1974, %get3A_1975] {strides = array<i32>} : memref<16x128xf32, #tpu.memory_space<vmem>>, vector<1x16xf32>,
    %get3A_1977 = vector.shape_cast %get3A_1976 : vector<1x16xf32> to vector<16xf32>
    %jit3A_1978 = arith.constant 0.000000e+00 : f32
    %broadcast_in_dim3A_1979 = vector.broadcast %jit3A_1978 : f32 to vector<16xf32>
    %select_n3A_1980 = arith.select %eq3A_1972, %broadcast_in_dim3A_1979, %get3A_1977 : vector<16xi1>, vector<16xf32>
    %swap3A_1981 = arith.constant 9 : i32
    %swap3A_1982 = arith.index_cast %swap3A_1981 : i32 to index
    %swap3A_1983 = arith.constant 80 : index
    %swap3A_1984 = tpu.vector_load %arg8[%swap3A_1982, %swap3A_1983] {strides = array<i32>} : memref<16x128xf32, #tpu.memory_space<vmem>>, vector<1x16xf32>,
    %swap3A_1985 = vector.shape_cast %swap3A_1984 : vector<1x16xf32> to vector<16xf32>
    %swap3A_1986 = vector.shape_cast %select_n3A_1980 : vector<16xf32> to vector<1x16xf32>
    tpu.vector_store %arg8[%swap3A_1982, %swap3A_1983], %swap3A_1986 {strides = array<i32>} : memref<16x128xf32, #tpu.memory_space<vmem>>, vector<1x16xf32>,
    %add3A_1987 = arith.constant 96 : i32
    %add3A_1988 = vector.broadcast %add3A_1987 : i32 to vector<16xi32>
    %add3A_1989 = arith.addi %iota3A, %add3A_1988 : vector<16xi32>
    %get3A_1990 = arith.constant 9 : i32
    %get3A_1991 = arith.index_cast %get3A_1990 : i32 to index
    %get3A_1992 = arith.constant 0 : index
    %get3A_1993 = tpu.vector_load %arg7[%get3A_1991, %get3A_1992] {strides = array<i32>} : memref<16x16xi32, #tpu.memory_space<vmem>>, vector<1x16xi32>,
    %get3A_1994 = vector.shape_cast %get3A_1993 : vector<1x16xi32> to vector<16xi32>
    %eq3A_1995 = arith.cmpi eq, %add3A_1989, %get3A_1994 : vector<16xi32>
    %get3A_1996 = arith.constant 9 : i32
    %get3A_1997 = arith.index_cast %get3A_1996 : i32 to index
    %get3A_1998 = arith.constant 96 : index
    %get3A_1999 = tpu.vector_load %arg8[%get3A_1997, %get3A_1998] {strides = array<i32>} : memref<16x128xf32, #tpu.memory_space<vmem>>, vector<1x16xf32>,
    %get3A_2000 = vector.shape_cast %get3A_1999 : vector<1x16xf32> to vector<16xf32>
    %jit3A_2001 = arith.constant 0.000000e+00 : f32
    %broadcast_in_dim3A_2002 = vector.broadcast %jit3A_2001 : f32 to vector<16xf32>
    %select_n3A_2003 = arith.select %eq3A_1995, %broadcast_in_dim3A_2002, %get3A_2000 : vector<16xi1>, vector<16xf32>
    %swap3A_2004 = arith.constant 9 : i32
    %swap3A_2005 = arith.index_cast %swap3A_2004 : i32 to index
    %swap3A_2006 = arith.constant 96 : index
    %swap3A_2007 = tpu.vector_load %arg8[%swap3A_2005, %swap3A_2006] {strides = array<i32>} : memref<16x128xf32, #tpu.memory_space<vmem>>, vector<1x16xf32>,
    %swap3A_2008 = vector.shape_cast %swap3A_2007 : vector<1x16xf32> to vector<16xf32>
    %swap3A_2009 = vector.shape_cast %select_n3A_2003 : vector<16xf32> to vector<1x16xf32>
    tpu.vector_store %arg8[%swap3A_2005, %swap3A_2006], %swap3A_2009 {strides = array<i32>} : memref<16x128xf32, #tpu.memory_space<vmem>>, vector<1x16xf32>,
    %add3A_2010 = arith.constant 112 : i32
    %add3A_2011 = vector.broadcast %add3A_2010 : i32 to vector<16xi32>
    %add3A_2012 = arith.addi %iota3A, %add3A_2011 : vector<16xi32>
    %get3A_2013 = arith.constant 9 : i32
    %get3A_2014 = arith.index_cast %get3A_2013 : i32 to index
    %get3A_2015 = arith.constant 0 : index
    %get3A_2016 = tpu.vector_load %arg7[%get3A_2014, %get3A_2015] {strides = array<i32>} : memref<16x16xi32, #tpu.memory_space<vmem>>, vector<1x16xi32>,
    %get3A_2017 = vector.shape_cast %get3A_2016 : vector<1x16xi32> to vector<16xi32>
    %eq3A_2018 = arith.cmpi eq, %add3A_2012, %get3A_2017 : vector<16xi32>
    %get3A_2019 = arith.constant 9 : i32
    %get3A_2020 = arith.index_cast %get3A_2019 : i32 to index
    %get3A_2021 = arith.constant 112 : index
    %get3A_2022 = tpu.vector_load %arg8[%get3A_2020, %get3A_2021] {strides = array<i32>} : memref<16x128xf32, #tpu.memory_space<vmem>>, vector<1x16xf32>,
    %get3A_2023 = vector.shape_cast %get3A_2022 : vector<1x16xf32> to vector<16xf32>
    %jit3A_2024 = arith.constant 0.000000e+00 : f32
    %broadcast_in_dim3A_2025 = vector.broadcast %jit3A_2024 : f32 to vector<16xf32>
    %select_n3A_2026 = arith.select %eq3A_2018, %broadcast_in_dim3A_2025, %get3A_2023 : vector<16xi1>, vector<16xf32>
    %swap3A_2027 = arith.constant 9 : i32
    %swap3A_2028 = arith.index_cast %swap3A_2027 : i32 to index
    %swap3A_2029 = arith.constant 112 : index
    %swap3A_2030 = tpu.vector_load %arg8[%swap3A_2028, %swap3A_2029] {strides = array<i32>} : memref<16x128xf32, #tpu.memory_space<vmem>>, vector<1x16xf32>,
    %swap3A_2031 = vector.shape_cast %swap3A_2030 : vector<1x16xf32> to vector<16xf32>
    %swap3A_2032 = vector.shape_cast %select_n3A_2026 : vector<16xf32> to vector<1x16xf32>
    tpu.vector_store %arg8[%swap3A_2028, %swap3A_2029], %swap3A_2032 {strides = array<i32>} : memref<16x128xf32, #tpu.memory_space<vmem>>, vector<1x16xf32>,
    %add3A_2033 = arith.constant 0 : i32
    %add3A_2034 = vector.broadcast %add3A_2033 : i32 to vector<16xi32>
    %add3A_2035 = arith.addi %iota3A, %add3A_2034 : vector<16xi32>
    %get3A_2036 = arith.constant 10 : i32
    %get3A_2037 = arith.index_cast %get3A_2036 : i32 to index
    %get3A_2038 = arith.constant 0 : index
    %get3A_2039 = tpu.vector_load %arg7[%get3A_2037, %get3A_2038] {strides = array<i32>} : memref<16x16xi32, #tpu.memory_space<vmem>>, vector<1x16xi32>,
    %get3A_2040 = vector.shape_cast %get3A_2039 : vector<1x16xi32> to vector<16xi32>
    %eq3A_2041 = arith.cmpi eq, %add3A_2035, %get3A_2040 : vector<16xi32>
    %get3A_2042 = arith.constant 10 : i32
    %get3A_2043 = arith.index_cast %get3A_2042 : i32 to index
    %get3A_2044 = arith.constant 0 : index
    %get3A_2045 = tpu.vector_load %arg8[%get3A_2043, %get3A_2044] {strides = array<i32>} : memref<16x128xf32, #tpu.memory_space<vmem>>, vector<1x16xf32>,
    %get3A_2046 = vector.shape_cast %get3A_2045 : vector<1x16xf32> to vector<16xf32>
    %jit3A_2047 = arith.constant 0.000000e+00 : f32
    %broadcast_in_dim3A_2048 = vector.broadcast %jit3A_2047 : f32 to vector<16xf32>
    %select_n3A_2049 = arith.select %eq3A_2041, %broadcast_in_dim3A_2048, %get3A_2046 : vector<16xi1>, vector<16xf32>
    %swap3A_2050 = arith.constant 10 : i32
    %swap3A_2051 = arith.index_cast %swap3A_2050 : i32 to index
    %swap3A_2052 = arith.constant 0 : index
    %swap3A_2053 = tpu.vector_load %arg8[%swap3A_2051, %swap3A_2052] {strides = array<i32>} : memref<16x128xf32, #tpu.memory_space<vmem>>, vector<1x16xf32>,
    %swap3A_2054 = vector.shape_cast %swap3A_2053 : vector<1x16xf32> to vector<16xf32>
    %swap3A_2055 = vector.shape_cast %select_n3A_2049 : vector<16xf32> to vector<1x16xf32>
    tpu.vector_store %arg8[%swap3A_2051, %swap3A_2052], %swap3A_2055 {strides = array<i32>} : memref<16x128xf32, #tpu.memory_space<vmem>>, vector<1x16xf32>,
    %add3A_2056 = arith.constant 16 : i32
    %add3A_2057 = vector.broadcast %add3A_2056 : i32 to vector<16xi32>
    %add3A_2058 = arith.addi %iota3A, %add3A_2057 : vector<16xi32>
    %get3A_2059 = arith.constant 10 : i32
    %get3A_2060 = arith.index_cast %get3A_2059 : i32 to index
    %get3A_2061 = arith.constant 0 : index
    %get3A_2062 = tpu.vector_load %arg7[%get3A_2060, %get3A_2061] {strides = array<i32>} : memref<16x16xi32, #tpu.memory_space<vmem>>, vector<1x16xi32>,
    %get3A_2063 = vector.shape_cast %get3A_2062 : vector<1x16xi32> to vector<16xi32>
    %eq3A_2064 = arith.cmpi eq, %add3A_2058, %get3A_2063 : vector<16xi32>
    %get3A_2065 = arith.constant 10 : i32
    %get3A_2066 = arith.index_cast %get3A_2065 : i32 to index
    %get3A_2067 = arith.constant 16 : index
    %get3A_2068 = tpu.vector_load %arg8[%get3A_2066, %get3A_2067] {strides = array<i32>} : memref<16x128xf32, #tpu.memory_space<vmem>>, vector<1x16xf32>,
    %get3A_2069 = vector.shape_cast %get3A_2068 : vector<1x16xf32> to vector<16xf32>
    %jit3A_2070 = arith.constant 0.000000e+00 : f32
    %broadcast_in_dim3A_2071 = vector.broadcast %jit3A_2070 : f32 to vector<16xf32>
    %select_n3A_2072 = arith.select %eq3A_2064, %broadcast_in_dim3A_2071, %get3A_2069 : vector<16xi1>, vector<16xf32>
    %swap3A_2073 = arith.constant 10 : i32
    %swap3A_2074 = arith.index_cast %swap3A_2073 : i32 to index
    %swap3A_2075 = arith.constant 16 : index
    %swap3A_2076 = tpu.vector_load %arg8[%swap3A_2074, %swap3A_2075] {strides = array<i32>} : memref<16x128xf32, #tpu.memory_space<vmem>>, vector<1x16xf32>,
    %swap3A_2077 = vector.shape_cast %swap3A_2076 : vector<1x16xf32> to vector<16xf32>
    %swap3A_2078 = vector.shape_cast %select_n3A_2072 : vector<16xf32> to vector<1x16xf32>
    tpu.vector_store %arg8[%swap3A_2074, %swap3A_2075], %swap3A_2078 {strides = array<i32>} : memref<16x128xf32, #tpu.memory_space<vmem>>, vector<1x16xf32>,
    %add3A_2079 = arith.constant 32 : i32
    %add3A_2080 = vector.broadcast %add3A_2079 : i32 to vector<16xi32>
    %add3A_2081 = arith.addi %iota3A, %add3A_2080 : vector<16xi32>
    %get3A_2082 = arith.constant 10 : i32
    %get3A_2083 = arith.index_cast %get3A_2082 : i32 to index
    %get3A_2084 = arith.constant 0 : index
    %get3A_2085 = tpu.vector_load %arg7[%get3A_2083, %get3A_2084] {strides = array<i32>} : memref<16x16xi32, #tpu.memory_space<vmem>>, vector<1x16xi32>,
    %get3A_2086 = vector.shape_cast %get3A_2085 : vector<1x16xi32> to vector<16xi32>
    %eq3A_2087 = arith.cmpi eq, %add3A_2081, %get3A_2086 : vector<16xi32>
    %get3A_2088 = arith.constant 10 : i32
    %get3A_2089 = arith.index_cast %get3A_2088 : i32 to index
    %get3A_2090 = arith.constant 32 : index
    %get3A_2091 = tpu.vector_load %arg8[%get3A_2089, %get3A_2090] {strides = array<i32>} : memref<16x128xf32, #tpu.memory_space<vmem>>, vector<1x16xf32>,
    %get3A_2092 = vector.shape_cast %get3A_2091 : vector<1x16xf32> to vector<16xf32>
    %jit3A_2093 = arith.constant 0.000000e+00 : f32
    %broadcast_in_dim3A_2094 = vector.broadcast %jit3A_2093 : f32 to vector<16xf32>
    %select_n3A_2095 = arith.select %eq3A_2087, %broadcast_in_dim3A_2094, %get3A_2092 : vector<16xi1>, vector<16xf32>
    %swap3A_2096 = arith.constant 10 : i32
    %swap3A_2097 = arith.index_cast %swap3A_2096 : i32 to index
    %swap3A_2098 = arith.constant 32 : index
    %swap3A_2099 = tpu.vector_load %arg8[%swap3A_2097, %swap3A_2098] {strides = array<i32>} : memref<16x128xf32, #tpu.memory_space<vmem>>, vector<1x16xf32>,
    %swap3A_2100 = vector.shape_cast %swap3A_2099 : vector<1x16xf32> to vector<16xf32>
    %swap3A_2101 = vector.shape_cast %select_n3A_2095 : vector<16xf32> to vector<1x16xf32>
    tpu.vector_store %arg8[%swap3A_2097, %swap3A_2098], %swap3A_2101 {strides = array<i32>} : memref<16x128xf32, #tpu.memory_space<vmem>>, vector<1x16xf32>,
    %add3A_2102 = arith.constant 48 : i32
    %add3A_2103 = vector.broadcast %add3A_2102 : i32 to vector<16xi32>
    %add3A_2104 = arith.addi %iota3A, %add3A_2103 : vector<16xi32>
    %get3A_2105 = arith.constant 10 : i32
    %get3A_2106 = arith.index_cast %get3A_2105 : i32 to index
    %get3A_2107 = arith.constant 0 : index
    %get3A_2108 = tpu.vector_load %arg7[%get3A_2106, %get3A_2107] {strides = array<i32>} : memref<16x16xi32, #tpu.memory_space<vmem>>, vector<1x16xi32>,
    %get3A_2109 = vector.shape_cast %get3A_2108 : vector<1x16xi32> to vector<16xi32>
    %eq3A_2110 = arith.cmpi eq, %add3A_2104, %get3A_2109 : vector<16xi32>
    %get3A_2111 = arith.constant 10 : i32
    %get3A_2112 = arith.index_cast %get3A_2111 : i32 to index
    %get3A_2113 = arith.constant 48 : index
    %get3A_2114 = tpu.vector_load %arg8[%get3A_2112, %get3A_2113] {strides = array<i32>} : memref<16x128xf32, #tpu.memory_space<vmem>>, vector<1x16xf32>,
    %get3A_2115 = vector.shape_cast %get3A_2114 : vector<1x16xf32> to vector<16xf32>
    %jit3A_2116 = arith.constant 0.000000e+00 : f32
    %broadcast_in_dim3A_2117 = vector.broadcast %jit3A_2116 : f32 to vector<16xf32>
    %select_n3A_2118 = arith.select %eq3A_2110, %broadcast_in_dim3A_2117, %get3A_2115 : vector<16xi1>, vector<16xf32>
    %swap3A_2119 = arith.constant 10 : i32
    %swap3A_2120 = arith.index_cast %swap3A_2119 : i32 to index
    %swap3A_2121 = arith.constant 48 : index
    %swap3A_2122 = tpu.vector_load %arg8[%swap3A_2120, %swap3A_2121] {strides = array<i32>} : memref<16x128xf32, #tpu.memory_space<vmem>>, vector<1x16xf32>,
    %swap3A_2123 = vector.shape_cast %swap3A_2122 : vector<1x16xf32> to vector<16xf32>
    %swap3A_2124 = vector.shape_cast %select_n3A_2118 : vector<16xf32> to vector<1x16xf32>
    tpu.vector_store %arg8[%swap3A_2120, %swap3A_2121], %swap3A_2124 {strides = array<i32>} : memref<16x128xf32, #tpu.memory_space<vmem>>, vector<1x16xf32>,
    %add3A_2125 = arith.constant 64 : i32
    %add3A_2126 = vector.broadcast %add3A_2125 : i32 to vector<16xi32>
    %add3A_2127 = arith.addi %iota3A, %add3A_2126 : vector<16xi32>
    %get3A_2128 = arith.constant 10 : i32
    %get3A_2129 = arith.index_cast %get3A_2128 : i32 to index
    %get3A_2130 = arith.constant 0 : index
    %get3A_2131 = tpu.vector_load %arg7[%get3A_2129, %get3A_2130] {strides = array<i32>} : memref<16x16xi32, #tpu.memory_space<vmem>>, vector<1x16xi32>,
    %get3A_2132 = vector.shape_cast %get3A_2131 : vector<1x16xi32> to vector<16xi32>
    %eq3A_2133 = arith.cmpi eq, %add3A_2127, %get3A_2132 : vector<16xi32>
    %get3A_2134 = arith.constant 10 : i32
    %get3A_2135 = arith.index_cast %get3A_2134 : i32 to index
    %get3A_2136 = arith.constant 64 : index
    %get3A_2137 = tpu.vector_load %arg8[%get3A_2135, %get3A_2136] {strides = array<i32>} : memref<16x128xf32, #tpu.memory_space<vmem>>, vector<1x16xf32>,
    %get3A_2138 = vector.shape_cast %get3A_2137 : vector<1x16xf32> to vector<16xf32>
    %jit3A_2139 = arith.constant 0.000000e+00 : f32
    %broadcast_in_dim3A_2140 = vector.broadcast %jit3A_2139 : f32 to vector<16xf32>
    %select_n3A_2141 = arith.select %eq3A_2133, %broadcast_in_dim3A_2140, %get3A_2138 : vector<16xi1>, vector<16xf32>
    %swap3A_2142 = arith.constant 10 : i32
    %swap3A_2143 = arith.index_cast %swap3A_2142 : i32 to index
    %swap3A_2144 = arith.constant 64 : index
    %swap3A_2145 = tpu.vector_load %arg8[%swap3A_2143, %swap3A_2144] {strides = array<i32>} : memref<16x128xf32, #tpu.memory_space<vmem>>, vector<1x16xf32>,
    %swap3A_2146 = vector.shape_cast %swap3A_2145 : vector<1x16xf32> to vector<16xf32>
    %swap3A_2147 = vector.shape_cast %select_n3A_2141 : vector<16xf32> to vector<1x16xf32>
    tpu.vector_store %arg8[%swap3A_2143, %swap3A_2144], %swap3A_2147 {strides = array<i32>} : memref<16x128xf32, #tpu.memory_space<vmem>>, vector<1x16xf32>,
    %add3A_2148 = arith.constant 80 : i32
    %add3A_2149 = vector.broadcast %add3A_2148 : i32 to vector<16xi32>
    %add3A_2150 = arith.addi %iota3A, %add3A_2149 : vector<16xi32>
    %get3A_2151 = arith.constant 10 : i32
    %get3A_2152 = arith.index_cast %get3A_2151 : i32 to index
    %get3A_2153 = arith.constant 0 : index
    %get3A_2154 = tpu.vector_load %arg7[%get3A_2152, %get3A_2153] {strides = array<i32>} : memref<16x16xi32, #tpu.memory_space<vmem>>, vector<1x16xi32>,
    %get3A_2155 = vector.shape_cast %get3A_2154 : vector<1x16xi32> to vector<16xi32>
    %eq3A_2156 = arith.cmpi eq, %add3A_2150, %get3A_2155 : vector<16xi32>
    %get3A_2157 = arith.constant 10 : i32
    %get3A_2158 = arith.index_cast %get3A_2157 : i32 to index
    %get3A_2159 = arith.constant 80 : index
    %get3A_2160 = tpu.vector_load %arg8[%get3A_2158, %get3A_2159] {strides = array<i32>} : memref<16x128xf32, #tpu.memory_space<vmem>>, vector<1x16xf32>,
    %get3A_2161 = vector.shape_cast %get3A_2160 : vector<1x16xf32> to vector<16xf32>
    %jit3A_2162 = arith.constant 0.000000e+00 : f32
    %broadcast_in_dim3A_2163 = vector.broadcast %jit3A_2162 : f32 to vector<16xf32>
    %select_n3A_2164 = arith.select %eq3A_2156, %broadcast_in_dim3A_2163, %get3A_2161 : vector<16xi1>, vector<16xf32>
    %swap3A_2165 = arith.constant 10 : i32
    %swap3A_2166 = arith.index_cast %swap3A_2165 : i32 to index
    %swap3A_2167 = arith.constant 80 : index
    %swap3A_2168 = tpu.vector_load %arg8[%swap3A_2166, %swap3A_2167] {strides = array<i32>} : memref<16x128xf32, #tpu.memory_space<vmem>>, vector<1x16xf32>,
    %swap3A_2169 = vector.shape_cast %swap3A_2168 : vector<1x16xf32> to vector<16xf32>
    %swap3A_2170 = vector.shape_cast %select_n3A_2164 : vector<16xf32> to vector<1x16xf32>
    tpu.vector_store %arg8[%swap3A_2166, %swap3A_2167], %swap3A_2170 {strides = array<i32>} : memref<16x128xf32, #tpu.memory_space<vmem>>, vector<1x16xf32>,
    %add3A_2171 = arith.constant 96 : i32
    %add3A_2172 = vector.broadcast %add3A_2171 : i32 to vector<16xi32>
    %add3A_2173 = arith.addi %iota3A, %add3A_2172 : vector<16xi32>
    %get3A_2174 = arith.constant 10 : i32
    %get3A_2175 = arith.index_cast %get3A_2174 : i32 to index
    %get3A_2176 = arith.constant 0 : index
    %get3A_2177 = tpu.vector_load %arg7[%get3A_2175, %get3A_2176] {strides = array<i32>} : memref<16x16xi32, #tpu.memory_space<vmem>>, vector<1x16xi32>,
    %get3A_2178 = vector.shape_cast %get3A_2177 : vector<1x16xi32> to vector<16xi32>
    %eq3A_2179 = arith.cmpi eq, %add3A_2173, %get3A_2178 : vector<16xi32>
    %get3A_2180 = arith.constant 10 : i32
    %get3A_2181 = arith.index_cast %get3A_2180 : i32 to index
    %get3A_2182 = arith.constant 96 : index
    %get3A_2183 = tpu.vector_load %arg8[%get3A_2181, %get3A_2182] {strides = array<i32>} : memref<16x128xf32, #tpu.memory_space<vmem>>, vector<1x16xf32>,
    %get3A_2184 = vector.shape_cast %get3A_2183 : vector<1x16xf32> to vector<16xf32>
    %jit3A_2185 = arith.constant 0.000000e+00 : f32
    %broadcast_in_dim3A_2186 = vector.broadcast %jit3A_2185 : f32 to vector<16xf32>
    %select_n3A_2187 = arith.select %eq3A_2179, %broadcast_in_dim3A_2186, %get3A_2184 : vector<16xi1>, vector<16xf32>
    %swap3A_2188 = arith.constant 10 : i32
    %swap3A_2189 = arith.index_cast %swap3A_2188 : i32 to index
    %swap3A_2190 = arith.constant 96 : index
    %swap3A_2191 = tpu.vector_load %arg8[%swap3A_2189, %swap3A_2190] {strides = array<i32>} : memref<16x128xf32, #tpu.memory_space<vmem>>, vector<1x16xf32>,
    %swap3A_2192 = vector.shape_cast %swap3A_2191 : vector<1x16xf32> to vector<16xf32>
    %swap3A_2193 = vector.shape_cast %select_n3A_2187 : vector<16xf32> to vector<1x16xf32>
    tpu.vector_store %arg8[%swap3A_2189, %swap3A_2190], %swap3A_2193 {strides = array<i32>} : memref<16x128xf32, #tpu.memory_space<vmem>>, vector<1x16xf32>,
    %add3A_2194 = arith.constant 112 : i32
    %add3A_2195 = vector.broadcast %add3A_2194 : i32 to vector<16xi32>
    %add3A_2196 = arith.addi %iota3A, %add3A_2195 : vector<16xi32>
    %get3A_2197 = arith.constant 10 : i32
    %get3A_2198 = arith.index_cast %get3A_2197 : i32 to index
    %get3A_2199 = arith.constant 0 : index
    %get3A_2200 = tpu.vector_load %arg7[%get3A_2198, %get3A_2199] {strides = array<i32>} : memref<16x16xi32, #tpu.memory_space<vmem>>, vector<1x16xi32>,
    %get3A_2201 = vector.shape_cast %get3A_2200 : vector<1x16xi32> to vector<16xi32>
    %eq3A_2202 = arith.cmpi eq, %add3A_2196, %get3A_2201 : vector<16xi32>
    %get3A_2203 = arith.constant 10 : i32
    %get3A_2204 = arith.index_cast %get3A_2203 : i32 to index
    %get3A_2205 = arith.constant 112 : index
    %get3A_2206 = tpu.vector_load %arg8[%get3A_2204, %get3A_2205] {strides = array<i32>} : memref<16x128xf32, #tpu.memory_space<vmem>>, vector<1x16xf32>,
    %get3A_2207 = vector.shape_cast %get3A_2206 : vector<1x16xf32> to vector<16xf32>
    %jit3A_2208 = arith.constant 0.000000e+00 : f32
    %broadcast_in_dim3A_2209 = vector.broadcast %jit3A_2208 : f32 to vector<16xf32>
    %select_n3A_2210 = arith.select %eq3A_2202, %broadcast_in_dim3A_2209, %get3A_2207 : vector<16xi1>, vector<16xf32>
    %swap3A_2211 = arith.constant 10 : i32
    %swap3A_2212 = arith.index_cast %swap3A_2211 : i32 to index
    %swap3A_2213 = arith.constant 112 : index
    %swap3A_2214 = tpu.vector_load %arg8[%swap3A_2212, %swap3A_2213] {strides = array<i32>} : memref<16x128xf32, #tpu.memory_space<vmem>>, vector<1x16xf32>,
    %swap3A_2215 = vector.shape_cast %swap3A_2214 : vector<1x16xf32> to vector<16xf32>
    %swap3A_2216 = vector.shape_cast %select_n3A_2210 : vector<16xf32> to vector<1x16xf32>
    tpu.vector_store %arg8[%swap3A_2212, %swap3A_2213], %swap3A_2216 {strides = array<i32>} : memref<16x128xf32, #tpu.memory_space<vmem>>, vector<1x16xf32>,
    %add3A_2217 = arith.constant 0 : i32
    %add3A_2218 = vector.broadcast %add3A_2217 : i32 to vector<16xi32>
    %add3A_2219 = arith.addi %iota3A, %add3A_2218 : vector<16xi32>
    %get3A_2220 = arith.constant 11 : i32
    %get3A_2221 = arith.index_cast %get3A_2220 : i32 to index
    %get3A_2222 = arith.constant 0 : index
    %get3A_2223 = tpu.vector_load %arg7[%get3A_2221, %get3A_2222] {strides = array<i32>} : memref<16x16xi32, #tpu.memory_space<vmem>>, vector<1x16xi32>,
    %get3A_2224 = vector.shape_cast %get3A_2223 : vector<1x16xi32> to vector<16xi32>
    %eq3A_2225 = arith.cmpi eq, %add3A_2219, %get3A_2224 : vector<16xi32>
    %get3A_2226 = arith.constant 11 : i32
    %get3A_2227 = arith.index_cast %get3A_2226 : i32 to index
    %get3A_2228 = arith.constant 0 : index
    %get3A_2229 = tpu.vector_load %arg8[%get3A_2227, %get3A_2228] {strides = array<i32>} : memref<16x128xf32, #tpu.memory_space<vmem>>, vector<1x16xf32>,
    %get3A_2230 = vector.shape_cast %get3A_2229 : vector<1x16xf32> to vector<16xf32>
    %jit3A_2231 = arith.constant 0.000000e+00 : f32
    %broadcast_in_dim3A_2232 = vector.broadcast %jit3A_2231 : f32 to vector<16xf32>
    %select_n3A_2233 = arith.select %eq3A_2225, %broadcast_in_dim3A_2232, %get3A_2230 : vector<16xi1>, vector<16xf32>
    %swap3A_2234 = arith.constant 11 : i32
    %swap3A_2235 = arith.index_cast %swap3A_2234 : i32 to index
    %swap3A_2236 = arith.constant 0 : index
    %swap3A_2237 = tpu.vector_load %arg8[%swap3A_2235, %swap3A_2236] {strides = array<i32>} : memref<16x128xf32, #tpu.memory_space<vmem>>, vector<1x16xf32>,
    %swap3A_2238 = vector.shape_cast %swap3A_2237 : vector<1x16xf32> to vector<16xf32>
    %swap3A_2239 = vector.shape_cast %select_n3A_2233 : vector<16xf32> to vector<1x16xf32>
    tpu.vector_store %arg8[%swap3A_2235, %swap3A_2236], %swap3A_2239 {strides = array<i32>} : memref<16x128xf32, #tpu.memory_space<vmem>>, vector<1x16xf32>,
    %add3A_2240 = arith.constant 16 : i32
    %add3A_2241 = vector.broadcast %add3A_2240 : i32 to vector<16xi32>
    %add3A_2242 = arith.addi %iota3A, %add3A_2241 : vector<16xi32>
    %get3A_2243 = arith.constant 11 : i32
    %get3A_2244 = arith.index_cast %get3A_2243 : i32 to index
    %get3A_2245 = arith.constant 0 : index
    %get3A_2246 = tpu.vector_load %arg7[%get3A_2244, %get3A_2245] {strides = array<i32>} : memref<16x16xi32, #tpu.memory_space<vmem>>, vector<1x16xi32>,
    %get3A_2247 = vector.shape_cast %get3A_2246 : vector<1x16xi32> to vector<16xi32>
    %eq3A_2248 = arith.cmpi eq, %add3A_2242, %get3A_2247 : vector<16xi32>
    %get3A_2249 = arith.constant 11 : i32
    %get3A_2250 = arith.index_cast %get3A_2249 : i32 to index
    %get3A_2251 = arith.constant 16 : index
    %get3A_2252 = tpu.vector_load %arg8[%get3A_2250, %get3A_2251] {strides = array<i32>} : memref<16x128xf32, #tpu.memory_space<vmem>>, vector<1x16xf32>,
    %get3A_2253 = vector.shape_cast %get3A_2252 : vector<1x16xf32> to vector<16xf32>
    %jit3A_2254 = arith.constant 0.000000e+00 : f32
    %broadcast_in_dim3A_2255 = vector.broadcast %jit3A_2254 : f32 to vector<16xf32>
    %select_n3A_2256 = arith.select %eq3A_2248, %broadcast_in_dim3A_2255, %get3A_2253 : vector<16xi1>, vector<16xf32>
    %swap3A_2257 = arith.constant 11 : i32
    %swap3A_2258 = arith.index_cast %swap3A_2257 : i32 to index
    %swap3A_2259 = arith.constant 16 : index
    %swap3A_2260 = tpu.vector_load %arg8[%swap3A_2258, %swap3A_2259] {strides = array<i32>} : memref<16x128xf32, #tpu.memory_space<vmem>>, vector<1x16xf32>,
    %swap3A_2261 = vector.shape_cast %swap3A_2260 : vector<1x16xf32> to vector<16xf32>
    %swap3A_2262 = vector.shape_cast %select_n3A_2256 : vector<16xf32> to vector<1x16xf32>
    tpu.vector_store %arg8[%swap3A_2258, %swap3A_2259], %swap3A_2262 {strides = array<i32>} : memref<16x128xf32, #tpu.memory_space<vmem>>, vector<1x16xf32>,
    %add3A_2263 = arith.constant 32 : i32
    %add3A_2264 = vector.broadcast %add3A_2263 : i32 to vector<16xi32>
    %add3A_2265 = arith.addi %iota3A, %add3A_2264 : vector<16xi32>
    %get3A_2266 = arith.constant 11 : i32
    %get3A_2267 = arith.index_cast %get3A_2266 : i32 to index
    %get3A_2268 = arith.constant 0 : index
    %get3A_2269 = tpu.vector_load %arg7[%get3A_2267, %get3A_2268] {strides = array<i32>} : memref<16x16xi32, #tpu.memory_space<vmem>>, vector<1x16xi32>,
    %get3A_2270 = vector.shape_cast %get3A_2269 : vector<1x16xi32> to vector<16xi32>
    %eq3A_2271 = arith.cmpi eq, %add3A_2265, %get3A_2270 : vector<16xi32>
    %get3A_2272 = arith.constant 11 : i32
    %get3A_2273 = arith.index_cast %get3A_2272 : i32 to index
    %get3A_2274 = arith.constant 32 : index
    %get3A_2275 = tpu.vector_load %arg8[%get3A_2273, %get3A_2274] {strides = array<i32>} : memref<16x128xf32, #tpu.memory_space<vmem>>, vector<1x16xf32>,
    %get3A_2276 = vector.shape_cast %get3A_2275 : vector<1x16xf32> to vector<16xf32>
    %jit3A_2277 = arith.constant 0.000000e+00 : f32
    %broadcast_in_dim3A_2278 = vector.broadcast %jit3A_2277 : f32 to vector<16xf32>
    %select_n3A_2279 = arith.select %eq3A_2271, %broadcast_in_dim3A_2278, %get3A_2276 : vector<16xi1>, vector<16xf32>
    %swap3A_2280 = arith.constant 11 : i32
    %swap3A_2281 = arith.index_cast %swap3A_2280 : i32 to index
    %swap3A_2282 = arith.constant 32 : index
    %swap3A_2283 = tpu.vector_load %arg8[%swap3A_2281, %swap3A_2282] {strides = array<i32>} : memref<16x128xf32, #tpu.memory_space<vmem>>, vector<1x16xf32>,
    %swap3A_2284 = vector.shape_cast %swap3A_2283 : vector<1x16xf32> to vector<16xf32>
    %swap3A_2285 = vector.shape_cast %select_n3A_2279 : vector<16xf32> to vector<1x16xf32>
    tpu.vector_store %arg8[%swap3A_2281, %swap3A_2282], %swap3A_2285 {strides = array<i32>} : memref<16x128xf32, #tpu.memory_space<vmem>>, vector<1x16xf32>,
    %add3A_2286 = arith.constant 48 : i32
    %add3A_2287 = vector.broadcast %add3A_2286 : i32 to vector<16xi32>
    %add3A_2288 = arith.addi %iota3A, %add3A_2287 : vector<16xi32>
    %get3A_2289 = arith.constant 11 : i32
    %get3A_2290 = arith.index_cast %get3A_2289 : i32 to index
    %get3A_2291 = arith.constant 0 : index
    %get3A_2292 = tpu.vector_load %arg7[%get3A_2290, %get3A_2291] {strides = array<i32>} : memref<16x16xi32, #tpu.memory_space<vmem>>, vector<1x16xi32>,
    %get3A_2293 = vector.shape_cast %get3A_2292 : vector<1x16xi32> to vector<16xi32>
    %eq3A_2294 = arith.cmpi eq, %add3A_2288, %get3A_2293 : vector<16xi32>
    %get3A_2295 = arith.constant 11 : i32
    %get3A_2296 = arith.index_cast %get3A_2295 : i32 to index
    %get3A_2297 = arith.constant 48 : index
    %get3A_2298 = tpu.vector_load %arg8[%get3A_2296, %get3A_2297] {strides = array<i32>} : memref<16x128xf32, #tpu.memory_space<vmem>>, vector<1x16xf32>,
    %get3A_2299 = vector.shape_cast %get3A_2298 : vector<1x16xf32> to vector<16xf32>
    %jit3A_2300 = arith.constant 0.000000e+00 : f32
    %broadcast_in_dim3A_2301 = vector.broadcast %jit3A_2300 : f32 to vector<16xf32>
    %select_n3A_2302 = arith.select %eq3A_2294, %broadcast_in_dim3A_2301, %get3A_2299 : vector<16xi1>, vector<16xf32>
    %swap3A_2303 = arith.constant 11 : i32
    %swap3A_2304 = arith.index_cast %swap3A_2303 : i32 to index
    %swap3A_2305 = arith.constant 48 : index
    %swap3A_2306 = tpu.vector_load %arg8[%swap3A_2304, %swap3A_2305] {strides = array<i32>} : memref<16x128xf32, #tpu.memory_space<vmem>>, vector<1x16xf32>,
    %swap3A_2307 = vector.shape_cast %swap3A_2306 : vector<1x16xf32> to vector<16xf32>
    %swap3A_2308 = vector.shape_cast %select_n3A_2302 : vector<16xf32> to vector<1x16xf32>
    tpu.vector_store %arg8[%swap3A_2304, %swap3A_2305], %swap3A_2308 {strides = array<i32>} : memref<16x128xf32, #tpu.memory_space<vmem>>, vector<1x16xf32>,
    %add3A_2309 = arith.constant 64 : i32
    %add3A_2310 = vector.broadcast %add3A_2309 : i32 to vector<16xi32>
    %add3A_2311 = arith.addi %iota3A, %add3A_2310 : vector<16xi32>
    %get3A_2312 = arith.constant 11 : i32
    %get3A_2313 = arith.index_cast %get3A_2312 : i32 to index
    %get3A_2314 = arith.constant 0 : index
    %get3A_2315 = tpu.vector_load %arg7[%get3A_2313, %get3A_2314] {strides = array<i32>} : memref<16x16xi32, #tpu.memory_space<vmem>>, vector<1x16xi32>,
    %get3A_2316 = vector.shape_cast %get3A_2315 : vector<1x16xi32> to vector<16xi32>
    %eq3A_2317 = arith.cmpi eq, %add3A_2311, %get3A_2316 : vector<16xi32>
    %get3A_2318 = arith.constant 11 : i32
    %get3A_2319 = arith.index_cast %get3A_2318 : i32 to index
    %get3A_2320 = arith.constant 64 : index
    %get3A_2321 = tpu.vector_load %arg8[%get3A_2319, %get3A_2320] {strides = array<i32>} : memref<16x128xf32, #tpu.memory_space<vmem>>, vector<1x16xf32>,
    %get3A_2322 = vector.shape_cast %get3A_2321 : vector<1x16xf32> to vector<16xf32>
    %jit3A_2323 = arith.constant 0.000000e+00 : f32
    %broadcast_in_dim3A_2324 = vector.broadcast %jit3A_2323 : f32 to vector<16xf32>
    %select_n3A_2325 = arith.select %eq3A_2317, %broadcast_in_dim3A_2324, %get3A_2322 : vector<16xi1>, vector<16xf32>
    %swap3A_2326 = arith.constant 11 : i32
    %swap3A_2327 = arith.index_cast %swap3A_2326 : i32 to index
    %swap3A_2328 = arith.constant 64 : index
    %swap3A_2329 = tpu.vector_load %arg8[%swap3A_2327, %swap3A_2328] {strides = array<i32>} : memref<16x128xf32, #tpu.memory_space<vmem>>, vector<1x16xf32>,
    %swap3A_2330 = vector.shape_cast %swap3A_2329 : vector<1x16xf32> to vector<16xf32>
    %swap3A_2331 = vector.shape_cast %select_n3A_2325 : vector<16xf32> to vector<1x16xf32>
    tpu.vector_store %arg8[%swap3A_2327, %swap3A_2328], %swap3A_2331 {strides = array<i32>} : memref<16x128xf32, #tpu.memory_space<vmem>>, vector<1x16xf32>,
    %add3A_2332 = arith.constant 80 : i32
    %add3A_2333 = vector.broadcast %add3A_2332 : i32 to vector<16xi32>
    %add3A_2334 = arith.addi %iota3A, %add3A_2333 : vector<16xi32>
    %get3A_2335 = arith.constant 11 : i32
    %get3A_2336 = arith.index_cast %get3A_2335 : i32 to index
    %get3A_2337 = arith.constant 0 : index
    %get3A_2338 = tpu.vector_load %arg7[%get3A_2336, %get3A_2337] {strides = array<i32>} : memref<16x16xi32, #tpu.memory_space<vmem>>, vector<1x16xi32>,
    %get3A_2339 = vector.shape_cast %get3A_2338 : vector<1x16xi32> to vector<16xi32>
    %eq3A_2340 = arith.cmpi eq, %add3A_2334, %get3A_2339 : vector<16xi32>
    %get3A_2341 = arith.constant 11 : i32
    %get3A_2342 = arith.index_cast %get3A_2341 : i32 to index
    %get3A_2343 = arith.constant 80 : index
    %get3A_2344 = tpu.vector_load %arg8[%get3A_2342, %get3A_2343] {strides = array<i32>} : memref<16x128xf32, #tpu.memory_space<vmem>>, vector<1x16xf32>,
    %get3A_2345 = vector.shape_cast %get3A_2344 : vector<1x16xf32> to vector<16xf32>
    %jit3A_2346 = arith.constant 0.000000e+00 : f32
    %broadcast_in_dim3A_2347 = vector.broadcast %jit3A_2346 : f32 to vector<16xf32>
    %select_n3A_2348 = arith.select %eq3A_2340, %broadcast_in_dim3A_2347, %get3A_2345 : vector<16xi1>, vector<16xf32>
    %swap3A_2349 = arith.constant 11 : i32
    %swap3A_2350 = arith.index_cast %swap3A_2349 : i32 to index
    %swap3A_2351 = arith.constant 80 : index
    %swap3A_2352 = tpu.vector_load %arg8[%swap3A_2350, %swap3A_2351] {strides = array<i32>} : memref<16x128xf32, #tpu.memory_space<vmem>>, vector<1x16xf32>,
    %swap3A_2353 = vector.shape_cast %swap3A_2352 : vector<1x16xf32> to vector<16xf32>
    %swap3A_2354 = vector.shape_cast %select_n3A_2348 : vector<16xf32> to vector<1x16xf32>
    tpu.vector_store %arg8[%swap3A_2350, %swap3A_2351], %swap3A_2354 {strides = array<i32>} : memref<16x128xf32, #tpu.memory_space<vmem>>, vector<1x16xf32>,
    %add3A_2355 = arith.constant 96 : i32
    %add3A_2356 = vector.broadcast %add3A_2355 : i32 to vector<16xi32>
    %add3A_2357 = arith.addi %iota3A, %add3A_2356 : vector<16xi32>
    %get3A_2358 = arith.constant 11 : i32
    %get3A_2359 = arith.index_cast %get3A_2358 : i32 to index
    %get3A_2360 = arith.constant 0 : index
    %get3A_2361 = tpu.vector_load %arg7[%get3A_2359, %get3A_2360] {strides = array<i32>} : memref<16x16xi32, #tpu.memory_space<vmem>>, vector<1x16xi32>,
    %get3A_2362 = vector.shape_cast %get3A_2361 : vector<1x16xi32> to vector<16xi32>
    %eq3A_2363 = arith.cmpi eq, %add3A_2357, %get3A_2362 : vector<16xi32>
    %get3A_2364 = arith.constant 11 : i32
    %get3A_2365 = arith.index_cast %get3A_2364 : i32 to index
    %get3A_2366 = arith.constant 96 : index
    %get3A_2367 = tpu.vector_load %arg8[%get3A_2365, %get3A_2366] {strides = array<i32>} : memref<16x128xf32, #tpu.memory_space<vmem>>, vector<1x16xf32>,
    %get3A_2368 = vector.shape_cast %get3A_2367 : vector<1x16xf32> to vector<16xf32>
    %jit3A_2369 = arith.constant 0.000000e+00 : f32
    %broadcast_in_dim3A_2370 = vector.broadcast %jit3A_2369 : f32 to vector<16xf32>
    %select_n3A_2371 = arith.select %eq3A_2363, %broadcast_in_dim3A_2370, %get3A_2368 : vector<16xi1>, vector<16xf32>
    %swap3A_2372 = arith.constant 11 : i32
    %swap3A_2373 = arith.index_cast %swap3A_2372 : i32 to index
    %swap3A_2374 = arith.constant 96 : index
    %swap3A_2375 = tpu.vector_load %arg8[%swap3A_2373, %swap3A_2374] {strides = array<i32>} : memref<16x128xf32, #tpu.memory_space<vmem>>, vector<1x16xf32>,
    %swap3A_2376 = vector.shape_cast %swap3A_2375 : vector<1x16xf32> to vector<16xf32>
    %swap3A_2377 = vector.shape_cast %select_n3A_2371 : vector<16xf32> to vector<1x16xf32>
    tpu.vector_store %arg8[%swap3A_2373, %swap3A_2374], %swap3A_2377 {strides = array<i32>} : memref<16x128xf32, #tpu.memory_space<vmem>>, vector<1x16xf32>,
    %add3A_2378 = arith.constant 112 : i32
    %add3A_2379 = vector.broadcast %add3A_2378 : i32 to vector<16xi32>
    %add3A_2380 = arith.addi %iota3A, %add3A_2379 : vector<16xi32>
    %get3A_2381 = arith.constant 11 : i32
    %get3A_2382 = arith.index_cast %get3A_2381 : i32 to index
    %get3A_2383 = arith.constant 0 : index
    %get3A_2384 = tpu.vector_load %arg7[%get3A_2382, %get3A_2383] {strides = array<i32>} : memref<16x16xi32, #tpu.memory_space<vmem>>, vector<1x16xi32>,
    %get3A_2385 = vector.shape_cast %get3A_2384 : vector<1x16xi32> to vector<16xi32>
    %eq3A_2386 = arith.cmpi eq, %add3A_2380, %get3A_2385 : vector<16xi32>
    %get3A_2387 = arith.constant 11 : i32
    %get3A_2388 = arith.index_cast %get3A_2387 : i32 to index
    %get3A_2389 = arith.constant 112 : index
    %get3A_2390 = tpu.vector_load %arg8[%get3A_2388, %get3A_2389] {strides = array<i32>} : memref<16x128xf32, #tpu.memory_space<vmem>>, vector<1x16xf32>,
    %get3A_2391 = vector.shape_cast %get3A_2390 : vector<1x16xf32> to vector<16xf32>
    %jit3A_2392 = arith.constant 0.000000e+00 : f32
    %broadcast_in_dim3A_2393 = vector.broadcast %jit3A_2392 : f32 to vector<16xf32>
    %select_n3A_2394 = arith.select %eq3A_2386, %broadcast_in_dim3A_2393, %get3A_2391 : vector<16xi1>, vector<16xf32>
    %swap3A_2395 = arith.constant 11 : i32
    %swap3A_2396 = arith.index_cast %swap3A_2395 : i32 to index
    %swap3A_2397 = arith.constant 112 : index
    %swap3A_2398 = tpu.vector_load %arg8[%swap3A_2396, %swap3A_2397] {strides = array<i32>} : memref<16x128xf32, #tpu.memory_space<vmem>>, vector<1x16xf32>,
    %swap3A_2399 = vector.shape_cast %swap3A_2398 : vector<1x16xf32> to vector<16xf32>
    %swap3A_2400 = vector.shape_cast %select_n3A_2394 : vector<16xf32> to vector<1x16xf32>
    tpu.vector_store %arg8[%swap3A_2396, %swap3A_2397], %swap3A_2400 {strides = array<i32>} : memref<16x128xf32, #tpu.memory_space<vmem>>, vector<1x16xf32>,
    %add3A_2401 = arith.constant 0 : i32
    %add3A_2402 = vector.broadcast %add3A_2401 : i32 to vector<16xi32>
    %add3A_2403 = arith.addi %iota3A, %add3A_2402 : vector<16xi32>
    %get3A_2404 = arith.constant 12 : i32
    %get3A_2405 = arith.index_cast %get3A_2404 : i32 to index
    %get3A_2406 = arith.constant 0 : index
    %get3A_2407 = tpu.vector_load %arg7[%get3A_2405, %get3A_2406] {strides = array<i32>} : memref<16x16xi32, #tpu.memory_space<vmem>>, vector<1x16xi32>,
    %get3A_2408 = vector.shape_cast %get3A_2407 : vector<1x16xi32> to vector<16xi32>
    %eq3A_2409 = arith.cmpi eq, %add3A_2403, %get3A_2408 : vector<16xi32>
    %get3A_2410 = arith.constant 12 : i32
    %get3A_2411 = arith.index_cast %get3A_2410 : i32 to index
    %get3A_2412 = arith.constant 0 : index
    %get3A_2413 = tpu.vector_load %arg8[%get3A_2411, %get3A_2412] {strides = array<i32>} : memref<16x128xf32, #tpu.memory_space<vmem>>, vector<1x16xf32>,
    %get3A_2414 = vector.shape_cast %get3A_2413 : vector<1x16xf32> to vector<16xf32>
    %jit3A_2415 = arith.constant 0.000000e+00 : f32
    %broadcast_in_dim3A_2416 = vector.broadcast %jit3A_2415 : f32 to vector<16xf32>
    %select_n3A_2417 = arith.select %eq3A_2409, %broadcast_in_dim3A_2416, %get3A_2414 : vector<16xi1>, vector<16xf32>
    %swap3A_2418 = arith.constant 12 : i32
    %swap3A_2419 = arith.index_cast %swap3A_2418 : i32 to index
    %swap3A_2420 = arith.constant 0 : index
    %swap3A_2421 = tpu.vector_load %arg8[%swap3A_2419, %swap3A_2420] {strides = array<i32>} : memref<16x128xf32, #tpu.memory_space<vmem>>, vector<1x16xf32>,
    %swap3A_2422 = vector.shape_cast %swap3A_2421 : vector<1x16xf32> to vector<16xf32>
    %swap3A_2423 = vector.shape_cast %select_n3A_2417 : vector<16xf32> to vector<1x16xf32>
    tpu.vector_store %arg8[%swap3A_2419, %swap3A_2420], %swap3A_2423 {strides = array<i32>} : memref<16x128xf32, #tpu.memory_space<vmem>>, vector<1x16xf32>,
    %add3A_2424 = arith.constant 16 : i32
    %add3A_2425 = vector.broadcast %add3A_2424 : i32 to vector<16xi32>
    %add3A_2426 = arith.addi %iota3A, %add3A_2425 : vector<16xi32>
    %get3A_2427 = arith.constant 12 : i32
    %get3A_2428 = arith.index_cast %get3A_2427 : i32 to index
    %get3A_2429 = arith.constant 0 : index
    %get3A_2430 = tpu.vector_load %arg7[%get3A_2428, %get3A_2429] {strides = array<i32>} : memref<16x16xi32, #tpu.memory_space<vmem>>, vector<1x16xi32>,
    %get3A_2431 = vector.shape_cast %get3A_2430 : vector<1x16xi32> to vector<16xi32>
    %eq3A_2432 = arith.cmpi eq, %add3A_2426, %get3A_2431 : vector<16xi32>
    %get3A_2433 = arith.constant 12 : i32
    %get3A_2434 = arith.index_cast %get3A_2433 : i32 to index
    %get3A_2435 = arith.constant 16 : index
    %get3A_2436 = tpu.vector_load %arg8[%get3A_2434, %get3A_2435] {strides = array<i32>} : memref<16x128xf32, #tpu.memory_space<vmem>>, vector<1x16xf32>,
    %get3A_2437 = vector.shape_cast %get3A_2436 : vector<1x16xf32> to vector<16xf32>
    %jit3A_2438 = arith.constant 0.000000e+00 : f32
    %broadcast_in_dim3A_2439 = vector.broadcast %jit3A_2438 : f32 to vector<16xf32>
    %select_n3A_2440 = arith.select %eq3A_2432, %broadcast_in_dim3A_2439, %get3A_2437 : vector<16xi1>, vector<16xf32>
    %swap3A_2441 = arith.constant 12 : i32
    %swap3A_2442 = arith.index_cast %swap3A_2441 : i32 to index
    %swap3A_2443 = arith.constant 16 : index
    %swap3A_2444 = tpu.vector_load %arg8[%swap3A_2442, %swap3A_2443] {strides = array<i32>} : memref<16x128xf32, #tpu.memory_space<vmem>>, vector<1x16xf32>,
    %swap3A_2445 = vector.shape_cast %swap3A_2444 : vector<1x16xf32> to vector<16xf32>
    %swap3A_2446 = vector.shape_cast %select_n3A_2440 : vector<16xf32> to vector<1x16xf32>
    tpu.vector_store %arg8[%swap3A_2442, %swap3A_2443], %swap3A_2446 {strides = array<i32>} : memref<16x128xf32, #tpu.memory_space<vmem>>, vector<1x16xf32>,
    %add3A_2447 = arith.constant 32 : i32
    %add3A_2448 = vector.broadcast %add3A_2447 : i32 to vector<16xi32>
    %add3A_2449 = arith.addi %iota3A, %add3A_2448 : vector<16xi32>
    %get3A_2450 = arith.constant 12 : i32
    %get3A_2451 = arith.index_cast %get3A_2450 : i32 to index
    %get3A_2452 = arith.constant 0 : index
    %get3A_2453 = tpu.vector_load %arg7[%get3A_2451, %get3A_2452] {strides = array<i32>} : memref<16x16xi32, #tpu.memory_space<vmem>>, vector<1x16xi32>,
    %get3A_2454 = vector.shape_cast %get3A_2453 : vector<1x16xi32> to vector<16xi32>
    %eq3A_2455 = arith.cmpi eq, %add3A_2449, %get3A_2454 : vector<16xi32>
    %get3A_2456 = arith.constant 12 : i32
    %get3A_2457 = arith.index_cast %get3A_2456 : i32 to index
    %get3A_2458 = arith.constant 32 : index
    %get3A_2459 = tpu.vector_load %arg8[%get3A_2457, %get3A_2458] {strides = array<i32>} : memref<16x128xf32, #tpu.memory_space<vmem>>, vector<1x16xf32>,
    %get3A_2460 = vector.shape_cast %get3A_2459 : vector<1x16xf32> to vector<16xf32>
    %jit3A_2461 = arith.constant 0.000000e+00 : f32
    %broadcast_in_dim3A_2462 = vector.broadcast %jit3A_2461 : f32 to vector<16xf32>
    %select_n3A_2463 = arith.select %eq3A_2455, %broadcast_in_dim3A_2462, %get3A_2460 : vector<16xi1>, vector<16xf32>
    %swap3A_2464 = arith.constant 12 : i32
    %swap3A_2465 = arith.index_cast %swap3A_2464 : i32 to index
    %swap3A_2466 = arith.constant 32 : index
    %swap3A_2467 = tpu.vector_load %arg8[%swap3A_2465, %swap3A_2466] {strides = array<i32>} : memref<16x128xf32, #tpu.memory_space<vmem>>, vector<1x16xf32>,
    %swap3A_2468 = vector.shape_cast %swap3A_2467 : vector<1x16xf32> to vector<16xf32>
    %swap3A_2469 = vector.shape_cast %select_n3A_2463 : vector<16xf32> to vector<1x16xf32>
    tpu.vector_store %arg8[%swap3A_2465, %swap3A_2466], %swap3A_2469 {strides = array<i32>} : memref<16x128xf32, #tpu.memory_space<vmem>>, vector<1x16xf32>,
    %add3A_2470 = arith.constant 48 : i32
    %add3A_2471 = vector.broadcast %add3A_2470 : i32 to vector<16xi32>
    %add3A_2472 = arith.addi %iota3A, %add3A_2471 : vector<16xi32>
    %get3A_2473 = arith.constant 12 : i32
    %get3A_2474 = arith.index_cast %get3A_2473 : i32 to index
    %get3A_2475 = arith.constant 0 : index
    %get3A_2476 = tpu.vector_load %arg7[%get3A_2474, %get3A_2475] {strides = array<i32>} : memref<16x16xi32, #tpu.memory_space<vmem>>, vector<1x16xi32>,
    %get3A_2477 = vector.shape_cast %get3A_2476 : vector<1x16xi32> to vector<16xi32>
    %eq3A_2478 = arith.cmpi eq, %add3A_2472, %get3A_2477 : vector<16xi32>
    %get3A_2479 = arith.constant 12 : i32
    %get3A_2480 = arith.index_cast %get3A_2479 : i32 to index
    %get3A_2481 = arith.constant 48 : index
    %get3A_2482 = tpu.vector_load %arg8[%get3A_2480, %get3A_2481] {strides = array<i32>} : memref<16x128xf32, #tpu.memory_space<vmem>>, vector<1x16xf32>,
    %get3A_2483 = vector.shape_cast %get3A_2482 : vector<1x16xf32> to vector<16xf32>
    %jit3A_2484 = arith.constant 0.000000e+00 : f32
    %broadcast_in_dim3A_2485 = vector.broadcast %jit3A_2484 : f32 to vector<16xf32>
    %select_n3A_2486 = arith.select %eq3A_2478, %broadcast_in_dim3A_2485, %get3A_2483 : vector<16xi1>, vector<16xf32>
    %swap3A_2487 = arith.constant 12 : i32
    %swap3A_2488 = arith.index_cast %swap3A_2487 : i32 to index
    %swap3A_2489 = arith.constant 48 : index
    %swap3A_2490 = tpu.vector_load %arg8[%swap3A_2488, %swap3A_2489] {strides = array<i32>} : memref<16x128xf32, #tpu.memory_space<vmem>>, vector<1x16xf32>,
    %swap3A_2491 = vector.shape_cast %swap3A_2490 : vector<1x16xf32> to vector<16xf32>
    %swap3A_2492 = vector.shape_cast %select_n3A_2486 : vector<16xf32> to vector<1x16xf32>
    tpu.vector_store %arg8[%swap3A_2488, %swap3A_2489], %swap3A_2492 {strides = array<i32>} : memref<16x128xf32, #tpu.memory_space<vmem>>, vector<1x16xf32>,
    %add3A_2493 = arith.constant 64 : i32
    %add3A_2494 = vector.broadcast %add3A_2493 : i32 to vector<16xi32>
    %add3A_2495 = arith.addi %iota3A, %add3A_2494 : vector<16xi32>
    %get3A_2496 = arith.constant 12 : i32
    %get3A_2497 = arith.index_cast %get3A_2496 : i32 to index
    %get3A_2498 = arith.constant 0 : index
    %get3A_2499 = tpu.vector_load %arg7[%get3A_2497, %get3A_2498] {strides = array<i32>} : memref<16x16xi32, #tpu.memory_space<vmem>>, vector<1x16xi32>,
    %get3A_2500 = vector.shape_cast %get3A_2499 : vector<1x16xi32> to vector<16xi32>
    %eq3A_2501 = arith.cmpi eq, %add3A_2495, %get3A_2500 : vector<16xi32>
    %get3A_2502 = arith.constant 12 : i32
    %get3A_2503 = arith.index_cast %get3A_2502 : i32 to index
    %get3A_2504 = arith.constant 64 : index
    %get3A_2505 = tpu.vector_load %arg8[%get3A_2503, %get3A_2504] {strides = array<i32>} : memref<16x128xf32, #tpu.memory_space<vmem>>, vector<1x16xf32>,
    %get3A_2506 = vector.shape_cast %get3A_2505 : vector<1x16xf32> to vector<16xf32>
    %jit3A_2507 = arith.constant 0.000000e+00 : f32
    %broadcast_in_dim3A_2508 = vector.broadcast %jit3A_2507 : f32 to vector<16xf32>
    %select_n3A_2509 = arith.select %eq3A_2501, %broadcast_in_dim3A_2508, %get3A_2506 : vector<16xi1>, vector<16xf32>
    %swap3A_2510 = arith.constant 12 : i32
    %swap3A_2511 = arith.index_cast %swap3A_2510 : i32 to index
    %swap3A_2512 = arith.constant 64 : index
    %swap3A_2513 = tpu.vector_load %arg8[%swap3A_2511, %swap3A_2512] {strides = array<i32>} : memref<16x128xf32, #tpu.memory_space<vmem>>, vector<1x16xf32>,
    %swap3A_2514 = vector.shape_cast %swap3A_2513 : vector<1x16xf32> to vector<16xf32>
    %swap3A_2515 = vector.shape_cast %select_n3A_2509 : vector<16xf32> to vector<1x16xf32>
    tpu.vector_store %arg8[%swap3A_2511, %swap3A_2512], %swap3A_2515 {strides = array<i32>} : memref<16x128xf32, #tpu.memory_space<vmem>>, vector<1x16xf32>,
    %add3A_2516 = arith.constant 80 : i32
    %add3A_2517 = vector.broadcast %add3A_2516 : i32 to vector<16xi32>
    %add3A_2518 = arith.addi %iota3A, %add3A_2517 : vector<16xi32>
    %get3A_2519 = arith.constant 12 : i32
    %get3A_2520 = arith.index_cast %get3A_2519 : i32 to index
    %get3A_2521 = arith.constant 0 : index
    %get3A_2522 = tpu.vector_load %arg7[%get3A_2520, %get3A_2521] {strides = array<i32>} : memref<16x16xi32, #tpu.memory_space<vmem>>, vector<1x16xi32>,
    %get3A_2523 = vector.shape_cast %get3A_2522 : vector<1x16xi32> to vector<16xi32>
    %eq3A_2524 = arith.cmpi eq, %add3A_2518, %get3A_2523 : vector<16xi32>
    %get3A_2525 = arith.constant 12 : i32
    %get3A_2526 = arith.index_cast %get3A_2525 : i32 to index
    %get3A_2527 = arith.constant 80 : index
    %get3A_2528 = tpu.vector_load %arg8[%get3A_2526, %get3A_2527] {strides = array<i32>} : memref<16x128xf32, #tpu.memory_space<vmem>>, vector<1x16xf32>,
    %get3A_2529 = vector.shape_cast %get3A_2528 : vector<1x16xf32> to vector<16xf32>
    %jit3A_2530 = arith.constant 0.000000e+00 : f32
    %broadcast_in_dim3A_2531 = vector.broadcast %jit3A_2530 : f32 to vector<16xf32>
    %select_n3A_2532 = arith.select %eq3A_2524, %broadcast_in_dim3A_2531, %get3A_2529 : vector<16xi1>, vector<16xf32>
    %swap3A_2533 = arith.constant 12 : i32
    %swap3A_2534 = arith.index_cast %swap3A_2533 : i32 to index
    %swap3A_2535 = arith.constant 80 : index
    %swap3A_2536 = tpu.vector_load %arg8[%swap3A_2534, %swap3A_2535] {strides = array<i32>} : memref<16x128xf32, #tpu.memory_space<vmem>>, vector<1x16xf32>,
    %swap3A_2537 = vector.shape_cast %swap3A_2536 : vector<1x16xf32> to vector<16xf32>
    %swap3A_2538 = vector.shape_cast %select_n3A_2532 : vector<16xf32> to vector<1x16xf32>
    tpu.vector_store %arg8[%swap3A_2534, %swap3A_2535], %swap3A_2538 {strides = array<i32>} : memref<16x128xf32, #tpu.memory_space<vmem>>, vector<1x16xf32>,
    %add3A_2539 = arith.constant 96 : i32
    %add3A_2540 = vector.broadcast %add3A_2539 : i32 to vector<16xi32>
    %add3A_2541 = arith.addi %iota3A, %add3A_2540 : vector<16xi32>
    %get3A_2542 = arith.constant 12 : i32
    %get3A_2543 = arith.index_cast %get3A_2542 : i32 to index
    %get3A_2544 = arith.constant 0 : index
    %get3A_2545 = tpu.vector_load %arg7[%get3A_2543, %get3A_2544] {strides = array<i32>} : memref<16x16xi32, #tpu.memory_space<vmem>>, vector<1x16xi32>,
    %get3A_2546 = vector.shape_cast %get3A_2545 : vector<1x16xi32> to vector<16xi32>
    %eq3A_2547 = arith.cmpi eq, %add3A_2541, %get3A_2546 : vector<16xi32>
    %get3A_2548 = arith.constant 12 : i32
    %get3A_2549 = arith.index_cast %get3A_2548 : i32 to index
    %get3A_2550 = arith.constant 96 : index
    %get3A_2551 = tpu.vector_load %arg8[%get3A_2549, %get3A_2550] {strides = array<i32>} : memref<16x128xf32, #tpu.memory_space<vmem>>, vector<1x16xf32>,
    %get3A_2552 = vector.shape_cast %get3A_2551 : vector<1x16xf32> to vector<16xf32>
    %jit3A_2553 = arith.constant 0.000000e+00 : f32
    %broadcast_in_dim3A_2554 = vector.broadcast %jit3A_2553 : f32 to vector<16xf32>
    %select_n3A_2555 = arith.select %eq3A_2547, %broadcast_in_dim3A_2554, %get3A_2552 : vector<16xi1>, vector<16xf32>
    %swap3A_2556 = arith.constant 12 : i32
    %swap3A_2557 = arith.index_cast %swap3A_2556 : i32 to index
    %swap3A_2558 = arith.constant 96 : index
    %swap3A_2559 = tpu.vector_load %arg8[%swap3A_2557, %swap3A_2558] {strides = array<i32>} : memref<16x128xf32, #tpu.memory_space<vmem>>, vector<1x16xf32>,
    %swap3A_2560 = vector.shape_cast %swap3A_2559 : vector<1x16xf32> to vector<16xf32>
    %swap3A_2561 = vector.shape_cast %select_n3A_2555 : vector<16xf32> to vector<1x16xf32>
    tpu.vector_store %arg8[%swap3A_2557, %swap3A_2558], %swap3A_2561 {strides = array<i32>} : memref<16x128xf32, #tpu.memory_space<vmem>>, vector<1x16xf32>,
    %add3A_2562 = arith.constant 112 : i32
    %add3A_2563 = vector.broadcast %add3A_2562 : i32 to vector<16xi32>
    %add3A_2564 = arith.addi %iota3A, %add3A_2563 : vector<16xi32>
    %get3A_2565 = arith.constant 12 : i32
    %get3A_2566 = arith.index_cast %get3A_2565 : i32 to index
    %get3A_2567 = arith.constant 0 : index
    %get3A_2568 = tpu.vector_load %arg7[%get3A_2566, %get3A_2567] {strides = array<i32>} : memref<16x16xi32, #tpu.memory_space<vmem>>, vector<1x16xi32>,
    %get3A_2569 = vector.shape_cast %get3A_2568 : vector<1x16xi32> to vector<16xi32>
    %eq3A_2570 = arith.cmpi eq, %add3A_2564, %get3A_2569 : vector<16xi32>
    %get3A_2571 = arith.constant 12 : i32
    %get3A_2572 = arith.index_cast %get3A_2571 : i32 to index
    %get3A_2573 = arith.constant 112 : index
    %get3A_2574 = tpu.vector_load %arg8[%get3A_2572, %get3A_2573] {strides = array<i32>} : memref<16x128xf32, #tpu.memory_space<vmem>>, vector<1x16xf32>,
    %get3A_2575 = vector.shape_cast %get3A_2574 : vector<1x16xf32> to vector<16xf32>
    %jit3A_2576 = arith.constant 0.000000e+00 : f32
    %broadcast_in_dim3A_2577 = vector.broadcast %jit3A_2576 : f32 to vector<16xf32>
    %select_n3A_2578 = arith.select %eq3A_2570, %broadcast_in_dim3A_2577, %get3A_2575 : vector<16xi1>, vector<16xf32>
    %swap3A_2579 = arith.constant 12 : i32
    %swap3A_2580 = arith.index_cast %swap3A_2579 : i32 to index
    %swap3A_2581 = arith.constant 112 : index
    %swap3A_2582 = tpu.vector_load %arg8[%swap3A_2580, %swap3A_2581] {strides = array<i32>} : memref<16x128xf32, #tpu.memory_space<vmem>>, vector<1x16xf32>,
    %swap3A_2583 = vector.shape_cast %swap3A_2582 : vector<1x16xf32> to vector<16xf32>
    %swap3A_2584 = vector.shape_cast %select_n3A_2578 : vector<16xf32> to vector<1x16xf32>
    tpu.vector_store %arg8[%swap3A_2580, %swap3A_2581], %swap3A_2584 {strides = array<i32>} : memref<16x128xf32, #tpu.memory_space<vmem>>, vector<1x16xf32>,
    %add3A_2585 = arith.constant 0 : i32
    %add3A_2586 = vector.broadcast %add3A_2585 : i32 to vector<16xi32>
    %add3A_2587 = arith.addi %iota3A, %add3A_2586 : vector<16xi32>
    %get3A_2588 = arith.constant 13 : i32
    %get3A_2589 = arith.index_cast %get3A_2588 : i32 to index
    %get3A_2590 = arith.constant 0 : index
    %get3A_2591 = tpu.vector_load %arg7[%get3A_2589, %get3A_2590] {strides = array<i32>} : memref<16x16xi32, #tpu.memory_space<vmem>>, vector<1x16xi32>,
    %get3A_2592 = vector.shape_cast %get3A_2591 : vector<1x16xi32> to vector<16xi32>
    %eq3A_2593 = arith.cmpi eq, %add3A_2587, %get3A_2592 : vector<16xi32>
    %get3A_2594 = arith.constant 13 : i32
    %get3A_2595 = arith.index_cast %get3A_2594 : i32 to index
    %get3A_2596 = arith.constant 0 : index
    %get3A_2597 = tpu.vector_load %arg8[%get3A_2595, %get3A_2596] {strides = array<i32>} : memref<16x128xf32, #tpu.memory_space<vmem>>, vector<1x16xf32>,
    %get3A_2598 = vector.shape_cast %get3A_2597 : vector<1x16xf32> to vector<16xf32>
    %jit3A_2599 = arith.constant 0.000000e+00 : f32
    %broadcast_in_dim3A_2600 = vector.broadcast %jit3A_2599 : f32 to vector<16xf32>
    %select_n3A_2601 = arith.select %eq3A_2593, %broadcast_in_dim3A_2600, %get3A_2598 : vector<16xi1>, vector<16xf32>
    %swap3A_2602 = arith.constant 13 : i32
    %swap3A_2603 = arith.index_cast %swap3A_2602 : i32 to index
    %swap3A_2604 = arith.constant 0 : index
    %swap3A_2605 = tpu.vector_load %arg8[%swap3A_2603, %swap3A_2604] {strides = array<i32>} : memref<16x128xf32, #tpu.memory_space<vmem>>, vector<1x16xf32>,
    %swap3A_2606 = vector.shape_cast %swap3A_2605 : vector<1x16xf32> to vector<16xf32>
    %swap3A_2607 = vector.shape_cast %select_n3A_2601 : vector<16xf32> to vector<1x16xf32>
    tpu.vector_store %arg8[%swap3A_2603, %swap3A_2604], %swap3A_2607 {strides = array<i32>} : memref<16x128xf32, #tpu.memory_space<vmem>>, vector<1x16xf32>,
    %add3A_2608 = arith.constant 16 : i32
    %add3A_2609 = vector.broadcast %add3A_2608 : i32 to vector<16xi32>
    %add3A_2610 = arith.addi %iota3A, %add3A_2609 : vector<16xi32>
    %get3A_2611 = arith.constant 13 : i32
    %get3A_2612 = arith.index_cast %get3A_2611 : i32 to index
    %get3A_2613 = arith.constant 0 : index
    %get3A_2614 = tpu.vector_load %arg7[%get3A_2612, %get3A_2613] {strides = array<i32>} : memref<16x16xi32, #tpu.memory_space<vmem>>, vector<1x16xi32>,
    %get3A_2615 = vector.shape_cast %get3A_2614 : vector<1x16xi32> to vector<16xi32>
    %eq3A_2616 = arith.cmpi eq, %add3A_2610, %get3A_2615 : vector<16xi32>
    %get3A_2617 = arith.constant 13 : i32
    %get3A_2618 = arith.index_cast %get3A_2617 : i32 to index
    %get3A_2619 = arith.constant 16 : index
    %get3A_2620 = tpu.vector_load %arg8[%get3A_2618, %get3A_2619] {strides = array<i32>} : memref<16x128xf32, #tpu.memory_space<vmem>>, vector<1x16xf32>,
    %get3A_2621 = vector.shape_cast %get3A_2620 : vector<1x16xf32> to vector<16xf32>
    %jit3A_2622 = arith.constant 0.000000e+00 : f32
    %broadcast_in_dim3A_2623 = vector.broadcast %jit3A_2622 : f32 to vector<16xf32>
    %select_n3A_2624 = arith.select %eq3A_2616, %broadcast_in_dim3A_2623, %get3A_2621 : vector<16xi1>, vector<16xf32>
    %swap3A_2625 = arith.constant 13 : i32
    %swap3A_2626 = arith.index_cast %swap3A_2625 : i32 to index
    %swap3A_2627 = arith.constant 16 : index
    %swap3A_2628 = tpu.vector_load %arg8[%swap3A_2626, %swap3A_2627] {strides = array<i32>} : memref<16x128xf32, #tpu.memory_space<vmem>>, vector<1x16xf32>,
    %swap3A_2629 = vector.shape_cast %swap3A_2628 : vector<1x16xf32> to vector<16xf32>
    %swap3A_2630 = vector.shape_cast %select_n3A_2624 : vector<16xf32> to vector<1x16xf32>
    tpu.vector_store %arg8[%swap3A_2626, %swap3A_2627], %swap3A_2630 {strides = array<i32>} : memref<16x128xf32, #tpu.memory_space<vmem>>, vector<1x16xf32>,
    %add3A_2631 = arith.constant 32 : i32
    %add3A_2632 = vector.broadcast %add3A_2631 : i32 to vector<16xi32>
    %add3A_2633 = arith.addi %iota3A, %add3A_2632 : vector<16xi32>
    %get3A_2634 = arith.constant 13 : i32
    %get3A_2635 = arith.index_cast %get3A_2634 : i32 to index
    %get3A_2636 = arith.constant 0 : index
    %get3A_2637 = tpu.vector_load %arg7[%get3A_2635, %get3A_2636] {strides = array<i32>} : memref<16x16xi32, #tpu.memory_space<vmem>>, vector<1x16xi32>,
    %get3A_2638 = vector.shape_cast %get3A_2637 : vector<1x16xi32> to vector<16xi32>
    %eq3A_2639 = arith.cmpi eq, %add3A_2633, %get3A_2638 : vector<16xi32>
    %get3A_2640 = arith.constant 13 : i32
    %get3A_2641 = arith.index_cast %get3A_2640 : i32 to index
    %get3A_2642 = arith.constant 32 : index
    %get3A_2643 = tpu.vector_load %arg8[%get3A_2641, %get3A_2642] {strides = array<i32>} : memref<16x128xf32, #tpu.memory_space<vmem>>, vector<1x16xf32>,
    %get3A_2644 = vector.shape_cast %get3A_2643 : vector<1x16xf32> to vector<16xf32>
    %jit3A_2645 = arith.constant 0.000000e+00 : f32
    %broadcast_in_dim3A_2646 = vector.broadcast %jit3A_2645 : f32 to vector<16xf32>
    %select_n3A_2647 = arith.select %eq3A_2639, %broadcast_in_dim3A_2646, %get3A_2644 : vector<16xi1>, vector<16xf32>
    %swap3A_2648 = arith.constant 13 : i32
    %swap3A_2649 = arith.index_cast %swap3A_2648 : i32 to index
    %swap3A_2650 = arith.constant 32 : index
    %swap3A_2651 = tpu.vector_load %arg8[%swap3A_2649, %swap3A_2650] {strides = array<i32>} : memref<16x128xf32, #tpu.memory_space<vmem>>, vector<1x16xf32>,
    %swap3A_2652 = vector.shape_cast %swap3A_2651 : vector<1x16xf32> to vector<16xf32>
    %swap3A_2653 = vector.shape_cast %select_n3A_2647 : vector<16xf32> to vector<1x16xf32>
    tpu.vector_store %arg8[%swap3A_2649, %swap3A_2650], %swap3A_2653 {strides = array<i32>} : memref<16x128xf32, #tpu.memory_space<vmem>>, vector<1x16xf32>,
    %add3A_2654 = arith.constant 48 : i32
    %add3A_2655 = vector.broadcast %add3A_2654 : i32 to vector<16xi32>
    %add3A_2656 = arith.addi %iota3A, %add3A_2655 : vector<16xi32>
    %get3A_2657 = arith.constant 13 : i32
    %get3A_2658 = arith.index_cast %get3A_2657 : i32 to index
    %get3A_2659 = arith.constant 0 : index
    %get3A_2660 = tpu.vector_load %arg7[%get3A_2658, %get3A_2659] {strides = array<i32>} : memref<16x16xi32, #tpu.memory_space<vmem>>, vector<1x16xi32>,
    %get3A_2661 = vector.shape_cast %get3A_2660 : vector<1x16xi32> to vector<16xi32>
    %eq3A_2662 = arith.cmpi eq, %add3A_2656, %get3A_2661 : vector<16xi32>
    %get3A_2663 = arith.constant 13 : i32
    %get3A_2664 = arith.index_cast %get3A_2663 : i32 to index
    %get3A_2665 = arith.constant 48 : index
    %get3A_2666 = tpu.vector_load %arg8[%get3A_2664, %get3A_2665] {strides = array<i32>} : memref<16x128xf32, #tpu.memory_space<vmem>>, vector<1x16xf32>,
    %get3A_2667 = vector.shape_cast %get3A_2666 : vector<1x16xf32> to vector<16xf32>
    %jit3A_2668 = arith.constant 0.000000e+00 : f32
    %broadcast_in_dim3A_2669 = vector.broadcast %jit3A_2668 : f32 to vector<16xf32>
    %select_n3A_2670 = arith.select %eq3A_2662, %broadcast_in_dim3A_2669, %get3A_2667 : vector<16xi1>, vector<16xf32>
    %swap3A_2671 = arith.constant 13 : i32
    %swap3A_2672 = arith.index_cast %swap3A_2671 : i32 to index
    %swap3A_2673 = arith.constant 48 : index
    %swap3A_2674 = tpu.vector_load %arg8[%swap3A_2672, %swap3A_2673] {strides = array<i32>} : memref<16x128xf32, #tpu.memory_space<vmem>>, vector<1x16xf32>,
    %swap3A_2675 = vector.shape_cast %swap3A_2674 : vector<1x16xf32> to vector<16xf32>
    %swap3A_2676 = vector.shape_cast %select_n3A_2670 : vector<16xf32> to vector<1x16xf32>
    tpu.vector_store %arg8[%swap3A_2672, %swap3A_2673], %swap3A_2676 {strides = array<i32>} : memref<16x128xf32, #tpu.memory_space<vmem>>, vector<1x16xf32>,
    %add3A_2677 = arith.constant 64 : i32
    %add3A_2678 = vector.broadcast %add3A_2677 : i32 to vector<16xi32>
    %add3A_2679 = arith.addi %iota3A, %add3A_2678 : vector<16xi32>
    %get3A_2680 = arith.constant 13 : i32
    %get3A_2681 = arith.index_cast %get3A_2680 : i32 to index
    %get3A_2682 = arith.constant 0 : index
    %get3A_2683 = tpu.vector_load %arg7[%get3A_2681, %get3A_2682] {strides = array<i32>} : memref<16x16xi32, #tpu.memory_space<vmem>>, vector<1x16xi32>,
    %get3A_2684 = vector.shape_cast %get3A_2683 : vector<1x16xi32> to vector<16xi32>
    %eq3A_2685 = arith.cmpi eq, %add3A_2679, %get3A_2684 : vector<16xi32>
    %get3A_2686 = arith.constant 13 : i32
    %get3A_2687 = arith.index_cast %get3A_2686 : i32 to index
    %get3A_2688 = arith.constant 64 : index
    %get3A_2689 = tpu.vector_load %arg8[%get3A_2687, %get3A_2688] {strides = array<i32>} : memref<16x128xf32, #tpu.memory_space<vmem>>, vector<1x16xf32>,
    %get3A_2690 = vector.shape_cast %get3A_2689 : vector<1x16xf32> to vector<16xf32>
    %jit3A_2691 = arith.constant 0.000000e+00 : f32
    %broadcast_in_dim3A_2692 = vector.broadcast %jit3A_2691 : f32 to vector<16xf32>
    %select_n3A_2693 = arith.select %eq3A_2685, %broadcast_in_dim3A_2692, %get3A_2690 : vector<16xi1>, vector<16xf32>
    %swap3A_2694 = arith.constant 13 : i32
    %swap3A_2695 = arith.index_cast %swap3A_2694 : i32 to index
    %swap3A_2696 = arith.constant 64 : index
    %swap3A_2697 = tpu.vector_load %arg8[%swap3A_2695, %swap3A_2696] {strides = array<i32>} : memref<16x128xf32, #tpu.memory_space<vmem>>, vector<1x16xf32>,
    %swap3A_2698 = vector.shape_cast %swap3A_2697 : vector<1x16xf32> to vector<16xf32>
    %swap3A_2699 = vector.shape_cast %select_n3A_2693 : vector<16xf32> to vector<1x16xf32>
    tpu.vector_store %arg8[%swap3A_2695, %swap3A_2696], %swap3A_2699 {strides = array<i32>} : memref<16x128xf32, #tpu.memory_space<vmem>>, vector<1x16xf32>,
    %add3A_2700 = arith.constant 80 : i32
    %add3A_2701 = vector.broadcast %add3A_2700 : i32 to vector<16xi32>
    %add3A_2702 = arith.addi %iota3A, %add3A_2701 : vector<16xi32>
    %get3A_2703 = arith.constant 13 : i32
    %get3A_2704 = arith.index_cast %get3A_2703 : i32 to index
    %get3A_2705 = arith.constant 0 : index
    %get3A_2706 = tpu.vector_load %arg7[%get3A_2704, %get3A_2705] {strides = array<i32>} : memref<16x16xi32, #tpu.memory_space<vmem>>, vector<1x16xi32>,
    %get3A_2707 = vector.shape_cast %get3A_2706 : vector<1x16xi32> to vector<16xi32>
    %eq3A_2708 = arith.cmpi eq, %add3A_2702, %get3A_2707 : vector<16xi32>
    %get3A_2709 = arith.constant 13 : i32
    %get3A_2710 = arith.index_cast %get3A_2709 : i32 to index
    %get3A_2711 = arith.constant 80 : index
    %get3A_2712 = tpu.vector_load %arg8[%get3A_2710, %get3A_2711] {strides = array<i32>} : memref<16x128xf32, #tpu.memory_space<vmem>>, vector<1x16xf32>,
    %get3A_2713 = vector.shape_cast %get3A_2712 : vector<1x16xf32> to vector<16xf32>
    %jit3A_2714 = arith.constant 0.000000e+00 : f32
    %broadcast_in_dim3A_2715 = vector.broadcast %jit3A_2714 : f32 to vector<16xf32>
    %select_n3A_2716 = arith.select %eq3A_2708, %broadcast_in_dim3A_2715, %get3A_2713 : vector<16xi1>, vector<16xf32>
    %swap3A_2717 = arith.constant 13 : i32
    %swap3A_2718 = arith.index_cast %swap3A_2717 : i32 to index
    %swap3A_2719 = arith.constant 80 : index
    %swap3A_2720 = tpu.vector_load %arg8[%swap3A_2718, %swap3A_2719] {strides = array<i32>} : memref<16x128xf32, #tpu.memory_space<vmem>>, vector<1x16xf32>,
    %swap3A_2721 = vector.shape_cast %swap3A_2720 : vector<1x16xf32> to vector<16xf32>
    %swap3A_2722 = vector.shape_cast %select_n3A_2716 : vector<16xf32> to vector<1x16xf32>
    tpu.vector_store %arg8[%swap3A_2718, %swap3A_2719], %swap3A_2722 {strides = array<i32>} : memref<16x128xf32, #tpu.memory_space<vmem>>, vector<1x16xf32>,
    %add3A_2723 = arith.constant 96 : i32
    %add3A_2724 = vector.broadcast %add3A_2723 : i32 to vector<16xi32>
    %add3A_2725 = arith.addi %iota3A, %add3A_2724 : vector<16xi32>
    %get3A_2726 = arith.constant 13 : i32
    %get3A_2727 = arith.index_cast %get3A_2726 : i32 to index
    %get3A_2728 = arith.constant 0 : index
    %get3A_2729 = tpu.vector_load %arg7[%get3A_2727, %get3A_2728] {strides = array<i32>} : memref<16x16xi32, #tpu.memory_space<vmem>>, vector<1x16xi32>,
    %get3A_2730 = vector.shape_cast %get3A_2729 : vector<1x16xi32> to vector<16xi32>
    %eq3A_2731 = arith.cmpi eq, %add3A_2725, %get3A_2730 : vector<16xi32>
    %get3A_2732 = arith.constant 13 : i32
    %get3A_2733 = arith.index_cast %get3A_2732 : i32 to index
    %get3A_2734 = arith.constant 96 : index
    %get3A_2735 = tpu.vector_load %arg8[%get3A_2733, %get3A_2734] {strides = array<i32>} : memref<16x128xf32, #tpu.memory_space<vmem>>, vector<1x16xf32>,
    %get3A_2736 = vector.shape_cast %get3A_2735 : vector<1x16xf32> to vector<16xf32>
    %jit3A_2737 = arith.constant 0.000000e+00 : f32
    %broadcast_in_dim3A_2738 = vector.broadcast %jit3A_2737 : f32 to vector<16xf32>
    %select_n3A_2739 = arith.select %eq3A_2731, %broadcast_in_dim3A_2738, %get3A_2736 : vector<16xi1>, vector<16xf32>
    %swap3A_2740 = arith.constant 13 : i32
    %swap3A_2741 = arith.index_cast %swap3A_2740 : i32 to index
    %swap3A_2742 = arith.constant 96 : index
    %swap3A_2743 = tpu.vector_load %arg8[%swap3A_2741, %swap3A_2742] {strides = array<i32>} : memref<16x128xf32, #tpu.memory_space<vmem>>, vector<1x16xf32>,
    %swap3A_2744 = vector.shape_cast %swap3A_2743 : vector<1x16xf32> to vector<16xf32>
    %swap3A_2745 = vector.shape_cast %select_n3A_2739 : vector<16xf32> to vector<1x16xf32>
    tpu.vector_store %arg8[%swap3A_2741, %swap3A_2742], %swap3A_2745 {strides = array<i32>} : memref<16x128xf32, #tpu.memory_space<vmem>>, vector<1x16xf32>,
    %add3A_2746 = arith.constant 112 : i32
    %add3A_2747 = vector.broadcast %add3A_2746 : i32 to vector<16xi32>
    %add3A_2748 = arith.addi %iota3A, %add3A_2747 : vector<16xi32>
    %get3A_2749 = arith.constant 13 : i32
    %get3A_2750 = arith.index_cast %get3A_2749 : i32 to index
    %get3A_2751 = arith.constant 0 : index
    %get3A_2752 = tpu.vector_load %arg7[%get3A_2750, %get3A_2751] {strides = array<i32>} : memref<16x16xi32, #tpu.memory_space<vmem>>, vector<1x16xi32>,
    %get3A_2753 = vector.shape_cast %get3A_2752 : vector<1x16xi32> to vector<16xi32>
    %eq3A_2754 = arith.cmpi eq, %add3A_2748, %get3A_2753 : vector<16xi32>
    %get3A_2755 = arith.constant 13 : i32
    %get3A_2756 = arith.index_cast %get3A_2755 : i32 to index
    %get3A_2757 = arith.constant 112 : index
    %get3A_2758 = tpu.vector_load %arg8[%get3A_2756, %get3A_2757] {strides = array<i32>} : memref<16x128xf32, #tpu.memory_space<vmem>>, vector<1x16xf32>,
    %get3A_2759 = vector.shape_cast %get3A_2758 : vector<1x16xf32> to vector<16xf32>
    %jit3A_2760 = arith.constant 0.000000e+00 : f32
    %broadcast_in_dim3A_2761 = vector.broadcast %jit3A_2760 : f32 to vector<16xf32>
    %select_n3A_2762 = arith.select %eq3A_2754, %broadcast_in_dim3A_2761, %get3A_2759 : vector<16xi1>, vector<16xf32>
    %swap3A_2763 = arith.constant 13 : i32
    %swap3A_2764 = arith.index_cast %swap3A_2763 : i32 to index
    %swap3A_2765 = arith.constant 112 : index
    %swap3A_2766 = tpu.vector_load %arg8[%swap3A_2764, %swap3A_2765] {strides = array<i32>} : memref<16x128xf32, #tpu.memory_space<vmem>>, vector<1x16xf32>,
    %swap3A_2767 = vector.shape_cast %swap3A_2766 : vector<1x16xf32> to vector<16xf32>
    %swap3A_2768 = vector.shape_cast %select_n3A_2762 : vector<16xf32> to vector<1x16xf32>
    tpu.vector_store %arg8[%swap3A_2764, %swap3A_2765], %swap3A_2768 {strides = array<i32>} : memref<16x128xf32, #tpu.memory_space<vmem>>, vector<1x16xf32>,
    %add3A_2769 = arith.constant 0 : i32
    %add3A_2770 = vector.broadcast %add3A_2769 : i32 to vector<16xi32>
    %add3A_2771 = arith.addi %iota3A, %add3A_2770 : vector<16xi32>
    %get3A_2772 = arith.constant 14 : i32
    %get3A_2773 = arith.index_cast %get3A_2772 : i32 to index
    %get3A_2774 = arith.constant 0 : index
    %get3A_2775 = tpu.vector_load %arg7[%get3A_2773, %get3A_2774] {strides = array<i32>} : memref<16x16xi32, #tpu.memory_space<vmem>>, vector<1x16xi32>,
    %get3A_2776 = vector.shape_cast %get3A_2775 : vector<1x16xi32> to vector<16xi32>
    %eq3A_2777 = arith.cmpi eq, %add3A_2771, %get3A_2776 : vector<16xi32>
    %get3A_2778 = arith.constant 14 : i32
    %get3A_2779 = arith.index_cast %get3A_2778 : i32 to index
    %get3A_2780 = arith.constant 0 : index
    %get3A_2781 = tpu.vector_load %arg8[%get3A_2779, %get3A_2780] {strides = array<i32>} : memref<16x128xf32, #tpu.memory_space<vmem>>, vector<1x16xf32>,
    %get3A_2782 = vector.shape_cast %get3A_2781 : vector<1x16xf32> to vector<16xf32>
    %jit3A_2783 = arith.constant 0.000000e+00 : f32
    %broadcast_in_dim3A_2784 = vector.broadcast %jit3A_2783 : f32 to vector<16xf32>
    %select_n3A_2785 = arith.select %eq3A_2777, %broadcast_in_dim3A_2784, %get3A_2782 : vector<16xi1>, vector<16xf32>
    %swap3A_2786 = arith.constant 14 : i32
    %swap3A_2787 = arith.index_cast %swap3A_2786 : i32 to index
    %swap3A_2788 = arith.constant 0 : index
    %swap3A_2789 = tpu.vector_load %arg8[%swap3A_2787, %swap3A_2788] {strides = array<i32>} : memref<16x128xf32, #tpu.memory_space<vmem>>, vector<1x16xf32>,
    %swap3A_2790 = vector.shape_cast %swap3A_2789 : vector<1x16xf32> to vector<16xf32>
    %swap3A_2791 = vector.shape_cast %select_n3A_2785 : vector<16xf32> to vector<1x16xf32>
    tpu.vector_store %arg8[%swap3A_2787, %swap3A_2788], %swap3A_2791 {strides = array<i32>} : memref<16x128xf32, #tpu.memory_space<vmem>>, vector<1x16xf32>,
    %add3A_2792 = arith.constant 16 : i32
    %add3A_2793 = vector.broadcast %add3A_2792 : i32 to vector<16xi32>
    %add3A_2794 = arith.addi %iota3A, %add3A_2793 : vector<16xi32>
    %get3A_2795 = arith.constant 14 : i32
    %get3A_2796 = arith.index_cast %get3A_2795 : i32 to index
    %get3A_2797 = arith.constant 0 : index
    %get3A_2798 = tpu.vector_load %arg7[%get3A_2796, %get3A_2797] {strides = array<i32>} : memref<16x16xi32, #tpu.memory_space<vmem>>, vector<1x16xi32>,
    %get3A_2799 = vector.shape_cast %get3A_2798 : vector<1x16xi32> to vector<16xi32>
    %eq3A_2800 = arith.cmpi eq, %add3A_2794, %get3A_2799 : vector<16xi32>
    %get3A_2801 = arith.constant 14 : i32
    %get3A_2802 = arith.index_cast %get3A_2801 : i32 to index
    %get3A_2803 = arith.constant 16 : index
    %get3A_2804 = tpu.vector_load %arg8[%get3A_2802, %get3A_2803] {strides = array<i32>} : memref<16x128xf32, #tpu.memory_space<vmem>>, vector<1x16xf32>,
    %get3A_2805 = vector.shape_cast %get3A_2804 : vector<1x16xf32> to vector<16xf32>
    %jit3A_2806 = arith.constant 0.000000e+00 : f32
    %broadcast_in_dim3A_2807 = vector.broadcast %jit3A_2806 : f32 to vector<16xf32>
    %select_n3A_2808 = arith.select %eq3A_2800, %broadcast_in_dim3A_2807, %get3A_2805 : vector<16xi1>, vector<16xf32>
    %swap3A_2809 = arith.constant 14 : i32
    %swap3A_2810 = arith.index_cast %swap3A_2809 : i32 to index
    %swap3A_2811 = arith.constant 16 : index
    %swap3A_2812 = tpu.vector_load %arg8[%swap3A_2810, %swap3A_2811] {strides = array<i32>} : memref<16x128xf32, #tpu.memory_space<vmem>>, vector<1x16xf32>,
    %swap3A_2813 = vector.shape_cast %swap3A_2812 : vector<1x16xf32> to vector<16xf32>
    %swap3A_2814 = vector.shape_cast %select_n3A_2808 : vector<16xf32> to vector<1x16xf32>
    tpu.vector_store %arg8[%swap3A_2810, %swap3A_2811], %swap3A_2814 {strides = array<i32>} : memref<16x128xf32, #tpu.memory_space<vmem>>, vector<1x16xf32>,
    %add3A_2815 = arith.constant 32 : i32
    %add3A_2816 = vector.broadcast %add3A_2815 : i32 to vector<16xi32>
    %add3A_2817 = arith.addi %iota3A, %add3A_2816 : vector<16xi32>
    %get3A_2818 = arith.constant 14 : i32
    %get3A_2819 = arith.index_cast %get3A_2818 : i32 to index
    %get3A_2820 = arith.constant 0 : index
    %get3A_2821 = tpu.vector_load %arg7[%get3A_2819, %get3A_2820] {strides = array<i32>} : memref<16x16xi32, #tpu.memory_space<vmem>>, vector<1x16xi32>,
    %get3A_2822 = vector.shape_cast %get3A_2821 : vector<1x16xi32> to vector<16xi32>
    %eq3A_2823 = arith.cmpi eq, %add3A_2817, %get3A_2822 : vector<16xi32>
    %get3A_2824 = arith.constant 14 : i32
    %get3A_2825 = arith.index_cast %get3A_2824 : i32 to index
    %get3A_2826 = arith.constant 32 : index
    %get3A_2827 = tpu.vector_load %arg8[%get3A_2825, %get3A_2826] {strides = array<i32>} : memref<16x128xf32, #tpu.memory_space<vmem>>, vector<1x16xf32>,
    %get3A_2828 = vector.shape_cast %get3A_2827 : vector<1x16xf32> to vector<16xf32>
    %jit3A_2829 = arith.constant 0.000000e+00 : f32
    %broadcast_in_dim3A_2830 = vector.broadcast %jit3A_2829 : f32 to vector<16xf32>
    %select_n3A_2831 = arith.select %eq3A_2823, %broadcast_in_dim3A_2830, %get3A_2828 : vector<16xi1>, vector<16xf32>
    %swap3A_2832 = arith.constant 14 : i32
    %swap3A_2833 = arith.index_cast %swap3A_2832 : i32 to index
    %swap3A_2834 = arith.constant 32 : index
    %swap3A_2835 = tpu.vector_load %arg8[%swap3A_2833, %swap3A_2834] {strides = array<i32>} : memref<16x128xf32, #tpu.memory_space<vmem>>, vector<1x16xf32>,
    %swap3A_2836 = vector.shape_cast %swap3A_2835 : vector<1x16xf32> to vector<16xf32>
    %swap3A_2837 = vector.shape_cast %select_n3A_2831 : vector<16xf32> to vector<1x16xf32>
    tpu.vector_store %arg8[%swap3A_2833, %swap3A_2834], %swap3A_2837 {strides = array<i32>} : memref<16x128xf32, #tpu.memory_space<vmem>>, vector<1x16xf32>,
    %add3A_2838 = arith.constant 48 : i32
    %add3A_2839 = vector.broadcast %add3A_2838 : i32 to vector<16xi32>
    %add3A_2840 = arith.addi %iota3A, %add3A_2839 : vector<16xi32>
    %get3A_2841 = arith.constant 14 : i32
    %get3A_2842 = arith.index_cast %get3A_2841 : i32 to index
    %get3A_2843 = arith.constant 0 : index
    %get3A_2844 = tpu.vector_load %arg7[%get3A_2842, %get3A_2843] {strides = array<i32>} : memref<16x16xi32, #tpu.memory_space<vmem>>, vector<1x16xi32>,
    %get3A_2845 = vector.shape_cast %get3A_2844 : vector<1x16xi32> to vector<16xi32>
    %eq3A_2846 = arith.cmpi eq, %add3A_2840, %get3A_2845 : vector<16xi32>
    %get3A_2847 = arith.constant 14 : i32
    %get3A_2848 = arith.index_cast %get3A_2847 : i32 to index
    %get3A_2849 = arith.constant 48 : index
    %get3A_2850 = tpu.vector_load %arg8[%get3A_2848, %get3A_2849] {strides = array<i32>} : memref<16x128xf32, #tpu.memory_space<vmem>>, vector<1x16xf32>,
    %get3A_2851 = vector.shape_cast %get3A_2850 : vector<1x16xf32> to vector<16xf32>
    %jit3A_2852 = arith.constant 0.000000e+00 : f32
    %broadcast_in_dim3A_2853 = vector.broadcast %jit3A_2852 : f32 to vector<16xf32>
    %select_n3A_2854 = arith.select %eq3A_2846, %broadcast_in_dim3A_2853, %get3A_2851 : vector<16xi1>, vector<16xf32>
    %swap3A_2855 = arith.constant 14 : i32
    %swap3A_2856 = arith.index_cast %swap3A_2855 : i32 to index
    %swap3A_2857 = arith.constant 48 : index
    %swap3A_2858 = tpu.vector_load %arg8[%swap3A_2856, %swap3A_2857] {strides = array<i32>} : memref<16x128xf32, #tpu.memory_space<vmem>>, vector<1x16xf32>,
    %swap3A_2859 = vector.shape_cast %swap3A_2858 : vector<1x16xf32> to vector<16xf32>
    %swap3A_2860 = vector.shape_cast %select_n3A_2854 : vector<16xf32> to vector<1x16xf32>
    tpu.vector_store %arg8[%swap3A_2856, %swap3A_2857], %swap3A_2860 {strides = array<i32>} : memref<16x128xf32, #tpu.memory_space<vmem>>, vector<1x16xf32>,
    %add3A_2861 = arith.constant 64 : i32
    %add3A_2862 = vector.broadcast %add3A_2861 : i32 to vector<16xi32>
    %add3A_2863 = arith.addi %iota3A, %add3A_2862 : vector<16xi32>
    %get3A_2864 = arith.constant 14 : i32
    %get3A_2865 = arith.index_cast %get3A_2864 : i32 to index
    %get3A_2866 = arith.constant 0 : index
    %get3A_2867 = tpu.vector_load %arg7[%get3A_2865, %get3A_2866] {strides = array<i32>} : memref<16x16xi32, #tpu.memory_space<vmem>>, vector<1x16xi32>,
    %get3A_2868 = vector.shape_cast %get3A_2867 : vector<1x16xi32> to vector<16xi32>
    %eq3A_2869 = arith.cmpi eq, %add3A_2863, %get3A_2868 : vector<16xi32>
    %get3A_2870 = arith.constant 14 : i32
    %get3A_2871 = arith.index_cast %get3A_2870 : i32 to index
    %get3A_2872 = arith.constant 64 : index
    %get3A_2873 = tpu.vector_load %arg8[%get3A_2871, %get3A_2872] {strides = array<i32>} : memref<16x128xf32, #tpu.memory_space<vmem>>, vector<1x16xf32>,
    %get3A_2874 = vector.shape_cast %get3A_2873 : vector<1x16xf32> to vector<16xf32>
    %jit3A_2875 = arith.constant 0.000000e+00 : f32
    %broadcast_in_dim3A_2876 = vector.broadcast %jit3A_2875 : f32 to vector<16xf32>
    %select_n3A_2877 = arith.select %eq3A_2869, %broadcast_in_dim3A_2876, %get3A_2874 : vector<16xi1>, vector<16xf32>
    %swap3A_2878 = arith.constant 14 : i32
    %swap3A_2879 = arith.index_cast %swap3A_2878 : i32 to index
    %swap3A_2880 = arith.constant 64 : index
    %swap3A_2881 = tpu.vector_load %arg8[%swap3A_2879, %swap3A_2880] {strides = array<i32>} : memref<16x128xf32, #tpu.memory_space<vmem>>, vector<1x16xf32>,
    %swap3A_2882 = vector.shape_cast %swap3A_2881 : vector<1x16xf32> to vector<16xf32>
    %swap3A_2883 = vector.shape_cast %select_n3A_2877 : vector<16xf32> to vector<1x16xf32>
    tpu.vector_store %arg8[%swap3A_2879, %swap3A_2880], %swap3A_2883 {strides = array<i32>} : memref<16x128xf32, #tpu.memory_space<vmem>>, vector<1x16xf32>,
    %add3A_2884 = arith.constant 80 : i32
    %add3A_2885 = vector.broadcast %add3A_2884 : i32 to vector<16xi32>
    %add3A_2886 = arith.addi %iota3A, %add3A_2885 : vector<16xi32>
    %get3A_2887 = arith.constant 14 : i32
    %get3A_2888 = arith.index_cast %get3A_2887 : i32 to index
    %get3A_2889 = arith.constant 0 : index
    %get3A_2890 = tpu.vector_load %arg7[%get3A_2888, %get3A_2889] {strides = array<i32>} : memref<16x16xi32, #tpu.memory_space<vmem>>, vector<1x16xi32>,
    %get3A_2891 = vector.shape_cast %get3A_2890 : vector<1x16xi32> to vector<16xi32>
    %eq3A_2892 = arith.cmpi eq, %add3A_2886, %get3A_2891 : vector<16xi32>
    %get3A_2893 = arith.constant 14 : i32
    %get3A_2894 = arith.index_cast %get3A_2893 : i32 to index
    %get3A_2895 = arith.constant 80 : index
    %get3A_2896 = tpu.vector_load %arg8[%get3A_2894, %get3A_2895] {strides = array<i32>} : memref<16x128xf32, #tpu.memory_space<vmem>>, vector<1x16xf32>,
    %get3A_2897 = vector.shape_cast %get3A_2896 : vector<1x16xf32> to vector<16xf32>
    %jit3A_2898 = arith.constant 0.000000e+00 : f32
    %broadcast_in_dim3A_2899 = vector.broadcast %jit3A_2898 : f32 to vector<16xf32>
    %select_n3A_2900 = arith.select %eq3A_2892, %broadcast_in_dim3A_2899, %get3A_2897 : vector<16xi1>, vector<16xf32>
    %swap3A_2901 = arith.constant 14 : i32
    %swap3A_2902 = arith.index_cast %swap3A_2901 : i32 to index
    %swap3A_2903 = arith.constant 80 : index
    %swap3A_2904 = tpu.vector_load %arg8[%swap3A_2902, %swap3A_2903] {strides = array<i32>} : memref<16x128xf32, #tpu.memory_space<vmem>>, vector<1x16xf32>,
    %swap3A_2905 = vector.shape_cast %swap3A_2904 : vector<1x16xf32> to vector<16xf32>
    %swap3A_2906 = vector.shape_cast %select_n3A_2900 : vector<16xf32> to vector<1x16xf32>
    tpu.vector_store %arg8[%swap3A_2902, %swap3A_2903], %swap3A_2906 {strides = array<i32>} : memref<16x128xf32, #tpu.memory_space<vmem>>, vector<1x16xf32>,
    %add3A_2907 = arith.constant 96 : i32
    %add3A_2908 = vector.broadcast %add3A_2907 : i32 to vector<16xi32>
    %add3A_2909 = arith.addi %iota3A, %add3A_2908 : vector<16xi32>
    %get3A_2910 = arith.constant 14 : i32
    %get3A_2911 = arith.index_cast %get3A_2910 : i32 to index
    %get3A_2912 = arith.constant 0 : index
    %get3A_2913 = tpu.vector_load %arg7[%get3A_2911, %get3A_2912] {strides = array<i32>} : memref<16x16xi32, #tpu.memory_space<vmem>>, vector<1x16xi32>,
    %get3A_2914 = vector.shape_cast %get3A_2913 : vector<1x16xi32> to vector<16xi32>
    %eq3A_2915 = arith.cmpi eq, %add3A_2909, %get3A_2914 : vector<16xi32>
    %get3A_2916 = arith.constant 14 : i32
    %get3A_2917 = arith.index_cast %get3A_2916 : i32 to index
    %get3A_2918 = arith.constant 96 : index
    %get3A_2919 = tpu.vector_load %arg8[%get3A_2917, %get3A_2918] {strides = array<i32>} : memref<16x128xf32, #tpu.memory_space<vmem>>, vector<1x16xf32>,
    %get3A_2920 = vector.shape_cast %get3A_2919 : vector<1x16xf32> to vector<16xf32>
    %jit3A_2921 = arith.constant 0.000000e+00 : f32
    %broadcast_in_dim3A_2922 = vector.broadcast %jit3A_2921 : f32 to vector<16xf32>
    %select_n3A_2923 = arith.select %eq3A_2915, %broadcast_in_dim3A_2922, %get3A_2920 : vector<16xi1>, vector<16xf32>
    %swap3A_2924 = arith.constant 14 : i32
    %swap3A_2925 = arith.index_cast %swap3A_2924 : i32 to index
    %swap3A_2926 = arith.constant 96 : index
    %swap3A_2927 = tpu.vector_load %arg8[%swap3A_2925, %swap3A_2926] {strides = array<i32>} : memref<16x128xf32, #tpu.memory_space<vmem>>, vector<1x16xf32>,
    %swap3A_2928 = vector.shape_cast %swap3A_2927 : vector<1x16xf32> to vector<16xf32>
    %swap3A_2929 = vector.shape_cast %select_n3A_2923 : vector<16xf32> to vector<1x16xf32>
    tpu.vector_store %arg8[%swap3A_2925, %swap3A_2926], %swap3A_2929 {strides = array<i32>} : memref<16x128xf32, #tpu.memory_space<vmem>>, vector<1x16xf32>,
    %add3A_2930 = arith.constant 112 : i32
    %add3A_2931 = vector.broadcast %add3A_2930 : i32 to vector<16xi32>
    %add3A_2932 = arith.addi %iota3A, %add3A_2931 : vector<16xi32>
    %get3A_2933 = arith.constant 14 : i32
    %get3A_2934 = arith.index_cast %get3A_2933 : i32 to index
    %get3A_2935 = arith.constant 0 : index
    %get3A_2936 = tpu.vector_load %arg7[%get3A_2934, %get3A_2935] {strides = array<i32>} : memref<16x16xi32, #tpu.memory_space<vmem>>, vector<1x16xi32>,
    %get3A_2937 = vector.shape_cast %get3A_2936 : vector<1x16xi32> to vector<16xi32>
    %eq3A_2938 = arith.cmpi eq, %add3A_2932, %get3A_2937 : vector<16xi32>
    %get3A_2939 = arith.constant 14 : i32
    %get3A_2940 = arith.index_cast %get3A_2939 : i32 to index
    %get3A_2941 = arith.constant 112 : index
    %get3A_2942 = tpu.vector_load %arg8[%get3A_2940, %get3A_2941] {strides = array<i32>} : memref<16x128xf32, #tpu.memory_space<vmem>>, vector<1x16xf32>,
    %get3A_2943 = vector.shape_cast %get3A_2942 : vector<1x16xf32> to vector<16xf32>
    %jit3A_2944 = arith.constant 0.000000e+00 : f32
    %broadcast_in_dim3A_2945 = vector.broadcast %jit3A_2944 : f32 to vector<16xf32>
    %select_n3A_2946 = arith.select %eq3A_2938, %broadcast_in_dim3A_2945, %get3A_2943 : vector<16xi1>, vector<16xf32>
    %swap3A_2947 = arith.constant 14 : i32
    %swap3A_2948 = arith.index_cast %swap3A_2947 : i32 to index
    %swap3A_2949 = arith.constant 112 : index
    %swap3A_2950 = tpu.vector_load %arg8[%swap3A_2948, %swap3A_2949] {strides = array<i32>} : memref<16x128xf32, #tpu.memory_space<vmem>>, vector<1x16xf32>,
    %swap3A_2951 = vector.shape_cast %swap3A_2950 : vector<1x16xf32> to vector<16xf32>
    %swap3A_2952 = vector.shape_cast %select_n3A_2946 : vector<16xf32> to vector<1x16xf32>
    tpu.vector_store %arg8[%swap3A_2948, %swap3A_2949], %swap3A_2952 {strides = array<i32>} : memref<16x128xf32, #tpu.memory_space<vmem>>, vector<1x16xf32>,
    %add3A_2953 = arith.constant 0 : i32
    %add3A_2954 = vector.broadcast %add3A_2953 : i32 to vector<16xi32>
    %add3A_2955 = arith.addi %iota3A, %add3A_2954 : vector<16xi32>
    %get3A_2956 = arith.constant 15 : i32
    %get3A_2957 = arith.index_cast %get3A_2956 : i32 to index
    %get3A_2958 = arith.constant 0 : index
    %get3A_2959 = tpu.vector_load %arg7[%get3A_2957, %get3A_2958] {strides = array<i32>} : memref<16x16xi32, #tpu.memory_space<vmem>>, vector<1x16xi32>,
    %get3A_2960 = vector.shape_cast %get3A_2959 : vector<1x16xi32> to vector<16xi32>
    %eq3A_2961 = arith.cmpi eq, %add3A_2955, %get3A_2960 : vector<16xi32>
    %get3A_2962 = arith.constant 15 : i32
    %get3A_2963 = arith.index_cast %get3A_2962 : i32 to index
    %get3A_2964 = arith.constant 0 : index
    %get3A_2965 = tpu.vector_load %arg8[%get3A_2963, %get3A_2964] {strides = array<i32>} : memref<16x128xf32, #tpu.memory_space<vmem>>, vector<1x16xf32>,
    %get3A_2966 = vector.shape_cast %get3A_2965 : vector<1x16xf32> to vector<16xf32>
    %jit3A_2967 = arith.constant 0.000000e+00 : f32
    %broadcast_in_dim3A_2968 = vector.broadcast %jit3A_2967 : f32 to vector<16xf32>
    %select_n3A_2969 = arith.select %eq3A_2961, %broadcast_in_dim3A_2968, %get3A_2966 : vector<16xi1>, vector<16xf32>
    %swap3A_2970 = arith.constant 15 : i32
    %swap3A_2971 = arith.index_cast %swap3A_2970 : i32 to index
    %swap3A_2972 = arith.constant 0 : index
    %swap3A_2973 = tpu.vector_load %arg8[%swap3A_2971, %swap3A_2972] {strides = array<i32>} : memref<16x128xf32, #tpu.memory_space<vmem>>, vector<1x16xf32>,
    %swap3A_2974 = vector.shape_cast %swap3A_2973 : vector<1x16xf32> to vector<16xf32>
    %swap3A_2975 = vector.shape_cast %select_n3A_2969 : vector<16xf32> to vector<1x16xf32>
    tpu.vector_store %arg8[%swap3A_2971, %swap3A_2972], %swap3A_2975 {strides = array<i32>} : memref<16x128xf32, #tpu.memory_space<vmem>>, vector<1x16xf32>,
    %add3A_2976 = arith.constant 16 : i32
    %add3A_2977 = vector.broadcast %add3A_2976 : i32 to vector<16xi32>
    %add3A_2978 = arith.addi %iota3A, %add3A_2977 : vector<16xi32>
    %get3A_2979 = arith.constant 15 : i32
    %get3A_2980 = arith.index_cast %get3A_2979 : i32 to index
    %get3A_2981 = arith.constant 0 : index
    %get3A_2982 = tpu.vector_load %arg7[%get3A_2980, %get3A_2981] {strides = array<i32>} : memref<16x16xi32, #tpu.memory_space<vmem>>, vector<1x16xi32>,
    %get3A_2983 = vector.shape_cast %get3A_2982 : vector<1x16xi32> to vector<16xi32>
    %eq3A_2984 = arith.cmpi eq, %add3A_2978, %get3A_2983 : vector<16xi32>
    %get3A_2985 = arith.constant 15 : i32
    %get3A_2986 = arith.index_cast %get3A_2985 : i32 to index
    %get3A_2987 = arith.constant 16 : index
    %get3A_2988 = tpu.vector_load %arg8[%get3A_2986, %get3A_2987] {strides = array<i32>} : memref<16x128xf32, #tpu.memory_space<vmem>>, vector<1x16xf32>,
    %get3A_2989 = vector.shape_cast %get3A_2988 : vector<1x16xf32> to vector<16xf32>
    %jit3A_2990 = arith.constant 0.000000e+00 : f32
    %broadcast_in_dim3A_2991 = vector.broadcast %jit3A_2990 : f32 to vector<16xf32>
    %select_n3A_2992 = arith.select %eq3A_2984, %broadcast_in_dim3A_2991, %get3A_2989 : vector<16xi1>, vector<16xf32>
    %swap3A_2993 = arith.constant 15 : i32
    %swap3A_2994 = arith.index_cast %swap3A_2993 : i32 to index
    %swap3A_2995 = arith.constant 16 : index
    %swap3A_2996 = tpu.vector_load %arg8[%swap3A_2994, %swap3A_2995] {strides = array<i32>} : memref<16x128xf32, #tpu.memory_space<vmem>>, vector<1x16xf32>,
    %swap3A_2997 = vector.shape_cast %swap3A_2996 : vector<1x16xf32> to vector<16xf32>
    %swap3A_2998 = vector.shape_cast %select_n3A_2992 : vector<16xf32> to vector<1x16xf32>
    tpu.vector_store %arg8[%swap3A_2994, %swap3A_2995], %swap3A_2998 {strides = array<i32>} : memref<16x128xf32, #tpu.memory_space<vmem>>, vector<1x16xf32>,
    %add3A_2999 = arith.constant 32 : i32
    %add3A_3000 = vector.broadcast %add3A_2999 : i32 to vector<16xi32>
    %add3A_3001 = arith.addi %iota3A, %add3A_3000 : vector<16xi32>
    %get3A_3002 = arith.constant 15 : i32
    %get3A_3003 = arith.index_cast %get3A_3002 : i32 to index
    %get3A_3004 = arith.constant 0 : index
    %get3A_3005 = tpu.vector_load %arg7[%get3A_3003, %get3A_3004] {strides = array<i32>} : memref<16x16xi32, #tpu.memory_space<vmem>>, vector<1x16xi32>,
    %get3A_3006 = vector.shape_cast %get3A_3005 : vector<1x16xi32> to vector<16xi32>
    %eq3A_3007 = arith.cmpi eq, %add3A_3001, %get3A_3006 : vector<16xi32>
    %get3A_3008 = arith.constant 15 : i32
    %get3A_3009 = arith.index_cast %get3A_3008 : i32 to index
    %get3A_3010 = arith.constant 32 : index
    %get3A_3011 = tpu.vector_load %arg8[%get3A_3009, %get3A_3010] {strides = array<i32>} : memref<16x128xf32, #tpu.memory_space<vmem>>, vector<1x16xf32>,
    %get3A_3012 = vector.shape_cast %get3A_3011 : vector<1x16xf32> to vector<16xf32>
    %jit3A_3013 = arith.constant 0.000000e+00 : f32
    %broadcast_in_dim3A_3014 = vector.broadcast %jit3A_3013 : f32 to vector<16xf32>
    %select_n3A_3015 = arith.select %eq3A_3007, %broadcast_in_dim3A_3014, %get3A_3012 : vector<16xi1>, vector<16xf32>
    %swap3A_3016 = arith.constant 15 : i32
    %swap3A_3017 = arith.index_cast %swap3A_3016 : i32 to index
    %swap3A_3018 = arith.constant 32 : index
    %swap3A_3019 = tpu.vector_load %arg8[%swap3A_3017, %swap3A_3018] {strides = array<i32>} : memref<16x128xf32, #tpu.memory_space<vmem>>, vector<1x16xf32>,
    %swap3A_3020 = vector.shape_cast %swap3A_3019 : vector<1x16xf32> to vector<16xf32>
    %swap3A_3021 = vector.shape_cast %select_n3A_3015 : vector<16xf32> to vector<1x16xf32>
    tpu.vector_store %arg8[%swap3A_3017, %swap3A_3018], %swap3A_3021 {strides = array<i32>} : memref<16x128xf32, #tpu.memory_space<vmem>>, vector<1x16xf32>,
    %add3A_3022 = arith.constant 48 : i32
    %add3A_3023 = vector.broadcast %add3A_3022 : i32 to vector<16xi32>
    %add3A_3024 = arith.addi %iota3A, %add3A_3023 : vector<16xi32>
    %get3A_3025 = arith.constant 15 : i32
    %get3A_3026 = arith.index_cast %get3A_3025 : i32 to index
    %get3A_3027 = arith.constant 0 : index
    %get3A_3028 = tpu.vector_load %arg7[%get3A_3026, %get3A_3027] {strides = array<i32>} : memref<16x16xi32, #tpu.memory_space<vmem>>, vector<1x16xi32>,
    %get3A_3029 = vector.shape_cast %get3A_3028 : vector<1x16xi32> to vector<16xi32>
    %eq3A_3030 = arith.cmpi eq, %add3A_3024, %get3A_3029 : vector<16xi32>
    %get3A_3031 = arith.constant 15 : i32
    %get3A_3032 = arith.index_cast %get3A_3031 : i32 to index
    %get3A_3033 = arith.constant 48 : index
    %get3A_3034 = tpu.vector_load %arg8[%get3A_3032, %get3A_3033] {strides = array<i32>} : memref<16x128xf32, #tpu.memory_space<vmem>>, vector<1x16xf32>,
    %get3A_3035 = vector.shape_cast %get3A_3034 : vector<1x16xf32> to vector<16xf32>
    %jit3A_3036 = arith.constant 0.000000e+00 : f32
    %broadcast_in_dim3A_3037 = vector.broadcast %jit3A_3036 : f32 to vector<16xf32>
    %select_n3A_3038 = arith.select %eq3A_3030, %broadcast_in_dim3A_3037, %get3A_3035 : vector<16xi1>, vector<16xf32>
    %swap3A_3039 = arith.constant 15 : i32
    %swap3A_3040 = arith.index_cast %swap3A_3039 : i32 to index
    %swap3A_3041 = arith.constant 48 : index
    %swap3A_3042 = tpu.vector_load %arg8[%swap3A_3040, %swap3A_3041] {strides = array<i32>} : memref<16x128xf32, #tpu.memory_space<vmem>>, vector<1x16xf32>,
    %swap3A_3043 = vector.shape_cast %swap3A_3042 : vector<1x16xf32> to vector<16xf32>
    %swap3A_3044 = vector.shape_cast %select_n3A_3038 : vector<16xf32> to vector<1x16xf32>
    tpu.vector_store %arg8[%swap3A_3040, %swap3A_3041], %swap3A_3044 {strides = array<i32>} : memref<16x128xf32, #tpu.memory_space<vmem>>, vector<1x16xf32>,
    %add3A_3045 = arith.constant 64 : i32
    %add3A_3046 = vector.broadcast %add3A_3045 : i32 to vector<16xi32>
    %add3A_3047 = arith.addi %iota3A, %add3A_3046 : vector<16xi32>
    %get3A_3048 = arith.constant 15 : i32
    %get3A_3049 = arith.index_cast %get3A_3048 : i32 to index
    %get3A_3050 = arith.constant 0 : index
    %get3A_3051 = tpu.vector_load %arg7[%get3A_3049, %get3A_3050] {strides = array<i32>} : memref<16x16xi32, #tpu.memory_space<vmem>>, vector<1x16xi32>,
    %get3A_3052 = vector.shape_cast %get3A_3051 : vector<1x16xi32> to vector<16xi32>
    %eq3A_3053 = arith.cmpi eq, %add3A_3047, %get3A_3052 : vector<16xi32>
    %get3A_3054 = arith.constant 15 : i32
    %get3A_3055 = arith.index_cast %get3A_3054 : i32 to index
    %get3A_3056 = arith.constant 64 : index
    %get3A_3057 = tpu.vector_load %arg8[%get3A_3055, %get3A_3056] {strides = array<i32>} : memref<16x128xf32, #tpu.memory_space<vmem>>, vector<1x16xf32>,
    %get3A_3058 = vector.shape_cast %get3A_3057 : vector<1x16xf32> to vector<16xf32>
    %jit3A_3059 = arith.constant 0.000000e+00 : f32
    %broadcast_in_dim3A_3060 = vector.broadcast %jit3A_3059 : f32 to vector<16xf32>
    %select_n3A_3061 = arith.select %eq3A_3053, %broadcast_in_dim3A_3060, %get3A_3058 : vector<16xi1>, vector<16xf32>
    %swap3A_3062 = arith.constant 15 : i32
    %swap3A_3063 = arith.index_cast %swap3A_3062 : i32 to index
    %swap3A_3064 = arith.constant 64 : index
    %swap3A_3065 = tpu.vector_load %arg8[%swap3A_3063, %swap3A_3064] {strides = array<i32>} : memref<16x128xf32, #tpu.memory_space<vmem>>, vector<1x16xf32>,
    %swap3A_3066 = vector.shape_cast %swap3A_3065 : vector<1x16xf32> to vector<16xf32>
    %swap3A_3067 = vector.shape_cast %select_n3A_3061 : vector<16xf32> to vector<1x16xf32>
    tpu.vector_store %arg8[%swap3A_3063, %swap3A_3064], %swap3A_3067 {strides = array<i32>} : memref<16x128xf32, #tpu.memory_space<vmem>>, vector<1x16xf32>,
    %add3A_3068 = arith.constant 80 : i32
    %add3A_3069 = vector.broadcast %add3A_3068 : i32 to vector<16xi32>
    %add3A_3070 = arith.addi %iota3A, %add3A_3069 : vector<16xi32>
    %get3A_3071 = arith.constant 15 : i32
    %get3A_3072 = arith.index_cast %get3A_3071 : i32 to index
    %get3A_3073 = arith.constant 0 : index
    %get3A_3074 = tpu.vector_load %arg7[%get3A_3072, %get3A_3073] {strides = array<i32>} : memref<16x16xi32, #tpu.memory_space<vmem>>, vector<1x16xi32>,
    %get3A_3075 = vector.shape_cast %get3A_3074 : vector<1x16xi32> to vector<16xi32>
    %eq3A_3076 = arith.cmpi eq, %add3A_3070, %get3A_3075 : vector<16xi32>
    %get3A_3077 = arith.constant 15 : i32
    %get3A_3078 = arith.index_cast %get3A_3077 : i32 to index
    %get3A_3079 = arith.constant 80 : index
    %get3A_3080 = tpu.vector_load %arg8[%get3A_3078, %get3A_3079] {strides = array<i32>} : memref<16x128xf32, #tpu.memory_space<vmem>>, vector<1x16xf32>,
    %get3A_3081 = vector.shape_cast %get3A_3080 : vector<1x16xf32> to vector<16xf32>
    %jit3A_3082 = arith.constant 0.000000e+00 : f32
    %broadcast_in_dim3A_3083 = vector.broadcast %jit3A_3082 : f32 to vector<16xf32>
    %select_n3A_3084 = arith.select %eq3A_3076, %broadcast_in_dim3A_3083, %get3A_3081 : vector<16xi1>, vector<16xf32>
    %swap3A_3085 = arith.constant 15 : i32
    %swap3A_3086 = arith.index_cast %swap3A_3085 : i32 to index
    %swap3A_3087 = arith.constant 80 : index
    %swap3A_3088 = tpu.vector_load %arg8[%swap3A_3086, %swap3A_3087] {strides = array<i32>} : memref<16x128xf32, #tpu.memory_space<vmem>>, vector<1x16xf32>,
    %swap3A_3089 = vector.shape_cast %swap3A_3088 : vector<1x16xf32> to vector<16xf32>
    %swap3A_3090 = vector.shape_cast %select_n3A_3084 : vector<16xf32> to vector<1x16xf32>
    tpu.vector_store %arg8[%swap3A_3086, %swap3A_3087], %swap3A_3090 {strides = array<i32>} : memref<16x128xf32, #tpu.memory_space<vmem>>, vector<1x16xf32>,
    %add3A_3091 = arith.constant 96 : i32
    %add3A_3092 = vector.broadcast %add3A_3091 : i32 to vector<16xi32>
    %add3A_3093 = arith.addi %iota3A, %add3A_3092 : vector<16xi32>
    %get3A_3094 = arith.constant 15 : i32
    %get3A_3095 = arith.index_cast %get3A_3094 : i32 to index
    %get3A_3096 = arith.constant 0 : index
    %get3A_3097 = tpu.vector_load %arg7[%get3A_3095, %get3A_3096] {strides = array<i32>} : memref<16x16xi32, #tpu.memory_space<vmem>>, vector<1x16xi32>,
    %get3A_3098 = vector.shape_cast %get3A_3097 : vector<1x16xi32> to vector<16xi32>
    %eq3A_3099 = arith.cmpi eq, %add3A_3093, %get3A_3098 : vector<16xi32>
    %get3A_3100 = arith.constant 15 : i32
    %get3A_3101 = arith.index_cast %get3A_3100 : i32 to index
    %get3A_3102 = arith.constant 96 : index
    %get3A_3103 = tpu.vector_load %arg8[%get3A_3101, %get3A_3102] {strides = array<i32>} : memref<16x128xf32, #tpu.memory_space<vmem>>, vector<1x16xf32>,
    %get3A_3104 = vector.shape_cast %get3A_3103 : vector<1x16xf32> to vector<16xf32>
    %jit3A_3105 = arith.constant 0.000000e+00 : f32
    %broadcast_in_dim3A_3106 = vector.broadcast %jit3A_3105 : f32 to vector<16xf32>
    %select_n3A_3107 = arith.select %eq3A_3099, %broadcast_in_dim3A_3106, %get3A_3104 : vector<16xi1>, vector<16xf32>
    %swap3A_3108 = arith.constant 15 : i32
    %swap3A_3109 = arith.index_cast %swap3A_3108 : i32 to index
    %swap3A_3110 = arith.constant 96 : index
    %swap3A_3111 = tpu.vector_load %arg8[%swap3A_3109, %swap3A_3110] {strides = array<i32>} : memref<16x128xf32, #tpu.memory_space<vmem>>, vector<1x16xf32>,
    %swap3A_3112 = vector.shape_cast %swap3A_3111 : vector<1x16xf32> to vector<16xf32>
    %swap3A_3113 = vector.shape_cast %select_n3A_3107 : vector<16xf32> to vector<1x16xf32>
    tpu.vector_store %arg8[%swap3A_3109, %swap3A_3110], %swap3A_3113 {strides = array<i32>} : memref<16x128xf32, #tpu.memory_space<vmem>>, vector<1x16xf32>,
    %add3A_3114 = arith.constant 112 : i32
    %add3A_3115 = vector.broadcast %add3A_3114 : i32 to vector<16xi32>
    %add3A_3116 = arith.addi %iota3A, %add3A_3115 : vector<16xi32>
    %get3A_3117 = arith.constant 15 : i32
    %get3A_3118 = arith.index_cast %get3A_3117 : i32 to index
    %get3A_3119 = arith.constant 0 : index
    %get3A_3120 = tpu.vector_load %arg7[%get3A_3118, %get3A_3119] {strides = array<i32>} : memref<16x16xi32, #tpu.memory_space<vmem>>, vector<1x16xi32>,
    %get3A_3121 = vector.shape_cast %get3A_3120 : vector<1x16xi32> to vector<16xi32>
    %eq3A_3122 = arith.cmpi eq, %add3A_3116, %get3A_3121 : vector<16xi32>
    %get3A_3123 = arith.constant 15 : i32
    %get3A_3124 = arith.index_cast %get3A_3123 : i32 to index
    %get3A_3125 = arith.constant 112 : index
    %get3A_3126 = tpu.vector_load %arg8[%get3A_3124, %get3A_3125] {strides = array<i32>} : memref<16x128xf32, #tpu.memory_space<vmem>>, vector<1x16xf32>,
    %get3A_3127 = vector.shape_cast %get3A_3126 : vector<1x16xf32> to vector<16xf32>
    %jit3A_3128 = arith.constant 0.000000e+00 : f32
    %broadcast_in_dim3A_3129 = vector.broadcast %jit3A_3128 : f32 to vector<16xf32>
    %select_n3A_3130 = arith.select %eq3A_3122, %broadcast_in_dim3A_3129, %get3A_3127 : vector<16xi1>, vector<16xf32>
    %swap3A_3131 = arith.constant 15 : i32
    %swap3A_3132 = arith.index_cast %swap3A_3131 : i32 to index
    %swap3A_3133 = arith.constant 112 : index
    %swap3A_3134 = tpu.vector_load %arg8[%swap3A_3132, %swap3A_3133] {strides = array<i32>} : memref<16x128xf32, #tpu.memory_space<vmem>>, vector<1x16xf32>,
    %swap3A_3135 = vector.shape_cast %swap3A_3134 : vector<1x16xf32> to vector<16xf32>
    %swap3A_3136 = vector.shape_cast %select_n3A_3130 : vector<16xf32> to vector<1x16xf32>
    tpu.vector_store %arg8[%swap3A_3132, %swap3A_3133], %swap3A_3136 {strides = array<i32>} : memref<16x128xf32, #tpu.memory_space<vmem>>, vector<1x16xf32>,
    %dma_start3A_3137 = arith.constant 0 : i32
    %dma_start3A_3138 = arith.constant 0 : i32
    %dma_start3A_3139 = tpu.memref_slice %arg5[%dma_start3A_3137, %dma_start3A_3138] : memref<786432x128xf32, #tpu.memory_space<hbm>> -> memref<786432x128xf32, #tpu.memory_space<hbm>>
    tpu.enqueue_indirect_dma source(%arg8 : memref<16x128xf32, #tpu.memory_space<vmem>>) target(%dma_start3A_3139 : memref<786432x128xf32, #tpu.memory_space<hbm>>) offsets(%arg6 : memref<16xi32, #tpu.memory_space<vmem>>) semaphore(%arg9 : memref<!tpu.dma_semaphore, #tpu.memory_space<semaphore_mem>>)
    %dma_wait3A_3140 = arith.constant 0 : i32
    %dma_wait3A_3141 = arith.constant 0 : i32
    %dma_wait3A_3142 = tpu.memref_slice %arg5[%dma_wait3A_3140, %dma_wait3A_3141] : memref<786432x128xf32, #tpu.memory_space<hbm>> -> memref<786432x128xf32, #tpu.memory_space<hbm>>
    tpu.wait_indirect_dma semaphore(%arg9 : memref<!tpu.dma_semaphore, #tpu.memory_space<semaphore_mem>>) src(%arg8 : memref<16x128xf32, #tpu.memory_space<vmem>>) dst(%dma_wait3A_3142 : memref<786432x128xf32, #tpu.memory_space<hbm>>)
    return
  }
}

</mosaic_0001>

<sc_bundles>
// kernel: kernel.3.cloned.1.call-start
scs
__scs_entry_jumppad:
0x0: {  	(pc) =	sbr.rel $0x88, $3  }
0x1: {  	(tag) =	ssettag $0x0;
	lr =	simm.s32 $0x1  }
0x2: {  	[smem:$0x3FA0] =	sst lr;
	_ =	strace $0xD0000000  }
0x3: {  	_ = 	snop  }
0x4: {  	_ = 	snop  }
0x5: {  	_ = 	snop  }
0x6: {  	_ = 	snop  }
0x7: {  	_ = 	snop  }
__scs_overlays_trampoline_lowered:
0x8: {  	[smem:$0x3FAF] =	sst s0  }
0x9: {  	[smem:$0x3FB0] =	sst s1  }
0xa: {  	[smem:$0x3FB1] =	sst s2  }
0xb: {  	[smem:$0x3FB2] =	sst s3  }
0xc: {  	[smem:$0x3FB3] =	sst s4  }
0xd: {  	[smem:$0x3FB4] =	sst s5  }
0xe: {  	[smem:$0x3FB5] =	sst s6  }
0xf: {  	[smem:$0x3FB6] =	sst s7  }
0x10: {  	[smem:$0x3FB7] =	sst s8  }
0x11: {  	[smem:$0x3FB8] =	sst s9;
	s0 =	simm.s32 @!p0 $0x0  }
0x12: {  	s1 =	sld [smem:$0x3F9E];
	s0 =	simm.s32 @p0 $0x1  }
0x13: {  	[smem:$0x3FB9] =	sst s0;
	s0 =	simm.s32 @!p1 $0x0  }
0x14: {  	s2 =	sld [smem:$0x3F9D];
	s0 =	simm.s32 @p1 $0x1  }
0x15: {  	[smem:$0x3FBA] =	sst s0;
	s0 =	simm.s32 @!p2 $0x0  }
0x16: {  	s3 =	sld [smem:$0x3FDB];
	s0 =	simm.s32 @p2 $0x1  }
0x17: {  	s4 =	simm.s32 $0x1BF5;
	[smem:$0x3FBC] =	sst s0  }
0x18: {  	s0 =	sld [smem:$0x3F9F];
	_ =	swait.ge [sflag:s4], $0x0  }
0x19: {  	s7 =	sld [smem:$0x3FA0]  }
0x1a: {  	s8 =	sadd.s32 $0xFFFFE003, lr  }
0x1b: {  	s9 =	sadd.s32 $0xFFFFFEF7, lr;
	s5 =	simm.s32 $0xFFFFFFFF;
	p2 =	slt.u32 s8, $0xFFFFF086  }
0x1c: {  	p1 =	slt.u32 s9, $0xF7A;
	s5 =	simm.s32 @!p2 $0x0  }
0x1d: {  	s5 =	simm.s32 @p1 $0x1;
	p0 =	seq.s32 s7, s2  }
0x1e: {  	s7 =	smul.u32 @!p0 $0xF7A, s2;
	p2 =	seq.s32 @!p0 s5, $0x0  }
0x1f: {  	s9 =	smul.u32 $0xF7A, s1;
	s8 =	simm.s32 @!p0 $0x1BF5;
	p2 =	por !p2, p0  }
0x20: {  	[sflag:s8] =	ssyncset.s32 @!p0 $0xFFFFF086;
	s6 =	sadd.s32 @!p0 s3, s7;
	s7 =	simm.s32 @!p0 $0x108  }
0x21: {  	s3 =	sadd.s32 s3, s9;
	s6 =	sadd.s32 @!p0 $0x88, s6;
	s7 =	simm.s32 @p2 $0x1082  }
0x22: {  	[simem:s7], [sflag:s8] =	dma.local @!p0 [hbm:s6], $0xF7A  }
0x23: {  	s9 =	sor.u32 $0xD0000000, s2;
	s6 =	simm.s32 $0x108;
	_ =	swait.ge @!p0 [sflag:s8], $0x0  }
0x24: {  	s3 =	sadd.s32 $0x88, s3;
	s6 =	simm.s32 @!p1 $0x1082;
	[sflag:s4] =	ssyncset.s32 $0xFFFFF086  }
0x25: {  	[simem:s6], [sflag:s4] =	dma.local [hbm:s3], $0xF7A  }
0x26: {  	[smem:$0x3FA0] =	sst s1;
	(tag) =	ssettag s2;
	_ =	strace s9  }
0x27: {  	s1 =	sld [smem:$0x3FB0]  }
0x28: {  	s2 =	sld [smem:$0x3FB1]  }
0x29: {  	s4 =	sld [smem:$0x3FB3]  }
0x2a: {  	p0 =	seq.s32 s5, $0x0;
	s5 =	sld [smem:$0x3FB4]  }
0x2b: {  	s6 =	sld [smem:$0x3FB5]  }
0x2c: {  	s7 =	sld [smem:$0x3FB6]  }
0x2d: {  	s3 =	simm.s32 $0x108;
	s8 =	sld [smem:$0x3FB7]  }
0x2e: {  	s3 =	simm.s32 @!p0 $0x1082;
	s9 =	sld [smem:$0x3FB8]  }
0x2f: {  	lr =	sadd.s32 s0, s3;
	s0 =	sld [smem:$0x3FAF]  }
0x30: {  	s3 =	sld [smem:$0x3FB2]  }
0x31: {  	[smem:$0x3FBB] =	sst s10  }
0x32: {  	s10 =	sld [smem:$0x3FB9];
	_ =	sdelay $0x3  }
0x33: {  	p0 =	seq.s32 s10, $0x1;
	s10 =	sld [smem:$0x3FBB];
	_ =	sdelay $0x3  }
0x34: {  	[smem:$0x3FBB] =	sst s10  }
0x35: {  	s10 =	sld [smem:$0x3FBA];
	_ =	sdelay $0x3  }
0x36: {  	p1 =	seq.s32 s10, $0x1;
	s10 =	sld [smem:$0x3FBB];
	_ =	sdelay $0x3  }
0x37: {  	[smem:$0x3FBB] =	sst s10  }
0x38: {  	s10 =	sld [smem:$0x3FBC]  }
0x39: {  	_ = 	snop;
	(pc) =	sbr.ind lr, $3  }
0x3a: {  	_ = 	snop  }
0x3b: {  	_ = 	snop  }
0x3c: {  	p2 =	seq.s32 s10, $0x1;
	s10 =	sld [smem:$0x3FBB]  }
0x3d: {  	_ =	shalt  }
0x3e: {  	_ =	shalt  }
0x3f: {  	_ =	shalt  }
0x40: {  	_ =	shalt  }
0x41: {  	_ =	shalt  }
0x42: {  	_ =	shalt  }
0x43: {  	_ =	shalt  }
0x44: {  	_ =	shalt  }
0x45: {  	_ =	shalt  }
0x46: {  	_ =	shalt  }
0x47: {  	_ =	shalt  }
0x48: {  	_ =	shalt  }
0x49: {  	_ =	shalt  }
0x4a: {  	_ =	shalt  }
0x4b: {  	_ =	shalt  }
0x4c: {  	_ =	shalt  }
0x4d: {  	_ =	shalt  }
0x4e: {  	_ =	shalt  }
0x4f: {  	_ =	shalt  }
0x50: {  	_ =	shalt  }
0x51: {  	_ =	shalt  }
0x52: {  	_ =	shalt  }
0x53: {  	_ =	shalt  }
0x54: {  	_ =	shalt  }
0x55: {  	_ =	shalt  }
0x56: {  	_ =	shalt  }
0x57: {  	_ =	shalt  }
0x58: {  	_ =	shalt  }
0x59: {  	_ =	shalt  }
0x5a: {  	_ =	shalt  }
0x5b: {  	_ =	shalt  }
0x5c: {  	_ =	shalt  }
0x5d: {  	_ =	shalt  }
0x5e: {  	_ =	shalt  }
0x5f: {  	_ =	shalt  }
0x60: {  	_ =	shalt  }
0x61: {  	_ =	shalt  }
0x62: {  	_ =	shalt  }
0x63: {  	_ =	shalt  }
0x64: {  	_ =	shalt  }
0x65: {  	_ =	shalt  }
0x66: {  	_ =	shalt  }
0x67: {  	_ =	shalt  }
0x68: {  	_ =	shalt  }
0x69: {  	_ =	shalt  }
0x6a: {  	_ =	shalt  }
0x6b: {  	_ =	shalt  }
0x6c: {  	_ =	shalt  }
0x6d: {  	_ =	shalt  }
0x6e: {  	_ =	shalt  }
0x6f: {  	_ =	shalt  }
0x70: {  	_ =	shalt  }
0x71: {  	_ =	shalt  }
0x72: {  	_ =	shalt  }
0x73: {  	_ =	shalt  }
0x74: {  	_ =	shalt  }
0x75: {  	_ =	shalt  }
0x76: {  	_ =	shalt  }
0x77: {  	_ =	shalt  }
0x78: {  	_ =	shalt  }
0x79: {  	_ =	shalt  }
0x7a: {  	_ =	shalt  }
0x7b: {  	_ =	shalt  }
0x7c: {  	_ =	shalt  }
0x7d: {  	_ =	shalt  }
0x7e: {  	_ =	shalt  }
0x7f: {  	_ =	shalt  }
0x80: {  	_ =	shalt  }
0x81: {  	_ =	shalt  }
0x82: {  	_ =	shalt  }
0x83: {  	_ =	shalt  }
0x84: {  	_ =	shalt  }
0x85: {  	_ =	shalt  }
0x86: {  	_ =	shalt  }
0x87: {  	_ =	shalt  }
.Lfunc_end0:
.L_simem_size_0:
called_computation.1_lowered:
.L_overlay_start_0:
0x88: {  	s2 =	sld [smem:$0x3FD9]  }
0x89: {  	s3 =	sld [smem:$0x3FFE];
	_ =	sdelay $0x1  }
0x8a: {  	s1 =	srdreg.scid  }
0x8b: {  	s0 =	sand.u32 $0x1, s1  }
0x8c: {  	s17 =	sshll.u32 s0, $0xA;
	s2 =	sadd.s32 s3, s2  }
0x8d: {  	s2 =	sadd.s32 s2, s17  }
0x8e: {  	[smem:$0x3FC7] =	sst s2  }
0x8f: {  	_ = 	snop  }
0x90: {  	s2 =	sld [smem:$0x3FD0];
	(tm) =	ssettm $0x1  }
0x91: {  	s18 =	sld [smem:$0x3FFB];
	_ =	sdelay $0x3  }
0x92: {  	_ =	strace s18  }
0x93: {  	s3 =	sld [smem:$0x3FFC];
	_ =	sdelay $0x3  }
0x94: {  	_ =	strace s3  }
0x95: {  	s3 =	sld [smem:$0x3FFD];
	_ =	sdelay $0x3  }
0x96: {  	_ =	strace s3  }
0x97: {  	_ =	strace $0x8FFFFFFF  }
0x98: {  	s19 =	sld [smem:$0x3FDB];
	_ =	sdelay $0x1  }
0x99: {  	s4 =	simm.s32 $_scs_section_size  }
0x9a: {  	s5 =	simm.s32 $_size__tile_overlayer_lowered;
	s6 =	simm.s32 $_tile_overlayer_lowered  }
0x9b: {  	s22 =	simm.s32 $0x1BFF;
	s21 =	sshll.u32 s6, $0x1;
	s3 =	sadd.s32 s4, s19  }
0x9c: {  	s7 =	simm.s32 $0x0;
	s20 =	sshll.u32 s5, $0x1;
	s5 =	sadd.s32 s21, s3  }
0x9d: {  	[timem:s7], [sflag:s22] =	dma.local [hbm:s5], s20  }
0x9e: {  	_ =	swait.ge [sflag:s22], s20  }
0x9f: {  	s4 =	ssub.s32 $0x0, s20;
	[sflag:s22] =	ssyncset.done $0x0  }
0xa0: {  	[sflag:s22] =	ssyncadd.s32 s4;
	_ =	sdelay $0x1  }
0xa1: {  	s23 =	simm.s32 $0x1B8B  }
0xa2: {  	_ =	swait.ge [sflag:s23], $0x1  }
0xa3: {  	[sflag:s23] =	ssyncset.done $0x0  }
0xa4: {  	s25 =	simm.s32 $0x1B8E;
	s24 =	sld [smem:$0x3FFE];
	[sflag:s23] =	ssyncadd.s32 $0xFFFFFFFF  }
0xa5: {  	s26 =	simm.s32 $execute0_lowered;
	[smem:$0x3FD2] =	sst s25  }
0xa6: {  	s5 =	sshll.u32 s26, $0x1;
	_ =	strace $0x80000049;
	[dreg:$0x1] =	wrdreg $0xFFFFFFFF  }
0xa7: {  	s28 =	simm.s32 $_size_execute0_lowered;
	s3 =	sadd.s32 s3, s5;
	[dreg:$0x0] =	wrdreg $0x0  }
0xa8: {  	s5 =	sshll.u32 s28, $0x1;
	[dreg:$0x2] =	wrdreg s3  }
0xa9: {  	[dreg:$0x3] =	wrdreg s5  }
0xaa: {  	[dreg:$0x4] =	wrdreg $0xC0  }
0xab: {  	_ =	task [dreg:s7], $0x5FFFF  }
0xac: {  	[dreg:$0x1] =	wrdreg $0xFFFFFFFF  }
0xad: {  	[dreg:$0x0] =	wrdreg $0x60  }
0xae: {  	[dreg:$0x2] =	wrdreg s2  }
0xaf: {  	[dreg:$0x3] =	wrdreg s24  }
0xb0: {  	[dreg:$0x4] =	wrdreg $0x9  }
0xb1: {  	_ =	task.clear_ibuf [dreg:s7], $0x5FFFF;
	_ =	strace $0x90000049  }
0xb2: {  	s29 =	simm.s32 $0x9;
	_ =	strace $0x8000004B  }
0xb3: {  	_ =	swait.ge [sflag:s29], $0x1  }
0xb4: {  	[sflag:s29] =	ssyncadd.s32 $0xFFFFFFFF  }
0xb5: {  	_ =	strace $0x9000004B  }
0xb6: {  	_ =	sfence  }
0xb7: {  	s30 =	sld [smem:$0x0];
	_ =	sdelay $0x2  }
0xb8: {  	s31 =	sshll.u32 s1, $0xD;
	s1 =	sshrl.u32 s1, $0x2  }
0xb9: {  	s3 =	sand.u32 $0x4000, s31;
	s1 =	sadd.s32 s1, s30  }
0xba: {  	s0 =	sor.u32 s3, s0;
	s1 =	sshll.u32 s1, $0x11  }
0xbb: {  	s0 =	sor.u32 s1, s0  }
0xbc: {  	s0 =	sadd.s32 $0x8F2B, s0  }
0xbd: {  	[sflag:s0] =	ssyncadd.remote.s32 $0x1  }
0xbe: {  	_ =	sfence.sel $0xFFFF  }
0xbf: {  	[dreg:$0x0] =	wrdreg $0xFFFFFFFF;
	(pc) =	sbr.abs _section_cstart, $3  }
0xc0: {  	[dreg:$0x1] =	wrdreg $0xFFFFFFFF  }
0xc1: {  	_ =	task.clear_ibuf [dreg:s7], $0x2FFFF;
	_ =	strace $0x9FFFFFFF  }
0xc2: {  	(tm) =	ssettm $0x7FFFFFFF  }
0xc3: {  	_ =	shalt  }
tec
execute0_lowered:
.L_overlay_start_1:
0x0: {  	(tag) =	ssettag $0x1  }
0x1: {  	s2 =	rddreg [dreg:$0x0]  }
0x2: {  	s5 =	rddreg [dreg:$0x1];
	s0 =	srdreg.scid  }
0x3: {  	s1 =	stileid.u32;
	s3 =	simm.s32 $0x0;
	s29 =	simm.s32 $0x1  }
0x4: {  	s30 =	simm.s32 $0x2;
	s31 =	simm.s32 $0x10;
	s6 =	sand.u32 $0x1, s0  }
0x5: {  	s18 =	sshll.u32 s1, $0x1;
	[smem:$0x7FF] =	sst s3;
	s4 =	sadd.s32 $0x1200, s5  }
0x6: {  	s14 =	sshll.u32 s1, $0x6;
	s7 =	sor.u32 s6, s18;
	_ =	strace $0x8000004A  }
0x7: {  	s19 =	ssub.s32 $0x2, s6;
	s0 =	sshll.u32 s7, $0x1;
	s8 =	smul.u32 $0x60000, s7  }
0x8: {  	s9 =	sshll.u32 s7, $0x5;
	s10 =	sshrl.u32 s19, $0x1;
	s7 =	smul.u32 $0x300000, s7  }
0x9: {  	s0 =	sadd.s32 s0, s5;
	s26 =	sadd.s32 s9, s5;
	s20 =	sadd.s32 s4, s8  }
0xa: {  	s21 =	sadd.s32 s2, s8;
	s22 =	sor.u32 $0x6000, s8;
	[dreg:$0x3] =	wrdreg s20  }
0xb: {  	s28 =	ssub.s32 s19, s10;
	[dreg:$0x4] =	wrdreg s21;
	s23 =	sadd.s32 s4, s22  }
0xc: {  	s25 =	sor.u32 $0xC000, s8;
	s24 =	sadd.s32 s2, s22;
	[dreg:$0x5] =	wrdreg s23  }
0xd: {  	s5 =	sor.u32 $0x1C01, s14;
	s11 =	sadd.s32 s4, s25;
	[dreg:$0x6] =	wrdreg s24  }
0xe: {  	s13 =	sor.u32 $0x12000, s8;
	s12 =	sadd.s32 s2, s25;
	[dreg:$0x7] =	wrdreg s11  }
0xf: {  	s17 =	sor.u32 $0x18000, s8;
	s15 =	sadd.s32 s4, s13;
	[dreg:$0x8] =	wrdreg s12  }
0x10: {  	s26 =	sadd.s32 $0xC00, s26;
	s16 =	sadd.s32 s2, s13;
	[dreg:$0x9] =	wrdreg s15  }
0x11: {  	s28 =	smax.u32 s28, $0x1;
	s18 =	sadd.s32 s4, s17;
	[dreg:$0xa] =	wrdreg s16  }
0x12: {  	s19 =	sadd.s32 s2, s17;
	s20 =	sor.u32 $0x1E000, s8;
	[dreg:$0xb] =	wrdreg s18  }
0x13: {  	[dreg:$0xc] =	wrdreg s19;
	s21 =	sadd.s32 s4, s20;
	s23 =	sshrl.u32 s7, $0x3  }
0x14: {  	s6 =	sadd.s32 s2, s20;
	[dreg:$0xd] =	wrdreg s21;
	s7 =	sadd.s32 $0x24000, s23  }
0x15: {  	[dreg:$0xe] =	wrdreg s6;
	s24 =	sadd.s32 $0x2A000, s23;
	s25 =	sadd.s32 $0x30000, s23  }
0x16: {  	s12 =	sadd.s32 $0x36000, s23;
	s14 =	sadd.s32 $0x3C000, s23;
	s16 =	sadd.s32 $0x42000, s23  }
0x17: {  	s18 =	sadd.s32 $0x48000, s23;
	s20 =	sadd.s32 $0x4E000, s23;
	s22 =	sadd.s32 s4, s7  }
0x18: {  	s6 =	sadd.s32 s2, s7;
	s7 =	sadd.s32 s4, s24;
	s8 =	sadd.s32 s2, s24  }
0x19: {  	s9 =	sadd.s32 s4, s25;
	s10 =	sadd.s32 s2, s25;
	s11 =	sadd.s32 s4, s12  }
0x1a: {  	s12 =	sadd.s32 s2, s12;
	s13 =	sadd.s32 s4, s14;
	s14 =	sadd.s32 s2, s14  }
0x1b: {  	s15 =	sadd.s32 s4, s16;
	s16 =	sadd.s32 s2, s16;
	s17 =	sadd.s32 s4, s18  }
0x1c: {  	v24 =	vlaneseq.u32;
	s18 =	sadd.s32 s2, s18;
	s19 =	sadd.s32 s4, s20;
	s20 =	sadd.s32 s2, s20  }
0x1d: {  	v1 =	vor.u32 $0x10, v24;
	s24 =	sadd.s32 $0x5A000, s23;
	s25 =	sadd.s32 $0x1000, s0;
	s0 =	simm.s32 $0x110  }
0x1e: {  	v2 =	vor.u32 $0x20, v24;
	v3 =	vor.u32 $0x30, v24;
	v4 =	vor.u32 $0x40, v24;
	[dreg:$0xf] =	wrdreg s22;
	s22 =	sadd.s32 $0x54000, s23;
	s23 =	sadd.s32 s4, s24  }
0x1f: {  	v5 =	vor.u32 $0x50, v24;
	v6 =	vor.u32 $0x60, v24;
	v7 =	vor.u32 $0x70, v24;
	s24 =	sadd.s32 s2, s24;
	s21 =	sadd.s32 s4, s22;
	s22 =	sadd.s32 s2, s22  }
.LBB2_1:
0x20: {  	s1 =	rddreg [dreg:$0x3]  }
0x21: {  	s2 =	rddreg [dreg:$0x4]  }
0x22: {  	[hbm:s1], [sflag:s5] =	dma.local [hbm:s2], $0x6000  }
0x23: {  	s1 =	rddreg [dreg:$0x5]  }
0x24: {  	s2 =	rddreg [dreg:$0x6]  }
0x25: {  	[hbm:s1], [sflag:s5] =	dma.local [hbm:s2], $0x6000  }
0x26: {  	s1 =	rddreg [dreg:$0x7]  }
0x27: {  	s2 =	rddreg [dreg:$0x8]  }
0x28: {  	[hbm:s1], [sflag:s5] =	dma.local [hbm:s2], $0x6000  }
0x29: {  	s1 =	rddreg [dreg:$0x9]  }
0x2a: {  	s2 =	rddreg [dreg:$0xa]  }
0x2b: {  	[hbm:s1], [sflag:s5] =	dma.local [hbm:s2], $0x6000  }
0x2c: {  	s1 =	rddreg [dreg:$0xb]  }
0x2d: {  	s2 =	rddreg [dreg:$0xc]  }
0x2e: {  	[hbm:s1], [sflag:s5] =	dma.local [hbm:s2], $0x6000  }
0x2f: {  	s1 =	rddreg [dreg:$0xd]  }
0x30: {  	s2 =	rddreg [dreg:$0xe]  }
0x31: {  	[hbm:s1], [sflag:s5] =	dma.local [hbm:s2], $0x6000  }
0x32: {  	s1 =	rddreg [dreg:$0xf]  }
0x33: {  	[hbm:s1], [sflag:s5] =	dma.local [hbm:s6], $0x6000  }
0x34: {  	[hbm:s7], [sflag:s5] =	dma.local [hbm:s8], $0x6000  }
0x35: {  	[hbm:s9], [sflag:s5] =	dma.local [hbm:s10], $0x6000  }
0x36: {  	[hbm:s11], [sflag:s5] =	dma.local [hbm:s12], $0x6000  }
0x37: {  	[hbm:s13], [sflag:s5] =	dma.local [hbm:s14], $0x6000  }
0x38: {  	[hbm:s15], [sflag:s5] =	dma.local [hbm:s16], $0x6000  }
0x39: {  	[hbm:s17], [sflag:s5] =	dma.local [hbm:s18], $0x6000  }
0x3a: {  	[hbm:s19], [sflag:s5] =	dma.local [hbm:s20], $0x6000  }
0x3b: {  	[hbm:s21], [sflag:s5] =	dma.local [hbm:s22], $0x6000  }
0x3c: {  	[hbm:s23], [sflag:s5] =	dma.local [hbm:s24], $0x6000  }
0x3d: {  	_ =	swait.ge [sflag:s29], $0x6000  }
0x3e: {  	[sflag:s29] =	ssyncset.done $0x0  }
0x3f: {  	[sflag:s29] =	ssyncadd.s32 $0xFFFFA000  }
0x40: {  	_ =	swait.ge [sflag:s29], $0x6000  }
0x41: {  	[sflag:s29] =	ssyncset.done $0x0  }
0x42: {  	[sflag:s29] =	ssyncadd.s32 $0xFFFFA000  }
0x43: {  	_ =	swait.ge [sflag:s29], $0x6000  }
0x44: {  	[sflag:s29] =	ssyncset.done $0x0  }
0x45: {  	[sflag:s29] =	ssyncadd.s32 $0xFFFFA000  }
0x46: {  	_ =	swait.ge [sflag:s29], $0x6000  }
0x47: {  	[sflag:s29] =	ssyncset.done $0x0  }
0x48: {  	[sflag:s29] =	ssyncadd.s32 $0xFFFFA000  }
0x49: {  	_ =	swait.ge [sflag:s29], $0x6000  }
0x4a: {  	[sflag:s29] =	ssyncset.done $0x0  }
0x4b: {  	[sflag:s29] =	ssyncadd.s32 $0xFFFFA000  }
0x4c: {  	_ =	swait.ge [sflag:s29], $0x6000  }
0x4d: {  	[sflag:s29] =	ssyncset.done $0x0  }
0x4e: {  	[sflag:s29] =	ssyncadd.s32 $0xFFFFA000  }
0x4f: {  	_ =	swait.ge [sflag:s29], $0x6000  }
0x50: {  	[sflag:s29] =	ssyncset.done $0x0  }
0x51: {  	[sflag:s29] =	ssyncadd.s32 $0xFFFFA000  }
0x52: {  	_ =	swait.ge [sflag:s29], $0x6000  }
0x53: {  	[sflag:s29] =	ssyncset.done $0x0  }
0x54: {  	[sflag:s29] =	ssyncadd.s32 $0xFFFFA000  }
0x55: {  	_ =	swait.ge [sflag:s29], $0x6000  }
0x56: {  	[sflag:s29] =	ssyncset.done $0x0  }
0x57: {  	[sflag:s29] =	ssyncadd.s32 $0xFFFFA000  }
0x58: {  	_ =	swait.ge [sflag:s29], $0x6000  }
0x59: {  	[sflag:s29] =	ssyncset.done $0x0  }
0x5a: {  	[sflag:s29] =	ssyncadd.s32 $0xFFFFA000  }
0x5b: {  	_ =	swait.ge [sflag:s29], $0x6000  }
0x5c: {  	[sflag:s29] =	ssyncset.done $0x0  }
0x5d: {  	[sflag:s29] =	ssyncadd.s32 $0xFFFFA000  }
0x5e: {  	_ =	swait.ge [sflag:s29], $0x6000  }
0x5f: {  	[sflag:s29] =	ssyncset.done $0x0  }
0x60: {  	[sflag:s29] =	ssyncadd.s32 $0xFFFFA000  }
0x61: {  	_ =	swait.ge [sflag:s29], $0x6000  }
0x62: {  	[sflag:s29] =	ssyncset.done $0x0  }
0x63: {  	[sflag:s29] =	ssyncadd.s32 $0xFFFFA000  }
0x64: {  	_ =	swait.ge [sflag:s29], $0x6000  }
0x65: {  	[sflag:s29] =	ssyncset.done $0x0  }
0x66: {  	[sflag:s29] =	ssyncadd.s32 $0xFFFFA000  }
0x67: {  	_ =	swait.ge [sflag:s29], $0x6000  }
0x68: {  	[sflag:s29] =	ssyncset.done $0x0  }
0x69: {  	[sflag:s29] =	ssyncadd.s32 $0xFFFFA000  }
0x6a: {  	_ =	swait.ge [sflag:s29], $0x6000  }
0x6b: {  	[sflag:s29] =	ssyncset.done $0x0  }
0x6c: {  	[sflag:s29] =	ssyncadd.s32 $0xFFFFA000  }
0x6d: {  	[tilespmem:s3], [sflag:$0x2] =	stream.linear.gather [hbm4b:s25+s3], $0x10, $0x38;
	[tilespmem:$0x910] =	vst v63  }
0x6e: {  	_ =	swait.ge [sflag:s30], $0x10  }
0x6f: {  	[sflag:s30] =	ssyncset.done $0x0  }
0x70: {  	[sflag:s30] =	ssyncadd.s32 $0xFFFFFFF0  }
0x71: {  	[tilespmem:s31], [sflag:$0x2] =	stream.linear.gather [hbm4b:s26+s3], $0x100, $0x38;
	[tilespmem:$0x910] =	vst v63  }
0x72: {  	_ =	swait.ge [sflag:s30], $0x100  }
0x73: {  	[sflag:s30] =	ssyncset.done $0x0  }
0x74: {  	[sflag:s30] =	ssyncadd.s32 $0xFFFFFF00  }
0x75: {  	s2 =	rddreg [dreg:$0x0]  }
0x76: {  	[tilespmem:s0], [sflag:$0x1] =	stream.indirect.gather [hbm4b:s2+s31], $0x80, s3, s31, $0xb8;
	[tilespmem:$0x910] =	vst v63  }
0x77: {  	_ =	swait.ge [sflag:s29], $0x800  }
0x78: {  	[sflag:s29] =	ssyncset.done $0x0  }
0x79: {  	[sflag:s29] =	ssyncadd.s32 $0xFFFFF800  }
0x7a: {  	v15 =	vld [tilespmem:$0x10]  }
0x7b: {  	v21 =	vld [tilespmem:$0x110]  }
0x7c: {  	v50 =	vld [tilespmem:$0x10]  }
0x7d: {  	v37 =	vld [tilespmem:$0x2C0]  }
0x7e: {  	v20 =	vld [tilespmem:$0x120]  }
0x7f: {  	v46 =	vld [tilespmem:$0x10]  }
0x80: {  	v17 =	vld [tilespmem:$0x130]  }
0x81: {  	v16 =	vld [tilespmem:$0x10]  }
0x82: {  	[tilespmem:$0x1F9F0] =	vst v37;
	v37 =	vld [tilespmem:$0x2D0]  }
0x83: {  	v19 =	vld [tilespmem:$0x140]  }
0x84: {  	v42 =	vld [tilespmem:$0x10]  }
0x85: {  	v34 =	vld [tilespmem:$0x150]  }
0x86: {  	v40 =	vld [tilespmem:$0x10]  }
0x87: {  	[tilespmem:$0x1FA10] =	vst v37;
	v37 =	vld [tilespmem:$0x40]  }
0x88: {  	v26 =	vld [tilespmem:$0x160]  }
0x89: {  	v18 =	vld [tilespmem:$0x10]  }
0x8a: {  	v41 =	vld [tilespmem:$0x170]  }
0x8b: {  	v31 =	vld [tilespmem:$0x10]  }
0x8c: {  	[tilespmem:$0x1FA00] =	vst v37;
	v37 =	vld [tilespmem:$0x2E0]  }
0x8d: {  	v44 =	vld [tilespmem:$0x180]  }
0x8e: {  	v22 =	vld [tilespmem:$0x20]  }
0x8f: {  	v47 =	vld [tilespmem:$0x190]  }
0x90: {  	v39 =	vld [tilespmem:$0x20]  }
0x91: {  	[tilespmem:$0x1FA30] =	vst v37;
	v37 =	vld [tilespmem:$0x40]  }
0x92: {  	v49 =	vld [tilespmem:$0x1A0]  }
0x93: {  	v43 =	vld [tilespmem:$0x20]  }
0x94: {  	v52 =	vld [tilespmem:$0x1B0]  }
0x95: {  	v45 =	vld [tilespmem:$0x20]  }
0x96: {  	[tilespmem:$0x1FA20] =	vst v37;
	v37 =	vld [tilespmem:$0x2F0]  }
0x97: {  	v54 =	vld [tilespmem:$0x1C0]  }
0x98: {  	v48 =	vld [tilespmem:$0x20]  }
0x99: {  	v57 =	vld [tilespmem:$0x1D0]  }
0x9a: {  	v51 =	vld [tilespmem:$0x20]  }
0x9b: {  	[tilespmem:$0x1FA50] =	vst v37;
	v37 =	vld [tilespmem:$0x40]  }
0x9c: {  	v60 =	vld [tilespmem:$0x1E0]  }
0x9d: {  	v53 =	vld [tilespmem:$0x20]  }
0x9e: {  	v63 =	vld [tilespmem:$0x1F0]  }
0x9f: {  	v56 =	vld [tilespmem:$0x20]  }
0xa0: {  	[tilespmem:$0x1FA40] =	vst v37;
	v37 =	vld [tilespmem:$0x300]  }
0xa1: {  	v62 =	vld [tilespmem:$0x200]  }
0xa2: {  	v59 =	vld [tilespmem:$0x30]  }
0xa3: {  	v0 =	vld [tilespmem:$0x210]  }
0xa4: {  	v61 =	vld [tilespmem:$0x30]  }
0xa5: {  	[tilespmem:$0x1FA70] =	vst v37;
	v37 =	vld [tilespmem:$0x50]  }
0xa6: {  	v10 =	vld [tilespmem:$0x220]  }
0xa7: {  	v8 =	vld [tilespmem:$0x30]  }
0xa8: {  	v12 =	vld [tilespmem:$0x230]  }
0xa9: {  	v9 =	vld [tilespmem:$0x30]  }
0xaa: {  	[tilespmem:$0x1FA60] =	vst v37;
	v37 =	vld [tilespmem:$0x310]  }
0xab: {  	v58 =	vld [tilespmem:$0x240]  }
0xac: {  	v11 =	vld [tilespmem:$0x30]  }
0xad: {  	v55 =	vld [tilespmem:$0x250]  }
0xae: {  	v13 =	vld [tilespmem:$0x30]  }
0xaf: {  	[tilespmem:$0x1FA90] =	vst v37;
	v37 =	vld [tilespmem:$0x50]  }
0xb0: {  	v14 =	vld [tilespmem:$0x260]  }
0xb1: {  	v23 =	vld [tilespmem:$0x30]  }
0xb2: {  	v27 =	vld [tilespmem:$0x270]  }
0xb3: {  	v25 =	vld [tilespmem:$0x30]  }
0xb4: {  	[tilespmem:$0x1FA80] =	vst v37;
	v37 =	vld [tilespmem:$0x320]  }
0xb5: {  	v29 =	vld [tilespmem:$0x280]  }
0xb6: {  	v28 =	vld [tilespmem:$0x40]  }
0xb7: {  	v32 =	vld [tilespmem:$0x290]  }
0xb8: {  	v35 =	vld [tilespmem:$0x2B0]  }
0xb9: {  	[tilespmem:$0x1FAB0] =	vst v37;
	v37 =	vld [tilespmem:$0x50]  }
0xba: {  	v30 =	vld [tilespmem:$0x40]  }
0xbb: {  	v36 =	vld [tilespmem:$0x2A0]  }
0xbc: {  	v33 =	vld [tilespmem:$0x40]  }
0xbd: {  	v38 =	vld [tilespmem:$0x40];
	[tilespmem:$0x1F9E0] =	vst v35  }
0xbe: {  	v35 =	vld [tilespmem:$0x40];
	[tilespmem:$0x1FAA0] =	vst v37  }
0xbf: {  	v37 =	vld [tilespmem:$0x330];
	_ =	sdelay $0x4  }
0xc0: {  	[tilespmem:$0x1FAD0] =	vst v37;
	v37 =	vld [tilespmem:$0x50];
	_ =	sdelay $0x4  }
0xc1: {  	[tilespmem:$0x1FAC0] =	vst v37;
	v37 =	vld [tilespmem:$0x340];
	_ =	sdelay $0x4  }
0xc2: {  	[tilespmem:$0x1FAF0] =	vst v37;
	v37 =	vld [tilespmem:$0x50];
	_ =	sdelay $0x4  }
0xc3: {  	[tilespmem:$0x1FAE0] =	vst v37;
	v37 =	vld [tilespmem:$0x350];
	_ =	sdelay $0x4  }
0xc4: {  	[tilespmem:$0x1FB10] =	vst v37;
	v37 =	vld [tilespmem:$0x50];
	_ =	sdelay $0x4  }
0xc5: {  	[tilespmem:$0x1FB00] =	vst v37;
	v37 =	vld [tilespmem:$0x360];
	_ =	sdelay $0x4  }
0xc6: {  	[tilespmem:$0x1FB30] =	vst v37;
	v37 =	vld [tilespmem:$0x50];
	_ =	sdelay $0x4  }
0xc7: {  	[tilespmem:$0x1FB20] =	vst v37;
	v37 =	vld [tilespmem:$0x370];
	_ =	sdelay $0x4  }
0xc8: {  	[tilespmem:$0x1FB50] =	vst v37;
	v37 =	vld [tilespmem:$0x50];
	_ =	sdelay $0x4  }
0xc9: {  	[tilespmem:$0x1FB40] =	vst v37;
	v37 =	vld [tilespmem:$0x380];
	_ =	sdelay $0x4  }
0xca: {  	[tilespmem:$0x1FB70] =	vst v37;
	v37 =	vld [tilespmem:$0x60];
	_ =	sdelay $0x4  }
0xcb: {  	[tilespmem:$0x1FB60] =	vst v37;
	v37 =	vld [tilespmem:$0x390];
	_ =	sdelay $0x4  }
0xcc: {  	[tilespmem:$0x1FB90] =	vst v37;
	v37 =	vld [tilespmem:$0x60];
	_ =	sdelay $0x4  }
0xcd: {  	[tilespmem:$0x1FB80] =	vst v37;
	v37 =	vld [tilespmem:$0x3A0];
	_ =	sdelay $0x4  }
0xce: {  	[tilespmem:$0x1FBB0] =	vst v37;
	v37 =	vld [tilespmem:$0x60];
	_ =	sdelay $0x4  }
0xcf: {  	[tilespmem:$0x1FBA0] =	vst v37;
	v37 =	vld [tilespmem:$0x3B0];
	_ =	sdelay $0x4  }
0xd0: {  	[tilespmem:$0x1FBD0] =	vst v37;
	v37 =	vld [tilespmem:$0x60];
	_ =	sdelay $0x4  }
0xd1: {  	[tilespmem:$0x1FBC0] =	vst v37;
	v37 =	vld [tilespmem:$0x3C0];
	_ =	sdelay $0x4  }
0xd2: {  	[tilespmem:$0x1FBF0] =	vst v37;
	v37 =	vld [tilespmem:$0x60];
	_ =	sdelay $0x4  }
0xd3: {  	[tilespmem:$0x1FBE0] =	vst v37;
	v37 =	vld [tilespmem:$0x3D0];
	_ =	sdelay $0x4  }
0xd4: {  	[tilespmem:$0x1FC10] =	vst v37;
	v37 =	vld [tilespmem:$0x60];
	_ =	sdelay $0x4  }
0xd5: {  	[tilespmem:$0x1FC00] =	vst v37;
	v37 =	vld [tilespmem:$0x3E0];
	_ =	sdelay $0x4  }
0xd6: {  	[tilespmem:$0x1FC30] =	vst v37;
	v37 =	vld [tilespmem:$0x60];
	_ =	sdelay $0x4  }
0xd7: {  	[tilespmem:$0x1FC20] =	vst v37;
	v37 =	vld [tilespmem:$0x3F0];
	_ =	sdelay $0x4  }
0xd8: {  	[tilespmem:$0x1FC50] =	vst v37;
	v37 =	vld [tilespmem:$0x60];
	_ =	sdelay $0x4  }
0xd9: {  	[tilespmem:$0x1FC40] =	vst v37;
	v37 =	vld [tilespmem:$0x400];
	_ =	sdelay $0x4  }
0xda: {  	[tilespmem:$0x1FC70] =	vst v37;
	v37 =	vld [tilespmem:$0x70];
	_ =	sdelay $0x4  }
0xdb: {  	[tilespmem:$0x1FC60] =	vst v37;
	v37 =	vld [tilespmem:$0x410];
	_ =	sdelay $0x4  }
0xdc: {  	[tilespmem:$0x1FC90] =	vst v37;
	v37 =	vld [tilespmem:$0x70];
	_ =	sdelay $0x4  }
0xdd: {  	[tilespmem:$0x1FC80] =	vst v37;
	v37 =	vld [tilespmem:$0x420];
	_ =	sdelay $0x4  }
0xde: {  	[tilespmem:$0x1FCB0] =	vst v37;
	v37 =	vld [tilespmem:$0x70];
	_ =	sdelay $0x4  }
0xdf: {  	[tilespmem:$0x1FCA0] =	vst v37;
	v37 =	vld [tilespmem:$0x430];
	_ =	sdelay $0x4  }
0xe0: {  	[tilespmem:$0x1FCD0] =	vst v37;
	v37 =	vld [tilespmem:$0x70];
	_ =	sdelay $0x4  }
0xe1: {  	[tilespmem:$0x1FCC0] =	vst v37;
	v37 =	vld [tilespmem:$0x440];
	_ =	sdelay $0x4  }
0xe2: {  	[tilespmem:$0x1FCF0] =	vst v37;
	v37 =	vld [tilespmem:$0x70];
	_ =	sdelay $0x4  }
0xe3: {  	[tilespmem:$0x1FCE0] =	vst v37;
	v37 =	vld [tilespmem:$0x450];
	_ =	sdelay $0x4  }
0xe4: {  	[tilespmem:$0x1FD10] =	vst v37;
	v37 =	vld [tilespmem:$0x70];
	_ =	sdelay $0x4  }
0xe5: {  	[tilespmem:$0x1FD00] =	vst v37;
	v37 =	vld [tilespmem:$0x460];
	_ =	sdelay $0x4  }
0xe6: {  	[tilespmem:$0x1FD30] =	vst v37;
	v37 =	vld [tilespmem:$0x70];
	_ =	sdelay $0x4  }
0xe7: {  	[tilespmem:$0x1FD20] =	vst v37;
	v37 =	vld [tilespmem:$0x470];
	_ =	sdelay $0x4  }
0xe8: {  	[tilespmem:$0x1FD50] =	vst v37;
	v37 =	vld [tilespmem:$0x70];
	_ =	sdelay $0x4  }
0xe9: {  	[tilespmem:$0x1FD40] =	vst v37;
	v37 =	vld [tilespmem:$0x480];
	_ =	sdelay $0x4  }
0xea: {  	[tilespmem:$0x1FD70] =	vst v37;
	v37 =	vld [tilespmem:$0x80];
	_ =	sdelay $0x4  }
0xeb: {  	[tilespmem:$0x1FD60] =	vst v37;
	v37 =	vld [tilespmem:$0x490];
	_ =	sdelay $0x4  }
0xec: {  	[tilespmem:$0x1FD90] =	vst v37;
	v37 =	vld [tilespmem:$0x80];
	_ =	sdelay $0x4  }
0xed: {  	[tilespmem:$0x1FD80] =	vst v37;
	v37 =	vld [tilespmem:$0x4A0];
	_ =	sdelay $0x4  }
0xee: {  	[tilespmem:$0x1FDB0] =	vst v37;
	v37 =	vld [tilespmem:$0x80];
	_ =	sdelay $0x4  }
0xef: {  	[tilespmem:$0x1FDA0] =	vst v37;
	v37 =	vld [tilespmem:$0x4B0];
	_ =	sdelay $0x4  }
0xf0: {  	[tilespmem:$0x1FDD0] =	vst v37;
	v37 =	vld [tilespmem:$0x80];
	_ =	sdelay $0x4  }
0xf1: {  	[tilespmem:$0x1FDC0] =	vst v37;
	v37 =	vld [tilespmem:$0x4C0];
	_ =	sdelay $0x4  }
0xf2: {  	[tilespmem:$0x1FDF0] =	vst v37;
	v37 =	vld [tilespmem:$0x80];
	_ =	sdelay $0x4  }
0xf3: {  	[tilespmem:$0x1FDE0] =	vst v37;
	v37 =	vld [tilespmem:$0x4D0];
	_ =	sdelay $0x4  }
0xf4: {  	[tilespmem:$0x1FE10] =	vst v37;
	v37 =	vld [tilespmem:$0x80];
	_ =	sdelay $0x4  }
0xf5: {  	[tilespmem:$0x1FE00] =	vst v37;
	v37 =	vld [tilespmem:$0x4E0];
	_ =	sdelay $0x4  }
0xf6: {  	[tilespmem:$0x1FE30] =	vst v37;
	v37 =	vld [tilespmem:$0x80];
	_ =	sdelay $0x4  }
0xf7: {  	[tilespmem:$0x1FE20] =	vst v37;
	v37 =	vld [tilespmem:$0x4F0];
	_ =	sdelay $0x4  }
0xf8: {  	[tilespmem:$0x1FE50] =	vst v37;
	v37 =	vld [tilespmem:$0x80];
	_ =	sdelay $0x4  }
0xf9: {  	[tilespmem:$0x1FE40] =	vst v37;
	v37 =	vld [tilespmem:$0x500];
	_ =	sdelay $0x4  }
0xfa: {  	[tilespmem:$0x1FE70] =	vst v37;
	v37 =	vld [tilespmem:$0x90];
	_ =	sdelay $0x4  }
0xfb: {  	[tilespmem:$0x1FE60] =	vst v37;
	v37 =	vld [tilespmem:$0x510];
	_ =	sdelay $0x4  }
0xfc: {  	[tilespmem:$0x1FE90] =	vst v37;
	v37 =	vld [tilespmem:$0x90];
	_ =	sdelay $0x4  }
0xfd: {  	[tilespmem:$0x1FE80] =	vst v37;
	v37 =	vld [tilespmem:$0x520];
	_ =	sdelay $0x3  }
0xfe: {  	vm0 =	veq.s32 v15, v24  }
0xff: {  	vm1 =	veq.s32 v50, v1;
	v50 =	vsel vm0, $0x0, v21;
	[tilespmem:$0x1FEB0] =	vst v37;
	v37 =	vld [tilespmem:$0x90]  }
0x100: {  	vm10 =	veq.s32 v46, v2;
	vm12 =	veq.s32 v42, v4;
	v46 =	vsel vm1, $0x0, v20;
	[tilespmem:$0x110] =	vst v50  }
0x101: {  	v20 =	vsel vm10, $0x0, v17;
	v50 =	vld [tilespmem:$0x90];
	[tilespmem:$0x120] =	vst v46;
	v46 =	vsel vm12, $0x0, v34;
	vm12 =	veq.s32 v59, v24  }
0x102: {  	vm13 =	veq.s32 v40, v5;
	[tilespmem:$0x130] =	vst v20;
	v0 =	vsel vm12, $0x0, v0  }
0x103: {  	v21 =	vld [tilespmem:$0x540];
	v20 =	vsel vm13, $0x0, v26;
	vm13 =	veq.s32 v61, v1;
	[tilespmem:$0x210] =	vst v0  }
0x104: {  	vm14 =	veq.s32 v18, v6;
	v0 =	vsel vm13, $0x0, v10;
	[tilespmem:$0x1FEA0] =	vst v37;
	v37 =	vld [tilespmem:$0x530]  }
0x105: {  	vm15 =	veq.s32 v31, v7;
	v31 =	vsel vm14, $0x0, v41;
	vm14 =	veq.s32 v8, v2;
	[tilespmem:$0x220] =	vst v0  }
0x106: {  	v0 =	vsel vm14, $0x0, v12;
	[tilespmem:$0x1FEC0] =	vst v50;
	v50 =	vld [tilespmem:$0x550]  }
0x107: {  	vm11 =	veq.s32 v16, v3;
	[tilespmem:$0x230] =	vst v0  }
0x108: {  	vm4 =	veq.s32 v22, v24;
	vm5 =	veq.s32 v39, v1;
	vm6 =	veq.s32 v43, v2;
	[tilespmem:$0x1FEF0] =	vst v21  }
0x109: {  	vm7 =	veq.s32 v45, v3;
	vm8 =	veq.s32 v48, v4;
	[tilespmem:$0x1FED0] =	vst v37;
	v37 =	vsel vm11, $0x0, v19  }
0x10a: {  	vm9 =	veq.s32 v51, v5;
	[tilespmem:$0x140] =	vst v37;
	v37 =	vsel vm15, $0x0, v44;
	vm15 =	veq.s32 v9, v3  }
0x10b: {  	v41 =	vsel vm4, $0x0, v47;
	vm4 =	veq.s32 v11, v4;
	[tilespmem:$0x1FF00] =	vst v50;
	v0 =	vsel vm15, $0x0, v58  }
0x10c: {  	v44 =	vsel vm5, $0x0, v49;
	vm5 =	veq.s32 v13, v5;
	[tilespmem:$0x240] =	vst v0;
	v0 =	vsel vm4, $0x0, v55  }
0x10d: {  	v47 =	vsel vm6, $0x0, v52;
	vm6 =	veq.s32 v23, v6;
	[tilespmem:$0x250] =	vst v0;
	v0 =	vsel vm5, $0x0, v14  }
0x10e: {  	v50 =	vsel vm7, $0x0, v54;
	vm7 =	veq.s32 v25, v7;
	[tilespmem:$0x260] =	vst v0;
	v0 =	vsel vm6, $0x0, v27  }
0x10f: {  	v54 =	vsel vm8, $0x0, v57;
	vm8 =	veq.s32 v28, v24;
	[tilespmem:$0x270] =	vst v0;
	v0 =	vsel vm7, $0x0, v29  }
0x110: {  	v60 =	vsel vm9, $0x0, v60;
	vm9 =	veq.s32 v30, v1;
	[tilespmem:$0x280] =	vst v0;
	v0 =	vsel vm8, $0x0, v32  }
0x111: {  	v21 =	vld [tilespmem:$0x90];
	[tilespmem:$0x290] =	vst v0;
	v0 =	vsel vm9, $0x0, v36  }
0x112: {  	[tilespmem:$0x2A0] =	vst v0;
	v0 =	vld [tilespmem:$0x1F9E0];
	_ =	sdelay $0x2  }
0x113: {  	vm10 =	veq.s32 v53, v6  }
0x114: {  	[tilespmem:$0x1FF10] =	vst v21;
	v21 =	vsel vm10, $0x0, v63;
	vm10 =	veq.s32 v33, v2  }
0x115: {  	v0 =	vsel vm10, $0x0, v0  }
0x116: {  	[tilespmem:$0x2B0] =	vst v0;
	v0 =	vld [tilespmem:$0x1F9F0];
	_ =	sdelay $0x2  }
0x117: {  	vm11 =	veq.s32 v56, v7  }
0x118: {  	v22 =	vsel vm11, $0x0, v62;
	vm11 =	veq.s32 v35, v3  }
0x119: {  	v0 =	vsel vm11, $0x0, v0  }
0x11a: {  	[tilespmem:$0x2C0] =	vst v0;
	v0 =	vld [tilespmem:$0x1FA00];
	_ =	sdelay $0x4  }
0x11b: {  	vm13 =	veq.s32 v0, v5;
	v0 =	vld [tilespmem:$0x1FA10];
	_ =	sdelay $0x3  }
0x11c: {  	vm12 =	veq.s32 v38, v4  }
0x11d: {  	v0 =	vsel vm12, $0x0, v0  }
0x11e: {  	[tilespmem:$0x2D0] =	vst v0;
	v0 =	vld [tilespmem:$0x1FA20];
	_ =	sdelay $0x4  }
0x11f: {  	vm14 =	veq.s32 v0, v6;
	v0 =	vld [tilespmem:$0x1FA30];
	_ =	sdelay $0x4  }
0x120: {  	v0 =	vsel vm13, $0x0, v0  }
0x121: {  	[tilespmem:$0x2E0] =	vst v0;
	v0 =	vld [tilespmem:$0x1FA40];
	_ =	sdelay $0x4  }
0x122: {  	vm15 =	veq.s32 v0, v7;
	v0 =	vld [tilespmem:$0x1FA50];
	_ =	sdelay $0x4  }
0x123: {  	v0 =	vsel vm14, $0x0, v0  }
0x124: {  	[tilespmem:$0x2F0] =	vst v0;
	v0 =	vld [tilespmem:$0x1FA60];
	_ =	sdelay $0x4  }
0x125: {  	vm4 =	veq.s32 v0, v24;
	v0 =	vld [tilespmem:$0x1FA70];
	_ =	sdelay $0x4  }
0x126: {  	v0 =	vsel vm15, $0x0, v0  }
0x127: {  	[tilespmem:$0x300] =	vst v0;
	v0 =	vld [tilespmem:$0x1FA80];
	_ =	sdelay $0x4  }
0x128: {  	vm5 =	veq.s32 v0, v1;
	v0 =	vld [tilespmem:$0x1FA90];
	_ =	sdelay $0x4  }
0x129: {  	v0 =	vsel vm4, $0x0, v0  }
0x12a: {  	[tilespmem:$0x310] =	vst v0;
	v0 =	vld [tilespmem:$0x1FAA0];
	_ =	sdelay $0x4  }
0x12b: {  	vm6 =	veq.s32 v0, v2;
	v0 =	vld [tilespmem:$0x1FAB0];
	_ =	sdelay $0x4  }
0x12c: {  	v0 =	vsel vm5, $0x0, v0  }
0x12d: {  	[tilespmem:$0x320] =	vst v0;
	v0 =	vld [tilespmem:$0x1FAC0];
	_ =	sdelay $0x4  }
0x12e: {  	vm7 =	veq.s32 v0, v3;
	v0 =	vld [tilespmem:$0x1FAD0];
	_ =	sdelay $0x4  }
0x12f: {  	v0 =	vsel vm6, $0x0, v0  }
0x130: {  	[tilespmem:$0x330] =	vst v0;
	v0 =	vld [tilespmem:$0x1FAE0];
	_ =	sdelay $0x4  }
0x131: {  	vm8 =	veq.s32 v0, v4;
	v0 =	vld [tilespmem:$0x1FAF0];
	_ =	sdelay $0x4  }
0x132: {  	v0 =	vsel vm7, $0x0, v0  }
0x133: {  	[tilespmem:$0x340] =	vst v0;
	v0 =	vld [tilespmem:$0x1FB00];
	_ =	sdelay $0x4  }
0x134: {  	vm9 =	veq.s32 v0, v5;
	v0 =	vld [tilespmem:$0x1FB10];
	_ =	sdelay $0x4  }
0x135: {  	v0 =	vsel vm8, $0x0, v0  }
0x136: {  	[tilespmem:$0x350] =	vst v0;
	v0 =	vld [tilespmem:$0x1FB20];
	_ =	sdelay $0x4  }
0x137: {  	vm10 =	veq.s32 v0, v6;
	v0 =	vld [tilespmem:$0x1FB30];
	_ =	sdelay $0x4  }
0x138: {  	v0 =	vsel vm9, $0x0, v0  }
0x139: {  	[tilespmem:$0x360] =	vst v0;
	v0 =	vld [tilespmem:$0x1FB40];
	_ =	sdelay $0x4  }
0x13a: {  	vm11 =	veq.s32 v0, v7;
	v0 =	vld [tilespmem:$0x1FB50];
	_ =	sdelay $0x4  }
0x13b: {  	v0 =	vsel vm10, $0x0, v0  }
0x13c: {  	[tilespmem:$0x370] =	vst v0;
	v0 =	vld [tilespmem:$0x1FB60];
	_ =	sdelay $0x4  }
0x13d: {  	vm12 =	veq.s32 v0, v24;
	v0 =	vld [tilespmem:$0x1FB70];
	_ =	sdelay $0x4  }
0x13e: {  	v0 =	vsel vm11, $0x0, v0  }
0x13f: {  	[tilespmem:$0x380] =	vst v0;
	v0 =	vld [tilespmem:$0x1FB80];
	_ =	sdelay $0x2  }
0x140: {  	v42 =	vld [tilespmem:$0x90]  }
0x141: {  	v34 =	vld [tilespmem:$0x560]  }
0x142: {  	vm13 =	veq.s32 v0, v1;
	v0 =	vld [tilespmem:$0x1FB90]  }
0x143: {  	v40 =	vld [tilespmem:$0x90]  }
0x144: {  	v52 =	vld [tilespmem:$0xA0]  }
0x145: {  	[tilespmem:$0x170] =	vst v31;
	v31 =	vld [tilespmem:$0xA0]  }
0x146: {  	v8 =	vld [tilespmem:$0xA0]  }
0x147: {  	v26 =	vld [tilespmem:$0x600];
	v0 =	vsel vm12, $0x0, v0  }
0x148: {  	[tilespmem:$0x390] =	vst v0;
	v0 =	vld [tilespmem:$0x1FBA0]  }
0x149: {  	[tilespmem:$0x190] =	vst v41;
	v41 =	vld [tilespmem:$0x610]  }
0x14a: {  	v17 =	vld [tilespmem:$0xB0]  }
0x14b: {  	v15 =	vld [tilespmem:$0x630]  }
0x14c: {  	v11 =	vld [tilespmem:$0x640]  }
0x14d: {  	vm14 =	veq.s32 v0, v2;
	v0 =	vld [tilespmem:$0x1FBB0]  }
0x14e: {  	v18 =	vld [tilespmem:$0x670]  }
0x14f: {  	v16 =	vld [tilespmem:$0x680]  }
0x150: {  	v30 =	vld [tilespmem:$0x6C0]  }
0x151: {  	[tilespmem:$0x150] =	vst v46;
	v46 =	vld [tilespmem:$0x90]  }
0x152: {  	[tilespmem:$0x160] =	vst v20;
	v20 =	vld [tilespmem:$0xA0];
	v0 =	vsel vm13, $0x0, v0  }
0x153: {  	[tilespmem:$0x3A0] =	vst v0;
	v0 =	vld [tilespmem:$0x1FBC0]  }
0x154: {  	v10 =	vld [tilespmem:$0xB0]  }
0x155: {  	v12 =	vld [tilespmem:$0xB0]  }
0x156: {  	[tilespmem:$0x1FEE0] =	vst v42;
	v42 =	vld [tilespmem:$0x570]  }
0x157: {  	[tilespmem:$0x1FF20] =	vst v34;
	v34 =	vld [tilespmem:$0x5B0]  }
0x158: {  	vm15 =	veq.s32 v0, v3;
	v0 =	vld [tilespmem:$0x1FBD0]  }
0x159: {  	[tilespmem:$0x1FFC0] =	vst v8;
	v8 =	vld [tilespmem:$0x5C0]  }
0x15a: {  	[tilespmem:$0x1FFA0] =	vst v31;
	v31 =	vld [tilespmem:$0xA0]  }
0x15b: {  	[tilespmem:$0x1FF30] =	vst v40;
	v40 =	vld [tilespmem:$0xB0]  }
0x15c: {  	[tilespmem:$0x1FF90] =	vst v20;
	v20 =	vld [tilespmem:$0x620]  }
0x15d: {  	[tilespmem:$0x1FF50] =	vst v46;
	v46 =	vld [tilespmem:$0x660];
	v0 =	vsel vm14, $0x0, v0  }
0x15e: {  	[tilespmem:$0x3B0] =	vst v0;
	v0 =	vld [tilespmem:$0x1FBE0]  }
0x15f: {  	v57 =	vld [tilespmem:$0x590]  }
0x160: {  	v63 =	vld [tilespmem:$0x5A0]  }
0x161: {  	[tilespmem:$0x1FFD0] =	vst v8;
	v8 =	vld [tilespmem:$0xA0]  }
0x162: {  	[tilespmem:$0x1FFB0] =	vst v34;
	v34 =	vld [tilespmem:$0xB0]  }
0x163: {  	vm4 =	veq.s32 v0, v4;
	v0 =	vld [tilespmem:$0x1FBF0]  }
0x164: {  	[tilespmem:$0x1FF40] =	vst v42;
	v42 =	vld [tilespmem:$0xB0]  }
0x165: {  	v25 =	vld [tilespmem:$0xC0]  }
0x166: {  	v28 =	vld [tilespmem:$0xC0]  }
0x167: {  	[tilespmem:$0x1FFE0] =	vst v8;
	v8 =	vld [tilespmem:$0x5D0]  }
0x168: {  	v33 =	vld [tilespmem:$0x6D0];
	v0 =	vsel vm15, $0x0, v0  }
0x169: {  	[tilespmem:$0x3C0] =	vst v0;
	v0 =	vld [tilespmem:$0x1FC00]  }
0x16a: {  	[tilespmem:$0x1F0] =	vst v21;
	v21 =	vld [tilespmem:$0xA0]  }
0x16b: {  	[tilespmem:$0x1C0] =	vst v50;
	v50 =	vld [tilespmem:$0xC0]  }
0x16c: {  	[tilespmem:$0x1FFF0] =	vst v8;
	v8 =	vld [tilespmem:$0x690]  }
0x16d: {  	v43 =	vld [tilespmem:$0x1FCD0]  }
0x16e: {  	vm5 =	veq.s32 v0, v5;
	v0 =	vld [tilespmem:$0x1FC10]  }
0x16f: {  	v39 =	vld [tilespmem:$0x1FCC0]  }
0x170: {  	[tilespmem:$0x1B0] =	vst v47;
	v47 =	vld [tilespmem:$0x1FCF0]  }
0x171: {  	v45 =	vld [tilespmem:$0x1FCE0]  }
0x172: {  	v51 =	vld [tilespmem:$0x1FD10]  }
0x173: {  	[tilespmem:$0x1D0] =	vst v54;
	v54 =	vld [tilespmem:$0x1FD30];
	v0 =	vsel vm4, $0x0, v0  }
0x174: {  	[tilespmem:$0x3D0] =	vst v0;
	v0 =	vld [tilespmem:$0x1FC20]  }
0x175: {  	v53 =	vld [tilespmem:$0x1FD20]  }
0x176: {  	v59 =	vld [tilespmem:$0x1FD50]  }
0x177: {  	[tilespmem:$0x1FF80] =	vst v57;
	v57 =	vld [tilespmem:$0x1FD40]  }
0x178: {  	v61 =	vld [tilespmem:$0x1FD60]  }
0x179: {  	vm6 =	veq.s32 v0, v6;
	v0 =	vld [tilespmem:$0x1FC30]  }
0x17a: {  	v19 =	vld [tilespmem:$0x5F0]  }
0x17b: {  	v49 =	vld [tilespmem:$0x580]  }
0x17c: {  	v13 =	vld [tilespmem:$0x650]  }
0x17d: {  	v9 =	vld [tilespmem:$0xB0]  }
0x17e: {  	v62 =	vld [tilespmem:$0x1FD70];
	v0 =	vsel vm5, $0x0, v0  }
0x17f: {  	[tilespmem:$0x3E0] =	vst v0;
	v0 =	vld [tilespmem:$0x1FC40]  }
0x180: {  	v58 =	vld [tilespmem:$0xA0]  }
0x181: {  	[tilespmem:$0x200] =	vst v22;
	v22 =	vld [tilespmem:$0xB0]  }
0x182: {  	[tilespmem:$0x180] =	vst v37;
	v37 =	vld [tilespmem:$0x1FCB0]  }
0x183: {  	v55 =	vld [tilespmem:$0x5E0]  }
0x184: {  	vm7 =	veq.s32 v0, v7;
	v0 =	vld [tilespmem:$0x1FC50]  }
0x185: {  	v14 =	vld [tilespmem:$0x1FFE0]  }
0x186: {  	v27 =	vld [tilespmem:$0x6A0]  }
0x187: {  	v36 =	vld [tilespmem:$0x1FCA0]  }
0x188: {  	v29 =	vld [tilespmem:$0xC0]  }
0x189: {  	[tilespmem:$0x1FF60] =	vst v49;
	v49 =	vld [tilespmem:$0x1FD00];
	v0 =	vsel vm6, $0x0, v0  }
0x18a: {  	[tilespmem:$0x3F0] =	vst v0;
	v0 =	vld [tilespmem:$0x1FC60]  }
0x18b: {  	v32 =	vld [tilespmem:$0xC0]  }
0x18c: {  	vm10 =	veq.s32 v36, v2;
	v36 =	vld [tilespmem:$0x6E0]  }
0x18d: {  	[tilespmem:$0x1A0] =	vst v44;
	v44 =	vsel vm10, $0x0, v43;
	v43 =	vld [tilespmem:$0x1FD90]  }
0x18e: {  	vm11 =	veq.s32 v39, v3;
	v39 =	vld [tilespmem:$0x1FD80]  }
0x18f: {  	vm8 =	veq.s32 v0, v24;
	v0 =	vld [tilespmem:$0x1FC70]  }
0x190: {  	v48 =	vsel vm11, $0x0, v47;
	v47 =	vld [tilespmem:$0x1FDB0]  }
0x191: {  	vm12 =	veq.s32 v45, v4;
	v45 =	vld [tilespmem:$0x1FDA0]  }
0x192: {  	[tilespmem:$0x1FF70] =	vst v52;
	v52 =	vsel vm12, $0x0, v51;
	v51 =	vld [tilespmem:$0x1FDD0]  }
0x193: {  	vm13 =	veq.s32 v49, v5;
	v49 =	vld [tilespmem:$0x1FDC0]  }
0x194: {  	v56 =	vsel vm13, $0x0, v54;
	v54 =	vld [tilespmem:$0x1FDF0];
	v0 =	vsel vm7, $0x0, v0  }
0x195: {  	[tilespmem:$0x400] =	vst v0;
	v0 =	vld [tilespmem:$0x1FC80]  }
0x196: {  	vm14 =	veq.s32 v53, v6;
	v53 =	vld [tilespmem:$0x1FDE0]  }
0x197: {  	[tilespmem:$0x1E0] =	vst v60;
	v60 =	vsel vm14, $0x0, v59;
	v59 =	vld [tilespmem:$0x1FE10]  }
0x198: {  	vm15 =	veq.s32 v57, v7;
	v57 =	vld [tilespmem:$0x1FE00]  }
0x199: {  	v23 =	vsel vm15, $0x0, v62;
	v62 =	vld [tilespmem:$0x1FE30]  }
0x19a: {  	vm9 =	veq.s32 v0, v1;
	v0 =	vld [tilespmem:$0x1FC90]  }
0x19b: {  	vm4 =	veq.s32 v61, v24;
	v61 =	vld [tilespmem:$0x1FE20]  }
0x19c: {  	[tilespmem:$0x430] =	vst v44;
	v44 =	vsel vm4, $0x0, v43;
	v43 =	vld [tilespmem:$0x700]  }
0x19d: {  	vm7 =	veq.s32 v49, v3;
	v49 =	vld [tilespmem:$0x1FE40]  }
0x19e: {  	[tilespmem:$0x460] =	vst v56;
	v56 =	vsel vm7, $0x0, v54;
	v54 =	vld [tilespmem:$0x1FE70]  }
0x19f: {  	v35 =	vsel vm8, $0x0, v0;
	vm8 =	veq.s32 v53, v4;
	v53 =	vld [tilespmem:$0x1FE60]  }
0x1a0: {  	[tilespmem:$0x470] =	vst v60;
	v60 =	vsel vm8, $0x0, v59;
	v59 =	vld [tilespmem:$0x1FE90]  }
0x1a1: {  	[tilespmem:$0x490] =	vst v44;
	v44 =	vld [tilespmem:$0xD0]  }
0x1a2: {  	v38 =	vsel vm9, $0x0, v37;
	vm9 =	veq.s32 v57, v5;
	v57 =	vld [tilespmem:$0x1FE80]  }
0x1a3: {  	[tilespmem:$0x480] =	vst v23;
	v23 =	vsel vm9, $0x0, v62;
	v62 =	vld [tilespmem:$0x1FEB0]  }
0x1a4: {  	vm10 =	veq.s32 v61, v6;
	v61 =	vld [tilespmem:$0x1FEA0];
	[tilespmem:$0x4C0] =	vst v56;
	vm11 =	veq.s32 v49, v7;
	vm12 =	veq.s32 v53, v24  }
0x1a5: {  	v56 =	vsel vm11, $0x0, v54;
	v54 =	vld [tilespmem:$0x1FEC0];
	[tilespmem:$0x4D0] =	vst v60;
	v60 =	vsel vm12, $0x0, v59  }
0x1a6: {  	[tilespmem:$0x510] =	vst v60;
	v60 =	vld [tilespmem:$0x1FEF0]  }
0x1a7: {  	vm13 =	veq.s32 v57, v1;
	v59 =	vld [tilespmem:$0x1FEE0]  }
0x1a8: {  	[tilespmem:$0x4E0] =	vst v23;
	v23 =	vsel vm13, $0x0, v62;
	v62 =	vld [tilespmem:$0x1FF00]  }
0x1a9: {  	vm5 =	veq.s32 v39, v1;
	v39 =	vld [tilespmem:$0xC0]  }
0x1aa: {  	[tilespmem:$0x440] =	vst v48;
	v48 =	vsel vm5, $0x0, v47;
	v47 =	vld [tilespmem:$0xD0];
	vm6 =	veq.s32 v45, v2;
	vm15 =	veq.s32 v54, v3  }
0x1ab: {  	[tilespmem:$0x450] =	vst v52;
	vm14 =	veq.s32 v61, v2;
	v52 =	vsel vm6, $0x0, v51;
	v51 =	vld [tilespmem:$0x1FE50];
	v61 =	vsel vm15, $0x0, v60  }
0x1ac: {  	vm4 =	veq.s32 v59, v4;
	[tilespmem:$0x540] =	vst v61;
	v61 =	vld [tilespmem:$0x1FF30]  }
0x1ad: {  	[tilespmem:$0x520] =	vst v23;
	v23 =	vsel vm4, $0x0, v62;
	v62 =	vld [tilespmem:$0x1FF40]  }
0x1ae: {  	[tilespmem:$0x4A0] =	vst v48;
	v48 =	vld [tilespmem:$0x720]  }
0x1af: {  	v45 =	vld [tilespmem:$0x710]  }
0x1b0: {  	[tilespmem:$0x4B0] =	vst v52;
	v52 =	vsel vm10, $0x0, v51;
	v51 =	vld [tilespmem:$0x730]  }
0x1b1: {  	vm6 =	veq.s32 v61, v6;
	v61 =	vld [tilespmem:$0x1FF50]  }
0x1b2: {  	[tilespmem:$0x550] =	vst v23;
	v23 =	vsel vm6, $0x0, v62;
	v62 =	vld [tilespmem:$0x1FF60]  }
0x1b3: {  	[tilespmem:$0x4F0] =	vst v52;
	v52 =	vld [tilespmem:$0xD0]  }
0x1b4: {  	v49 =	vld [tilespmem:$0xD0]  }
0x1b5: {  	v37 =	vld [tilespmem:$0xC0]  }
0x1b6: {  	vm7 =	veq.s32 v61, v7;
	v61 =	vld [tilespmem:$0x1FF70]  }
0x1b7: {  	[tilespmem:$0x570] =	vst v23;
	v23 =	vsel vm7, $0x0, v62;
	v62 =	vld [tilespmem:$0x1FF80]  }
0x1b8: {  	[tilespmem:$0x500] =	vst v56;
	v56 =	vld [tilespmem:$0x1FED0]  }
0x1b9: {  	[tilespmem:$0x420] =	vst v38;
	v38 =	vld [tilespmem:$0x6F0]  }
0x1ba: {  	v0 =	vld [tilespmem:$0x6B0]  }
0x1bb: {  	[tilespmem:$0x410] =	vst v35;
	v35 =	vld [tilespmem:$0xC0];
	vm8 =	veq.s32 v61, v24  }
0x1bc: {  	[tilespmem:$0x580] =	vst v23;
	v23 =	vsel vm8, $0x0, v62;
	v62 =	vld [tilespmem:$0x1FF90]  }
0x1bd: {  	v57 =	vsel vm14, $0x0, v56;
	v56 =	vld [tilespmem:$0xD0]  }
0x1be: {  	vm14 =	veq.s32 v21, v6;
	v21 =	vld [tilespmem:$0xE0]  }
0x1bf: {  	[tilespmem:$0x530] =	vst v57;
	v57 =	vld [tilespmem:$0x1FF10]  }
0x1c0: {  	vm13 =	veq.s32 v58, v5;
	v58 =	vld [tilespmem:$0x790];
	v19 =	vsel vm14, $0x0, v19  }
0x1c1: {  	[tilespmem:$0x5F0] =	vst v19;
	v19 =	vld [tilespmem:$0xF0];
	vm9 =	veq.s32 v62, v1  }
0x1c2: {  	[tilespmem:$0x590] =	vst v23;
	v23 =	vld [tilespmem:$0x1FFA0];
	v54 =	vsel vm9, $0x0, v63  }
0x1c3: {  	[tilespmem:$0x5A0] =	vst v54;
	v54 =	vld [tilespmem:$0x1FFB0]  }
0x1c4: {  	v53 =	vld [tilespmem:$0x740]  }
0x1c5: {  	vm12 =	veq.s32 v14, v4;
	v14 =	vld [tilespmem:$0xE0]  }
0x1c6: {  	vm5 =	veq.s32 v57, v5;
	v57 =	vld [tilespmem:$0x750]  }
0x1c7: {  	v59 =	vld [tilespmem:$0x1FF20];
	vm10 =	veq.s32 v23, v2  }
0x1c8: {  	v23 =	vld [tilespmem:$0x1FFC0];
	v54 =	vsel vm10, $0x0, v54  }
0x1c9: {  	[tilespmem:$0x5B0] =	vst v54;
	v54 =	vld [tilespmem:$0x1FFD0]  }
0x1ca: {  	vm15 =	veq.s32 v31, v7;
	v31 =	vld [tilespmem:$0x7A0]  }
0x1cb: {  	vm4 =	veq.s32 v22, v24;
	v22 =	vld [tilespmem:$0xE0]  }
0x1cc: {  	v60 =	vsel vm5, $0x0, v59;
	v59 =	vld [tilespmem:$0xD0]  }
0x1cd: {  	[tilespmem:$0x560] =	vst v60;
	v60 =	vld [tilespmem:$0x760];
	vm11 =	veq.s32 v23, v3  }
0x1ce: {  	vm14 =	veq.s32 v28, v2;
	vm6 =	veq.s32 v17, v2;
	v17 =	vld [tilespmem:$0xE0];
	v54 =	vsel vm11, $0x0, v54  }
0x1cf: {  	v0 =	vsel vm14, $0x0, v0;
	[tilespmem:$0x5C0] =	vst v54;
	v54 =	vld [tilespmem:$0x1FFF0]  }
0x1d0: {  	[tilespmem:$0x6B0] =	vst v0;
	v15 =	vsel vm6, $0x0, v15;
	vm7 =	veq.s32 v10, v3;
	v61 =	vld [tilespmem:$0xD0]  }
0x1d1: {  	[tilespmem:$0x630] =	vst v15;
	v15 =	vld [tilespmem:$0x7E0];
	v11 =	vsel vm7, $0x0, v11;
	vm9 =	veq.s32 v9, v5  }
0x1d2: {  	vm5 =	veq.s32 v34, v1;
	v10 =	vld [tilespmem:$0x7C0];
	[tilespmem:$0x640] =	vst v11;
	v34 =	vsel vm9, $0x0, v46;
	vm11 =	veq.s32 v42, v7  }
0x1d3: {  	v11 =	vld [tilespmem:$0x7F0];
	[tilespmem:$0x660] =	vst v34;
	v46 =	vsel vm11, $0x0, v16  }
0x1d4: {  	vm8 =	veq.s32 v12, v4;
	v12 =	vld [tilespmem:$0xE0];
	[tilespmem:$0x680] =	vst v46;
	v54 =	vsel vm12, $0x0, v54  }
0x1d5: {  	vm14 =	veq.s32 v61, v6;
	v61 =	vld [tilespmem:$0x100];
	[tilespmem:$0x5D0] =	vst v54;
	v54 =	vsel vm13, $0x0, v55  }
0x1d6: {  	v62 =	vld [tilespmem:$0x770];
	vm12 =	veq.s32 v50, v24;
	v55 =	vsel vm15, $0x0, v26;
	[tilespmem:$0x5E0] =	vst v54  }
0x1d7: {  	v63 =	vld [tilespmem:$0xD0];
	v8 =	vsel vm12, $0x0, v8;
	[tilespmem:$0x600] =	vst v55  }
0x1d8: {  	v9 =	vld [tilespmem:$0x7D0];
	v54 =	vsel vm4, $0x0, v41;
	[tilespmem:$0x690] =	vst v8  }
0x1d9: {  	vm9 =	veq.s32 v47, v1;
	v47 =	vld [tilespmem:$0x870];
	v55 =	vsel vm5, $0x0, v20;
	[tilespmem:$0x610] =	vst v54  }
0x1da: {  	v23 =	vld [tilespmem:$0x780];
	vm10 =	veq.s32 v40, v6;
	v20 =	vsel vm8, $0x0, v13;
	[tilespmem:$0x620] =	vst v55  }
0x1db: {  	v40 =	vld [tilespmem:$0xF0];
	vm13 =	veq.s32 v25, v1;
	v41 =	vsel vm10, $0x0, v18;
	[tilespmem:$0x650] =	vst v20  }
0x1dc: {  	v42 =	vld [tilespmem:$0xF0];
	vm15 =	veq.s32 v29, v3;
	v8 =	vsel vm13, $0x0, v27;
	[tilespmem:$0x670] =	vst v41  }
0x1dd: {  	v16 =	vld [tilespmem:$0xE0];
	v0 =	vsel vm15, $0x0, v30;
	vm4 =	veq.s32 v32, v4;
	[tilespmem:$0x6A0] =	vst v8  }
0x1de: {  	vm11 =	veq.s32 v52, v3;
	v52 =	vld [tilespmem:$0x100];
	vm5 =	veq.s32 v35, v5;
	[tilespmem:$0x6C0] =	vst v0;
	v0 =	vsel vm4, $0x0, v33  }
0x1df: {  	vm6 =	veq.s32 v37, v6;
	v46 =	vld [tilespmem:$0xF0];
	[tilespmem:$0x6D0] =	vst v0;
	v0 =	vsel vm5, $0x0, v36  }
0x1e0: {  	vm7 =	veq.s32 v39, v7;
	v50 =	vld [tilespmem:$0x100];
	[tilespmem:$0x6E0] =	vst v0;
	v0 =	vsel vm6, $0x0, v38  }
0x1e1: {  	v26 =	vld [tilespmem:$0x7B0];
	vm8 =	veq.s32 v44, v24;
	[tilespmem:$0x6F0] =	vst v0;
	v0 =	vsel vm7, $0x0, v43  }
0x1e2: {  	v25 =	vld [tilespmem:$0xF0];
	[tilespmem:$0x700] =	vst v0;
	v0 =	vsel vm8, $0x0, v45  }
0x1e3: {  	v29 =	vld [tilespmem:$0x830];
	vm10 =	veq.s32 v49, v2;
	[tilespmem:$0x710] =	vst v0;
	v0 =	vsel vm9, $0x0, v48  }
0x1e4: {  	vm12 =	veq.s32 v56, v4;
	v56 =	vld [tilespmem:$0x8C0];
	[tilespmem:$0x720] =	vst v0;
	v0 =	vsel vm10, $0x0, v51  }
0x1e5: {  	v13 =	vld [tilespmem:$0xE0];
	[tilespmem:$0x730] =	vst v0;
	v0 =	vsel vm11, $0x0, v53  }
0x1e6: {  	v18 =	vld [tilespmem:$0xE0];
	vm13 =	veq.s32 v59, v5;
	[tilespmem:$0x740] =	vst v0;
	v0 =	vsel vm12, $0x0, v57  }
0x1e7: {  	v27 =	vld [tilespmem:$0x820];
	[tilespmem:$0x750] =	vst v0;
	v0 =	vsel vm13, $0x0, v60  }
0x1e8: {  	v44 =	vld [tilespmem:$0xF0];
	vm15 =	veq.s32 v63, v7;
	[tilespmem:$0x760] =	vst v0;
	v0 =	vsel vm14, $0x0, v62  }
0x1e9: {  	v49 =	vld [tilespmem:$0x880];
	vm4 =	veq.s32 v14, v24;
	[tilespmem:$0x770] =	vst v0;
	v0 =	vsel vm15, $0x0, v23  }
0x1ea: {  	v59 =	vld [tilespmem:$0x100];
	vm5 =	veq.s32 v21, v1;
	[tilespmem:$0x780] =	vst v0;
	v0 =	vsel vm4, $0x0, v58  }
0x1eb: {  	v8 =	vld [tilespmem:$0x800];
	vm6 =	veq.s32 v22, v2;
	[tilespmem:$0x790] =	vst v0;
	v0 =	vsel vm5, $0x0, v31  }
0x1ec: {  	v54 =	vld [tilespmem:$0x810];
	vm7 =	veq.s32 v17, v3;
	[tilespmem:$0x7A0] =	vst v0;
	v0 =	vsel vm6, $0x0, v26  }
0x1ed: {  	v55 =	vld [tilespmem:$0xF0];
	vm8 =	veq.s32 v12, v4;
	[tilespmem:$0x7B0] =	vst v0;
	v0 =	vsel vm7, $0x0, v10  }
0x1ee: {  	v41 =	vld [tilespmem:$0x840];
	vm9 =	veq.s32 v13, v5;
	[tilespmem:$0x7C0] =	vst v0;
	v0 =	vsel vm8, $0x0, v9  }
0x1ef: {  	v43 =	vld [tilespmem:$0x850];
	vm10 =	veq.s32 v16, v6;
	[tilespmem:$0x7D0] =	vst v0;
	v0 =	vsel vm9, $0x0, v15  }
0x1f0: {  	v45 =	vld [tilespmem:$0x860];
	vm11 =	veq.s32 v18, v7;
	[tilespmem:$0x7E0] =	vst v0;
	v0 =	vsel vm10, $0x0, v11  }
0x1f1: {  	v48 =	vld [tilespmem:$0xF0];
	vm12 =	veq.s32 v19, v24;
	[tilespmem:$0x7F0] =	vst v0;
	v0 =	vsel vm11, $0x0, v8  }
0x1f2: {  	v51 =	vld [tilespmem:$0x890];
	vm13 =	veq.s32 v25, v1;
	[tilespmem:$0x800] =	vst v0;
	v0 =	vsel vm12, $0x0, v54  }
0x1f3: {  	v53 =	vld [tilespmem:$0x8A0];
	vm14 =	veq.s32 v55, v2;
	[tilespmem:$0x810] =	vst v0;
	v0 =	vsel vm13, $0x0, v27  }
0x1f4: {  	v57 =	vld [tilespmem:$0x100];
	vm15 =	veq.s32 v40, v3;
	[tilespmem:$0x820] =	vst v0;
	v0 =	vsel vm14, $0x0, v29  }
0x1f5: {  	v55 =	vld [tilespmem:$0x100];
	vm4 =	veq.s32 v42, v4;
	[tilespmem:$0x830] =	vst v0;
	v0 =	vsel vm15, $0x0, v41  }
0x1f6: {  	vm5 =	veq.s32 v44, v5;
	v8 =	vld [tilespmem:$0x100];
	[tilespmem:$0x840] =	vst v0;
	v0 =	vsel vm4, $0x0, v43  }
0x1f7: {  	vm6 =	veq.s32 v46, v6;
	v54 =	vld [tilespmem:$0x8B0];
	[tilespmem:$0x850] =	vst v0;
	v0 =	vsel vm5, $0x0, v45  }
0x1f8: {  	v60 =	vld [tilespmem:$0x8E0];
	vm7 =	veq.s32 v48, v7;
	[tilespmem:$0x860] =	vst v0;
	v0 =	vsel vm6, $0x0, v47  }
0x1f9: {  	v58 =	vld [tilespmem:$0x8D0];
	vm8 =	veq.s32 v50, v24;
	[tilespmem:$0x870] =	vst v0;
	v0 =	vsel vm7, $0x0, v49  }
0x1fa: {  	v62 =	vld [tilespmem:$0x8F0];
	vm9 =	veq.s32 v52, v1;
	[tilespmem:$0x880] =	vst v0;
	v0 =	vsel vm8, $0x0, v51  }
0x1fb: {  	vm10 =	veq.s32 v8, v2;
	v8 =	vld [tilespmem:$0x100];
	[tilespmem:$0x890] =	vst v0;
	v0 =	vsel vm9, $0x0, v53  }
0x1fc: {  	v63 =	vld [tilespmem:$0x900];
	vm11 =	veq.s32 v55, v3;
	[tilespmem:$0x8A0] =	vst v0;
	v0 =	vsel vm10, $0x0, v54  }
0x1fd: {  	vm12 =	veq.s32 v57, v4;
	[tilespmem:$0x8B0] =	vst v0;
	v0 =	vsel vm11, $0x0, v56  }
0x1fe: {  	vm13 =	veq.s32 v59, v5;
	[tilespmem:$0x8C0] =	vst v0;
	v0 =	vsel vm12, $0x0, v58  }
0x1ff: {  	vm14 =	veq.s32 v61, v6;
	[tilespmem:$0x8D0] =	vst v0;
	v0 =	vsel vm13, $0x0, v60  }
0x200: {  	vm15 =	veq.s32 v8, v7;
	[tilespmem:$0x8E0] =	vst v0;
	v0 =	vsel vm14, $0x0, v62  }
0x201: {  	p0 =	sne.s32 s28, $0x1;
	[tilespmem:$0x8F0] =	vst v0;
	v0 =	vsel vm15, $0x0, v63  }
.Ltmp0:
0x202: {  	[tilespmem:$0x900] =	vst v0;
	(pc) =	sbr.rel @p0 .LBB2_1-.Ltmp0, $4  }
0x203: {  	[hbm4b:s4+s31] =	stream.indirect.scatter [tilespmem:s0], [sflag:$0x1], $0x80, s3, s31, $0xb8;
	[tilespmem:$0x910] =	vst v63  }
0x204: {  	_ =	swait.ge [sflag:s29], $0x800  }
0x205: {  	[sflag:s29] =	ssyncset.done $0x0  }
0x206: {  	s28 =	sadd.s32 $0xFFFFFFFF, s28;
	[sflag:s29] =	ssyncadd.s32 $0xFFFFF800  }
0x207: {  	_ =	sfence.sel $0x180000  }
0x208: {  	[bflag:$0x0] =	sbarrier.arrive $0xFFFF  }
0x209: {  	_ =	strace $0x9000004A  }
0x20a: {  	s0 =	stileid.u32;
	[bflag:$0x2] =	sbarrier.arrive $0xFFFF  }
0x20b: {  	p0 =	sne.s32 s0, $0x0;
	s0 =	rddreg [dreg:$0x2]  }
0x20c: {  	s0 =	sadd.s32 @!p0 $0x100000, s0  }
0x20d: {  	[sflag:s0] =	ssyncadd.tile.s32 @!p0 $0x1;
	_ =	shalt  }
.Lfunc_end2:
_tile_overlayer_lowered:
.L_overlay_start_2:
0x20e: {  	(tag) =	ssettag $0x2  }
0x20f: {  	s0 =	rddreg [dreg:$0x0];
	s2 =	stileid.u32  }
0x210: {  	s1 =	rddreg [dreg:$0x1];
	p0 =	sne.s32 s2, $0x0  }
0x211: {  	s3 =	rddreg [dreg:$0x2];
	[bflag:$0x3] =	sbarrier.arrive $0xFFFF;
	s2 =	simm.s32 @!p0 $0x1C02  }
0x212: {  	[timem:s3], [sflag:s2] =	dma.local @!p0 [hbm:s0], s1  }
0x213: {  	s0 =	simm.s32 @!p0 $0x2  }
0x214: {  	_ =	swait.ge @!p0 [sflag:s0], s1  }
0x215: {  	s1 =	ssub.s32 @!p0 $0x0, s1;
	[sflag:s0] =	ssyncset.done @!p0 $0x0  }
0x216: {  	[sflag:s0] =	ssyncadd.s32 @!p0 s1  }
0x217: {  	[bflag:$0x3] =	sbarrier.arrive $0xFFFF  }
0x218: {  	_ =	shalt  }

// kernel: sparse-core-data-format-call.cloned.1.call-start
scs
called_computation_lowered:
.L_overlay_start_0:
0x0: {  	s2 =	sld [smem:$0x3FD9]  }
0x1: {  	s3 =	sld [smem:$0x3FFE];
	_ =	sdelay $0x1  }
0x2: {  	s1 =	srdreg.scid  }
0x3: {  	s0 =	sand.u32 $0x1, s1  }
0x4: {  	s19 =	sshll.u32 s0, $0xA;
	s2 =	sadd.s32 s3, s2  }
0x5: {  	s2 =	sadd.s32 s2, s19  }
0x6: {  	[smem:$0x3FC7] =	sst s2  }
0x7: {  	_ = 	snop  }
0x8: {  	s2 =	sld [smem:$0x3FC9]  }
0x9: {  	s20 =	sld [smem:$0x3FD0];
	(tm) =	ssettm $0x1  }
0xa: {  	s4 =	sld [smem:$0x3FFB];
	_ =	sdelay $0x3  }
0xb: {  	_ =	strace s4  }
0xc: {  	s4 =	sld [smem:$0x3FFC];
	_ =	sdelay $0x3  }
0xd: {  	_ =	strace s4  }
0xe: {  	s4 =	sld [smem:$0x3FFD];
	_ =	sdelay $0x3  }
0xf: {  	_ =	strace s4  }
0x10: {  	_ =	strace $0x8FFFFFFF  }
0x11: {  	s21 =	sld [smem:$0x3FDB];
	_ =	sdelay $0x1  }
0x12: {  	s5 =	simm.s32 $_scs_section_size  }
0x13: {  	s6 =	simm.s32 $_size__tile_overlayer_lowered;
	s7 =	simm.s32 $_tile_overlayer_lowered  }
0x14: {  	s24 =	simm.s32 $0x1BFF;
	s23 =	sshll.u32 s7, $0x1;
	s4 =	sadd.s32 s5, s21  }
0x15: {  	s8 =	simm.s32 $0x0;
	s22 =	sshll.u32 s6, $0x1;
	s6 =	sadd.s32 s23, s4  }
0x16: {  	[timem:s8], [sflag:s24] =	dma.local [hbm:s6], s22  }
0x17: {  	_ =	swait.ge [sflag:s24], s22  }
0x18: {  	s5 =	ssub.s32 $0x0, s22;
	[sflag:s24] =	ssyncset.done $0x0  }
0x19: {  	[sflag:s24] =	ssyncadd.s32 s5;
	_ =	sdelay $0x1  }
0x1a: {  	s25 =	simm.s32 $0x1B8B  }
0x1b: {  	_ =	swait.ge [sflag:s25], $0x1  }
0x1c: {  	[sflag:s25] =	ssyncset.done $0x0  }
0x1d: {  	s26 =	simm.s32 $0x1B8E;
	[sflag:s25] =	ssyncadd.s32 $0xFFFFFFFF  }
0x1e: {  	s27 =	simm.s32 $execute0_lowered;
	[smem:$0x3FD2] =	sst s26  }
0x1f: {  	s5 =	sshll.u32 s27, $0x1;
	_ =	strace $0x80000046;
	[dreg:$0x1] =	wrdreg $0xFFFFFFFF  }
0x20: {  	s28 =	simm.s32 $_size_execute0_lowered;
	s4 =	sadd.s32 s4, s5;
	[dreg:$0x0] =	wrdreg $0x0  }
0x21: {  	s5 =	sshll.u32 s28, $0x1;
	[dreg:$0x2] =	wrdreg s4  }
0x22: {  	[dreg:$0x3] =	wrdreg s5  }
0x23: {  	[dreg:$0x4] =	wrdreg $0xC0  }
0x24: {  	_ =	task [dreg:s8], $0x5FFFF  }
0x25: {  	[dreg:$0x1] =	wrdreg $0xFFFFFFFF  }
0x26: {  	[dreg:$0x0] =	wrdreg $0x60  }
0x27: {  	[dreg:$0x2] =	wrdreg s2  }
0x28: {  	[dreg:$0x3] =	wrdreg s20  }
0x29: {  	[dreg:$0x4] =	wrdreg $0x9  }
0x2a: {  	_ =	task.clear_ibuf [dreg:s8], $0x5FFFF;
	_ =	strace $0x90000046  }
0x2b: {  	s29 =	simm.s32 $0x9;
	_ =	strace $0x80000048  }
0x2c: {  	_ =	swait.ge [sflag:s29], $0x1  }
0x2d: {  	[sflag:s29] =	ssyncadd.s32 $0xFFFFFFFF  }
0x2e: {  	_ =	strace $0x90000048  }
0x2f: {  	_ =	sfence  }
0x30: {  	s30 =	sld [smem:$0x0];
	_ =	sdelay $0x2  }
0x31: {  	s31 =	sshll.u32 s1, $0xD;
	s1 =	sshrl.u32 s1, $0x2  }
0x32: {  	s3 =	sand.u32 $0x4000, s31;
	s1 =	sadd.s32 s1, s30  }
0x33: {  	s0 =	sor.u32 s3, s0;
	s1 =	sshll.u32 s1, $0x11  }
0x34: {  	s0 =	sor.u32 s1, s0  }
0x35: {  	s0 =	sadd.s32 $0x8F2B, s0  }
0x36: {  	[sflag:s0] =	ssyncadd.remote.s32 $0x1  }
0x37: {  	_ =	sfence.sel $0xFFFF  }
0x38: {  	[dreg:$0x0] =	wrdreg $0xFFFFFFFF;
	(pc) =	sbr.abs _section_cstart, $3  }
0x39: {  	[dreg:$0x1] =	wrdreg $0xFFFFFFFF  }
0x3a: {  	_ =	task.clear_ibuf [dreg:s8], $0x2FFFF;
	_ =	strace $0x9FFFFFFF  }
0x3b: {  	(tm) =	ssettm $0x7FFFFFFF  }
tec
execute0_lowered:
.L_overlay_start_1:
0x0: {  	(tag) =	ssettag $0x1  }
0x1: {  	s0 =	srdreg.scid  }
0x2: {  	s1 =	sshll.u32 s0, $0x4  }
0x3: {  	s2 =	rddreg [dreg:$0x0];
	s0 =	stileid.u32;
	s1 =	sand.u32 $0x10, s1  }
0x4: {  	s4 =	rddreg [dreg:$0x1];
	s1 =	sor.u32 s0, s1  }
0x5: {  	s7 =	simm.s32 $0x1;
	s8 =	simm.s32 $0x2;
	s3 =	sshll.u32 s1, $0x2  }
0x6: {  	s9 =	simm.s32 $0x0;
	s12 =	simm.s32 $0x0;
	s6 =	ssub.s32 $0x6000, s3  }
.Ltmp0:
0x7: {  	s11 =	simm.s32 $0x0;
	s5 =	sand.u32 $0x7C, s6;
	(pc) =	sbr.rel .LBB1_1-.Ltmp0, $4  }
0x8: {  	s1 =	rddreg [dreg:$0x2];
	_ =	strace $0x80000047;
	p0 =	sne.s32 s5, $0x0  }
0x9: {  	s6 =	sshrl.u32 s6, $0x7;
	s5 =	simm.s32 $0x1;
	s7 =	simm.s32 @!p0 $0x0  }
0xa: {  	s10 =	smov.u32 s3;
	[sflag:s5] =	ssyncpa.u1 $0x0;
	s6 =	sadd.s32 s7, s6  }
0xb: {  	[sflag:s8] =	ssyncpa.u1 $0x0;
	s8 =	simm.s32 $0x0;
	s7 =	sadd.s32 $0x1, s6  }
.LBB1_9:
0xc: {  	s14 =	sadd.s32 $0x80, s10  }
0xd: {  	p1 =	sgt.s32 s14, $0x5FFF  }
0xe: {  	s14 =	smov.u32 @p1 s3;
	p1 =	sne.s32 s11, s7  }
.Ltmp1:
0xf: {  	p0 =	slt.u32 s11, $0x2;
	(pc) =	sbr.rel @!p1 .LBB1_10-.Ltmp1, $4  }
0x10: {  	s13 =	simm.s32 @!p0 $0x2  }
0x11: {  	s15 =	sadd.s32 $0x1, s11;
	_ =	swait.ge @!p0 [sflag:s13], $0x4000  }
0x12: {  	s12 =	smov.u32 s10;
	s9 =	sadd.s32 $0x4000, s9;
	[sflag:s13] =	ssyncset.done @!p0 $0x0  }
0x13: {  	s11 =	smov.u32 s15;
	s10 =	smov.u32 s14;
	[sflag:s13] =	ssyncadd.s32 @!p0 $0xFFFFC000  }
.LBB1_1:
0x14: {  	p0 =	sge.u32 s11, s6  }
0x15: {  	s13 =	sxor.u32 @!p0 $0xFFFFFFFF, s11  }
0x16: {  	s31 =	sadd.s32 $0xFFFFFFFF, s11;
	s14 =	sshll.u32 @!p0 s10, $0x9;
	s13 =	sshll.u32 @!p0 s13, $0xE  }
0x17: {  	s15 =	simm.s32 @!p0 $0x0;
	s14 =	sadd.s32 @!p0 s2, s14;
	s13 =	sand.u32 @!p0 $0x4000, s13  }
0x18: {  	[tilespmem:s13], [sflag:$0x1] =	stream.linear.gather @!p0 [hbm4b:s14+s15], $0x4000, $0x38;
	[tilespmem:$0x10000] =	vst v63  }
0x19: {  	p0 =	sge.u32 s31, s6  }
.Ltmp2:
0x1a: {  	_ = 	snop;
	(pc) =	sbr.rel @p0 .LBB1_9-.Ltmp2, $1  }
0x1b: {  	_ =	sdelay $0x3  }
0x1c: {  	s14 =	sand.u32 $0x4000, s9  }
0x1d: {  	_ =	swait.ge [sflag:s5], $0x4000;
	s15 =	sshll.u32 s11, $0xE;
	s16 =	simm.s32 $0x0  }
0x1e: {  	s13 =	sor.u32 $0x40, s14;
	[sflag:s5] =	ssyncset.done $0x0;
	s15 =	sand.u32 $0x4000, s15  }
0x1f: {  	s14 =	sor.u32 $0x8040, s14;
	[sflag:s5] =	ssyncadd.s32 $0xFFFFC000;
	s15 =	sor.u32 $0x8000, s15  }
.LBB1_3:
0x20: {  	s17 =	smov.u32 s14;
	s18 =	smov.u32 s13;
	s19 =	simm.s32 $0x0  }
.LBB1_4:
0x21: {  	v0 =	vmov s17;
	v2 =	vld [tilespmem:s18+$0x30]  }
0x22: {  	v4 =	vld [tilespmem:s18+$0xFFFFFFD0]  }
0x23: {  	v6 =	vld [tilespmem:s18+$0xFFFFFFE0]  }
0x24: {  	v7 =	vld [tilespmem:s18+$0xFFFFFFF0]  }
0x25: {  	s20 =	simm.s32 $0x0;
	v1 =	vld [tilespmem:s18+$0x0]  }
0x26: {  	v3 =	vld [tilespmem:s18+$0x10];
	[tilespmem:v0+s20+$0x30 ss:$0x1] =	vst.idx.msk $0xffff, v2  }
0x27: {  	v5 =	vld [tilespmem:s18+$0x20];
	[tilespmem:v0+s20+$0xFFFFFFD0 ss:$0x1] =	vst.idx.msk $0xffff, v4  }
0x28: {  	s21 =	sadd.s32 $0x80, s18;
	v2 =	vld [tilespmem:s18+$0xFFFFFFC0];
	[tilespmem:v0+s20+$0xFFFFFFE0 ss:$0x1] =	vst.idx.msk $0xffff, v6  }
0x29: {  	s22 =	simm.s32 $0x800;
	s23 =	simm.s32 $0x1000;
	v4 =	vld [tilespmem:s21+$0x30];
	[tilespmem:v0+s20+$0xFFFFFFF0 ss:$0x1] =	vst.idx.msk $0xffff, v7  }
.LBB1_5:
0x2a: {  	p0 =	sne.s32 s23, $0x3800;
	v6 =	vld [tilespmem:s21+$0xFFFFFFD0];
	[tilespmem:v0+s20+$0x0 ss:$0x1] =	vst.idx.msk $0xffff, v1  }
0x2b: {  	v7 =	vld [tilespmem:s21+$0xFFFFFFE0];
	[tilespmem:v0+s20+$0x10 ss:$0x1] =	vst.idx.msk $0xffff, v3  }
0x2c: {  	v8 =	vld [tilespmem:s21+$0xFFFFFFF0];
	[tilespmem:v0+s20+$0x20 ss:$0x1] =	vst.idx.msk $0xffff, v5  }
.Ltmp3:
0x2d: {  	v1 =	vld [tilespmem:s21+$0x0];
	[tilespmem:v0+s20+$0xFFFFFFC0 ss:$0x1] =	vst.idx.msk $0xffff, v2;
	s20 =	sshra.s32 s22, $0x2;
	s22 =	smov.u32 s23;
	(pc) =	sbr.rel @p0 .LBB1_5-.Ltmp3, $4  }
0x2e: {  	v3 =	vld [tilespmem:s21+$0x10];
	[tilespmem:v0+s20+$0x30 ss:$0x1] =	vst.idx.msk $0xffff, v4  }
0x2f: {  	[tilespmem:v0+s20+$0xFFFFFFD0 ss:$0x1] =	vst.idx.msk $0xffff, v6;
	v5 =	vld [tilespmem:s21+$0x20]  }
0x30: {  	v2 =	vld [tilespmem:s21+$0xFFFFFFC0];
	[tilespmem:v0+s20+$0xFFFFFFE0 ss:$0x1] =	vst.idx.msk $0xffff, v7;
	s21 =	sadd.s32 $0x80, s21  }
0x31: {  	s23 =	sadd.s32 $0x800, s23;
	v4 =	vld [tilespmem:s21+$0x30];
	[tilespmem:v0+s20+$0xFFFFFFF0 ss:$0x1] =	vst.idx.msk $0xffff, v8  }
0x32: {  	_ =	sdelay $0x3  }
0x33: {  	v6 =	vld [tilespmem:s21+$0xFFFFFFD0];
	[tilespmem:v0+s20+$0x0 ss:$0x1] =	vst.idx.msk $0xffff, v1  }
0x34: {  	v58 =	vld [tilespmem:s21+$0xFFFFFFE0];
	[tilespmem:v0+s20+$0x10 ss:$0x1] =	vst.idx.msk $0xffff, v3  }
0x35: {  	v59 =	vld [tilespmem:s21+$0xFFFFFFF0];
	[tilespmem:v0+s20+$0x20 ss:$0x1] =	vst.idx.msk $0xffff, v5  }
0x36: {  	s22 =	sshra.s32 s22, $0x2;
	v60 =	vld [tilespmem:s21+$0x0];
	[tilespmem:v0+s20+$0xFFFFFFC0 ss:$0x1] =	vst.idx.msk $0xffff, v2  }
0x37: {  	v61 =	vld [tilespmem:s21+$0x10];
	[tilespmem:v0+s22+$0x30 ss:$0x1] =	vst.idx.msk $0xffff, v4  }
0x38: {  	v62 =	vld [tilespmem:s21+$0x20];
	s19 =	sadd.s32 $0x1, s19;
	[tilespmem:v0+s22+$0xFFFFFFD0 ss:$0x1] =	vst.idx.msk $0xffff, v6  }
0x39: {  	v63 =	vld [tilespmem:s21+$0xFFFFFFC0];
	p0 =	sne.s32 s19, $0x4;
	[tilespmem:v0+s22+$0xFFFFFFE0 ss:$0x1] =	vst.idx.msk $0xffff, v58  }
.Ltmp4:
0x3a: {  	[tilespmem:v0+s22+$0xFFFFFFF0 ss:$0x1] =	vst.idx.msk $0xffff, v59;
	(pc) =	sbr.rel @p0 .LBB1_4-.Ltmp4, $4  }
0x3b: {  	[tilespmem:v0+s22+$0x0 ss:$0x1] =	vst.idx.msk $0xffff, v60  }
0x3c: {  	[tilespmem:v0+s22+$0x10 ss:$0x1] =	vst.idx.msk $0xffff, v61  }
0x3d: {  	[tilespmem:v0+s22+$0x20 ss:$0x1] =	vst.idx.msk $0xffff, v62  }
0x3e: {  	s18 =	sadd.s32 $0x400, s18;
	s17 =	sadd.s32 $0x80, s17;
	[tilespmem:v0+s22+$0xFFFFFFC0 ss:$0x1] =	vst.idx.msk $0xffff, v63  }
0x3f: {  	s16 =	sadd.s32 $0x1, s16  }
0x40: {  	p0 =	sne.s32 s16, $0x4  }
.Ltmp5:
0x41: {  	_ = 	snop;
	(pc) =	sbr.rel @p0 .LBB1_3-.Ltmp5, $2  }
0x42: {  	_ =	sdelay $0x2  }
0x43: {  	s13 =	sadd.s32 $0x1000, s13;
	s14 =	sadd.s32 $0x1000, s14  }
.Ltmp6:
0x44: {  	(pc) =	sbr.rel .LBB1_9-.Ltmp6, $4  }
0x45: {  	_ = 	snop  }
0x46: {  	s12 =	sshll.u32 s12, $0x9  }
0x47: {  	s12 =	sadd.s32 s4, s12  }
0x48: {  	[hbm4b:s12+s8] =	stream.linear.scatter [tilespmem:s15], [sflag:$0x2], $0x4000, $0x38;
	[tilespmem:$0x10000] =	vst v63  }
.LBB1_10:
0x49: {  	_ =	sfence.sel $0x180000  }
0x4a: {  	s2 =	simm.s32 $0x1;
	[bflag:$0x0] =	sbarrier.arrive $0xFFFF  }
0x4b: {  	s31 =	simm.s32 $0x2;
	[sflag:s2] =	ssyncpa.u1 $0x1  }
0x4c: {  	[sflag:s31] =	ssyncpa.u1 $0x1  }
0x4d: {  	p0 =	sne.s32 s0, $0x0;
	_ =	strace $0x90000047  }
0x4e: {  	s0 =	sadd.s32 @!p0 $0x100000, s1;
	[bflag:$0x2] =	sbarrier.arrive $0xFFFF  }
0x4f: {  	[sflag:s0] =	ssyncadd.tile.s32 @!p0 $0x1;
	_ =	shalt  }
.Lfunc_end1:
_tile_overlayer_lowered:
.L_overlay_start_2:
0x50: {  	(tag) =	ssettag $0x2  }
0x51: {  	s0 =	rddreg [dreg:$0x0];
	s2 =	stileid.u32  }
0x52: {  	s1 =	rddreg [dreg:$0x1];
	p0 =	sne.s32 s2, $0x0  }
0x53: {  	s3 =	rddreg [dreg:$0x2];
	[bflag:$0x3] =	sbarrier.arrive $0xFFFF;
	s2 =	simm.s32 @!p0 $0x1C01  }
0x54: {  	[timem:s3], [sflag:s2] =	dma.local @!p0 [hbm:s0], s1  }
0x55: {  	s0 =	simm.s32 @!p0 $0x1  }
0x56: {  	_ =	swait.ge @!p0 [sflag:s0], s1  }
0x57: {  	s1 =	ssub.s32 @!p0 $0x0, s1;
	[sflag:s0] =	ssyncset.done @!p0 $0x0  }
0x58: {  	[sflag:s0] =	ssyncadd.s32 @!p0 s1  }
0x59: {  	[bflag:$0x3] =	sbarrier.arrive $0xFFFF  }
0x5a: {  	_ =	shalt  }

</sc_bundles>
